<compile_context>
chip_gen: v7x
topology: tpu7x:2x2x1
jax: 0.10.2.dev20260603
libtpu: 0.0.44.dev20260713+nightly
codegen_flags: <defaults>
</compile_context>

<pallas_src>
import jax
import jax.numpy as jnp
from jax import lax
from jax.experimental import pallas as pl
from jax.experimental.pallas import tpu as pltpu
from jax.experimental.pallas import tpu_sc as plsc

_N = 10000
_E = 320000
_NC = 2
_NS = 16
_B = 80
_DC = 64
_NPAD = 10240
_ROWS_PER_TILE = _NPAD // _NS
_WB = 128
_NBLK = _E // (_NS * _B)
_RING = 8

_mesh = plsc.VectorSubcoreMesh(core_axis_name="c", subcore_axis_name="s")
_cparams = pltpu.CompilerParams(use_tc_tiling_on_sc=False)


def _zero_fill(buf):
    rows, cols = buf.shape
    zeros = jnp.zeros((16,), jnp.float32)

    @pl.loop(0, rows)
    def _(r):
        for c in range(cols // 16):
            buf[r, pl.ds(c * 16, 16)] = zeros


def _zero_acc_slice(stage, acc, base):
    for k in range(_ROWS_PER_TILE // _WB):
        pltpu.sync_copy(stage, acc.at[pl.ds(base + k * _WB, _WB)])


def _writeback(stage, acc, base, out_ref):
    for k in range(_ROWS_PER_TILE // _WB):
        sl = pl.ds(base + k * _WB, _WB)
        pltpu.sync_copy(acc.at[sl], stage)
        pltpu.sync_copy(stage, out_ref.at[sl])


def _deg_body(dst_hbm, out_hbm, didx, ones_v, stage, acc):
    cid = lax.axis_index("c")
    sid = lax.axis_index("s")
    wid = sid * _NC + cid
    nblk = _E // (_NC * _NS * _B)

    pltpu.sync_copy(dst_hbm.at[wid], didx)
    ones = jnp.ones((16,), jnp.float32)

    @pl.loop(0, _B)
    def _(r):
        ones_v[r, pl.ds(0, 16)] = ones

    _zero_fill(stage)
    base = sid * _ROWS_PER_TILE
    _zero_acc_slice(stage, acc, base)
    plsc.subcore_barrier()

    @pl.loop(0, nblk)
    def _(j):
        pltpu.sync_copy(ones_v, acc.at[didx.at[j]], add=True)

    plsc.subcore_barrier()

    _writeback(stage, acc, base, out_hbm.at[cid])


def _deg_pass(dst):
    dst3 = dst.reshape(_NC * _NS, _E // (_NC * _NS * _B), _B)
    fn = pl.kernel(
        _deg_body,
        out_type=jax.ShapeDtypeStruct((_NC, _NPAD, 16), jnp.float32),
        mesh=_mesh,
        compiler_params=_cparams,
        scratch_types=[
            pltpu.VMEM((_E // (_NC * _NS * _B), _B), jnp.int32),
            pltpu.VMEM((_B, 16), jnp.float32),
            pltpu.VMEM((_WB, 16), jnp.float32),
            pltpu.VMEM_SHARED((_NPAD, 16), jnp.float32),
        ],
    )
    return fn(dst3)


def _gat(tab_hbm, sidx, j, buf, sem):
    return pltpu.make_async_copy(tab_hbm.at[sidx.at[j]], buf, sem)


def _sca(acc, didx, j, buf, sem):
    return pltpu.make_async_copy(buf, acc.at[didx.at[j]], sem)


def _scatter_body(tab_hbm, src_hbm, dst_hbm, out_hbm, *refs):
    sidx, didx = refs[0], refs[1]
    rows = list(refs[2:2 + _RING])
    stage = refs[2 + _RING]
    acc = refs[3 + _RING]
    gsem = list(refs[4 + _RING:4 + 2 * _RING])
    ssem = list(refs[4 + 2 * _RING:4 + 3 * _RING])
    cid = lax.axis_index("c")
    sid = lax.axis_index("s")
    base = sid * _ROWS_PER_TILE

    pltpu.sync_copy(src_hbm.at[cid].at[sid], sidx)
    pltpu.sync_copy(dst_hbm.at[sid], didx)

    _zero_fill(stage)
    _zero_acc_slice(stage, acc, base)
    plsc.subcore_barrier()

    for b in range(_RING):
        _gat(tab_hbm, sidx, b, rows[b], gsem[b]).start()

    _TAIL = _NBLK % _RING
    _MAIN = _NBLK - _TAIL

    @pl.loop(0, _MAIN, step=_RING)
    def _(j):
        for b in range(_RING):
            _gat(tab_hbm, sidx, j + b, rows[b], gsem[b]).wait()
            _sca(acc, didx, j + b, rows[b], ssem[b]).start(add=True)
        for b in range(_RING):
            _sca(acc, didx, j + b, rows[b], ssem[b]).wait()

            @pl.when(j + b + _RING < _NBLK)
            def _():
                _gat(tab_hbm, sidx, j + b + _RING, rows[b], gsem[b]).start()

    for b in range(_TAIL):
        _gat(tab_hbm, sidx, _MAIN + b, rows[b], gsem[b]).wait()
        _sca(acc, didx, _MAIN + b, rows[b], ssem[b]).start(add=True)
    for b in range(_TAIL):
        _sca(acc, didx, _MAIN + b, rows[b], ssem[b]).wait()

    plsc.subcore_barrier()

    _writeback(stage, acc, base, out_hbm.at[cid])


def _scatter_pass(tables, src4, dst3):
    fn = pl.kernel(
        _scatter_body,
        out_type=jax.ShapeDtypeStruct((_NC, _NPAD, _DC), jnp.float32),
        mesh=_mesh,
        compiler_params=_cparams,
        scratch_types=[
            pltpu.VMEM((_NBLK, _B), jnp.int32),
            pltpu.VMEM((_NBLK, _B), jnp.int32),
        ] + [pltpu.VMEM((_B, _DC), jnp.float32)] * _RING + [
            pltpu.VMEM((_WB, _DC), jnp.float32),
            pltpu.VMEM_SHARED((_NPAD, _DC), jnp.float32),
        ] + [pltpu.SemaphoreType.DMA] * (2 * _RING),
    )
    return fn(tables.reshape(_NC * _N, _DC), src4, dst3)



_BLK = 1000


def _mm_kernel(x_ref, w_ref, o_ref):
    o_ref[...] = jnp.dot(x_ref[...], w_ref[...],
                         preferred_element_type=jnp.float32)


def _matmul(x, W):
    n, d_in = x.shape
    d_out = W.shape[1]
    return pl.pallas_call(
        _mm_kernel,
        grid=(n // _BLK,),
        in_specs=[
            pl.BlockSpec((_BLK, d_in), lambda i: (i, 0)),
            pl.BlockSpec((d_in, d_out), lambda i: (0, 0)),
        ],
        out_specs=pl.BlockSpec((_BLK, d_out), lambda i: (i, 0)),
        out_shape=jax.ShapeDtypeStruct((n, d_out), jnp.float32),
    )(x, W)


def _scale1_kernel(degp_ref, h_ref, s_ref, hsa_ref, hsb_ref):
    deg = degp_ref[0, :, :1] + degp_ref[1, :, :1] + 1.0
    s = jax.lax.rsqrt(deg)
    s_ref[...] = s
    for q in range(2):
        hsa_ref[q] = h_ref[:, q * 64:(q + 1) * 64] * s
        hsb_ref[q] = h_ref[:, 128 + q * 64:128 + (q + 1) * 64] * s


def _scale1(degp, h1):
    n = h1.shape[0]
    chunk_pair = jax.ShapeDtypeStruct((2, n, 64), jnp.float32)
    return pl.pallas_call(
        _scale1_kernel,
        grid=(n // _BLK,),
        in_specs=[
            pl.BlockSpec((2, _BLK, 16), lambda i: (0, i, 0)),
            pl.BlockSpec((_BLK, 256), lambda i: (i, 0)),
        ],
        out_specs=[
            pl.BlockSpec((_BLK, 1), lambda i: (i, 0)),
            pl.BlockSpec((2, _BLK, 64), lambda i: (0, i, 0)),
            pl.BlockSpec((2, _BLK, 64), lambda i: (0, i, 0)),
        ],
        out_shape=[
            jax.ShapeDtypeStruct((n, 1), jnp.float32),
            chunk_pair,
            chunk_pair,
        ],
    )(degp, h1)


def _mid_kernel(sega_ref, segb_ref, h1_ref, s_ref, b1_ref, w2_ref,
                h2_ref, hs_ref):
    s = s_ref[...]
    s2 = s * s
    zs = []
    for q, seg in enumerate([sega_ref[0], sega_ref[1],
                             segb_ref[0], segb_ref[1]]):
        z = (s * seg + s2 * h1_ref[:, q * 64:(q + 1) * 64]
             + b1_ref[:, q * 64:(q + 1) * 64])
        zs.append(jnp.maximum(z, 0.0))
    z = jnp.concatenate(zs, axis=1)
    h2 = jnp.dot(z, w2_ref[...], preferred_element_type=jnp.float32)
    h2_ref[...] = h2
    hs_ref[0] = h2[:, :64] * s
    hs_ref[1] = h2[:, 64:] * s


def _mid(seg1a, seg1b, h1, s, b1, W2):
    n = h1.shape[0]
    return pl.pallas_call(
        _mid_kernel,
        grid=(n // _BLK,),
        in_specs=[
            pl.BlockSpec((2, _BLK, 64), lambda i: (0, i, 0)),
            pl.BlockSpec((2, _BLK, 64), lambda i: (0, i, 0)),
            pl.BlockSpec((_BLK, 256), lambda i: (i, 0)),
            pl.BlockSpec((_BLK, 1), lambda i: (i, 0)),
            pl.BlockSpec((1, 256), lambda i: (0, 0)),
            pl.BlockSpec((256, 128), lambda i: (0, 0)),
        ],
        out_specs=[
            pl.BlockSpec((_BLK, 128), lambda i: (i, 0)),
            pl.BlockSpec((2, _BLK, 64), lambda i: (0, i, 0)),
        ],
        out_shape=[
            jax.ShapeDtypeStruct((n, 128), jnp.float32),
            jax.ShapeDtypeStruct((2, n, 64), jnp.float32),
        ],
    )(seg1a, seg1b, h1, s, b1.reshape(1, 256), W2)


def _final_kernel(seg_ref, h2_ref, s_ref, b2_ref, o_ref):
    s = s_ref[...]
    s2 = s * s
    o_lo = s * seg_ref[0] + s2 * h2_ref[:, :64] + b2_ref[:, :64]
    o_hi = s * seg_ref[1] + s2 * h2_ref[:, 64:] + b2_ref[:, 64:]
    o_ref[...] = jnp.concatenate([o_lo, o_hi], axis=1)


def _final(seg2, h2, s, b2):
    n = h2.shape[0]
    return pl.pallas_call(
        _final_kernel,
        grid=(n // _BLK,),
        in_specs=[
            pl.BlockSpec((2, _BLK, 64), lambda i: (0, i, 0)),
            pl.BlockSpec((_BLK, 128), lambda i: (i, 0)),
            pl.BlockSpec((_BLK, 1), lambda i: (i, 0)),
            pl.BlockSpec((1, 128), lambda i: (0, 0)),
        ],
        out_specs=pl.BlockSpec((_BLK, 128), lambda i: (i, 0)),
        out_shape=jax.ShapeDtypeStruct((n, 128), jnp.float32),
    )(seg2, h2, s, b2.reshape(1, 128))


def kernel(x, edge_index, W1, b1, W2, b2):
    src = edge_index[0]
    dst = edge_index[1]

    offs = (jnp.arange(_NC, dtype=jnp.int32) * _N)[:, None, None, None]
    src4 = src.reshape(1, _NS, _NBLK, _B) + offs
    dst3 = dst.reshape(_NS, _NBLK, _B)

    degp = _deg_pass(dst)
    h1 = _matmul(x, W1)
    s, h1sa, h1sb = _scale1(degp, h1)
    seg1a = _scatter_pass(h1sa, src4, dst3)
    seg1b = _scatter_pass(h1sb, src4, dst3)
    h2, h2s = _mid(seg1a, seg1b, h1, s, b1, W2)
    seg2 = _scatter_pass(h2s, src4, dst3)
    return _final(seg2, h2, s, b2)

# --- scband reference (transcript-rebuilt; emitter-appended) ---
"""Pipeline reference for scband-gnnencoder-1236950581833 (READ-ONLY COPY).

The authoritative reference and input builder live on the scoring server;
editing this copy changes nothing except your own understanding.
"""

import jax, jax.numpy as jnp
import numpy as np

N = 10000
E = 320000
D_IN = 128
D_H = 256
D_OUT = 128


def setup_inputs(seed: int = 0) -> dict:
    key = jax.random.key(seed)
    k1, k2, k3, k4, k5, k6 = jax.random.split(key, 6)
    x = jax.random.normal(k1, (N, D_IN), dtype=jnp.float32)
    edge_index = jax.random.randint(k2, (2, E), 0, N, dtype=jnp.int32)
    # GCNConv layer 1 params (glorot-style init)
    W1 = jax.random.normal(k3, (D_IN, D_H), dtype=jnp.float32) * (1.0 / np.sqrt(D_IN))
    b1 = jnp.zeros((D_H,), dtype=jnp.float32)
    # GCNConv layer 2 params
    W2 = jax.random.normal(k4, (D_H, D_OUT), dtype=jnp.float32) * (1.0 / np.sqrt(D_H))
    b2 = jnp.zeros((D_OUT,), dtype=jnp.float32)
    return {"x": x, "edge_index": edge_index, "W1": W1, "b1": b1, "W2": W2, "b2": b2}


def _gcn_conv(x, edge_index, W, b):
    # Faithful PyG GCNConv: add self-loops, symmetric deg^{-1/2} normalization,
    # linear transform, scatter-add aggregation over dst nodes, bias.
    n = x.shape[0]
    src = edge_index[0]
    dst = edge_index[1]
    loop = jnp.arange(n, dtype=src.dtype)
    src = jnp.concatenate([src, loop])
    dst = jnp.concatenate([dst, loop])
    ones = jnp.ones(src.shape[0], dtype=x.dtype)
    deg = jax.ops.segment_sum(ones, dst, num_segments=n)
    deg_inv_sqrt = jnp.where(deg > 0, jax.lax.rsqrt(jnp.maximum(deg, 1e-12)), 0.0)
    norm = deg_inv_sqrt[src] * deg_inv_sqrt[dst]
    h = x @ W  # dense transform
    msg = h[src] * norm[:, None]  # gather + scale
    out = jax.ops.segment_sum(msg, dst, num_segments=n)  # scatter-add
    return out + b


def reference(x, edge_index, W1, b1, W2, b2):
    h = jax.nn.relu(_gcn_conv(x, edge_index, W1, b1))
    out = _gcn_conv(h, edge_index, W2, b2)
    return out

if __name__ == "__main__":
    import jax
    _d = setup_inputs()
    print(jax.jit(kernel)(*tuple(_d.values())))

</pallas_src>

<mosaic_0001>
#map = affine_map<(d0, d1) -> (0, 0)>
#map1 = affine_map<(d0, d1) -> (0, 0, 0, 0)>
#map2 = affine_map<(d0, d1) -> (0, 0, 0)>
module attributes {stable_mosaic.version = 14 : i64} {
  func.func @_scatter_body(%arg0: i32, %arg1: i32, %arg2: memref<20000x64xf32, #tpu.memory_space<hbm>>, %arg3: memref<2x16x250x80xi32, #tpu.memory_space<hbm>>, %arg4: memref<16x250x80xi32, #tpu.memory_space<hbm>>, %arg5: memref<2x10240x64xf32, #tpu.memory_space<hbm>>, %arg6: memref<250x80xi32, #tpu.memory_space<vmem>>, %arg7: memref<250x80xi32, #tpu.memory_space<vmem>>, %arg8: memref<80x64xf32, #tpu.memory_space<vmem>>, %arg9: memref<80x64xf32, #tpu.memory_space<vmem>>, %arg10: memref<80x64xf32, #tpu.memory_space<vmem>>, %arg11: memref<80x64xf32, #tpu.memory_space<vmem>>, %arg12: memref<80x64xf32, #tpu.memory_space<vmem>>, %arg13: memref<80x64xf32, #tpu.memory_space<vmem>>, %arg14: memref<80x64xf32, #tpu.memory_space<vmem>>, %arg15: memref<80x64xf32, #tpu.memory_space<vmem>>, %arg16: memref<128x64xf32, #tpu.memory_space<vmem>>, %arg17: memref<10240x64xf32, #tpu.memory_space<vmem_shared>>, %arg18: memref<!tpu.dma_semaphore, #tpu.memory_space<semaphore_mem>>, %arg19: memref<!tpu.dma_semaphore, #tpu.memory_space<semaphore_mem>>, %arg20: memref<!tpu.dma_semaphore, #tpu.memory_space<semaphore_mem>>, %arg21: memref<!tpu.dma_semaphore, #tpu.memory_space<semaphore_mem>>, %arg22: memref<!tpu.dma_semaphore, #tpu.memory_space<semaphore_mem>>, %arg23: memref<!tpu.dma_semaphore, #tpu.memory_space<semaphore_mem>>, %arg24: memref<!tpu.dma_semaphore, #tpu.memory_space<semaphore_mem>>, %arg25: memref<!tpu.dma_semaphore, #tpu.memory_space<semaphore_mem>>, %arg26: memref<!tpu.dma_semaphore, #tpu.memory_space<semaphore_mem>>, %arg27: memref<!tpu.dma_semaphore, #tpu.memory_space<semaphore_mem>>, %arg28: memref<!tpu.dma_semaphore, #tpu.memory_space<semaphore_mem>>, %arg29: memref<!tpu.dma_semaphore, #tpu.memory_space<semaphore_mem>>, %arg30: memref<!tpu.dma_semaphore, #tpu.memory_space<semaphore_mem>>, %arg31: memref<!tpu.dma_semaphore, #tpu.memory_space<semaphore_mem>>, %arg32: memref<!tpu.dma_semaphore, #tpu.memory_space<semaphore_mem>>, %arg33: memref<!tpu.dma_semaphore, #tpu.memory_space<semaphore_mem>>) attributes {dimension_semantics = [#tpu.dimension_semantics<core_parallel>, #tpu.dimension_semantics<subcore_parallel>], iteration_bounds = array<i64: 2, 16>, scalar_prefetch = 0 : i64, scratch_operands = 28 : i64, tpu.core_type = #tpu.core_type<sc_vector_subcore>, window_params = [{transform_indices = #map}, {transform_indices = #map1}, {transform_indices = #map2}, {transform_indices = #map2}]} {
    %mul3A = arith.constant 640 : i32
    %mul3A_0 = arith.muli %arg1, %mul3A : i32
    "tpu.region"() ({
      %run_scoped3A = tpu.sem_alloc : memref<!tpu.dma_semaphore, #tpu.memory_space<semaphore_mem>>
      %dma_start3A_127 = arith.constant 0 : i32
      %dma_start3A_128 = arith.constant 0 : i32
      %dma_start3A_129 = arith.constant 0 : i32
      %dma_start3A_130 = tpu.memref_slice %arg3[%arg0, %dma_start3A_127, %dma_start3A_128, %dma_start3A_129] : memref<2x16x250x80xi32, #tpu.memory_space<hbm>> -> memref<1x16x250x80xi32, #tpu.memory_space<hbm>>
      %dma_start3A_131 = tpu.memref_squeeze %dma_start3A_130 : memref<1x16x250x80xi32, #tpu.memory_space<hbm>> -> memref<16x250x80xi32, #tpu.memory_space<hbm>>
      %dma_start3A_132 = arith.constant 0 : i32
      %dma_start3A_133 = arith.constant 0 : i32
      %dma_start3A_134 = tpu.memref_slice %dma_start3A_131[%arg1, %dma_start3A_132, %dma_start3A_133] : memref<16x250x80xi32, #tpu.memory_space<hbm>> -> memref<1x250x80xi32, #tpu.memory_space<hbm>>
      %dma_start3A_135 = tpu.memref_squeeze %dma_start3A_134 : memref<1x250x80xi32, #tpu.memory_space<hbm>> -> memref<250x80xi32, #tpu.memory_space<hbm>>
      %dma_start3A_136 = arith.constant 0 : i32
      %dma_start3A_137 = arith.constant 0 : i32
      %dma_start3A_138 = arith.constant 0 : i32
      %dma_start3A_139 = tpu.memref_slice %arg3[%arg0, %dma_start3A_136, %dma_start3A_137, %dma_start3A_138] : memref<2x16x250x80xi32, #tpu.memory_space<hbm>> -> memref<1x16x250x80xi32, #tpu.memory_space<hbm>>
      %dma_start3A_140 = tpu.memref_squeeze %dma_start3A_139 : memref<1x16x250x80xi32, #tpu.memory_space<hbm>> -> memref<16x250x80xi32, #tpu.memory_space<hbm>>
      %dma_start3A_141 = arith.constant 0 : i32
      %dma_start3A_142 = arith.constant 0 : i32
      %dma_start3A_143 = tpu.memref_slice %dma_start3A_140[%arg1, %dma_start3A_141, %dma_start3A_142] : memref<16x250x80xi32, #tpu.memory_space<hbm>> -> memref<1x250x80xi32, #tpu.memory_space<hbm>>
      %dma_start3A_144 = tpu.memref_squeeze %dma_start3A_143 : memref<1x250x80xi32, #tpu.memory_space<hbm>> -> memref<250x80xi32, #tpu.memory_space<hbm>>
      tpu.enqueue_dma source(%dma_start3A_144 : memref<250x80xi32, #tpu.memory_space<hbm>>) target(%arg6 : memref<250x80xi32, #tpu.memory_space<vmem>>) target_semaphore(%run_scoped3A : memref<!tpu.dma_semaphore, #tpu.memory_space<semaphore_mem>>)
      %dma_wait3A_145 = arith.constant 0 : i32
      %dma_wait3A_146 = arith.constant 0 : i32
      %dma_wait3A_147 = arith.constant 0 : i32
      %dma_wait3A_148 = tpu.memref_slice %arg3[%arg0, %dma_wait3A_145, %dma_wait3A_146, %dma_wait3A_147] : memref<2x16x250x80xi32, #tpu.memory_space<hbm>> -> memref<1x16x250x80xi32, #tpu.memory_space<hbm>>
      %dma_wait3A_149 = tpu.memref_squeeze %dma_wait3A_148 : memref<1x16x250x80xi32, #tpu.memory_space<hbm>> -> memref<16x250x80xi32, #tpu.memory_space<hbm>>
      %dma_wait3A_150 = arith.constant 0 : i32
      %dma_wait3A_151 = arith.constant 0 : i32
      %dma_wait3A_152 = tpu.memref_slice %dma_wait3A_149[%arg1, %dma_wait3A_150, %dma_wait3A_151] : memref<16x250x80xi32, #tpu.memory_space<hbm>> -> memref<1x250x80xi32, #tpu.memory_space<hbm>>
      %dma_wait3A_153 = tpu.memref_squeeze %dma_wait3A_152 : memref<1x250x80xi32, #tpu.memory_space<hbm>> -> memref<250x80xi32, #tpu.memory_space<hbm>>
      %dma_wait3A_154 = arith.constant 0 : i32
      %dma_wait3A_155 = arith.constant 0 : i32
      %dma_wait3A_156 = arith.constant 0 : i32
      %dma_wait3A_157 = tpu.memref_slice %arg3[%arg0, %dma_wait3A_154, %dma_wait3A_155, %dma_wait3A_156] : memref<2x16x250x80xi32, #tpu.memory_space<hbm>> -> memref<1x16x250x80xi32, #tpu.memory_space<hbm>>
      %dma_wait3A_158 = tpu.memref_squeeze %dma_wait3A_157 : memref<1x16x250x80xi32, #tpu.memory_space<hbm>> -> memref<16x250x80xi32, #tpu.memory_space<hbm>>
      %dma_wait3A_159 = arith.constant 0 : i32
      %dma_wait3A_160 = arith.constant 0 : i32
      %dma_wait3A_161 = tpu.memref_slice %dma_wait3A_158[%arg1, %dma_wait3A_159, %dma_wait3A_160] : memref<16x250x80xi32, #tpu.memory_space<hbm>> -> memref<1x250x80xi32, #tpu.memory_space<hbm>>
      %dma_wait3A_162 = tpu.memref_squeeze %dma_wait3A_161 : memref<1x250x80xi32, #tpu.memory_space<hbm>> -> memref<250x80xi32, #tpu.memory_space<hbm>>
      tpu.wait_dma2 semaphore(%run_scoped3A : memref<!tpu.dma_semaphore, #tpu.memory_space<semaphore_mem>>) src(%dma_wait3A_162 : memref<250x80xi32, #tpu.memory_space<hbm>>) dst(%arg6 : memref<250x80xi32, #tpu.memory_space<vmem>>)
      tpu.yield
    }) : () -> ()
    "tpu.region"() ({
      %run_scoped3A = tpu.sem_alloc : memref<!tpu.dma_semaphore, #tpu.memory_space<semaphore_mem>>
      %dma_start3A_127 = arith.constant 0 : i32
      %dma_start3A_128 = arith.constant 0 : i32
      %dma_start3A_129 = tpu.memref_slice %arg4[%arg1, %dma_start3A_127, %dma_start3A_128] : memref<16x250x80xi32, #tpu.memory_space<hbm>> -> memref<1x250x80xi32, #tpu.memory_space<hbm>>
      %dma_start3A_130 = tpu.memref_squeeze %dma_start3A_129 : memref<1x250x80xi32, #tpu.memory_space<hbm>> -> memref<250x80xi32, #tpu.memory_space<hbm>>
      %dma_start3A_131 = arith.constant 0 : i32
      %dma_start3A_132 = arith.constant 0 : i32
      %dma_start3A_133 = tpu.memref_slice %arg4[%arg1, %dma_start3A_131, %dma_start3A_132] : memref<16x250x80xi32, #tpu.memory_space<hbm>> -> memref<1x250x80xi32, #tpu.memory_space<hbm>>
      %dma_start3A_134 = tpu.memref_squeeze %dma_start3A_133 : memref<1x250x80xi32, #tpu.memory_space<hbm>> -> memref<250x80xi32, #tpu.memory_space<hbm>>
      tpu.enqueue_dma source(%dma_start3A_134 : memref<250x80xi32, #tpu.memory_space<hbm>>) target(%arg7 : memref<250x80xi32, #tpu.memory_space<vmem>>) target_semaphore(%run_scoped3A : memref<!tpu.dma_semaphore, #tpu.memory_space<semaphore_mem>>)
      %dma_wait3A_135 = arith.constant 0 : i32
      %dma_wait3A_136 = arith.constant 0 : i32
      %dma_wait3A_137 = tpu.memref_slice %arg4[%arg1, %dma_wait3A_135, %dma_wait3A_136] : memref<16x250x80xi32, #tpu.memory_space<hbm>> -> memref<1x250x80xi32, #tpu.memory_space<hbm>>
      %dma_wait3A_138 = tpu.memref_squeeze %dma_wait3A_137 : memref<1x250x80xi32, #tpu.memory_space<hbm>> -> memref<250x80xi32, #tpu.memory_space<hbm>>
      %dma_wait3A_139 = arith.constant 0 : i32
      %dma_wait3A_140 = arith.constant 0 : i32
      %dma_wait3A_141 = tpu.memref_slice %arg4[%arg1, %dma_wait3A_139, %dma_wait3A_140] : memref<16x250x80xi32, #tpu.memory_space<hbm>> -> memref<1x250x80xi32, #tpu.memory_space<hbm>>
      %dma_wait3A_142 = tpu.memref_squeeze %dma_wait3A_141 : memref<1x250x80xi32, #tpu.memory_space<hbm>> -> memref<250x80xi32, #tpu.memory_space<hbm>>
      tpu.wait_dma2 semaphore(%run_scoped3A : memref<!tpu.dma_semaphore, #tpu.memory_space<semaphore_mem>>) src(%dma_wait3A_142 : memref<250x80xi32, #tpu.memory_space<hbm>>) dst(%arg7 : memref<250x80xi32, #tpu.memory_space<vmem>>)
      tpu.yield
    }) : () -> ()
    %broadcast_in_dim3A = arith.constant 0.000000e+00 : f32
    %broadcast_in_dim3A_1 = vector.broadcast %broadcast_in_dim3A : f32 to vector<16xf32>
    %scan3A = arith.constant 0 : i32
    %scan3A_2 = arith.constant 128 : i32
    %scan3A_3 = arith.addi %scan3A, %scan3A_2 : i32
    %scan3A_4 = arith.constant 1 : i32
    scf.for %scan3A_127 = %scan3A to %scan3A_3 step %scan3A_4  : i32 {
      %mul3A_128 = arith.constant 1 : i32
      %mul3A_129 = arith.muli %scan3A_127, %mul3A_128 : i32
      %add3A_130 = arith.constant 0 : i32
      %add3A_131 = arith.addi %add3A_130, %mul3A_129 : i32
      %swap3A = arith.index_cast %add3A_131 : i32 to index
      %swap3A_132 = arith.constant 0 : index
      %swap3A_133 = tpu.vector_load %arg16[%swap3A, %swap3A_132] {strides = array<i32>} : memref<128x64xf32, #tpu.memory_space<vmem>>, vector<1x16xf32>,
      %swap3A_134 = vector.shape_cast %swap3A_133 : vector<1x16xf32> to vector<16xf32>
      %swap3A_135 = vector.shape_cast %broadcast_in_dim3A_1 : vector<16xf32> to vector<1x16xf32>
      tpu.vector_store %arg16[%swap3A, %swap3A_132], %swap3A_135 {strides = array<i32>} : memref<128x64xf32, #tpu.memory_space<vmem>>, vector<1x16xf32>,
      %swap3A_136 = arith.index_cast %add3A_131 : i32 to index
      %swap3A_137 = arith.constant 16 : index
      %swap3A_138 = tpu.vector_load %arg16[%swap3A_136, %swap3A_137] {strides = array<i32>} : memref<128x64xf32, #tpu.memory_space<vmem>>, vector<1x16xf32>,
      %swap3A_139 = vector.shape_cast %swap3A_138 : vector<1x16xf32> to vector<16xf32>
      %swap3A_140 = vector.shape_cast %broadcast_in_dim3A_1 : vector<16xf32> to vector<1x16xf32>
      tpu.vector_store %arg16[%swap3A_136, %swap3A_137], %swap3A_140 {strides = array<i32>} : memref<128x64xf32, #tpu.memory_space<vmem>>, vector<1x16xf32>,
      %swap3A_141 = arith.index_cast %add3A_131 : i32 to index
      %swap3A_142 = arith.constant 32 : index
      %swap3A_143 = tpu.vector_load %arg16[%swap3A_141, %swap3A_142] {strides = array<i32>} : memref<128x64xf32, #tpu.memory_space<vmem>>, vector<1x16xf32>,
      %swap3A_144 = vector.shape_cast %swap3A_143 : vector<1x16xf32> to vector<16xf32>
      %swap3A_145 = vector.shape_cast %broadcast_in_dim3A_1 : vector<16xf32> to vector<1x16xf32>
      tpu.vector_store %arg16[%swap3A_141, %swap3A_142], %swap3A_145 {strides = array<i32>} : memref<128x64xf32, #tpu.memory_space<vmem>>, vector<1x16xf32>,
      %swap3A_146 = arith.index_cast %add3A_131 : i32 to index
      %swap3A_147 = arith.constant 48 : index
      %swap3A_148 = tpu.vector_load %arg16[%swap3A_146, %swap3A_147] {strides = array<i32>} : memref<128x64xf32, #tpu.memory_space<vmem>>, vector<1x16xf32>,
      %swap3A_149 = vector.shape_cast %swap3A_148 : vector<1x16xf32> to vector<16xf32>
      %swap3A_150 = vector.shape_cast %broadcast_in_dim3A_1 : vector<16xf32> to vector<1x16xf32>
      tpu.vector_store %arg16[%swap3A_146, %swap3A_147], %swap3A_150 {strides = array<i32>} : memref<128x64xf32, #tpu.memory_space<vmem>>, vector<1x16xf32>,
    }
    %scan3A_5 = arith.constant 128 : i32
    %add3A = arith.constant 0 : i32
    %add3A_6 = arith.addi %mul3A_0, %add3A : i32
    "tpu.region"() ({
      %run_scoped3A = tpu.sem_alloc : memref<!tpu.dma_semaphore, #tpu.memory_space<semaphore_mem>>
      %dma_start3A_127 = arith.constant 0 : i32
      %dma_start3A_128 = tpu.memref_slice %arg17[%add3A_6, %dma_start3A_127] : memref<10240x64xf32, #tpu.memory_space<vmem_shared>> -> memref<128x64xf32, #tpu.memory_space<vmem_shared>>
      %dma_start3A_129 = arith.constant 0 : i32
      %dma_start3A_130 = tpu.memref_slice %arg17[%add3A_6, %dma_start3A_129] : memref<10240x64xf32, #tpu.memory_space<vmem_shared>> -> memref<128x64xf32, #tpu.memory_space<vmem_shared>>
      tpu.enqueue_dma source(%arg16 : memref<128x64xf32, #tpu.memory_space<vmem>>) target(%dma_start3A_130 : memref<128x64xf32, #tpu.memory_space<vmem_shared>>) target_semaphore(%run_scoped3A : memref<!tpu.dma_semaphore, #tpu.memory_space<semaphore_mem>>)
      %dma_wait3A_131 = arith.constant 0 : i32
      %dma_wait3A_132 = tpu.memref_slice %arg17[%add3A_6, %dma_wait3A_131] : memref<10240x64xf32, #tpu.memory_space<vmem_shared>> -> memref<128x64xf32, #tpu.memory_space<vmem_shared>>
      %dma_wait3A_133 = arith.constant 0 : i32
      %dma_wait3A_134 = tpu.memref_slice %arg17[%add3A_6, %dma_wait3A_133] : memref<10240x64xf32, #tpu.memory_space<vmem_shared>> -> memref<128x64xf32, #tpu.memory_space<vmem_shared>>
      tpu.wait_dma2 semaphore(%run_scoped3A : memref<!tpu.dma_semaphore, #tpu.memory_space<semaphore_mem>>) src(%arg16 : memref<128x64xf32, #tpu.memory_space<vmem>>) dst(%dma_wait3A_134 : memref<128x64xf32, #tpu.memory_space<vmem_shared>>)
      tpu.yield
    }) : () -> ()
    %add3A_7 = arith.constant 128 : i32
    %add3A_8 = arith.addi %mul3A_0, %add3A_7 : i32
    "tpu.region"() ({
      %run_scoped3A = tpu.sem_alloc : memref<!tpu.dma_semaphore, #tpu.memory_space<semaphore_mem>>
      %dma_start3A_127 = arith.constant 0 : i32
      %dma_start3A_128 = tpu.memref_slice %arg17[%add3A_8, %dma_start3A_127] : memref<10240x64xf32, #tpu.memory_space<vmem_shared>> -> memref<128x64xf32, #tpu.memory_space<vmem_shared>>
      %dma_start3A_129 = arith.constant 0 : i32
      %dma_start3A_130 = tpu.memref_slice %arg17[%add3A_8, %dma_start3A_129] : memref<10240x64xf32, #tpu.memory_space<vmem_shared>> -> memref<128x64xf32, #tpu.memory_space<vmem_shared>>
      tpu.enqueue_dma source(%arg16 : memref<128x64xf32, #tpu.memory_space<vmem>>) target(%dma_start3A_130 : memref<128x64xf32, #tpu.memory_space<vmem_shared>>) target_semaphore(%run_scoped3A : memref<!tpu.dma_semaphore, #tpu.memory_space<semaphore_mem>>)
      %dma_wait3A_131 = arith.constant 0 : i32
      %dma_wait3A_132 = tpu.memref_slice %arg17[%add3A_8, %dma_wait3A_131] : memref<10240x64xf32, #tpu.memory_space<vmem_shared>> -> memref<128x64xf32, #tpu.memory_space<vmem_shared>>
      %dma_wait3A_133 = arith.constant 0 : i32
      %dma_wait3A_134 = tpu.memref_slice %arg17[%add3A_8, %dma_wait3A_133] : memref<10240x64xf32, #tpu.memory_space<vmem_shared>> -> memref<128x64xf32, #tpu.memory_space<vmem_shared>>
      tpu.wait_dma2 semaphore(%run_scoped3A : memref<!tpu.dma_semaphore, #tpu.memory_space<semaphore_mem>>) src(%arg16 : memref<128x64xf32, #tpu.memory_space<vmem>>) dst(%dma_wait3A_134 : memref<128x64xf32, #tpu.memory_space<vmem_shared>>)
      tpu.yield
    }) : () -> ()
    %add3A_9 = arith.constant 256 : i32
    %add3A_10 = arith.addi %mul3A_0, %add3A_9 : i32
    "tpu.region"() ({
      %run_scoped3A = tpu.sem_alloc : memref<!tpu.dma_semaphore, #tpu.memory_space<semaphore_mem>>
      %dma_start3A_127 = arith.constant 0 : i32
      %dma_start3A_128 = tpu.memref_slice %arg17[%add3A_10, %dma_start3A_127] : memref<10240x64xf32, #tpu.memory_space<vmem_shared>> -> memref<128x64xf32, #tpu.memory_space<vmem_shared>>
      %dma_start3A_129 = arith.constant 0 : i32
      %dma_start3A_130 = tpu.memref_slice %arg17[%add3A_10, %dma_start3A_129] : memref<10240x64xf32, #tpu.memory_space<vmem_shared>> -> memref<128x64xf32, #tpu.memory_space<vmem_shared>>
      tpu.enqueue_dma source(%arg16 : memref<128x64xf32, #tpu.memory_space<vmem>>) target(%dma_start3A_130 : memref<128x64xf32, #tpu.memory_space<vmem_shared>>) target_semaphore(%run_scoped3A : memref<!tpu.dma_semaphore, #tpu.memory_space<semaphore_mem>>)
      %dma_wait3A_131 = arith.constant 0 : i32
      %dma_wait3A_132 = tpu.memref_slice %arg17[%add3A_10, %dma_wait3A_131] : memref<10240x64xf32, #tpu.memory_space<vmem_shared>> -> memref<128x64xf32, #tpu.memory_space<vmem_shared>>
      %dma_wait3A_133 = arith.constant 0 : i32
      %dma_wait3A_134 = tpu.memref_slice %arg17[%add3A_10, %dma_wait3A_133] : memref<10240x64xf32, #tpu.memory_space<vmem_shared>> -> memref<128x64xf32, #tpu.memory_space<vmem_shared>>
      tpu.wait_dma2 semaphore(%run_scoped3A : memref<!tpu.dma_semaphore, #tpu.memory_space<semaphore_mem>>) src(%arg16 : memref<128x64xf32, #tpu.memory_space<vmem>>) dst(%dma_wait3A_134 : memref<128x64xf32, #tpu.memory_space<vmem_shared>>)
      tpu.yield
    }) : () -> ()
    %add3A_11 = arith.constant 384 : i32
    %add3A_12 = arith.addi %mul3A_0, %add3A_11 : i32
    "tpu.region"() ({
      %run_scoped3A = tpu.sem_alloc : memref<!tpu.dma_semaphore, #tpu.memory_space<semaphore_mem>>
      %dma_start3A_127 = arith.constant 0 : i32
      %dma_start3A_128 = tpu.memref_slice %arg17[%add3A_12, %dma_start3A_127] : memref<10240x64xf32, #tpu.memory_space<vmem_shared>> -> memref<128x64xf32, #tpu.memory_space<vmem_shared>>
      %dma_start3A_129 = arith.constant 0 : i32
      %dma_start3A_130 = tpu.memref_slice %arg17[%add3A_12, %dma_start3A_129] : memref<10240x64xf32, #tpu.memory_space<vmem_shared>> -> memref<128x64xf32, #tpu.memory_space<vmem_shared>>
      tpu.enqueue_dma source(%arg16 : memref<128x64xf32, #tpu.memory_space<vmem>>) target(%dma_start3A_130 : memref<128x64xf32, #tpu.memory_space<vmem_shared>>) target_semaphore(%run_scoped3A : memref<!tpu.dma_semaphore, #tpu.memory_space<semaphore_mem>>)
      %dma_wait3A_131 = arith.constant 0 : i32
      %dma_wait3A_132 = tpu.memref_slice %arg17[%add3A_12, %dma_wait3A_131] : memref<10240x64xf32, #tpu.memory_space<vmem_shared>> -> memref<128x64xf32, #tpu.memory_space<vmem_shared>>
      %dma_wait3A_133 = arith.constant 0 : i32
      %dma_wait3A_134 = tpu.memref_slice %arg17[%add3A_12, %dma_wait3A_133] : memref<10240x64xf32, #tpu.memory_space<vmem_shared>> -> memref<128x64xf32, #tpu.memory_space<vmem_shared>>
      tpu.wait_dma2 semaphore(%run_scoped3A : memref<!tpu.dma_semaphore, #tpu.memory_space<semaphore_mem>>) src(%arg16 : memref<128x64xf32, #tpu.memory_space<vmem>>) dst(%dma_wait3A_134 : memref<128x64xf32, #tpu.memory_space<vmem_shared>>)
      tpu.yield
    }) : () -> ()
    %add3A_13 = arith.constant 512 : i32
    %add3A_14 = arith.addi %mul3A_0, %add3A_13 : i32
    "tpu.region"() ({
      %run_scoped3A = tpu.sem_alloc : memref<!tpu.dma_semaphore, #tpu.memory_space<semaphore_mem>>
      %dma_start3A_127 = arith.constant 0 : i32
      %dma_start3A_128 = tpu.memref_slice %arg17[%add3A_14, %dma_start3A_127] : memref<10240x64xf32, #tpu.memory_space<vmem_shared>> -> memref<128x64xf32, #tpu.memory_space<vmem_shared>>
      %dma_start3A_129 = arith.constant 0 : i32
      %dma_start3A_130 = tpu.memref_slice %arg17[%add3A_14, %dma_start3A_129] : memref<10240x64xf32, #tpu.memory_space<vmem_shared>> -> memref<128x64xf32, #tpu.memory_space<vmem_shared>>
      tpu.enqueue_dma source(%arg16 : memref<128x64xf32, #tpu.memory_space<vmem>>) target(%dma_start3A_130 : memref<128x64xf32, #tpu.memory_space<vmem_shared>>) target_semaphore(%run_scoped3A : memref<!tpu.dma_semaphore, #tpu.memory_space<semaphore_mem>>)
      %dma_wait3A_131 = arith.constant 0 : i32
      %dma_wait3A_132 = tpu.memref_slice %arg17[%add3A_14, %dma_wait3A_131] : memref<10240x64xf32, #tpu.memory_space<vmem_shared>> -> memref<128x64xf32, #tpu.memory_space<vmem_shared>>
      %dma_wait3A_133 = arith.constant 0 : i32
      %dma_wait3A_134 = tpu.memref_slice %arg17[%add3A_14, %dma_wait3A_133] : memref<10240x64xf32, #tpu.memory_space<vmem_shared>> -> memref<128x64xf32, #tpu.memory_space<vmem_shared>>
      tpu.wait_dma2 semaphore(%run_scoped3A : memref<!tpu.dma_semaphore, #tpu.memory_space<semaphore_mem>>) src(%arg16 : memref<128x64xf32, #tpu.memory_space<vmem>>) dst(%dma_wait3A_134 : memref<128x64xf32, #tpu.memory_space<vmem_shared>>)
      tpu.yield
    }) : () -> ()
    %barrier3A = arith.constant 0 : index
    tpu.barrier barrier_id(%barrier3A)
    %dma_start3A = arith.constant 0 : i32
    %dma_start3A_15 = arith.constant 0 : i32
    %dma_start3A_16 = tpu.memref_slice %arg6[%dma_start3A, %dma_start3A_15] : memref<250x80xi32, #tpu.memory_space<vmem>> -> memref<1x80xi32, #tpu.memory_space<vmem>>
    %dma_start3A_17 = tpu.memref_squeeze %dma_start3A_16 : memref<1x80xi32, #tpu.memory_space<vmem>> -> memref<80xi32, #tpu.memory_space<vmem>>
    %dma_start3A_18 = arith.constant 0 : i32
    %dma_start3A_19 = arith.constant 0 : i32
    %dma_start3A_20 = tpu.memref_slice %arg2[%dma_start3A_18, %dma_start3A_19] : memref<20000x64xf32, #tpu.memory_space<hbm>> -> memref<20000x64xf32, #tpu.memory_space<hbm>>
    tpu.enqueue_indirect_dma source(%dma_start3A_20 : memref<20000x64xf32, #tpu.memory_space<hbm>>) target(%arg8 : memref<80x64xf32, #tpu.memory_space<vmem>>) offsets(%dma_start3A_17 : memref<80xi32, #tpu.memory_space<vmem>>) semaphore(%arg18 : memref<!tpu.dma_semaphore, #tpu.memory_space<semaphore_mem>>)
    %dma_start3A_21 = arith.constant 1 : i32
    %dma_start3A_22 = arith.constant 0 : i32
    %dma_start3A_23 = tpu.memref_slice %arg6[%dma_start3A_21, %dma_start3A_22] : memref<250x80xi32, #tpu.memory_space<vmem>> -> memref<1x80xi32, #tpu.memory_space<vmem>>
    %dma_start3A_24 = tpu.memref_squeeze %dma_start3A_23 : memref<1x80xi32, #tpu.memory_space<vmem>> -> memref<80xi32, #tpu.memory_space<vmem>>
    %dma_start3A_25 = arith.constant 0 : i32
    %dma_start3A_26 = arith.constant 0 : i32
    %dma_start3A_27 = tpu.memref_slice %arg2[%dma_start3A_25, %dma_start3A_26] : memref<20000x64xf32, #tpu.memory_space<hbm>> -> memref<20000x64xf32, #tpu.memory_space<hbm>>
    tpu.enqueue_indirect_dma source(%dma_start3A_27 : memref<20000x64xf32, #tpu.memory_space<hbm>>) target(%arg9 : memref<80x64xf32, #tpu.memory_space<vmem>>) offsets(%dma_start3A_24 : memref<80xi32, #tpu.memory_space<vmem>>) semaphore(%arg19 : memref<!tpu.dma_semaphore, #tpu.memory_space<semaphore_mem>>)
    %dma_start3A_28 = arith.constant 2 : i32
    %dma_start3A_29 = arith.constant 0 : i32
    %dma_start3A_30 = tpu.memref_slice %arg6[%dma_start3A_28, %dma_start3A_29] : memref<250x80xi32, #tpu.memory_space<vmem>> -> memref<1x80xi32, #tpu.memory_space<vmem>>
    %dma_start3A_31 = tpu.memref_squeeze %dma_start3A_30 : memref<1x80xi32, #tpu.memory_space<vmem>> -> memref<80xi32, #tpu.memory_space<vmem>>
    %dma_start3A_32 = arith.constant 0 : i32
    %dma_start3A_33 = arith.constant 0 : i32
    %dma_start3A_34 = tpu.memref_slice %arg2[%dma_start3A_32, %dma_start3A_33] : memref<20000x64xf32, #tpu.memory_space<hbm>> -> memref<20000x64xf32, #tpu.memory_space<hbm>>
    tpu.enqueue_indirect_dma source(%dma_start3A_34 : memref<20000x64xf32, #tpu.memory_space<hbm>>) target(%arg10 : memref<80x64xf32, #tpu.memory_space<vmem>>) offsets(%dma_start3A_31 : memref<80xi32, #tpu.memory_space<vmem>>) semaphore(%arg20 : memref<!tpu.dma_semaphore, #tpu.memory_space<semaphore_mem>>)
    %dma_start3A_35 = arith.constant 3 : i32
    %dma_start3A_36 = arith.constant 0 : i32
    %dma_start3A_37 = tpu.memref_slice %arg6[%dma_start3A_35, %dma_start3A_36] : memref<250x80xi32, #tpu.memory_space<vmem>> -> memref<1x80xi32, #tpu.memory_space<vmem>>
    %dma_start3A_38 = tpu.memref_squeeze %dma_start3A_37 : memref<1x80xi32, #tpu.memory_space<vmem>> -> memref<80xi32, #tpu.memory_space<vmem>>
    %dma_start3A_39 = arith.constant 0 : i32
    %dma_start3A_40 = arith.constant 0 : i32
    %dma_start3A_41 = tpu.memref_slice %arg2[%dma_start3A_39, %dma_start3A_40] : memref<20000x64xf32, #tpu.memory_space<hbm>> -> memref<20000x64xf32, #tpu.memory_space<hbm>>
    tpu.enqueue_indirect_dma source(%dma_start3A_41 : memref<20000x64xf32, #tpu.memory_space<hbm>>) target(%arg11 : memref<80x64xf32, #tpu.memory_space<vmem>>) offsets(%dma_start3A_38 : memref<80xi32, #tpu.memory_space<vmem>>) semaphore(%arg21 : memref<!tpu.dma_semaphore, #tpu.memory_space<semaphore_mem>>)
    %dma_start3A_42 = arith.constant 4 : i32
    %dma_start3A_43 = arith.constant 0 : i32
    %dma_start3A_44 = tpu.memref_slice %arg6[%dma_start3A_42, %dma_start3A_43] : memref<250x80xi32, #tpu.memory_space<vmem>> -> memref<1x80xi32, #tpu.memory_space<vmem>>
    %dma_start3A_45 = tpu.memref_squeeze %dma_start3A_44 : memref<1x80xi32, #tpu.memory_space<vmem>> -> memref<80xi32, #tpu.memory_space<vmem>>
    %dma_start3A_46 = arith.constant 0 : i32
    %dma_start3A_47 = arith.constant 0 : i32
    %dma_start3A_48 = tpu.memref_slice %arg2[%dma_start3A_46, %dma_start3A_47] : memref<20000x64xf32, #tpu.memory_space<hbm>> -> memref<20000x64xf32, #tpu.memory_space<hbm>>
    tpu.enqueue_indirect_dma source(%dma_start3A_48 : memref<20000x64xf32, #tpu.memory_space<hbm>>) target(%arg12 : memref<80x64xf32, #tpu.memory_space<vmem>>) offsets(%dma_start3A_45 : memref<80xi32, #tpu.memory_space<vmem>>) semaphore(%arg22 : memref<!tpu.dma_semaphore, #tpu.memory_space<semaphore_mem>>)
    %dma_start3A_49 = arith.constant 5 : i32
    %dma_start3A_50 = arith.constant 0 : i32
    %dma_start3A_51 = tpu.memref_slice %arg6[%dma_start3A_49, %dma_start3A_50] : memref<250x80xi32, #tpu.memory_space<vmem>> -> memref<1x80xi32, #tpu.memory_space<vmem>>
    %dma_start3A_52 = tpu.memref_squeeze %dma_start3A_51 : memref<1x80xi32, #tpu.memory_space<vmem>> -> memref<80xi32, #tpu.memory_space<vmem>>
    %dma_start3A_53 = arith.constant 0 : i32
    %dma_start3A_54 = arith.constant 0 : i32
    %dma_start3A_55 = tpu.memref_slice %arg2[%dma_start3A_53, %dma_start3A_54] : memref<20000x64xf32, #tpu.memory_space<hbm>> -> memref<20000x64xf32, #tpu.memory_space<hbm>>
    tpu.enqueue_indirect_dma source(%dma_start3A_55 : memref<20000x64xf32, #tpu.memory_space<hbm>>) target(%arg13 : memref<80x64xf32, #tpu.memory_space<vmem>>) offsets(%dma_start3A_52 : memref<80xi32, #tpu.memory_space<vmem>>) semaphore(%arg23 : memref<!tpu.dma_semaphore, #tpu.memory_space<semaphore_mem>>)
    %dma_start3A_56 = arith.constant 6 : i32
    %dma_start3A_57 = arith.constant 0 : i32
    %dma_start3A_58 = tpu.memref_slice %arg6[%dma_start3A_56, %dma_start3A_57] : memref<250x80xi32, #tpu.memory_space<vmem>> -> memref<1x80xi32, #tpu.memory_space<vmem>>
    %dma_start3A_59 = tpu.memref_squeeze %dma_start3A_58 : memref<1x80xi32, #tpu.memory_space<vmem>> -> memref<80xi32, #tpu.memory_space<vmem>>
    %dma_start3A_60 = arith.constant 0 : i32
    %dma_start3A_61 = arith.constant 0 : i32
    %dma_start3A_62 = tpu.memref_slice %arg2[%dma_start3A_60, %dma_start3A_61] : memref<20000x64xf32, #tpu.memory_space<hbm>> -> memref<20000x64xf32, #tpu.memory_space<hbm>>
    tpu.enqueue_indirect_dma source(%dma_start3A_62 : memref<20000x64xf32, #tpu.memory_space<hbm>>) target(%arg14 : memref<80x64xf32, #tpu.memory_space<vmem>>) offsets(%dma_start3A_59 : memref<80xi32, #tpu.memory_space<vmem>>) semaphore(%arg24 : memref<!tpu.dma_semaphore, #tpu.memory_space<semaphore_mem>>)
    %dma_start3A_63 = arith.constant 7 : i32
    %dma_start3A_64 = arith.constant 0 : i32
    %dma_start3A_65 = tpu.memref_slice %arg6[%dma_start3A_63, %dma_start3A_64] : memref<250x80xi32, #tpu.memory_space<vmem>> -> memref<1x80xi32, #tpu.memory_space<vmem>>
    %dma_start3A_66 = tpu.memref_squeeze %dma_start3A_65 : memref<1x80xi32, #tpu.memory_space<vmem>> -> memref<80xi32, #tpu.memory_space<vmem>>
    %dma_start3A_67 = arith.constant 0 : i32
    %dma_start3A_68 = arith.constant 0 : i32
    %dma_start3A_69 = tpu.memref_slice %arg2[%dma_start3A_67, %dma_start3A_68] : memref<20000x64xf32, #tpu.memory_space<hbm>> -> memref<20000x64xf32, #tpu.memory_space<hbm>>
    tpu.enqueue_indirect_dma source(%dma_start3A_69 : memref<20000x64xf32, #tpu.memory_space<hbm>>) target(%arg15 : memref<80x64xf32, #tpu.memory_space<vmem>>) offsets(%dma_start3A_66 : memref<80xi32, #tpu.memory_space<vmem>>) semaphore(%arg25 : memref<!tpu.dma_semaphore, #tpu.memory_space<semaphore_mem>>)
    %scan3A_70 = arith.constant 0 : i32
    %scan3A_71 = arith.constant 31 : i32
    %scan3A_72 = arith.addi %scan3A_70, %scan3A_71 : i32
    %scan3A_73 = arith.constant 1 : i32
    scf.for %scan3A_127 = %scan3A_70 to %scan3A_72 step %scan3A_73  : i32 {
      %mul3A_128 = arith.constant 8 : i32
      %mul3A_129 = arith.muli %scan3A_127, %mul3A_128 : i32
      %add3A_130 = arith.constant 0 : i32
      %add3A_131 = arith.addi %add3A_130, %mul3A_129 : i32
      %add3A_132 = arith.constant 0 : i32
      %add3A_133 = arith.addi %add3A_131, %add3A_132 : i32
      %dma_wait3A_134 = arith.constant 0 : i32
      %dma_wait3A_135 = tpu.memref_slice %arg6[%add3A_133, %dma_wait3A_134] : memref<250x80xi32, #tpu.memory_space<vmem>> -> memref<1x80xi32, #tpu.memory_space<vmem>>
      %dma_wait3A_136 = tpu.memref_squeeze %dma_wait3A_135 : memref<1x80xi32, #tpu.memory_space<vmem>> -> memref<80xi32, #tpu.memory_space<vmem>>
      %dma_wait3A_137 = arith.constant 0 : i32
      %dma_wait3A_138 = arith.constant 0 : i32
      %dma_wait3A_139 = tpu.memref_slice %arg2[%dma_wait3A_137, %dma_wait3A_138] : memref<20000x64xf32, #tpu.memory_space<hbm>> -> memref<20000x64xf32, #tpu.memory_space<hbm>>
      tpu.wait_indirect_dma semaphore(%arg18 : memref<!tpu.dma_semaphore, #tpu.memory_space<semaphore_mem>>) src(%dma_wait3A_139 : memref<20000x64xf32, #tpu.memory_space<hbm>>) dst(%arg8 : memref<80x64xf32, #tpu.memory_space<vmem>>)
      %add3A_140 = arith.constant 0 : i32
      %add3A_141 = arith.addi %add3A_131, %add3A_140 : i32
      %dma_start3A_142 = arith.constant 0 : i32
      %dma_start3A_143 = tpu.memref_slice %arg7[%add3A_141, %dma_start3A_142] : memref<250x80xi32, #tpu.memory_space<vmem>> -> memref<1x80xi32, #tpu.memory_space<vmem>>
      %dma_start3A_144 = tpu.memref_squeeze %dma_start3A_143 : memref<1x80xi32, #tpu.memory_space<vmem>> -> memref<80xi32, #tpu.memory_space<vmem>>
      %dma_start3A_145 = arith.constant 0 : i32
      %dma_start3A_146 = arith.constant 0 : i32
      %dma_start3A_147 = tpu.memref_slice %arg17[%dma_start3A_145, %dma_start3A_146] : memref<10240x64xf32, #tpu.memory_space<vmem_shared>> -> memref<10240x64xf32, #tpu.memory_space<vmem_shared>>
      tpu.enqueue_indirect_dma source(%arg8 : memref<80x64xf32, #tpu.memory_space<vmem>>) target(%dma_start3A_147 : memref<10240x64xf32, #tpu.memory_space<vmem_shared>>) offsets(%dma_start3A_144 : memref<80xi32, #tpu.memory_space<vmem>>) semaphore(%arg26 : memref<!tpu.dma_semaphore, #tpu.memory_space<semaphore_mem>>) {add = true}
      %add3A_148 = arith.constant 1 : i32
      %add3A_149 = arith.addi %add3A_131, %add3A_148 : i32
      %dma_wait3A_150 = arith.constant 0 : i32
      %dma_wait3A_151 = tpu.memref_slice %arg6[%add3A_149, %dma_wait3A_150] : memref<250x80xi32, #tpu.memory_space<vmem>> -> memref<1x80xi32, #tpu.memory_space<vmem>>
      %dma_wait3A_152 = tpu.memref_squeeze %dma_wait3A_151 : memref<1x80xi32, #tpu.memory_space<vmem>> -> memref<80xi32, #tpu.memory_space<vmem>>
      %dma_wait3A_153 = arith.constant 0 : i32
      %dma_wait3A_154 = arith.constant 0 : i32
      %dma_wait3A_155 = tpu.memref_slice %arg2[%dma_wait3A_153, %dma_wait3A_154] : memref<20000x64xf32, #tpu.memory_space<hbm>> -> memref<20000x64xf32, #tpu.memory_space<hbm>>
      tpu.wait_indirect_dma semaphore(%arg19 : memref<!tpu.dma_semaphore, #tpu.memory_space<semaphore_mem>>) src(%dma_wait3A_155 : memref<20000x64xf32, #tpu.memory_space<hbm>>) dst(%arg9 : memref<80x64xf32, #tpu.memory_space<vmem>>)
      %add3A_156 = arith.constant 1 : i32
      %add3A_157 = arith.addi %add3A_131, %add3A_156 : i32
      %dma_start3A_158 = arith.constant 0 : i32
      %dma_start3A_159 = tpu.memref_slice %arg7[%add3A_157, %dma_start3A_158] : memref<250x80xi32, #tpu.memory_space<vmem>> -> memref<1x80xi32, #tpu.memory_space<vmem>>
      %dma_start3A_160 = tpu.memref_squeeze %dma_start3A_159 : memref<1x80xi32, #tpu.memory_space<vmem>> -> memref<80xi32, #tpu.memory_space<vmem>>
      %dma_start3A_161 = arith.constant 0 : i32
      %dma_start3A_162 = arith.constant 0 : i32
      %dma_start3A_163 = tpu.memref_slice %arg17[%dma_start3A_161, %dma_start3A_162] : memref<10240x64xf32, #tpu.memory_space<vmem_shared>> -> memref<10240x64xf32, #tpu.memory_space<vmem_shared>>
      tpu.enqueue_indirect_dma source(%arg9 : memref<80x64xf32, #tpu.memory_space<vmem>>) target(%dma_start3A_163 : memref<10240x64xf32, #tpu.memory_space<vmem_shared>>) offsets(%dma_start3A_160 : memref<80xi32, #tpu.memory_space<vmem>>) semaphore(%arg27 : memref<!tpu.dma_semaphore, #tpu.memory_space<semaphore_mem>>) {add = true}
      %add3A_164 = arith.constant 2 : i32
      %add3A_165 = arith.addi %add3A_131, %add3A_164 : i32
      %dma_wait3A_166 = arith.constant 0 : i32
      %dma_wait3A_167 = tpu.memref_slice %arg6[%add3A_165, %dma_wait3A_166] : memref<250x80xi32, #tpu.memory_space<vmem>> -> memref<1x80xi32, #tpu.memory_space<vmem>>
      %dma_wait3A_168 = tpu.memref_squeeze %dma_wait3A_167 : memref<1x80xi32, #tpu.memory_space<vmem>> -> memref<80xi32, #tpu.memory_space<vmem>>
      %dma_wait3A_169 = arith.constant 0 : i32
      %dma_wait3A_170 = arith.constant 0 : i32
      %dma_wait3A_171 = tpu.memref_slice %arg2[%dma_wait3A_169, %dma_wait3A_170] : memref<20000x64xf32, #tpu.memory_space<hbm>> -> memref<20000x64xf32, #tpu.memory_space<hbm>>
      tpu.wait_indirect_dma semaphore(%arg20 : memref<!tpu.dma_semaphore, #tpu.memory_space<semaphore_mem>>) src(%dma_wait3A_171 : memref<20000x64xf32, #tpu.memory_space<hbm>>) dst(%arg10 : memref<80x64xf32, #tpu.memory_space<vmem>>)
      %add3A_172 = arith.constant 2 : i32
      %add3A_173 = arith.addi %add3A_131, %add3A_172 : i32
      %dma_start3A_174 = arith.constant 0 : i32
      %dma_start3A_175 = tpu.memref_slice %arg7[%add3A_173, %dma_start3A_174] : memref<250x80xi32, #tpu.memory_space<vmem>> -> memref<1x80xi32, #tpu.memory_space<vmem>>
      %dma_start3A_176 = tpu.memref_squeeze %dma_start3A_175 : memref<1x80xi32, #tpu.memory_space<vmem>> -> memref<80xi32, #tpu.memory_space<vmem>>
      %dma_start3A_177 = arith.constant 0 : i32
      %dma_start3A_178 = arith.constant 0 : i32
      %dma_start3A_179 = tpu.memref_slice %arg17[%dma_start3A_177, %dma_start3A_178] : memref<10240x64xf32, #tpu.memory_space<vmem_shared>> -> memref<10240x64xf32, #tpu.memory_space<vmem_shared>>
      tpu.enqueue_indirect_dma source(%arg10 : memref<80x64xf32, #tpu.memory_space<vmem>>) target(%dma_start3A_179 : memref<10240x64xf32, #tpu.memory_space<vmem_shared>>) offsets(%dma_start3A_176 : memref<80xi32, #tpu.memory_space<vmem>>) semaphore(%arg28 : memref<!tpu.dma_semaphore, #tpu.memory_space<semaphore_mem>>) {add = true}
      %add3A_180 = arith.constant 3 : i32
      %add3A_181 = arith.addi %add3A_131, %add3A_180 : i32
      %dma_wait3A_182 = arith.constant 0 : i32
      %dma_wait3A_183 = tpu.memref_slice %arg6[%add3A_181, %dma_wait3A_182] : memref<250x80xi32, #tpu.memory_space<vmem>> -> memref<1x80xi32, #tpu.memory_space<vmem>>
      %dma_wait3A_184 = tpu.memref_squeeze %dma_wait3A_183 : memref<1x80xi32, #tpu.memory_space<vmem>> -> memref<80xi32, #tpu.memory_space<vmem>>
      %dma_wait3A_185 = arith.constant 0 : i32
      %dma_wait3A_186 = arith.constant 0 : i32
      %dma_wait3A_187 = tpu.memref_slice %arg2[%dma_wait3A_185, %dma_wait3A_186] : memref<20000x64xf32, #tpu.memory_space<hbm>> -> memref<20000x64xf32, #tpu.memory_space<hbm>>
      tpu.wait_indirect_dma semaphore(%arg21 : memref<!tpu.dma_semaphore, #tpu.memory_space<semaphore_mem>>) src(%dma_wait3A_187 : memref<20000x64xf32, #tpu.memory_space<hbm>>) dst(%arg11 : memref<80x64xf32, #tpu.memory_space<vmem>>)
      %add3A_188 = arith.constant 3 : i32
      %add3A_189 = arith.addi %add3A_131, %add3A_188 : i32
      %dma_start3A_190 = arith.constant 0 : i32
      %dma_start3A_191 = tpu.memref_slice %arg7[%add3A_189, %dma_start3A_190] : memref<250x80xi32, #tpu.memory_space<vmem>> -> memref<1x80xi32, #tpu.memory_space<vmem>>
      %dma_start3A_192 = tpu.memref_squeeze %dma_start3A_191 : memref<1x80xi32, #tpu.memory_space<vmem>> -> memref<80xi32, #tpu.memory_space<vmem>>
      %dma_start3A_193 = arith.constant 0 : i32
      %dma_start3A_194 = arith.constant 0 : i32
      %dma_start3A_195 = tpu.memref_slice %arg17[%dma_start3A_193, %dma_start3A_194] : memref<10240x64xf32, #tpu.memory_space<vmem_shared>> -> memref<10240x64xf32, #tpu.memory_space<vmem_shared>>
      tpu.enqueue_indirect_dma source(%arg11 : memref<80x64xf32, #tpu.memory_space<vmem>>) target(%dma_start3A_195 : memref<10240x64xf32, #tpu.memory_space<vmem_shared>>) offsets(%dma_start3A_192 : memref<80xi32, #tpu.memory_space<vmem>>) semaphore(%arg29 : memref<!tpu.dma_semaphore, #tpu.memory_space<semaphore_mem>>) {add = true}
      %add3A_196 = arith.constant 4 : i32
      %add3A_197 = arith.addi %add3A_131, %add3A_196 : i32
      %dma_wait3A_198 = arith.constant 0 : i32
      %dma_wait3A_199 = tpu.memref_slice %arg6[%add3A_197, %dma_wait3A_198] : memref<250x80xi32, #tpu.memory_space<vmem>> -> memref<1x80xi32, #tpu.memory_space<vmem>>
      %dma_wait3A_200 = tpu.memref_squeeze %dma_wait3A_199 : memref<1x80xi32, #tpu.memory_space<vmem>> -> memref<80xi32, #tpu.memory_space<vmem>>
      %dma_wait3A_201 = arith.constant 0 : i32
      %dma_wait3A_202 = arith.constant 0 : i32
      %dma_wait3A_203 = tpu.memref_slice %arg2[%dma_wait3A_201, %dma_wait3A_202] : memref<20000x64xf32, #tpu.memory_space<hbm>> -> memref<20000x64xf32, #tpu.memory_space<hbm>>
      tpu.wait_indirect_dma semaphore(%arg22 : memref<!tpu.dma_semaphore, #tpu.memory_space<semaphore_mem>>) src(%dma_wait3A_203 : memref<20000x64xf32, #tpu.memory_space<hbm>>) dst(%arg12 : memref<80x64xf32, #tpu.memory_space<vmem>>)
      %add3A_204 = arith.constant 4 : i32
      %add3A_205 = arith.addi %add3A_131, %add3A_204 : i32
      %dma_start3A_206 = arith.constant 0 : i32
      %dma_start3A_207 = tpu.memref_slice %arg7[%add3A_205, %dma_start3A_206] : memref<250x80xi32, #tpu.memory_space<vmem>> -> memref<1x80xi32, #tpu.memory_space<vmem>>
      %dma_start3A_208 = tpu.memref_squeeze %dma_start3A_207 : memref<1x80xi32, #tpu.memory_space<vmem>> -> memref<80xi32, #tpu.memory_space<vmem>>
      %dma_start3A_209 = arith.constant 0 : i32
      %dma_start3A_210 = arith.constant 0 : i32
      %dma_start3A_211 = tpu.memref_slice %arg17[%dma_start3A_209, %dma_start3A_210] : memref<10240x64xf32, #tpu.memory_space<vmem_shared>> -> memref<10240x64xf32, #tpu.memory_space<vmem_shared>>
      tpu.enqueue_indirect_dma source(%arg12 : memref<80x64xf32, #tpu.memory_space<vmem>>) target(%dma_start3A_211 : memref<10240x64xf32, #tpu.memory_space<vmem_shared>>) offsets(%dma_start3A_208 : memref<80xi32, #tpu.memory_space<vmem>>) semaphore(%arg30 : memref<!tpu.dma_semaphore, #tpu.memory_space<semaphore_mem>>) {add = true}
      %add3A_212 = arith.constant 5 : i32
      %add3A_213 = arith.addi %add3A_131, %add3A_212 : i32
      %dma_wait3A_214 = arith.constant 0 : i32
      %dma_wait3A_215 = tpu.memref_slice %arg6[%add3A_213, %dma_wait3A_214] : memref<250x80xi32, #tpu.memory_space<vmem>> -> memref<1x80xi32, #tpu.memory_space<vmem>>
      %dma_wait3A_216 = tpu.memref_squeeze %dma_wait3A_215 : memref<1x80xi32, #tpu.memory_space<vmem>> -> memref<80xi32, #tpu.memory_space<vmem>>
      %dma_wait3A_217 = arith.constant 0 : i32
      %dma_wait3A_218 = arith.constant 0 : i32
      %dma_wait3A_219 = tpu.memref_slice %arg2[%dma_wait3A_217, %dma_wait3A_218] : memref<20000x64xf32, #tpu.memory_space<hbm>> -> memref<20000x64xf32, #tpu.memory_space<hbm>>
      tpu.wait_indirect_dma semaphore(%arg23 : memref<!tpu.dma_semaphore, #tpu.memory_space<semaphore_mem>>) src(%dma_wait3A_219 : memref<20000x64xf32, #tpu.memory_space<hbm>>) dst(%arg13 : memref<80x64xf32, #tpu.memory_space<vmem>>)
      %add3A_220 = arith.constant 5 : i32
      %add3A_221 = arith.addi %add3A_131, %add3A_220 : i32
      %dma_start3A_222 = arith.constant 0 : i32
      %dma_start3A_223 = tpu.memref_slice %arg7[%add3A_221, %dma_start3A_222] : memref<250x80xi32, #tpu.memory_space<vmem>> -> memref<1x80xi32, #tpu.memory_space<vmem>>
      %dma_start3A_224 = tpu.memref_squeeze %dma_start3A_223 : memref<1x80xi32, #tpu.memory_space<vmem>> -> memref<80xi32, #tpu.memory_space<vmem>>
      %dma_start3A_225 = arith.constant 0 : i32
      %dma_start3A_226 = arith.constant 0 : i32
      %dma_start3A_227 = tpu.memref_slice %arg17[%dma_start3A_225, %dma_start3A_226] : memref<10240x64xf32, #tpu.memory_space<vmem_shared>> -> memref<10240x64xf32, #tpu.memory_space<vmem_shared>>
      tpu.enqueue_indirect_dma source(%arg13 : memref<80x64xf32, #tpu.memory_space<vmem>>) target(%dma_start3A_227 : memref<10240x64xf32, #tpu.memory_space<vmem_shared>>) offsets(%dma_start3A_224 : memref<80xi32, #tpu.memory_space<vmem>>) semaphore(%arg31 : memref<!tpu.dma_semaphore, #tpu.memory_space<semaphore_mem>>) {add = true}
      %add3A_228 = arith.constant 6 : i32
      %add3A_229 = arith.addi %add3A_131, %add3A_228 : i32
      %dma_wait3A_230 = arith.constant 0 : i32
      %dma_wait3A_231 = tpu.memref_slice %arg6[%add3A_229, %dma_wait3A_230] : memref<250x80xi32, #tpu.memory_space<vmem>> -> memref<1x80xi32, #tpu.memory_space<vmem>>
      %dma_wait3A_232 = tpu.memref_squeeze %dma_wait3A_231 : memref<1x80xi32, #tpu.memory_space<vmem>> -> memref<80xi32, #tpu.memory_space<vmem>>
      %dma_wait3A_233 = arith.constant 0 : i32
      %dma_wait3A_234 = arith.constant 0 : i32
      %dma_wait3A_235 = tpu.memref_slice %arg2[%dma_wait3A_233, %dma_wait3A_234] : memref<20000x64xf32, #tpu.memory_space<hbm>> -> memref<20000x64xf32, #tpu.memory_space<hbm>>
      tpu.wait_indirect_dma semaphore(%arg24 : memref<!tpu.dma_semaphore, #tpu.memory_space<semaphore_mem>>) src(%dma_wait3A_235 : memref<20000x64xf32, #tpu.memory_space<hbm>>) dst(%arg14 : memref<80x64xf32, #tpu.memory_space<vmem>>)
      %add3A_236 = arith.constant 6 : i32
      %add3A_237 = arith.addi %add3A_131, %add3A_236 : i32
      %dma_start3A_238 = arith.constant 0 : i32
      %dma_start3A_239 = tpu.memref_slice %arg7[%add3A_237, %dma_start3A_238] : memref<250x80xi32, #tpu.memory_space<vmem>> -> memref<1x80xi32, #tpu.memory_space<vmem>>
      %dma_start3A_240 = tpu.memref_squeeze %dma_start3A_239 : memref<1x80xi32, #tpu.memory_space<vmem>> -> memref<80xi32, #tpu.memory_space<vmem>>
      %dma_start3A_241 = arith.constant 0 : i32
      %dma_start3A_242 = arith.constant 0 : i32
      %dma_start3A_243 = tpu.memref_slice %arg17[%dma_start3A_241, %dma_start3A_242] : memref<10240x64xf32, #tpu.memory_space<vmem_shared>> -> memref<10240x64xf32, #tpu.memory_space<vmem_shared>>
      tpu.enqueue_indirect_dma source(%arg14 : memref<80x64xf32, #tpu.memory_space<vmem>>) target(%dma_start3A_243 : memref<10240x64xf32, #tpu.memory_space<vmem_shared>>) offsets(%dma_start3A_240 : memref<80xi32, #tpu.memory_space<vmem>>) semaphore(%arg32 : memref<!tpu.dma_semaphore, #tpu.memory_space<semaphore_mem>>) {add = true}
      %add3A_244 = arith.constant 7 : i32
      %add3A_245 = arith.addi %add3A_131, %add3A_244 : i32
      %dma_wait3A_246 = arith.constant 0 : i32
      %dma_wait3A_247 = tpu.memref_slice %arg6[%add3A_245, %dma_wait3A_246] : memref<250x80xi32, #tpu.memory_space<vmem>> -> memref<1x80xi32, #tpu.memory_space<vmem>>
      %dma_wait3A_248 = tpu.memref_squeeze %dma_wait3A_247 : memref<1x80xi32, #tpu.memory_space<vmem>> -> memref<80xi32, #tpu.memory_space<vmem>>
      %dma_wait3A_249 = arith.constant 0 : i32
      %dma_wait3A_250 = arith.constant 0 : i32
      %dma_wait3A_251 = tpu.memref_slice %arg2[%dma_wait3A_249, %dma_wait3A_250] : memref<20000x64xf32, #tpu.memory_space<hbm>> -> memref<20000x64xf32, #tpu.memory_space<hbm>>
      tpu.wait_indirect_dma semaphore(%arg25 : memref<!tpu.dma_semaphore, #tpu.memory_space<semaphore_mem>>) src(%dma_wait3A_251 : memref<20000x64xf32, #tpu.memory_space<hbm>>) dst(%arg15 : memref<80x64xf32, #tpu.memory_space<vmem>>)
      %add3A_252 = arith.constant 7 : i32
      %add3A_253 = arith.addi %add3A_131, %add3A_252 : i32
      %dma_start3A_254 = arith.constant 0 : i32
      %dma_start3A_255 = tpu.memref_slice %arg7[%add3A_253, %dma_start3A_254] : memref<250x80xi32, #tpu.memory_space<vmem>> -> memref<1x80xi32, #tpu.memory_space<vmem>>
      %dma_start3A_256 = tpu.memref_squeeze %dma_start3A_255 : memref<1x80xi32, #tpu.memory_space<vmem>> -> memref<80xi32, #tpu.memory_space<vmem>>
      %dma_start3A_257 = arith.constant 0 : i32
      %dma_start3A_258 = arith.constant 0 : i32
      %dma_start3A_259 = tpu.memref_slice %arg17[%dma_start3A_257, %dma_start3A_258] : memref<10240x64xf32, #tpu.memory_space<vmem_shared>> -> memref<10240x64xf32, #tpu.memory_space<vmem_shared>>
      tpu.enqueue_indirect_dma source(%arg15 : memref<80x64xf32, #tpu.memory_space<vmem>>) target(%dma_start3A_259 : memref<10240x64xf32, #tpu.memory_space<vmem_shared>>) offsets(%dma_start3A_256 : memref<80xi32, #tpu.memory_space<vmem>>) semaphore(%arg33 : memref<!tpu.dma_semaphore, #tpu.memory_space<semaphore_mem>>) {add = true}
      %add3A_260 = arith.constant 0 : i32
      %add3A_261 = arith.addi %add3A_131, %add3A_260 : i32
      %dma_wait3A_262 = arith.constant 0 : i32
      %dma_wait3A_263 = tpu.memref_slice %arg7[%add3A_261, %dma_wait3A_262] : memref<250x80xi32, #tpu.memory_space<vmem>> -> memref<1x80xi32, #tpu.memory_space<vmem>>
      %dma_wait3A_264 = tpu.memref_squeeze %dma_wait3A_263 : memref<1x80xi32, #tpu.memory_space<vmem>> -> memref<80xi32, #tpu.memory_space<vmem>>
      %dma_wait3A_265 = arith.constant 0 : i32
      %dma_wait3A_266 = arith.constant 0 : i32
      %dma_wait3A_267 = tpu.memref_slice %arg17[%dma_wait3A_265, %dma_wait3A_266] : memref<10240x64xf32, #tpu.memory_space<vmem_shared>> -> memref<10240x64xf32, #tpu.memory_space<vmem_shared>>
      tpu.wait_indirect_dma semaphore(%arg26 : memref<!tpu.dma_semaphore, #tpu.memory_space<semaphore_mem>>) src(%arg8 : memref<80x64xf32, #tpu.memory_space<vmem>>) dst(%dma_wait3A_267 : memref<10240x64xf32, #tpu.memory_space<vmem_shared>>)
      %add3A_268 = arith.constant 0 : i32
      %add3A_269 = arith.addi %add3A_131, %add3A_268 : i32
      %add3A_270 = arith.constant 8 : i32
      %add3A_271 = arith.addi %add3A_269, %add3A_270 : i32
      %lt3A = arith.constant 250 : i32
      %lt3A_272 = arith.cmpi slt, %add3A_271, %lt3A : i32
      %convert_element_type3A = arith.extui %lt3A_272 : i1 to i32
      %cond3A = arith.constant 0 : i32
      %cond3A_273 = arith.cmpi ne, %convert_element_type3A, %cond3A : i32
      scf.if %cond3A_273 {
        %add3A_393 = arith.constant 0 : i32
        %add3A_394 = arith.addi %add3A_131, %add3A_393 : i32
        %add3A_395 = arith.constant 8 : i32
        %add3A_396 = arith.addi %add3A_394, %add3A_395 : i32
        %dma_start3A_397 = arith.constant 0 : i32
        %dma_start3A_398 = tpu.memref_slice %arg6[%add3A_396, %dma_start3A_397] : memref<250x80xi32, #tpu.memory_space<vmem>> -> memref<1x80xi32, #tpu.memory_space<vmem>>
        %dma_start3A_399 = tpu.memref_squeeze %dma_start3A_398 : memref<1x80xi32, #tpu.memory_space<vmem>> -> memref<80xi32, #tpu.memory_space<vmem>>
        %dma_start3A_400 = arith.constant 0 : i32
        %dma_start3A_401 = arith.constant 0 : i32
        %dma_start3A_402 = tpu.memref_slice %arg2[%dma_start3A_400, %dma_start3A_401] : memref<20000x64xf32, #tpu.memory_space<hbm>> -> memref<20000x64xf32, #tpu.memory_space<hbm>>
        tpu.enqueue_indirect_dma source(%dma_start3A_402 : memref<20000x64xf32, #tpu.memory_space<hbm>>) target(%arg8 : memref<80x64xf32, #tpu.memory_space<vmem>>) offsets(%dma_start3A_399 : memref<80xi32, #tpu.memory_space<vmem>>) semaphore(%arg18 : memref<!tpu.dma_semaphore, #tpu.memory_space<semaphore_mem>>)
      } else {
      }
      %add3A_274 = arith.constant 1 : i32
      %add3A_275 = arith.addi %add3A_131, %add3A_274 : i32
      %dma_wait3A_276 = arith.constant 0 : i32
      %dma_wait3A_277 = tpu.memref_slice %arg7[%add3A_275, %dma_wait3A_276] : memref<250x80xi32, #tpu.memory_space<vmem>> -> memref<1x80xi32, #tpu.memory_space<vmem>>
      %dma_wait3A_278 = tpu.memref_squeeze %dma_wait3A_277 : memref<1x80xi32, #tpu.memory_space<vmem>> -> memref<80xi32, #tpu.memory_space<vmem>>
      %dma_wait3A_279 = arith.constant 0 : i32
      %dma_wait3A_280 = arith.constant 0 : i32
      %dma_wait3A_281 = tpu.memref_slice %arg17[%dma_wait3A_279, %dma_wait3A_280] : memref<10240x64xf32, #tpu.memory_space<vmem_shared>> -> memref<10240x64xf32, #tpu.memory_space<vmem_shared>>
      tpu.wait_indirect_dma semaphore(%arg27 : memref<!tpu.dma_semaphore, #tpu.memory_space<semaphore_mem>>) src(%arg9 : memref<80x64xf32, #tpu.memory_space<vmem>>) dst(%dma_wait3A_281 : memref<10240x64xf32, #tpu.memory_space<vmem_shared>>)
      %add3A_282 = arith.constant 1 : i32
      %add3A_283 = arith.addi %add3A_131, %add3A_282 : i32
      %add3A_284 = arith.constant 8 : i32
      %add3A_285 = arith.addi %add3A_283, %add3A_284 : i32
      %lt3A_286 = arith.constant 250 : i32
      %lt3A_287 = arith.cmpi slt, %add3A_285, %lt3A_286 : i32
      %convert_element_type3A_288 = arith.extui %lt3A_287 : i1 to i32
      %cond3A_289 = arith.constant 0 : i32
      %cond3A_290 = arith.cmpi ne, %convert_element_type3A_288, %cond3A_289 : i32
      scf.if %cond3A_290 {
        %add3A_393 = arith.constant 1 : i32
        %add3A_394 = arith.addi %add3A_131, %add3A_393 : i32
        %add3A_395 = arith.constant 8 : i32
        %add3A_396 = arith.addi %add3A_394, %add3A_395 : i32
        %dma_start3A_397 = arith.constant 0 : i32
        %dma_start3A_398 = tpu.memref_slice %arg6[%add3A_396, %dma_start3A_397] : memref<250x80xi32, #tpu.memory_space<vmem>> -> memref<1x80xi32, #tpu.memory_space<vmem>>
        %dma_start3A_399 = tpu.memref_squeeze %dma_start3A_398 : memref<1x80xi32, #tpu.memory_space<vmem>> -> memref<80xi32, #tpu.memory_space<vmem>>
        %dma_start3A_400 = arith.constant 0 : i32
        %dma_start3A_401 = arith.constant 0 : i32
        %dma_start3A_402 = tpu.memref_slice %arg2[%dma_start3A_400, %dma_start3A_401] : memref<20000x64xf32, #tpu.memory_space<hbm>> -> memref<20000x64xf32, #tpu.memory_space<hbm>>
        tpu.enqueue_indirect_dma source(%dma_start3A_402 : memref<20000x64xf32, #tpu.memory_space<hbm>>) target(%arg9 : memref<80x64xf32, #tpu.memory_space<vmem>>) offsets(%dma_start3A_399 : memref<80xi32, #tpu.memory_space<vmem>>) semaphore(%arg19 : memref<!tpu.dma_semaphore, #tpu.memory_space<semaphore_mem>>)
      } else {
      }
      %add3A_291 = arith.constant 2 : i32
      %add3A_292 = arith.addi %add3A_131, %add3A_291 : i32
      %dma_wait3A_293 = arith.constant 0 : i32
      %dma_wait3A_294 = tpu.memref_slice %arg7[%add3A_292, %dma_wait3A_293] : memref<250x80xi32, #tpu.memory_space<vmem>> -> memref<1x80xi32, #tpu.memory_space<vmem>>
      %dma_wait3A_295 = tpu.memref_squeeze %dma_wait3A_294 : memref<1x80xi32, #tpu.memory_space<vmem>> -> memref<80xi32, #tpu.memory_space<vmem>>
      %dma_wait3A_296 = arith.constant 0 : i32
      %dma_wait3A_297 = arith.constant 0 : i32
      %dma_wait3A_298 = tpu.memref_slice %arg17[%dma_wait3A_296, %dma_wait3A_297] : memref<10240x64xf32, #tpu.memory_space<vmem_shared>> -> memref<10240x64xf32, #tpu.memory_space<vmem_shared>>
      tpu.wait_indirect_dma semaphore(%arg28 : memref<!tpu.dma_semaphore, #tpu.memory_space<semaphore_mem>>) src(%arg10 : memref<80x64xf32, #tpu.memory_space<vmem>>) dst(%dma_wait3A_298 : memref<10240x64xf32, #tpu.memory_space<vmem_shared>>)
      %add3A_299 = arith.constant 2 : i32
      %add3A_300 = arith.addi %add3A_131, %add3A_299 : i32
      %add3A_301 = arith.constant 8 : i32
      %add3A_302 = arith.addi %add3A_300, %add3A_301 : i32
      %lt3A_303 = arith.constant 250 : i32
      %lt3A_304 = arith.cmpi slt, %add3A_302, %lt3A_303 : i32
      %convert_element_type3A_305 = arith.extui %lt3A_304 : i1 to i32
      %cond3A_306 = arith.constant 0 : i32
      %cond3A_307 = arith.cmpi ne, %convert_element_type3A_305, %cond3A_306 : i32
      scf.if %cond3A_307 {
        %add3A_393 = arith.constant 2 : i32
        %add3A_394 = arith.addi %add3A_131, %add3A_393 : i32
        %add3A_395 = arith.constant 8 : i32
        %add3A_396 = arith.addi %add3A_394, %add3A_395 : i32
        %dma_start3A_397 = arith.constant 0 : i32
        %dma_start3A_398 = tpu.memref_slice %arg6[%add3A_396, %dma_start3A_397] : memref<250x80xi32, #tpu.memory_space<vmem>> -> memref<1x80xi32, #tpu.memory_space<vmem>>
        %dma_start3A_399 = tpu.memref_squeeze %dma_start3A_398 : memref<1x80xi32, #tpu.memory_space<vmem>> -> memref<80xi32, #tpu.memory_space<vmem>>
        %dma_start3A_400 = arith.constant 0 : i32
        %dma_start3A_401 = arith.constant 0 : i32
        %dma_start3A_402 = tpu.memref_slice %arg2[%dma_start3A_400, %dma_start3A_401] : memref<20000x64xf32, #tpu.memory_space<hbm>> -> memref<20000x64xf32, #tpu.memory_space<hbm>>
        tpu.enqueue_indirect_dma source(%dma_start3A_402 : memref<20000x64xf32, #tpu.memory_space<hbm>>) target(%arg10 : memref<80x64xf32, #tpu.memory_space<vmem>>) offsets(%dma_start3A_399 : memref<80xi32, #tpu.memory_space<vmem>>) semaphore(%arg20 : memref<!tpu.dma_semaphore, #tpu.memory_space<semaphore_mem>>)
      } else {
      }
      %add3A_308 = arith.constant 3 : i32
      %add3A_309 = arith.addi %add3A_131, %add3A_308 : i32
      %dma_wait3A_310 = arith.constant 0 : i32
      %dma_wait3A_311 = tpu.memref_slice %arg7[%add3A_309, %dma_wait3A_310] : memref<250x80xi32, #tpu.memory_space<vmem>> -> memref<1x80xi32, #tpu.memory_space<vmem>>
      %dma_wait3A_312 = tpu.memref_squeeze %dma_wait3A_311 : memref<1x80xi32, #tpu.memory_space<vmem>> -> memref<80xi32, #tpu.memory_space<vmem>>
      %dma_wait3A_313 = arith.constant 0 : i32
      %dma_wait3A_314 = arith.constant 0 : i32
      %dma_wait3A_315 = tpu.memref_slice %arg17[%dma_wait3A_313, %dma_wait3A_314] : memref<10240x64xf32, #tpu.memory_space<vmem_shared>> -> memref<10240x64xf32, #tpu.memory_space<vmem_shared>>
      tpu.wait_indirect_dma semaphore(%arg29 : memref<!tpu.dma_semaphore, #tpu.memory_space<semaphore_mem>>) src(%arg11 : memref<80x64xf32, #tpu.memory_space<vmem>>) dst(%dma_wait3A_315 : memref<10240x64xf32, #tpu.memory_space<vmem_shared>>)
      %add3A_316 = arith.constant 3 : i32
      %add3A_317 = arith.addi %add3A_131, %add3A_316 : i32
      %add3A_318 = arith.constant 8 : i32
      %add3A_319 = arith.addi %add3A_317, %add3A_318 : i32
      %lt3A_320 = arith.constant 250 : i32
      %lt3A_321 = arith.cmpi slt, %add3A_319, %lt3A_320 : i32
      %convert_element_type3A_322 = arith.extui %lt3A_321 : i1 to i32
      %cond3A_323 = arith.constant 0 : i32
      %cond3A_324 = arith.cmpi ne, %convert_element_type3A_322, %cond3A_323 : i32
      scf.if %cond3A_324 {
        %add3A_393 = arith.constant 3 : i32
        %add3A_394 = arith.addi %add3A_131, %add3A_393 : i32
        %add3A_395 = arith.constant 8 : i32
        %add3A_396 = arith.addi %add3A_394, %add3A_395 : i32
        %dma_start3A_397 = arith.constant 0 : i32
        %dma_start3A_398 = tpu.memref_slice %arg6[%add3A_396, %dma_start3A_397] : memref<250x80xi32, #tpu.memory_space<vmem>> -> memref<1x80xi32, #tpu.memory_space<vmem>>
        %dma_start3A_399 = tpu.memref_squeeze %dma_start3A_398 : memref<1x80xi32, #tpu.memory_space<vmem>> -> memref<80xi32, #tpu.memory_space<vmem>>
        %dma_start3A_400 = arith.constant 0 : i32
        %dma_start3A_401 = arith.constant 0 : i32
        %dma_start3A_402 = tpu.memref_slice %arg2[%dma_start3A_400, %dma_start3A_401] : memref<20000x64xf32, #tpu.memory_space<hbm>> -> memref<20000x64xf32, #tpu.memory_space<hbm>>
        tpu.enqueue_indirect_dma source(%dma_start3A_402 : memref<20000x64xf32, #tpu.memory_space<hbm>>) target(%arg11 : memref<80x64xf32, #tpu.memory_space<vmem>>) offsets(%dma_start3A_399 : memref<80xi32, #tpu.memory_space<vmem>>) semaphore(%arg21 : memref<!tpu.dma_semaphore, #tpu.memory_space<semaphore_mem>>)
      } else {
      }
      %add3A_325 = arith.constant 4 : i32
      %add3A_326 = arith.addi %add3A_131, %add3A_325 : i32
      %dma_wait3A_327 = arith.constant 0 : i32
      %dma_wait3A_328 = tpu.memref_slice %arg7[%add3A_326, %dma_wait3A_327] : memref<250x80xi32, #tpu.memory_space<vmem>> -> memref<1x80xi32, #tpu.memory_space<vmem>>
      %dma_wait3A_329 = tpu.memref_squeeze %dma_wait3A_328 : memref<1x80xi32, #tpu.memory_space<vmem>> -> memref<80xi32, #tpu.memory_space<vmem>>
      %dma_wait3A_330 = arith.constant 0 : i32
      %dma_wait3A_331 = arith.constant 0 : i32
      %dma_wait3A_332 = tpu.memref_slice %arg17[%dma_wait3A_330, %dma_wait3A_331] : memref<10240x64xf32, #tpu.memory_space<vmem_shared>> -> memref<10240x64xf32, #tpu.memory_space<vmem_shared>>
      tpu.wait_indirect_dma semaphore(%arg30 : memref<!tpu.dma_semaphore, #tpu.memory_space<semaphore_mem>>) src(%arg12 : memref<80x64xf32, #tpu.memory_space<vmem>>) dst(%dma_wait3A_332 : memref<10240x64xf32, #tpu.memory_space<vmem_shared>>)
      %add3A_333 = arith.constant 4 : i32
      %add3A_334 = arith.addi %add3A_131, %add3A_333 : i32
      %add3A_335 = arith.constant 8 : i32
      %add3A_336 = arith.addi %add3A_334, %add3A_335 : i32
      %lt3A_337 = arith.constant 250 : i32
      %lt3A_338 = arith.cmpi slt, %add3A_336, %lt3A_337 : i32
      %convert_element_type3A_339 = arith.extui %lt3A_338 : i1 to i32
      %cond3A_340 = arith.constant 0 : i32
      %cond3A_341 = arith.cmpi ne, %convert_element_type3A_339, %cond3A_340 : i32
      scf.if %cond3A_341 {
        %add3A_393 = arith.constant 4 : i32
        %add3A_394 = arith.addi %add3A_131, %add3A_393 : i32
        %add3A_395 = arith.constant 8 : i32
        %add3A_396 = arith.addi %add3A_394, %add3A_395 : i32
        %dma_start3A_397 = arith.constant 0 : i32
        %dma_start3A_398 = tpu.memref_slice %arg6[%add3A_396, %dma_start3A_397] : memref<250x80xi32, #tpu.memory_space<vmem>> -> memref<1x80xi32, #tpu.memory_space<vmem>>
        %dma_start3A_399 = tpu.memref_squeeze %dma_start3A_398 : memref<1x80xi32, #tpu.memory_space<vmem>> -> memref<80xi32, #tpu.memory_space<vmem>>
        %dma_start3A_400 = arith.constant 0 : i32
        %dma_start3A_401 = arith.constant 0 : i32
        %dma_start3A_402 = tpu.memref_slice %arg2[%dma_start3A_400, %dma_start3A_401] : memref<20000x64xf32, #tpu.memory_space<hbm>> -> memref<20000x64xf32, #tpu.memory_space<hbm>>
        tpu.enqueue_indirect_dma source(%dma_start3A_402 : memref<20000x64xf32, #tpu.memory_space<hbm>>) target(%arg12 : memref<80x64xf32, #tpu.memory_space<vmem>>) offsets(%dma_start3A_399 : memref<80xi32, #tpu.memory_space<vmem>>) semaphore(%arg22 : memref<!tpu.dma_semaphore, #tpu.memory_space<semaphore_mem>>)
      } else {
      }
      %add3A_342 = arith.constant 5 : i32
      %add3A_343 = arith.addi %add3A_131, %add3A_342 : i32
      %dma_wait3A_344 = arith.constant 0 : i32
      %dma_wait3A_345 = tpu.memref_slice %arg7[%add3A_343, %dma_wait3A_344] : memref<250x80xi32, #tpu.memory_space<vmem>> -> memref<1x80xi32, #tpu.memory_space<vmem>>
      %dma_wait3A_346 = tpu.memref_squeeze %dma_wait3A_345 : memref<1x80xi32, #tpu.memory_space<vmem>> -> memref<80xi32, #tpu.memory_space<vmem>>
      %dma_wait3A_347 = arith.constant 0 : i32
      %dma_wait3A_348 = arith.constant 0 : i32
      %dma_wait3A_349 = tpu.memref_slice %arg17[%dma_wait3A_347, %dma_wait3A_348] : memref<10240x64xf32, #tpu.memory_space<vmem_shared>> -> memref<10240x64xf32, #tpu.memory_space<vmem_shared>>
      tpu.wait_indirect_dma semaphore(%arg31 : memref<!tpu.dma_semaphore, #tpu.memory_space<semaphore_mem>>) src(%arg13 : memref<80x64xf32, #tpu.memory_space<vmem>>) dst(%dma_wait3A_349 : memref<10240x64xf32, #tpu.memory_space<vmem_shared>>)
      %add3A_350 = arith.constant 5 : i32
      %add3A_351 = arith.addi %add3A_131, %add3A_350 : i32
      %add3A_352 = arith.constant 8 : i32
      %add3A_353 = arith.addi %add3A_351, %add3A_352 : i32
      %lt3A_354 = arith.constant 250 : i32
      %lt3A_355 = arith.cmpi slt, %add3A_353, %lt3A_354 : i32
      %convert_element_type3A_356 = arith.extui %lt3A_355 : i1 to i32
      %cond3A_357 = arith.constant 0 : i32
      %cond3A_358 = arith.cmpi ne, %convert_element_type3A_356, %cond3A_357 : i32
      scf.if %cond3A_358 {
        %add3A_393 = arith.constant 5 : i32
        %add3A_394 = arith.addi %add3A_131, %add3A_393 : i32
        %add3A_395 = arith.constant 8 : i32
        %add3A_396 = arith.addi %add3A_394, %add3A_395 : i32
        %dma_start3A_397 = arith.constant 0 : i32
        %dma_start3A_398 = tpu.memref_slice %arg6[%add3A_396, %dma_start3A_397] : memref<250x80xi32, #tpu.memory_space<vmem>> -> memref<1x80xi32, #tpu.memory_space<vmem>>
        %dma_start3A_399 = tpu.memref_squeeze %dma_start3A_398 : memref<1x80xi32, #tpu.memory_space<vmem>> -> memref<80xi32, #tpu.memory_space<vmem>>
        %dma_start3A_400 = arith.constant 0 : i32
        %dma_start3A_401 = arith.constant 0 : i32
        %dma_start3A_402 = tpu.memref_slice %arg2[%dma_start3A_400, %dma_start3A_401] : memref<20000x64xf32, #tpu.memory_space<hbm>> -> memref<20000x64xf32, #tpu.memory_space<hbm>>
        tpu.enqueue_indirect_dma source(%dma_start3A_402 : memref<20000x64xf32, #tpu.memory_space<hbm>>) target(%arg13 : memref<80x64xf32, #tpu.memory_space<vmem>>) offsets(%dma_start3A_399 : memref<80xi32, #tpu.memory_space<vmem>>) semaphore(%arg23 : memref<!tpu.dma_semaphore, #tpu.memory_space<semaphore_mem>>)
      } else {
      }
      %add3A_359 = arith.constant 6 : i32
      %add3A_360 = arith.addi %add3A_131, %add3A_359 : i32
      %dma_wait3A_361 = arith.constant 0 : i32
      %dma_wait3A_362 = tpu.memref_slice %arg7[%add3A_360, %dma_wait3A_361] : memref<250x80xi32, #tpu.memory_space<vmem>> -> memref<1x80xi32, #tpu.memory_space<vmem>>
      %dma_wait3A_363 = tpu.memref_squeeze %dma_wait3A_362 : memref<1x80xi32, #tpu.memory_space<vmem>> -> memref<80xi32, #tpu.memory_space<vmem>>
      %dma_wait3A_364 = arith.constant 0 : i32
      %dma_wait3A_365 = arith.constant 0 : i32
      %dma_wait3A_366 = tpu.memref_slice %arg17[%dma_wait3A_364, %dma_wait3A_365] : memref<10240x64xf32, #tpu.memory_space<vmem_shared>> -> memref<10240x64xf32, #tpu.memory_space<vmem_shared>>
      tpu.wait_indirect_dma semaphore(%arg32 : memref<!tpu.dma_semaphore, #tpu.memory_space<semaphore_mem>>) src(%arg14 : memref<80x64xf32, #tpu.memory_space<vmem>>) dst(%dma_wait3A_366 : memref<10240x64xf32, #tpu.memory_space<vmem_shared>>)
      %add3A_367 = arith.constant 6 : i32
      %add3A_368 = arith.addi %add3A_131, %add3A_367 : i32
      %add3A_369 = arith.constant 8 : i32
      %add3A_370 = arith.addi %add3A_368, %add3A_369 : i32
      %lt3A_371 = arith.constant 250 : i32
      %lt3A_372 = arith.cmpi slt, %add3A_370, %lt3A_371 : i32
      %convert_element_type3A_373 = arith.extui %lt3A_372 : i1 to i32
      %cond3A_374 = arith.constant 0 : i32
      %cond3A_375 = arith.cmpi ne, %convert_element_type3A_373, %cond3A_374 : i32
      scf.if %cond3A_375 {
        %add3A_393 = arith.constant 6 : i32
        %add3A_394 = arith.addi %add3A_131, %add3A_393 : i32
        %add3A_395 = arith.constant 8 : i32
        %add3A_396 = arith.addi %add3A_394, %add3A_395 : i32
        %dma_start3A_397 = arith.constant 0 : i32
        %dma_start3A_398 = tpu.memref_slice %arg6[%add3A_396, %dma_start3A_397] : memref<250x80xi32, #tpu.memory_space<vmem>> -> memref<1x80xi32, #tpu.memory_space<vmem>>
        %dma_start3A_399 = tpu.memref_squeeze %dma_start3A_398 : memref<1x80xi32, #tpu.memory_space<vmem>> -> memref<80xi32, #tpu.memory_space<vmem>>
        %dma_start3A_400 = arith.constant 0 : i32
        %dma_start3A_401 = arith.constant 0 : i32
        %dma_start3A_402 = tpu.memref_slice %arg2[%dma_start3A_400, %dma_start3A_401] : memref<20000x64xf32, #tpu.memory_space<hbm>> -> memref<20000x64xf32, #tpu.memory_space<hbm>>
        tpu.enqueue_indirect_dma source(%dma_start3A_402 : memref<20000x64xf32, #tpu.memory_space<hbm>>) target(%arg14 : memref<80x64xf32, #tpu.memory_space<vmem>>) offsets(%dma_start3A_399 : memref<80xi32, #tpu.memory_space<vmem>>) semaphore(%arg24 : memref<!tpu.dma_semaphore, #tpu.memory_space<semaphore_mem>>)
      } else {
      }
      %add3A_376 = arith.constant 7 : i32
      %add3A_377 = arith.addi %add3A_131, %add3A_376 : i32
      %dma_wait3A_378 = arith.constant 0 : i32
      %dma_wait3A_379 = tpu.memref_slice %arg7[%add3A_377, %dma_wait3A_378] : memref<250x80xi32, #tpu.memory_space<vmem>> -> memref<1x80xi32, #tpu.memory_space<vmem>>
      %dma_wait3A_380 = tpu.memref_squeeze %dma_wait3A_379 : memref<1x80xi32, #tpu.memory_space<vmem>> -> memref<80xi32, #tpu.memory_space<vmem>>
      %dma_wait3A_381 = arith.constant 0 : i32
      %dma_wait3A_382 = arith.constant 0 : i32
      %dma_wait3A_383 = tpu.memref_slice %arg17[%dma_wait3A_381, %dma_wait3A_382] : memref<10240x64xf32, #tpu.memory_space<vmem_shared>> -> memref<10240x64xf32, #tpu.memory_space<vmem_shared>>
      tpu.wait_indirect_dma semaphore(%arg33 : memref<!tpu.dma_semaphore, #tpu.memory_space<semaphore_mem>>) src(%arg15 : memref<80x64xf32, #tpu.memory_space<vmem>>) dst(%dma_wait3A_383 : memref<10240x64xf32, #tpu.memory_space<vmem_shared>>)
      %add3A_384 = arith.constant 7 : i32
      %add3A_385 = arith.addi %add3A_131, %add3A_384 : i32
      %add3A_386 = arith.constant 8 : i32
      %add3A_387 = arith.addi %add3A_385, %add3A_386 : i32
      %lt3A_388 = arith.constant 250 : i32
      %lt3A_389 = arith.cmpi slt, %add3A_387, %lt3A_388 : i32
      %convert_element_type3A_390 = arith.extui %lt3A_389 : i1 to i32
      %cond3A_391 = arith.constant 0 : i32
      %cond3A_392 = arith.cmpi ne, %convert_element_type3A_390, %cond3A_391 : i32
      scf.if %cond3A_392 {
        %add3A_393 = arith.constant 7 : i32
        %add3A_394 = arith.addi %add3A_131, %add3A_393 : i32
        %add3A_395 = arith.constant 8 : i32
        %add3A_396 = arith.addi %add3A_394, %add3A_395 : i32
        %dma_start3A_397 = arith.constant 0 : i32
        %dma_start3A_398 = tpu.memref_slice %arg6[%add3A_396, %dma_start3A_397] : memref<250x80xi32, #tpu.memory_space<vmem>> -> memref<1x80xi32, #tpu.memory_space<vmem>>
        %dma_start3A_399 = tpu.memref_squeeze %dma_start3A_398 : memref<1x80xi32, #tpu.memory_space<vmem>> -> memref<80xi32, #tpu.memory_space<vmem>>
        %dma_start3A_400 = arith.constant 0 : i32
        %dma_start3A_401 = arith.constant 0 : i32
        %dma_start3A_402 = tpu.memref_slice %arg2[%dma_start3A_400, %dma_start3A_401] : memref<20000x64xf32, #tpu.memory_space<hbm>> -> memref<20000x64xf32, #tpu.memory_space<hbm>>
        tpu.enqueue_indirect_dma source(%dma_start3A_402 : memref<20000x64xf32, #tpu.memory_space<hbm>>) target(%arg15 : memref<80x64xf32, #tpu.memory_space<vmem>>) offsets(%dma_start3A_399 : memref<80xi32, #tpu.memory_space<vmem>>) semaphore(%arg25 : memref<!tpu.dma_semaphore, #tpu.memory_space<semaphore_mem>>)
      } else {
      }
    }
    %scan3A_74 = arith.constant 31 : i32
    %dma_wait3A = arith.constant 248 : i32
    %dma_wait3A_75 = arith.constant 0 : i32
    %dma_wait3A_76 = tpu.memref_slice %arg6[%dma_wait3A, %dma_wait3A_75] : memref<250x80xi32, #tpu.memory_space<vmem>> -> memref<1x80xi32, #tpu.memory_space<vmem>>
    %dma_wait3A_77 = tpu.memref_squeeze %dma_wait3A_76 : memref<1x80xi32, #tpu.memory_space<vmem>> -> memref<80xi32, #tpu.memory_space<vmem>>
    %dma_wait3A_78 = arith.constant 0 : i32
    %dma_wait3A_79 = arith.constant 0 : i32
    %dma_wait3A_80 = tpu.memref_slice %arg2[%dma_wait3A_78, %dma_wait3A_79] : memref<20000x64xf32, #tpu.memory_space<hbm>> -> memref<20000x64xf32, #tpu.memory_space<hbm>>
    tpu.wait_indirect_dma semaphore(%arg18 : memref<!tpu.dma_semaphore, #tpu.memory_space<semaphore_mem>>) src(%dma_wait3A_80 : memref<20000x64xf32, #tpu.memory_space<hbm>>) dst(%arg8 : memref<80x64xf32, #tpu.memory_space<vmem>>)
    %dma_start3A_81 = arith.constant 248 : i32
    %dma_start3A_82 = arith.constant 0 : i32
    %dma_start3A_83 = tpu.memref_slice %arg7[%dma_start3A_81, %dma_start3A_82] : memref<250x80xi32, #tpu.memory_space<vmem>> -> memref<1x80xi32, #tpu.memory_space<vmem>>
    %dma_start3A_84 = tpu.memref_squeeze %dma_start3A_83 : memref<1x80xi32, #tpu.memory_space<vmem>> -> memref<80xi32, #tpu.memory_space<vmem>>
    %dma_start3A_85 = arith.constant 0 : i32
    %dma_start3A_86 = arith.constant 0 : i32
    %dma_start3A_87 = tpu.memref_slice %arg17[%dma_start3A_85, %dma_start3A_86] : memref<10240x64xf32, #tpu.memory_space<vmem_shared>> -> memref<10240x64xf32, #tpu.memory_space<vmem_shared>>
    tpu.enqueue_indirect_dma source(%arg8 : memref<80x64xf32, #tpu.memory_space<vmem>>) target(%dma_start3A_87 : memref<10240x64xf32, #tpu.memory_space<vmem_shared>>) offsets(%dma_start3A_84 : memref<80xi32, #tpu.memory_space<vmem>>) semaphore(%arg26 : memref<!tpu.dma_semaphore, #tpu.memory_space<semaphore_mem>>) {add = true}
    %dma_wait3A_88 = arith.constant 249 : i32
    %dma_wait3A_89 = arith.constant 0 : i32
    %dma_wait3A_90 = tpu.memref_slice %arg6[%dma_wait3A_88, %dma_wait3A_89] : memref<250x80xi32, #tpu.memory_space<vmem>> -> memref<1x80xi32, #tpu.memory_space<vmem>>
    %dma_wait3A_91 = tpu.memref_squeeze %dma_wait3A_90 : memref<1x80xi32, #tpu.memory_space<vmem>> -> memref<80xi32, #tpu.memory_space<vmem>>
    %dma_wait3A_92 = arith.constant 0 : i32
    %dma_wait3A_93 = arith.constant 0 : i32
    %dma_wait3A_94 = tpu.memref_slice %arg2[%dma_wait3A_92, %dma_wait3A_93] : memref<20000x64xf32, #tpu.memory_space<hbm>> -> memref<20000x64xf32, #tpu.memory_space<hbm>>
    tpu.wait_indirect_dma semaphore(%arg19 : memref<!tpu.dma_semaphore, #tpu.memory_space<semaphore_mem>>) src(%dma_wait3A_94 : memref<20000x64xf32, #tpu.memory_space<hbm>>) dst(%arg9 : memref<80x64xf32, #tpu.memory_space<vmem>>)
    %dma_start3A_95 = arith.constant 249 : i32
    %dma_start3A_96 = arith.constant 0 : i32
    %dma_start3A_97 = tpu.memref_slice %arg7[%dma_start3A_95, %dma_start3A_96] : memref<250x80xi32, #tpu.memory_space<vmem>> -> memref<1x80xi32, #tpu.memory_space<vmem>>
    %dma_start3A_98 = tpu.memref_squeeze %dma_start3A_97 : memref<1x80xi32, #tpu.memory_space<vmem>> -> memref<80xi32, #tpu.memory_space<vmem>>
    %dma_start3A_99 = arith.constant 0 : i32
    %dma_start3A_100 = arith.constant 0 : i32
    %dma_start3A_101 = tpu.memref_slice %arg17[%dma_start3A_99, %dma_start3A_100] : memref<10240x64xf32, #tpu.memory_space<vmem_shared>> -> memref<10240x64xf32, #tpu.memory_space<vmem_shared>>
    tpu.enqueue_indirect_dma source(%arg9 : memref<80x64xf32, #tpu.memory_space<vmem>>) target(%dma_start3A_101 : memref<10240x64xf32, #tpu.memory_space<vmem_shared>>) offsets(%dma_start3A_98 : memref<80xi32, #tpu.memory_space<vmem>>) semaphore(%arg27 : memref<!tpu.dma_semaphore, #tpu.memory_space<semaphore_mem>>) {add = true}
    %dma_wait3A_102 = arith.constant 248 : i32
    %dma_wait3A_103 = arith.constant 0 : i32
    %dma_wait3A_104 = tpu.memref_slice %arg7[%dma_wait3A_102, %dma_wait3A_103] : memref<250x80xi32, #tpu.memory_space<vmem>> -> memref<1x80xi32, #tpu.memory_space<vmem>>
    %dma_wait3A_105 = tpu.memref_squeeze %dma_wait3A_104 : memref<1x80xi32, #tpu.memory_space<vmem>> -> memref<80xi32, #tpu.memory_space<vmem>>
    %dma_wait3A_106 = arith.constant 0 : i32
    %dma_wait3A_107 = arith.constant 0 : i32
    %dma_wait3A_108 = tpu.memref_slice %arg17[%dma_wait3A_106, %dma_wait3A_107] : memref<10240x64xf32, #tpu.memory_space<vmem_shared>> -> memref<10240x64xf32, #tpu.memory_space<vmem_shared>>
    tpu.wait_indirect_dma semaphore(%arg26 : memref<!tpu.dma_semaphore, #tpu.memory_space<semaphore_mem>>) src(%arg8 : memref<80x64xf32, #tpu.memory_space<vmem>>) dst(%dma_wait3A_108 : memref<10240x64xf32, #tpu.memory_space<vmem_shared>>)
    %dma_wait3A_109 = arith.constant 249 : i32
    %dma_wait3A_110 = arith.constant 0 : i32
    %dma_wait3A_111 = tpu.memref_slice %arg7[%dma_wait3A_109, %dma_wait3A_110] : memref<250x80xi32, #tpu.memory_space<vmem>> -> memref<1x80xi32, #tpu.memory_space<vmem>>
    %dma_wait3A_112 = tpu.memref_squeeze %dma_wait3A_111 : memref<1x80xi32, #tpu.memory_space<vmem>> -> memref<80xi32, #tpu.memory_space<vmem>>
    %dma_wait3A_113 = arith.constant 0 : i32
    %dma_wait3A_114 = arith.constant 0 : i32
    %dma_wait3A_115 = tpu.memref_slice %arg17[%dma_wait3A_113, %dma_wait3A_114] : memref<10240x64xf32, #tpu.memory_space<vmem_shared>> -> memref<10240x64xf32, #tpu.memory_space<vmem_shared>>
    tpu.wait_indirect_dma semaphore(%arg27 : memref<!tpu.dma_semaphore, #tpu.memory_space<semaphore_mem>>) src(%arg9 : memref<80x64xf32, #tpu.memory_space<vmem>>) dst(%dma_wait3A_115 : memref<10240x64xf32, #tpu.memory_space<vmem_shared>>)
    %barrier3A_116 = arith.constant 0 : index
    tpu.barrier barrier_id(%barrier3A_116)
    %add3A_117 = arith.constant 0 : i32
    %add3A_118 = arith.addi %mul3A_0, %add3A_117 : i32
    "tpu.region"() ({
      %run_scoped3A = tpu.sem_alloc : memref<!tpu.dma_semaphore, #tpu.memory_space<semaphore_mem>>
      %dma_start3A_127 = arith.constant 0 : i32
      %dma_start3A_128 = tpu.memref_slice %arg17[%add3A_118, %dma_start3A_127] : memref<10240x64xf32, #tpu.memory_space<vmem_shared>> -> memref<128x64xf32, #tpu.memory_space<vmem_shared>>
      %dma_start3A_129 = arith.constant 0 : i32
      %dma_start3A_130 = tpu.memref_slice %arg17[%add3A_118, %dma_start3A_129] : memref<10240x64xf32, #tpu.memory_space<vmem_shared>> -> memref<128x64xf32, #tpu.memory_space<vmem_shared>>
      tpu.enqueue_dma source(%dma_start3A_130 : memref<128x64xf32, #tpu.memory_space<vmem_shared>>) target(%arg16 : memref<128x64xf32, #tpu.memory_space<vmem>>) target_semaphore(%run_scoped3A : memref<!tpu.dma_semaphore, #tpu.memory_space<semaphore_mem>>)
      %dma_wait3A_131 = arith.constant 0 : i32
      %dma_wait3A_132 = tpu.memref_slice %arg17[%add3A_118, %dma_wait3A_131] : memref<10240x64xf32, #tpu.memory_space<vmem_shared>> -> memref<128x64xf32, #tpu.memory_space<vmem_shared>>
      %dma_wait3A_133 = arith.constant 0 : i32
      %dma_wait3A_134 = tpu.memref_slice %arg17[%add3A_118, %dma_wait3A_133] : memref<10240x64xf32, #tpu.memory_space<vmem_shared>> -> memref<128x64xf32, #tpu.memory_space<vmem_shared>>
      tpu.wait_dma2 semaphore(%run_scoped3A : memref<!tpu.dma_semaphore, #tpu.memory_space<semaphore_mem>>) src(%dma_wait3A_134 : memref<128x64xf32, #tpu.memory_space<vmem_shared>>) dst(%arg16 : memref<128x64xf32, #tpu.memory_space<vmem>>)
      tpu.yield
    }) : () -> ()
    "tpu.region"() ({
      %run_scoped3A = tpu.sem_alloc : memref<!tpu.dma_semaphore, #tpu.memory_space<semaphore_mem>>
      %dma_start3A_127 = arith.constant 0 : i32
      %dma_start3A_128 = arith.constant 0 : i32
      %dma_start3A_129 = tpu.memref_slice %arg5[%arg0, %dma_start3A_127, %dma_start3A_128] : memref<2x10240x64xf32, #tpu.memory_space<hbm>> -> memref<1x10240x64xf32, #tpu.memory_space<hbm>>
      %dma_start3A_130 = tpu.memref_squeeze %dma_start3A_129 : memref<1x10240x64xf32, #tpu.memory_space<hbm>> -> memref<10240x64xf32, #tpu.memory_space<hbm>>
      %dma_start3A_131 = arith.constant 0 : i32
      %dma_start3A_132 = tpu.memref_slice %dma_start3A_130[%add3A_118, %dma_start3A_131] : memref<10240x64xf32, #tpu.memory_space<hbm>> -> memref<128x64xf32, #tpu.memory_space<hbm>>
      %dma_start3A_133 = arith.constant 0 : i32
      %dma_start3A_134 = arith.constant 0 : i32
      %dma_start3A_135 = tpu.memref_slice %arg5[%arg0, %dma_start3A_133, %dma_start3A_134] : memref<2x10240x64xf32, #tpu.memory_space<hbm>> -> memref<1x10240x64xf32, #tpu.memory_space<hbm>>
      %dma_start3A_136 = tpu.memref_squeeze %dma_start3A_135 : memref<1x10240x64xf32, #tpu.memory_space<hbm>> -> memref<10240x64xf32, #tpu.memory_space<hbm>>
      %dma_start3A_137 = arith.constant 0 : i32
      %dma_start3A_138 = tpu.memref_slice %dma_start3A_136[%add3A_118, %dma_start3A_137] : memref<10240x64xf32, #tpu.memory_space<hbm>> -> memref<128x64xf32, #tpu.memory_space<hbm>>
      tpu.enqueue_dma source(%arg16 : memref<128x64xf32, #tpu.memory_space<vmem>>) target(%dma_start3A_138 : memref<128x64xf32, #tpu.memory_space<hbm>>) target_semaphore(%run_scoped3A : memref<!tpu.dma_semaphore, #tpu.memory_space<semaphore_mem>>)
      %dma_wait3A_139 = arith.constant 0 : i32
      %dma_wait3A_140 = arith.constant 0 : i32
      %dma_wait3A_141 = tpu.memref_slice %arg5[%arg0, %dma_wait3A_139, %dma_wait3A_140] : memref<2x10240x64xf32, #tpu.memory_space<hbm>> -> memref<1x10240x64xf32, #tpu.memory_space<hbm>>
      %dma_wait3A_142 = tpu.memref_squeeze %dma_wait3A_141 : memref<1x10240x64xf32, #tpu.memory_space<hbm>> -> memref<10240x64xf32, #tpu.memory_space<hbm>>
      %dma_wait3A_143 = arith.constant 0 : i32
      %dma_wait3A_144 = tpu.memref_slice %dma_wait3A_142[%add3A_118, %dma_wait3A_143] : memref<10240x64xf32, #tpu.memory_space<hbm>> -> memref<128x64xf32, #tpu.memory_space<hbm>>
      %dma_wait3A_145 = arith.constant 0 : i32
      %dma_wait3A_146 = arith.constant 0 : i32
      %dma_wait3A_147 = tpu.memref_slice %arg5[%arg0, %dma_wait3A_145, %dma_wait3A_146] : memref<2x10240x64xf32, #tpu.memory_space<hbm>> -> memref<1x10240x64xf32, #tpu.memory_space<hbm>>
      %dma_wait3A_148 = tpu.memref_squeeze %dma_wait3A_147 : memref<1x10240x64xf32, #tpu.memory_space<hbm>> -> memref<10240x64xf32, #tpu.memory_space<hbm>>
      %dma_wait3A_149 = arith.constant 0 : i32
      %dma_wait3A_150 = tpu.memref_slice %dma_wait3A_148[%add3A_118, %dma_wait3A_149] : memref<10240x64xf32, #tpu.memory_space<hbm>> -> memref<128x64xf32, #tpu.memory_space<hbm>>
      tpu.wait_dma2 semaphore(%run_scoped3A : memref<!tpu.dma_semaphore, #tpu.memory_space<semaphore_mem>>) src(%arg16 : memref<128x64xf32, #tpu.memory_space<vmem>>) dst(%dma_wait3A_150 : memref<128x64xf32, #tpu.memory_space<hbm>>)
      tpu.yield
    }) : () -> ()
    %add3A_119 = arith.constant 128 : i32
    %add3A_120 = arith.addi %mul3A_0, %add3A_119 : i32
    "tpu.region"() ({
      %run_scoped3A = tpu.sem_alloc : memref<!tpu.dma_semaphore, #tpu.memory_space<semaphore_mem>>
      %dma_start3A_127 = arith.constant 0 : i32
      %dma_start3A_128 = tpu.memref_slice %arg17[%add3A_120, %dma_start3A_127] : memref<10240x64xf32, #tpu.memory_space<vmem_shared>> -> memref<128x64xf32, #tpu.memory_space<vmem_shared>>
      %dma_start3A_129 = arith.constant 0 : i32
      %dma_start3A_130 = tpu.memref_slice %arg17[%add3A_120, %dma_start3A_129] : memref<10240x64xf32, #tpu.memory_space<vmem_shared>> -> memref<128x64xf32, #tpu.memory_space<vmem_shared>>
      tpu.enqueue_dma source(%dma_start3A_130 : memref<128x64xf32, #tpu.memory_space<vmem_shared>>) target(%arg16 : memref<128x64xf32, #tpu.memory_space<vmem>>) target_semaphore(%run_scoped3A : memref<!tpu.dma_semaphore, #tpu.memory_space<semaphore_mem>>)
      %dma_wait3A_131 = arith.constant 0 : i32
      %dma_wait3A_132 = tpu.memref_slice %arg17[%add3A_120, %dma_wait3A_131] : memref<10240x64xf32, #tpu.memory_space<vmem_shared>> -> memref<128x64xf32, #tpu.memory_space<vmem_shared>>
      %dma_wait3A_133 = arith.constant 0 : i32
      %dma_wait3A_134 = tpu.memref_slice %arg17[%add3A_120, %dma_wait3A_133] : memref<10240x64xf32, #tpu.memory_space<vmem_shared>> -> memref<128x64xf32, #tpu.memory_space<vmem_shared>>
      tpu.wait_dma2 semaphore(%run_scoped3A : memref<!tpu.dma_semaphore, #tpu.memory_space<semaphore_mem>>) src(%dma_wait3A_134 : memref<128x64xf32, #tpu.memory_space<vmem_shared>>) dst(%arg16 : memref<128x64xf32, #tpu.memory_space<vmem>>)
      tpu.yield
    }) : () -> ()
    "tpu.region"() ({
      %run_scoped3A = tpu.sem_alloc : memref<!tpu.dma_semaphore, #tpu.memory_space<semaphore_mem>>
      %dma_start3A_127 = arith.constant 0 : i32
      %dma_start3A_128 = arith.constant 0 : i32
      %dma_start3A_129 = tpu.memref_slice %arg5[%arg0, %dma_start3A_127, %dma_start3A_128] : memref<2x10240x64xf32, #tpu.memory_space<hbm>> -> memref<1x10240x64xf32, #tpu.memory_space<hbm>>
      %dma_start3A_130 = tpu.memref_squeeze %dma_start3A_129 : memref<1x10240x64xf32, #tpu.memory_space<hbm>> -> memref<10240x64xf32, #tpu.memory_space<hbm>>
      %dma_start3A_131 = arith.constant 0 : i32
      %dma_start3A_132 = tpu.memref_slice %dma_start3A_130[%add3A_120, %dma_start3A_131] : memref<10240x64xf32, #tpu.memory_space<hbm>> -> memref<128x64xf32, #tpu.memory_space<hbm>>
      %dma_start3A_133 = arith.constant 0 : i32
      %dma_start3A_134 = arith.constant 0 : i32
      %dma_start3A_135 = tpu.memref_slice %arg5[%arg0, %dma_start3A_133, %dma_start3A_134] : memref<2x10240x64xf32, #tpu.memory_space<hbm>> -> memref<1x10240x64xf32, #tpu.memory_space<hbm>>
      %dma_start3A_136 = tpu.memref_squeeze %dma_start3A_135 : memref<1x10240x64xf32, #tpu.memory_space<hbm>> -> memref<10240x64xf32, #tpu.memory_space<hbm>>
      %dma_start3A_137 = arith.constant 0 : i32
      %dma_start3A_138 = tpu.memref_slice %dma_start3A_136[%add3A_120, %dma_start3A_137] : memref<10240x64xf32, #tpu.memory_space<hbm>> -> memref<128x64xf32, #tpu.memory_space<hbm>>
      tpu.enqueue_dma source(%arg16 : memref<128x64xf32, #tpu.memory_space<vmem>>) target(%dma_start3A_138 : memref<128x64xf32, #tpu.memory_space<hbm>>) target_semaphore(%run_scoped3A : memref<!tpu.dma_semaphore, #tpu.memory_space<semaphore_mem>>)
      %dma_wait3A_139 = arith.constant 0 : i32
      %dma_wait3A_140 = arith.constant 0 : i32
      %dma_wait3A_141 = tpu.memref_slice %arg5[%arg0, %dma_wait3A_139, %dma_wait3A_140] : memref<2x10240x64xf32, #tpu.memory_space<hbm>> -> memref<1x10240x64xf32, #tpu.memory_space<hbm>>
      %dma_wait3A_142 = tpu.memref_squeeze %dma_wait3A_141 : memref<1x10240x64xf32, #tpu.memory_space<hbm>> -> memref<10240x64xf32, #tpu.memory_space<hbm>>
      %dma_wait3A_143 = arith.constant 0 : i32
      %dma_wait3A_144 = tpu.memref_slice %dma_wait3A_142[%add3A_120, %dma_wait3A_143] : memref<10240x64xf32, #tpu.memory_space<hbm>> -> memref<128x64xf32, #tpu.memory_space<hbm>>
      %dma_wait3A_145 = arith.constant 0 : i32
      %dma_wait3A_146 = arith.constant 0 : i32
      %dma_wait3A_147 = tpu.memref_slice %arg5[%arg0, %dma_wait3A_145, %dma_wait3A_146] : memref<2x10240x64xf32, #tpu.memory_space<hbm>> -> memref<1x10240x64xf32, #tpu.memory_space<hbm>>
      %dma_wait3A_148 = tpu.memref_squeeze %dma_wait3A_147 : memref<1x10240x64xf32, #tpu.memory_space<hbm>> -> memref<10240x64xf32, #tpu.memory_space<hbm>>
      %dma_wait3A_149 = arith.constant 0 : i32
      %dma_wait3A_150 = tpu.memref_slice %dma_wait3A_148[%add3A_120, %dma_wait3A_149] : memref<10240x64xf32, #tpu.memory_space<hbm>> -> memref<128x64xf32, #tpu.memory_space<hbm>>
      tpu.wait_dma2 semaphore(%run_scoped3A : memref<!tpu.dma_semaphore, #tpu.memory_space<semaphore_mem>>) src(%arg16 : memref<128x64xf32, #tpu.memory_space<vmem>>) dst(%dma_wait3A_150 : memref<128x64xf32, #tpu.memory_space<hbm>>)
      tpu.yield
    }) : () -> ()
    %add3A_121 = arith.constant 256 : i32
    %add3A_122 = arith.addi %mul3A_0, %add3A_121 : i32
    "tpu.region"() ({
      %run_scoped3A = tpu.sem_alloc : memref<!tpu.dma_semaphore, #tpu.memory_space<semaphore_mem>>
      %dma_start3A_127 = arith.constant 0 : i32
      %dma_start3A_128 = tpu.memref_slice %arg17[%add3A_122, %dma_start3A_127] : memref<10240x64xf32, #tpu.memory_space<vmem_shared>> -> memref<128x64xf32, #tpu.memory_space<vmem_shared>>
      %dma_start3A_129 = arith.constant 0 : i32
      %dma_start3A_130 = tpu.memref_slice %arg17[%add3A_122, %dma_start3A_129] : memref<10240x64xf32, #tpu.memory_space<vmem_shared>> -> memref<128x64xf32, #tpu.memory_space<vmem_shared>>
      tpu.enqueue_dma source(%dma_start3A_130 : memref<128x64xf32, #tpu.memory_space<vmem_shared>>) target(%arg16 : memref<128x64xf32, #tpu.memory_space<vmem>>) target_semaphore(%run_scoped3A : memref<!tpu.dma_semaphore, #tpu.memory_space<semaphore_mem>>)
      %dma_wait3A_131 = arith.constant 0 : i32
      %dma_wait3A_132 = tpu.memref_slice %arg17[%add3A_122, %dma_wait3A_131] : memref<10240x64xf32, #tpu.memory_space<vmem_shared>> -> memref<128x64xf32, #tpu.memory_space<vmem_shared>>
      %dma_wait3A_133 = arith.constant 0 : i32
      %dma_wait3A_134 = tpu.memref_slice %arg17[%add3A_122, %dma_wait3A_133] : memref<10240x64xf32, #tpu.memory_space<vmem_shared>> -> memref<128x64xf32, #tpu.memory_space<vmem_shared>>
      tpu.wait_dma2 semaphore(%run_scoped3A : memref<!tpu.dma_semaphore, #tpu.memory_space<semaphore_mem>>) src(%dma_wait3A_134 : memref<128x64xf32, #tpu.memory_space<vmem_shared>>) dst(%arg16 : memref<128x64xf32, #tpu.memory_space<vmem>>)
      tpu.yield
    }) : () -> ()
    "tpu.region"() ({
      %run_scoped3A = tpu.sem_alloc : memref<!tpu.dma_semaphore, #tpu.memory_space<semaphore_mem>>
      %dma_start3A_127 = arith.constant 0 : i32
      %dma_start3A_128 = arith.constant 0 : i32
      %dma_start3A_129 = tpu.memref_slice %arg5[%arg0, %dma_start3A_127, %dma_start3A_128] : memref<2x10240x64xf32, #tpu.memory_space<hbm>> -> memref<1x10240x64xf32, #tpu.memory_space<hbm>>
      %dma_start3A_130 = tpu.memref_squeeze %dma_start3A_129 : memref<1x10240x64xf32, #tpu.memory_space<hbm>> -> memref<10240x64xf32, #tpu.memory_space<hbm>>
      %dma_start3A_131 = arith.constant 0 : i32
      %dma_start3A_132 = tpu.memref_slice %dma_start3A_130[%add3A_122, %dma_start3A_131] : memref<10240x64xf32, #tpu.memory_space<hbm>> -> memref<128x64xf32, #tpu.memory_space<hbm>>
      %dma_start3A_133 = arith.constant 0 : i32
      %dma_start3A_134 = arith.constant 0 : i32
      %dma_start3A_135 = tpu.memref_slice %arg5[%arg0, %dma_start3A_133, %dma_start3A_134] : memref<2x10240x64xf32, #tpu.memory_space<hbm>> -> memref<1x10240x64xf32, #tpu.memory_space<hbm>>
      %dma_start3A_136 = tpu.memref_squeeze %dma_start3A_135 : memref<1x10240x64xf32, #tpu.memory_space<hbm>> -> memref<10240x64xf32, #tpu.memory_space<hbm>>
      %dma_start3A_137 = arith.constant 0 : i32
      %dma_start3A_138 = tpu.memref_slice %dma_start3A_136[%add3A_122, %dma_start3A_137] : memref<10240x64xf32, #tpu.memory_space<hbm>> -> memref<128x64xf32, #tpu.memory_space<hbm>>
      tpu.enqueue_dma source(%arg16 : memref<128x64xf32, #tpu.memory_space<vmem>>) target(%dma_start3A_138 : memref<128x64xf32, #tpu.memory_space<hbm>>) target_semaphore(%run_scoped3A : memref<!tpu.dma_semaphore, #tpu.memory_space<semaphore_mem>>)
      %dma_wait3A_139 = arith.constant 0 : i32
      %dma_wait3A_140 = arith.constant 0 : i32
      %dma_wait3A_141 = tpu.memref_slice %arg5[%arg0, %dma_wait3A_139, %dma_wait3A_140] : memref<2x10240x64xf32, #tpu.memory_space<hbm>> -> memref<1x10240x64xf32, #tpu.memory_space<hbm>>
      %dma_wait3A_142 = tpu.memref_squeeze %dma_wait3A_141 : memref<1x10240x64xf32, #tpu.memory_space<hbm>> -> memref<10240x64xf32, #tpu.memory_space<hbm>>
      %dma_wait3A_143 = arith.constant 0 : i32
      %dma_wait3A_144 = tpu.memref_slice %dma_wait3A_142[%add3A_122, %dma_wait3A_143] : memref<10240x64xf32, #tpu.memory_space<hbm>> -> memref<128x64xf32, #tpu.memory_space<hbm>>
      %dma_wait3A_145 = arith.constant 0 : i32
      %dma_wait3A_146 = arith.constant 0 : i32
      %dma_wait3A_147 = tpu.memref_slice %arg5[%arg0, %dma_wait3A_145, %dma_wait3A_146] : memref<2x10240x64xf32, #tpu.memory_space<hbm>> -> memref<1x10240x64xf32, #tpu.memory_space<hbm>>
      %dma_wait3A_148 = tpu.memref_squeeze %dma_wait3A_147 : memref<1x10240x64xf32, #tpu.memory_space<hbm>> -> memref<10240x64xf32, #tpu.memory_space<hbm>>
      %dma_wait3A_149 = arith.constant 0 : i32
      %dma_wait3A_150 = tpu.memref_slice %dma_wait3A_148[%add3A_122, %dma_wait3A_149] : memref<10240x64xf32, #tpu.memory_space<hbm>> -> memref<128x64xf32, #tpu.memory_space<hbm>>
      tpu.wait_dma2 semaphore(%run_scoped3A : memref<!tpu.dma_semaphore, #tpu.memory_space<semaphore_mem>>) src(%arg16 : memref<128x64xf32, #tpu.memory_space<vmem>>) dst(%dma_wait3A_150 : memref<128x64xf32, #tpu.memory_space<hbm>>)
      tpu.yield
    }) : () -> ()
    %add3A_123 = arith.constant 384 : i32
    %add3A_124 = arith.addi %mul3A_0, %add3A_123 : i32
    "tpu.region"() ({
      %run_scoped3A = tpu.sem_alloc : memref<!tpu.dma_semaphore, #tpu.memory_space<semaphore_mem>>
      %dma_start3A_127 = arith.constant 0 : i32
      %dma_start3A_128 = tpu.memref_slice %arg17[%add3A_124, %dma_start3A_127] : memref<10240x64xf32, #tpu.memory_space<vmem_shared>> -> memref<128x64xf32, #tpu.memory_space<vmem_shared>>
      %dma_start3A_129 = arith.constant 0 : i32
      %dma_start3A_130 = tpu.memref_slice %arg17[%add3A_124, %dma_start3A_129] : memref<10240x64xf32, #tpu.memory_space<vmem_shared>> -> memref<128x64xf32, #tpu.memory_space<vmem_shared>>
      tpu.enqueue_dma source(%dma_start3A_130 : memref<128x64xf32, #tpu.memory_space<vmem_shared>>) target(%arg16 : memref<128x64xf32, #tpu.memory_space<vmem>>) target_semaphore(%run_scoped3A : memref<!tpu.dma_semaphore, #tpu.memory_space<semaphore_mem>>)
      %dma_wait3A_131 = arith.constant 0 : i32
      %dma_wait3A_132 = tpu.memref_slice %arg17[%add3A_124, %dma_wait3A_131] : memref<10240x64xf32, #tpu.memory_space<vmem_shared>> -> memref<128x64xf32, #tpu.memory_space<vmem_shared>>
      %dma_wait3A_133 = arith.constant 0 : i32
      %dma_wait3A_134 = tpu.memref_slice %arg17[%add3A_124, %dma_wait3A_133] : memref<10240x64xf32, #tpu.memory_space<vmem_shared>> -> memref<128x64xf32, #tpu.memory_space<vmem_shared>>
      tpu.wait_dma2 semaphore(%run_scoped3A : memref<!tpu.dma_semaphore, #tpu.memory_space<semaphore_mem>>) src(%dma_wait3A_134 : memref<128x64xf32, #tpu.memory_space<vmem_shared>>) dst(%arg16 : memref<128x64xf32, #tpu.memory_space<vmem>>)
      tpu.yield
    }) : () -> ()
    "tpu.region"() ({
      %run_scoped3A = tpu.sem_alloc : memref<!tpu.dma_semaphore, #tpu.memory_space<semaphore_mem>>
      %dma_start3A_127 = arith.constant 0 : i32
      %dma_start3A_128 = arith.constant 0 : i32
      %dma_start3A_129 = tpu.memref_slice %arg5[%arg0, %dma_start3A_127, %dma_start3A_128] : memref<2x10240x64xf32, #tpu.memory_space<hbm>> -> memref<1x10240x64xf32, #tpu.memory_space<hbm>>
      %dma_start3A_130 = tpu.memref_squeeze %dma_start3A_129 : memref<1x10240x64xf32, #tpu.memory_space<hbm>> -> memref<10240x64xf32, #tpu.memory_space<hbm>>
      %dma_start3A_131 = arith.constant 0 : i32
      %dma_start3A_132 = tpu.memref_slice %dma_start3A_130[%add3A_124, %dma_start3A_131] : memref<10240x64xf32, #tpu.memory_space<hbm>> -> memref<128x64xf32, #tpu.memory_space<hbm>>
      %dma_start3A_133 = arith.constant 0 : i32
      %dma_start3A_134 = arith.constant 0 : i32
      %dma_start3A_135 = tpu.memref_slice %arg5[%arg0, %dma_start3A_133, %dma_start3A_134] : memref<2x10240x64xf32, #tpu.memory_space<hbm>> -> memref<1x10240x64xf32, #tpu.memory_space<hbm>>
      %dma_start3A_136 = tpu.memref_squeeze %dma_start3A_135 : memref<1x10240x64xf32, #tpu.memory_space<hbm>> -> memref<10240x64xf32, #tpu.memory_space<hbm>>
      %dma_start3A_137 = arith.constant 0 : i32
      %dma_start3A_138 = tpu.memref_slice %dma_start3A_136[%add3A_124, %dma_start3A_137] : memref<10240x64xf32, #tpu.memory_space<hbm>> -> memref<128x64xf32, #tpu.memory_space<hbm>>
      tpu.enqueue_dma source(%arg16 : memref<128x64xf32, #tpu.memory_space<vmem>>) target(%dma_start3A_138 : memref<128x64xf32, #tpu.memory_space<hbm>>) target_semaphore(%run_scoped3A : memref<!tpu.dma_semaphore, #tpu.memory_space<semaphore_mem>>)
      %dma_wait3A_139 = arith.constant 0 : i32
      %dma_wait3A_140 = arith.constant 0 : i32
      %dma_wait3A_141 = tpu.memref_slice %arg5[%arg0, %dma_wait3A_139, %dma_wait3A_140] : memref<2x10240x64xf32, #tpu.memory_space<hbm>> -> memref<1x10240x64xf32, #tpu.memory_space<hbm>>
      %dma_wait3A_142 = tpu.memref_squeeze %dma_wait3A_141 : memref<1x10240x64xf32, #tpu.memory_space<hbm>> -> memref<10240x64xf32, #tpu.memory_space<hbm>>
      %dma_wait3A_143 = arith.constant 0 : i32
      %dma_wait3A_144 = tpu.memref_slice %dma_wait3A_142[%add3A_124, %dma_wait3A_143] : memref<10240x64xf32, #tpu.memory_space<hbm>> -> memref<128x64xf32, #tpu.memory_space<hbm>>
      %dma_wait3A_145 = arith.constant 0 : i32
      %dma_wait3A_146 = arith.constant 0 : i32
      %dma_wait3A_147 = tpu.memref_slice %arg5[%arg0, %dma_wait3A_145, %dma_wait3A_146] : memref<2x10240x64xf32, #tpu.memory_space<hbm>> -> memref<1x10240x64xf32, #tpu.memory_space<hbm>>
      %dma_wait3A_148 = tpu.memref_squeeze %dma_wait3A_147 : memref<1x10240x64xf32, #tpu.memory_space<hbm>> -> memref<10240x64xf32, #tpu.memory_space<hbm>>
      %dma_wait3A_149 = arith.constant 0 : i32
      %dma_wait3A_150 = tpu.memref_slice %dma_wait3A_148[%add3A_124, %dma_wait3A_149] : memref<10240x64xf32, #tpu.memory_space<hbm>> -> memref<128x64xf32, #tpu.memory_space<hbm>>
      tpu.wait_dma2 semaphore(%run_scoped3A : memref<!tpu.dma_semaphore, #tpu.memory_space<semaphore_mem>>) src(%arg16 : memref<128x64xf32, #tpu.memory_space<vmem>>) dst(%dma_wait3A_150 : memref<128x64xf32, #tpu.memory_space<hbm>>)
      tpu.yield
    }) : () -> ()
    %add3A_125 = arith.constant 512 : i32
    %add3A_126 = arith.addi %mul3A_0, %add3A_125 : i32
    "tpu.region"() ({
      %run_scoped3A = tpu.sem_alloc : memref<!tpu.dma_semaphore, #tpu.memory_space<semaphore_mem>>
      %dma_start3A_127 = arith.constant 0 : i32
      %dma_start3A_128 = tpu.memref_slice %arg17[%add3A_126, %dma_start3A_127] : memref<10240x64xf32, #tpu.memory_space<vmem_shared>> -> memref<128x64xf32, #tpu.memory_space<vmem_shared>>
      %dma_start3A_129 = arith.constant 0 : i32
      %dma_start3A_130 = tpu.memref_slice %arg17[%add3A_126, %dma_start3A_129] : memref<10240x64xf32, #tpu.memory_space<vmem_shared>> -> memref<128x64xf32, #tpu.memory_space<vmem_shared>>
      tpu.enqueue_dma source(%dma_start3A_130 : memref<128x64xf32, #tpu.memory_space<vmem_shared>>) target(%arg16 : memref<128x64xf32, #tpu.memory_space<vmem>>) target_semaphore(%run_scoped3A : memref<!tpu.dma_semaphore, #tpu.memory_space<semaphore_mem>>)
      %dma_wait3A_131 = arith.constant 0 : i32
      %dma_wait3A_132 = tpu.memref_slice %arg17[%add3A_126, %dma_wait3A_131] : memref<10240x64xf32, #tpu.memory_space<vmem_shared>> -> memref<128x64xf32, #tpu.memory_space<vmem_shared>>
      %dma_wait3A_133 = arith.constant 0 : i32
      %dma_wait3A_134 = tpu.memref_slice %arg17[%add3A_126, %dma_wait3A_133] : memref<10240x64xf32, #tpu.memory_space<vmem_shared>> -> memref<128x64xf32, #tpu.memory_space<vmem_shared>>
      tpu.wait_dma2 semaphore(%run_scoped3A : memref<!tpu.dma_semaphore, #tpu.memory_space<semaphore_mem>>) src(%dma_wait3A_134 : memref<128x64xf32, #tpu.memory_space<vmem_shared>>) dst(%arg16 : memref<128x64xf32, #tpu.memory_space<vmem>>)
      tpu.yield
    }) : () -> ()
    "tpu.region"() ({
      %run_scoped3A = tpu.sem_alloc : memref<!tpu.dma_semaphore, #tpu.memory_space<semaphore_mem>>
      %dma_start3A_127 = arith.constant 0 : i32
      %dma_start3A_128 = arith.constant 0 : i32
      %dma_start3A_129 = tpu.memref_slice %arg5[%arg0, %dma_start3A_127, %dma_start3A_128] : memref<2x10240x64xf32, #tpu.memory_space<hbm>> -> memref<1x10240x64xf32, #tpu.memory_space<hbm>>
      %dma_start3A_130 = tpu.memref_squeeze %dma_start3A_129 : memref<1x10240x64xf32, #tpu.memory_space<hbm>> -> memref<10240x64xf32, #tpu.memory_space<hbm>>
      %dma_start3A_131 = arith.constant 0 : i32
      %dma_start3A_132 = tpu.memref_slice %dma_start3A_130[%add3A_126, %dma_start3A_131] : memref<10240x64xf32, #tpu.memory_space<hbm>> -> memref<128x64xf32, #tpu.memory_space<hbm>>
      %dma_start3A_133 = arith.constant 0 : i32
      %dma_start3A_134 = arith.constant 0 : i32
      %dma_start3A_135 = tpu.memref_slice %arg5[%arg0, %dma_start3A_133, %dma_start3A_134] : memref<2x10240x64xf32, #tpu.memory_space<hbm>> -> memref<1x10240x64xf32, #tpu.memory_space<hbm>>
      %dma_start3A_136 = tpu.memref_squeeze %dma_start3A_135 : memref<1x10240x64xf32, #tpu.memory_space<hbm>> -> memref<10240x64xf32, #tpu.memory_space<hbm>>
      %dma_start3A_137 = arith.constant 0 : i32
      %dma_start3A_138 = tpu.memref_slice %dma_start3A_136[%add3A_126, %dma_start3A_137] : memref<10240x64xf32, #tpu.memory_space<hbm>> -> memref<128x64xf32, #tpu.memory_space<hbm>>
      tpu.enqueue_dma source(%arg16 : memref<128x64xf32, #tpu.memory_space<vmem>>) target(%dma_start3A_138 : memref<128x64xf32, #tpu.memory_space<hbm>>) target_semaphore(%run_scoped3A : memref<!tpu.dma_semaphore, #tpu.memory_space<semaphore_mem>>)
      %dma_wait3A_139 = arith.constant 0 : i32
      %dma_wait3A_140 = arith.constant 0 : i32
      %dma_wait3A_141 = tpu.memref_slice %arg5[%arg0, %dma_wait3A_139, %dma_wait3A_140] : memref<2x10240x64xf32, #tpu.memory_space<hbm>> -> memref<1x10240x64xf32, #tpu.memory_space<hbm>>
      %dma_wait3A_142 = tpu.memref_squeeze %dma_wait3A_141 : memref<1x10240x64xf32, #tpu.memory_space<hbm>> -> memref<10240x64xf32, #tpu.memory_space<hbm>>
      %dma_wait3A_143 = arith.constant 0 : i32
      %dma_wait3A_144 = tpu.memref_slice %dma_wait3A_142[%add3A_126, %dma_wait3A_143] : memref<10240x64xf32, #tpu.memory_space<hbm>> -> memref<128x64xf32, #tpu.memory_space<hbm>>
      %dma_wait3A_145 = arith.constant 0 : i32
      %dma_wait3A_146 = arith.constant 0 : i32
      %dma_wait3A_147 = tpu.memref_slice %arg5[%arg0, %dma_wait3A_145, %dma_wait3A_146] : memref<2x10240x64xf32, #tpu.memory_space<hbm>> -> memref<1x10240x64xf32, #tpu.memory_space<hbm>>
      %dma_wait3A_148 = tpu.memref_squeeze %dma_wait3A_147 : memref<1x10240x64xf32, #tpu.memory_space<hbm>> -> memref<10240x64xf32, #tpu.memory_space<hbm>>
      %dma_wait3A_149 = arith.constant 0 : i32
      %dma_wait3A_150 = tpu.memref_slice %dma_wait3A_148[%add3A_126, %dma_wait3A_149] : memref<10240x64xf32, #tpu.memory_space<hbm>> -> memref<128x64xf32, #tpu.memory_space<hbm>>
      tpu.wait_dma2 semaphore(%run_scoped3A : memref<!tpu.dma_semaphore, #tpu.memory_space<semaphore_mem>>) src(%arg16 : memref<128x64xf32, #tpu.memory_space<vmem>>) dst(%dma_wait3A_150 : memref<128x64xf32, #tpu.memory_space<hbm>>)
      tpu.yield
    }) : () -> ()
    return
  }
}

#map = affine_map<(d0, d1) -> (0, 0, 0)>
module attributes {stable_mosaic.version = 14 : i64} {
  func.func @_deg_body(%arg0: i32, %arg1: i32, %arg2: memref<32x125x80xi32, #tpu.memory_space<hbm>>, %arg3: memref<2x10240x16xf32, #tpu.memory_space<hbm>>, %arg4: memref<125x80xi32, #tpu.memory_space<vmem>>, %arg5: memref<80x16xf32, #tpu.memory_space<vmem>>, %arg6: memref<128x16xf32, #tpu.memory_space<vmem>>, %arg7: memref<10240x16xf32, #tpu.memory_space<vmem_shared>>) attributes {dimension_semantics = [#tpu.dimension_semantics<core_parallel>, #tpu.dimension_semantics<subcore_parallel>], iteration_bounds = array<i64: 2, 16>, scalar_prefetch = 0 : i64, scratch_operands = 4 : i64, tpu.core_type = #tpu.core_type<sc_vector_subcore>, window_params = [{transform_indices = #map}, {transform_indices = #map}]} {
    %mul3A = arith.constant 2 : i32
    %mul3A_0 = arith.muli %arg1, %mul3A : i32
    %add3A = arith.addi %mul3A_0, %arg0 : i32
    "tpu.region"() ({
      %run_scoped3A = tpu.sem_alloc : memref<!tpu.dma_semaphore, #tpu.memory_space<semaphore_mem>>
      %dma_start3A = arith.constant 0 : i32
      %dma_start3A_41 = arith.constant 0 : i32
      %dma_start3A_42 = tpu.memref_slice %arg2[%add3A, %dma_start3A, %dma_start3A_41] : memref<32x125x80xi32, #tpu.memory_space<hbm>> -> memref<1x125x80xi32, #tpu.memory_space<hbm>>
      %dma_start3A_43 = tpu.memref_squeeze %dma_start3A_42 : memref<1x125x80xi32, #tpu.memory_space<hbm>> -> memref<125x80xi32, #tpu.memory_space<hbm>>
      %dma_start3A_44 = arith.constant 0 : i32
      %dma_start3A_45 = arith.constant 0 : i32
      %dma_start3A_46 = tpu.memref_slice %arg2[%add3A, %dma_start3A_44, %dma_start3A_45] : memref<32x125x80xi32, #tpu.memory_space<hbm>> -> memref<1x125x80xi32, #tpu.memory_space<hbm>>
      %dma_start3A_47 = tpu.memref_squeeze %dma_start3A_46 : memref<1x125x80xi32, #tpu.memory_space<hbm>> -> memref<125x80xi32, #tpu.memory_space<hbm>>
      tpu.enqueue_dma source(%dma_start3A_47 : memref<125x80xi32, #tpu.memory_space<hbm>>) target(%arg4 : memref<125x80xi32, #tpu.memory_space<vmem>>) target_semaphore(%run_scoped3A : memref<!tpu.dma_semaphore, #tpu.memory_space<semaphore_mem>>)
      %dma_wait3A = arith.constant 0 : i32
      %dma_wait3A_48 = arith.constant 0 : i32
      %dma_wait3A_49 = tpu.memref_slice %arg2[%add3A, %dma_wait3A, %dma_wait3A_48] : memref<32x125x80xi32, #tpu.memory_space<hbm>> -> memref<1x125x80xi32, #tpu.memory_space<hbm>>
      %dma_wait3A_50 = tpu.memref_squeeze %dma_wait3A_49 : memref<1x125x80xi32, #tpu.memory_space<hbm>> -> memref<125x80xi32, #tpu.memory_space<hbm>>
      %dma_wait3A_51 = arith.constant 0 : i32
      %dma_wait3A_52 = arith.constant 0 : i32
      %dma_wait3A_53 = tpu.memref_slice %arg2[%add3A, %dma_wait3A_51, %dma_wait3A_52] : memref<32x125x80xi32, #tpu.memory_space<hbm>> -> memref<1x125x80xi32, #tpu.memory_space<hbm>>
      %dma_wait3A_54 = tpu.memref_squeeze %dma_wait3A_53 : memref<1x125x80xi32, #tpu.memory_space<hbm>> -> memref<125x80xi32, #tpu.memory_space<hbm>>
      tpu.wait_dma2 semaphore(%run_scoped3A : memref<!tpu.dma_semaphore, #tpu.memory_space<semaphore_mem>>) src(%dma_wait3A_54 : memref<125x80xi32, #tpu.memory_space<hbm>>) dst(%arg4 : memref<125x80xi32, #tpu.memory_space<vmem>>)
      tpu.yield
    }) : () -> ()
    %broadcast_in_dim3A = arith.constant 1.000000e+00 : f32
    %broadcast_in_dim3A_1 = vector.broadcast %broadcast_in_dim3A : f32 to vector<16xf32>
    %scan3A = arith.constant 0 : i32
    %scan3A_2 = arith.constant 80 : i32
    %scan3A_3 = arith.addi %scan3A, %scan3A_2 : i32
    %scan3A_4 = arith.constant 1 : i32
    scf.for %scan3A_41 = %scan3A to %scan3A_3 step %scan3A_4  : i32 {
      %mul3A_42 = arith.constant 1 : i32
      %mul3A_43 = arith.muli %scan3A_41, %mul3A_42 : i32
      %add3A_44 = arith.constant 0 : i32
      %add3A_45 = arith.addi %add3A_44, %mul3A_43 : i32
      %swap3A = arith.index_cast %add3A_45 : i32 to index
      %swap3A_46 = arith.constant 0 : index
      %swap3A_47 = tpu.vector_load %arg5[%swap3A, %swap3A_46] {strides = array<i32>} : memref<80x16xf32, #tpu.memory_space<vmem>>, vector<1x16xf32>,
      %swap3A_48 = vector.shape_cast %swap3A_47 : vector<1x16xf32> to vector<16xf32>
      %swap3A_49 = vector.shape_cast %broadcast_in_dim3A_1 : vector<16xf32> to vector<1x16xf32>
      tpu.vector_store %arg5[%swap3A, %swap3A_46], %swap3A_49 {strides = array<i32>} : memref<80x16xf32, #tpu.memory_space<vmem>>, vector<1x16xf32>,
    }
    %scan3A_5 = arith.constant 80 : i32
    %broadcast_in_dim3A_6 = arith.constant 0.000000e+00 : f32
    %broadcast_in_dim3A_7 = vector.broadcast %broadcast_in_dim3A_6 : f32 to vector<16xf32>
    %scan3A_8 = arith.constant 0 : i32
    %scan3A_9 = arith.constant 128 : i32
    %scan3A_10 = arith.addi %scan3A_8, %scan3A_9 : i32
    %scan3A_11 = arith.constant 1 : i32
    scf.for %scan3A_41 = %scan3A_8 to %scan3A_10 step %scan3A_11  : i32 {
      %mul3A_42 = arith.constant 1 : i32
      %mul3A_43 = arith.muli %scan3A_41, %mul3A_42 : i32
      %add3A_44 = arith.constant 0 : i32
      %add3A_45 = arith.addi %add3A_44, %mul3A_43 : i32
      %swap3A = arith.index_cast %add3A_45 : i32 to index
      %swap3A_46 = arith.constant 0 : index
      %swap3A_47 = tpu.vector_load %arg6[%swap3A, %swap3A_46] {strides = array<i32>} : memref<128x16xf32, #tpu.memory_space<vmem>>, vector<1x16xf32>,
      %swap3A_48 = vector.shape_cast %swap3A_47 : vector<1x16xf32> to vector<16xf32>
      %swap3A_49 = vector.shape_cast %broadcast_in_dim3A_7 : vector<16xf32> to vector<1x16xf32>
      tpu.vector_store %arg6[%swap3A, %swap3A_46], %swap3A_49 {strides = array<i32>} : memref<128x16xf32, #tpu.memory_space<vmem>>, vector<1x16xf32>,
    }
    %scan3A_12 = arith.constant 128 : i32
    %mul3A_13 = arith.constant 640 : i32
    %mul3A_14 = arith.muli %arg1, %mul3A_13 : i32
    %add3A_15 = arith.constant 0 : i32
    %add3A_16 = arith.addi %mul3A_14, %add3A_15 : i32
    "tpu.region"() ({
      %run_scoped3A = tpu.sem_alloc : memref<!tpu.dma_semaphore, #tpu.memory_space<semaphore_mem>>
      %dma_start3A = arith.constant 0 : i32
      %dma_start3A_41 = tpu.memref_slice %arg7[%add3A_16, %dma_start3A] : memref<10240x16xf32, #tpu.memory_space<vmem_shared>> -> memref<128x16xf32, #tpu.memory_space<vmem_shared>>
      %dma_start3A_42 = arith.constant 0 : i32
      %dma_start3A_43 = tpu.memref_slice %arg7[%add3A_16, %dma_start3A_42] : memref<10240x16xf32, #tpu.memory_space<vmem_shared>> -> memref<128x16xf32, #tpu.memory_space<vmem_shared>>
      tpu.enqueue_dma source(%arg6 : memref<128x16xf32, #tpu.memory_space<vmem>>) target(%dma_start3A_43 : memref<128x16xf32, #tpu.memory_space<vmem_shared>>) target_semaphore(%run_scoped3A : memref<!tpu.dma_semaphore, #tpu.memory_space<semaphore_mem>>)
      %dma_wait3A = arith.constant 0 : i32
      %dma_wait3A_44 = tpu.memref_slice %arg7[%add3A_16, %dma_wait3A] : memref<10240x16xf32, #tpu.memory_space<vmem_shared>> -> memref<128x16xf32, #tpu.memory_space<vmem_shared>>
      %dma_wait3A_45 = arith.constant 0 : i32
      %dma_wait3A_46 = tpu.memref_slice %arg7[%add3A_16, %dma_wait3A_45] : memref<10240x16xf32, #tpu.memory_space<vmem_shared>> -> memref<128x16xf32, #tpu.memory_space<vmem_shared>>
      tpu.wait_dma2 semaphore(%run_scoped3A : memref<!tpu.dma_semaphore, #tpu.memory_space<semaphore_mem>>) src(%arg6 : memref<128x16xf32, #tpu.memory_space<vmem>>) dst(%dma_wait3A_46 : memref<128x16xf32, #tpu.memory_space<vmem_shared>>)
      tpu.yield
    }) : () -> ()
    %add3A_17 = arith.constant 128 : i32
    %add3A_18 = arith.addi %mul3A_14, %add3A_17 : i32
    "tpu.region"() ({
      %run_scoped3A = tpu.sem_alloc : memref<!tpu.dma_semaphore, #tpu.memory_space<semaphore_mem>>
      %dma_start3A = arith.constant 0 : i32
      %dma_start3A_41 = tpu.memref_slice %arg7[%add3A_18, %dma_start3A] : memref<10240x16xf32, #tpu.memory_space<vmem_shared>> -> memref<128x16xf32, #tpu.memory_space<vmem_shared>>
      %dma_start3A_42 = arith.constant 0 : i32
      %dma_start3A_43 = tpu.memref_slice %arg7[%add3A_18, %dma_start3A_42] : memref<10240x16xf32, #tpu.memory_space<vmem_shared>> -> memref<128x16xf32, #tpu.memory_space<vmem_shared>>
      tpu.enqueue_dma source(%arg6 : memref<128x16xf32, #tpu.memory_space<vmem>>) target(%dma_start3A_43 : memref<128x16xf32, #tpu.memory_space<vmem_shared>>) target_semaphore(%run_scoped3A : memref<!tpu.dma_semaphore, #tpu.memory_space<semaphore_mem>>)
      %dma_wait3A = arith.constant 0 : i32
      %dma_wait3A_44 = tpu.memref_slice %arg7[%add3A_18, %dma_wait3A] : memref<10240x16xf32, #tpu.memory_space<vmem_shared>> -> memref<128x16xf32, #tpu.memory_space<vmem_shared>>
      %dma_wait3A_45 = arith.constant 0 : i32
      %dma_wait3A_46 = tpu.memref_slice %arg7[%add3A_18, %dma_wait3A_45] : memref<10240x16xf32, #tpu.memory_space<vmem_shared>> -> memref<128x16xf32, #tpu.memory_space<vmem_shared>>
      tpu.wait_dma2 semaphore(%run_scoped3A : memref<!tpu.dma_semaphore, #tpu.memory_space<semaphore_mem>>) src(%arg6 : memref<128x16xf32, #tpu.memory_space<vmem>>) dst(%dma_wait3A_46 : memref<128x16xf32, #tpu.memory_space<vmem_shared>>)
      tpu.yield
    }) : () -> ()
    %add3A_19 = arith.constant 256 : i32
    %add3A_20 = arith.addi %mul3A_14, %add3A_19 : i32
    "tpu.region"() ({
      %run_scoped3A = tpu.sem_alloc : memref<!tpu.dma_semaphore, #tpu.memory_space<semaphore_mem>>
      %dma_start3A = arith.constant 0 : i32
      %dma_start3A_41 = tpu.memref_slice %arg7[%add3A_20, %dma_start3A] : memref<10240x16xf32, #tpu.memory_space<vmem_shared>> -> memref<128x16xf32, #tpu.memory_space<vmem_shared>>
      %dma_start3A_42 = arith.constant 0 : i32
      %dma_start3A_43 = tpu.memref_slice %arg7[%add3A_20, %dma_start3A_42] : memref<10240x16xf32, #tpu.memory_space<vmem_shared>> -> memref<128x16xf32, #tpu.memory_space<vmem_shared>>
      tpu.enqueue_dma source(%arg6 : memref<128x16xf32, #tpu.memory_space<vmem>>) target(%dma_start3A_43 : memref<128x16xf32, #tpu.memory_space<vmem_shared>>) target_semaphore(%run_scoped3A : memref<!tpu.dma_semaphore, #tpu.memory_space<semaphore_mem>>)
      %dma_wait3A = arith.constant 0 : i32
      %dma_wait3A_44 = tpu.memref_slice %arg7[%add3A_20, %dma_wait3A] : memref<10240x16xf32, #tpu.memory_space<vmem_shared>> -> memref<128x16xf32, #tpu.memory_space<vmem_shared>>
      %dma_wait3A_45 = arith.constant 0 : i32
      %dma_wait3A_46 = tpu.memref_slice %arg7[%add3A_20, %dma_wait3A_45] : memref<10240x16xf32, #tpu.memory_space<vmem_shared>> -> memref<128x16xf32, #tpu.memory_space<vmem_shared>>
      tpu.wait_dma2 semaphore(%run_scoped3A : memref<!tpu.dma_semaphore, #tpu.memory_space<semaphore_mem>>) src(%arg6 : memref<128x16xf32, #tpu.memory_space<vmem>>) dst(%dma_wait3A_46 : memref<128x16xf32, #tpu.memory_space<vmem_shared>>)
      tpu.yield
    }) : () -> ()
    %add3A_21 = arith.constant 384 : i32
    %add3A_22 = arith.addi %mul3A_14, %add3A_21 : i32
    "tpu.region"() ({
      %run_scoped3A = tpu.sem_alloc : memref<!tpu.dma_semaphore, #tpu.memory_space<semaphore_mem>>
      %dma_start3A = arith.constant 0 : i32
      %dma_start3A_41 = tpu.memref_slice %arg7[%add3A_22, %dma_start3A] : memref<10240x16xf32, #tpu.memory_space<vmem_shared>> -> memref<128x16xf32, #tpu.memory_space<vmem_shared>>
      %dma_start3A_42 = arith.constant 0 : i32
      %dma_start3A_43 = tpu.memref_slice %arg7[%add3A_22, %dma_start3A_42] : memref<10240x16xf32, #tpu.memory_space<vmem_shared>> -> memref<128x16xf32, #tpu.memory_space<vmem_shared>>
      tpu.enqueue_dma source(%arg6 : memref<128x16xf32, #tpu.memory_space<vmem>>) target(%dma_start3A_43 : memref<128x16xf32, #tpu.memory_space<vmem_shared>>) target_semaphore(%run_scoped3A : memref<!tpu.dma_semaphore, #tpu.memory_space<semaphore_mem>>)
      %dma_wait3A = arith.constant 0 : i32
      %dma_wait3A_44 = tpu.memref_slice %arg7[%add3A_22, %dma_wait3A] : memref<10240x16xf32, #tpu.memory_space<vmem_shared>> -> memref<128x16xf32, #tpu.memory_space<vmem_shared>>
      %dma_wait3A_45 = arith.constant 0 : i32
      %dma_wait3A_46 = tpu.memref_slice %arg7[%add3A_22, %dma_wait3A_45] : memref<10240x16xf32, #tpu.memory_space<vmem_shared>> -> memref<128x16xf32, #tpu.memory_space<vmem_shared>>
      tpu.wait_dma2 semaphore(%run_scoped3A : memref<!tpu.dma_semaphore, #tpu.memory_space<semaphore_mem>>) src(%arg6 : memref<128x16xf32, #tpu.memory_space<vmem>>) dst(%dma_wait3A_46 : memref<128x16xf32, #tpu.memory_space<vmem_shared>>)
      tpu.yield
    }) : () -> ()
    %add3A_23 = arith.constant 512 : i32
    %add3A_24 = arith.addi %mul3A_14, %add3A_23 : i32
    "tpu.region"() ({
      %run_scoped3A = tpu.sem_alloc : memref<!tpu.dma_semaphore, #tpu.memory_space<semaphore_mem>>
      %dma_start3A = arith.constant 0 : i32
      %dma_start3A_41 = tpu.memref_slice %arg7[%add3A_24, %dma_start3A] : memref<10240x16xf32, #tpu.memory_space<vmem_shared>> -> memref<128x16xf32, #tpu.memory_space<vmem_shared>>
      %dma_start3A_42 = arith.constant 0 : i32
      %dma_start3A_43 = tpu.memref_slice %arg7[%add3A_24, %dma_start3A_42] : memref<10240x16xf32, #tpu.memory_space<vmem_shared>> -> memref<128x16xf32, #tpu.memory_space<vmem_shared>>
      tpu.enqueue_dma source(%arg6 : memref<128x16xf32, #tpu.memory_space<vmem>>) target(%dma_start3A_43 : memref<128x16xf32, #tpu.memory_space<vmem_shared>>) target_semaphore(%run_scoped3A : memref<!tpu.dma_semaphore, #tpu.memory_space<semaphore_mem>>)
      %dma_wait3A = arith.constant 0 : i32
      %dma_wait3A_44 = tpu.memref_slice %arg7[%add3A_24, %dma_wait3A] : memref<10240x16xf32, #tpu.memory_space<vmem_shared>> -> memref<128x16xf32, #tpu.memory_space<vmem_shared>>
      %dma_wait3A_45 = arith.constant 0 : i32
      %dma_wait3A_46 = tpu.memref_slice %arg7[%add3A_24, %dma_wait3A_45] : memref<10240x16xf32, #tpu.memory_space<vmem_shared>> -> memref<128x16xf32, #tpu.memory_space<vmem_shared>>
      tpu.wait_dma2 semaphore(%run_scoped3A : memref<!tpu.dma_semaphore, #tpu.memory_space<semaphore_mem>>) src(%arg6 : memref<128x16xf32, #tpu.memory_space<vmem>>) dst(%dma_wait3A_46 : memref<128x16xf32, #tpu.memory_space<vmem_shared>>)
      tpu.yield
    }) : () -> ()
    %barrier3A = arith.constant 0 : index
    tpu.barrier barrier_id(%barrier3A)
    %scan3A_25 = arith.constant 0 : i32
    %scan3A_26 = arith.constant 125 : i32
    %scan3A_27 = arith.addi %scan3A_25, %scan3A_26 : i32
    %scan3A_28 = arith.constant 1 : i32
    scf.for %scan3A_41 = %scan3A_25 to %scan3A_27 step %scan3A_28  : i32 {
      %mul3A_42 = arith.constant 1 : i32
      %mul3A_43 = arith.muli %scan3A_41, %mul3A_42 : i32
      %add3A_44 = arith.constant 0 : i32
      %add3A_45 = arith.addi %add3A_44, %mul3A_43 : i32
      "tpu.region"() ({
        %run_scoped3A = tpu.sem_alloc : memref<!tpu.dma_semaphore, #tpu.memory_space<semaphore_mem>>
        %dma_start3A = arith.constant 0 : i32
        %dma_start3A_46 = tpu.memref_slice %arg4[%add3A_45, %dma_start3A] : memref<125x80xi32, #tpu.memory_space<vmem>> -> memref<1x80xi32, #tpu.memory_space<vmem>>
        %dma_start3A_47 = tpu.memref_squeeze %dma_start3A_46 : memref<1x80xi32, #tpu.memory_space<vmem>> -> memref<80xi32, #tpu.memory_space<vmem>>
        %dma_start3A_48 = arith.constant 0 : i32
        %dma_start3A_49 = arith.constant 0 : i32
        %dma_start3A_50 = tpu.memref_slice %arg7[%dma_start3A_48, %dma_start3A_49] : memref<10240x16xf32, #tpu.memory_space<vmem_shared>> -> memref<10240x16xf32, #tpu.memory_space<vmem_shared>>
        tpu.enqueue_indirect_dma source(%arg5 : memref<80x16xf32, #tpu.memory_space<vmem>>) target(%dma_start3A_50 : memref<10240x16xf32, #tpu.memory_space<vmem_shared>>) offsets(%dma_start3A_47 : memref<80xi32, #tpu.memory_space<vmem>>) semaphore(%run_scoped3A : memref<!tpu.dma_semaphore, #tpu.memory_space<semaphore_mem>>) {add = true}
        %dma_wait3A = arith.constant 0 : i32
        %dma_wait3A_51 = tpu.memref_slice %arg4[%add3A_45, %dma_wait3A] : memref<125x80xi32, #tpu.memory_space<vmem>> -> memref<1x80xi32, #tpu.memory_space<vmem>>
        %dma_wait3A_52 = tpu.memref_squeeze %dma_wait3A_51 : memref<1x80xi32, #tpu.memory_space<vmem>> -> memref<80xi32, #tpu.memory_space<vmem>>
        %dma_wait3A_53 = arith.constant 0 : i32
        %dma_wait3A_54 = arith.constant 0 : i32
        %dma_wait3A_55 = tpu.memref_slice %arg7[%dma_wait3A_53, %dma_wait3A_54] : memref<10240x16xf32, #tpu.memory_space<vmem_shared>> -> memref<10240x16xf32, #tpu.memory_space<vmem_shared>>
        tpu.wait_indirect_dma semaphore(%run_scoped3A : memref<!tpu.dma_semaphore, #tpu.memory_space<semaphore_mem>>) src(%arg5 : memref<80x16xf32, #tpu.memory_space<vmem>>) dst(%dma_wait3A_55 : memref<10240x16xf32, #tpu.memory_space<vmem_shared>>)
        tpu.yield
      }) : () -> ()
    }
    %scan3A_29 = arith.constant 125 : i32
    %barrier3A_30 = arith.constant 0 : index
    tpu.barrier barrier_id(%barrier3A_30)
    %add3A_31 = arith.constant 0 : i32
    %add3A_32 = arith.addi %mul3A_14, %add3A_31 : i32
    "tpu.region"() ({
      %run_scoped3A = tpu.sem_alloc : memref<!tpu.dma_semaphore, #tpu.memory_space<semaphore_mem>>
      %dma_start3A = arith.constant 0 : i32
      %dma_start3A_41 = tpu.memref_slice %arg7[%add3A_32, %dma_start3A] : memref<10240x16xf32, #tpu.memory_space<vmem_shared>> -> memref<128x16xf32, #tpu.memory_space<vmem_shared>>
      %dma_start3A_42 = arith.constant 0 : i32
      %dma_start3A_43 = tpu.memref_slice %arg7[%add3A_32, %dma_start3A_42] : memref<10240x16xf32, #tpu.memory_space<vmem_shared>> -> memref<128x16xf32, #tpu.memory_space<vmem_shared>>
      tpu.enqueue_dma source(%dma_start3A_43 : memref<128x16xf32, #tpu.memory_space<vmem_shared>>) target(%arg6 : memref<128x16xf32, #tpu.memory_space<vmem>>) target_semaphore(%run_scoped3A : memref<!tpu.dma_semaphore, #tpu.memory_space<semaphore_mem>>)
      %dma_wait3A = arith.constant 0 : i32
      %dma_wait3A_44 = tpu.memref_slice %arg7[%add3A_32, %dma_wait3A] : memref<10240x16xf32, #tpu.memory_space<vmem_shared>> -> memref<128x16xf32, #tpu.memory_space<vmem_shared>>
      %dma_wait3A_45 = arith.constant 0 : i32
      %dma_wait3A_46 = tpu.memref_slice %arg7[%add3A_32, %dma_wait3A_45] : memref<10240x16xf32, #tpu.memory_space<vmem_shared>> -> memref<128x16xf32, #tpu.memory_space<vmem_shared>>
      tpu.wait_dma2 semaphore(%run_scoped3A : memref<!tpu.dma_semaphore, #tpu.memory_space<semaphore_mem>>) src(%dma_wait3A_46 : memref<128x16xf32, #tpu.memory_space<vmem_shared>>) dst(%arg6 : memref<128x16xf32, #tpu.memory_space<vmem>>)
      tpu.yield
    }) : () -> ()
    "tpu.region"() ({
      %run_scoped3A = tpu.sem_alloc : memref<!tpu.dma_semaphore, #tpu.memory_space<semaphore_mem>>
      %dma_start3A = arith.constant 0 : i32
      %dma_start3A_41 = arith.constant 0 : i32
      %dma_start3A_42 = tpu.memref_slice %arg3[%arg0, %dma_start3A, %dma_start3A_41] : memref<2x10240x16xf32, #tpu.memory_space<hbm>> -> memref<1x10240x16xf32, #tpu.memory_space<hbm>>
      %dma_start3A_43 = tpu.memref_squeeze %dma_start3A_42 : memref<1x10240x16xf32, #tpu.memory_space<hbm>> -> memref<10240x16xf32, #tpu.memory_space<hbm>>
      %dma_start3A_44 = arith.constant 0 : i32
      %dma_start3A_45 = tpu.memref_slice %dma_start3A_43[%add3A_32, %dma_start3A_44] : memref<10240x16xf32, #tpu.memory_space<hbm>> -> memref<128x16xf32, #tpu.memory_space<hbm>>
      %dma_start3A_46 = arith.constant 0 : i32
      %dma_start3A_47 = arith.constant 0 : i32
      %dma_start3A_48 = tpu.memref_slice %arg3[%arg0, %dma_start3A_46, %dma_start3A_47] : memref<2x10240x16xf32, #tpu.memory_space<hbm>> -> memref<1x10240x16xf32, #tpu.memory_space<hbm>>
      %dma_start3A_49 = tpu.memref_squeeze %dma_start3A_48 : memref<1x10240x16xf32, #tpu.memory_space<hbm>> -> memref<10240x16xf32, #tpu.memory_space<hbm>>
      %dma_start3A_50 = arith.constant 0 : i32
      %dma_start3A_51 = tpu.memref_slice %dma_start3A_49[%add3A_32, %dma_start3A_50] : memref<10240x16xf32, #tpu.memory_space<hbm>> -> memref<128x16xf32, #tpu.memory_space<hbm>>
      tpu.enqueue_dma source(%arg6 : memref<128x16xf32, #tpu.memory_space<vmem>>) target(%dma_start3A_51 : memref<128x16xf32, #tpu.memory_space<hbm>>) target_semaphore(%run_scoped3A : memref<!tpu.dma_semaphore, #tpu.memory_space<semaphore_mem>>)
      %dma_wait3A = arith.constant 0 : i32
      %dma_wait3A_52 = arith.constant 0 : i32
      %dma_wait3A_53 = tpu.memref_slice %arg3[%arg0, %dma_wait3A, %dma_wait3A_52] : memref<2x10240x16xf32, #tpu.memory_space<hbm>> -> memref<1x10240x16xf32, #tpu.memory_space<hbm>>
      %dma_wait3A_54 = tpu.memref_squeeze %dma_wait3A_53 : memref<1x10240x16xf32, #tpu.memory_space<hbm>> -> memref<10240x16xf32, #tpu.memory_space<hbm>>
      %dma_wait3A_55 = arith.constant 0 : i32
      %dma_wait3A_56 = tpu.memref_slice %dma_wait3A_54[%add3A_32, %dma_wait3A_55] : memref<10240x16xf32, #tpu.memory_space<hbm>> -> memref<128x16xf32, #tpu.memory_space<hbm>>
      %dma_wait3A_57 = arith.constant 0 : i32
      %dma_wait3A_58 = arith.constant 0 : i32
      %dma_wait3A_59 = tpu.memref_slice %arg3[%arg0, %dma_wait3A_57, %dma_wait3A_58] : memref<2x10240x16xf32, #tpu.memory_space<hbm>> -> memref<1x10240x16xf32, #tpu.memory_space<hbm>>
      %dma_wait3A_60 = tpu.memref_squeeze %dma_wait3A_59 : memref<1x10240x16xf32, #tpu.memory_space<hbm>> -> memref<10240x16xf32, #tpu.memory_space<hbm>>
      %dma_wait3A_61 = arith.constant 0 : i32
      %dma_wait3A_62 = tpu.memref_slice %dma_wait3A_60[%add3A_32, %dma_wait3A_61] : memref<10240x16xf32, #tpu.memory_space<hbm>> -> memref<128x16xf32, #tpu.memory_space<hbm>>
      tpu.wait_dma2 semaphore(%run_scoped3A : memref<!tpu.dma_semaphore, #tpu.memory_space<semaphore_mem>>) src(%arg6 : memref<128x16xf32, #tpu.memory_space<vmem>>) dst(%dma_wait3A_62 : memref<128x16xf32, #tpu.memory_space<hbm>>)
      tpu.yield
    }) : () -> ()
    %add3A_33 = arith.constant 128 : i32
    %add3A_34 = arith.addi %mul3A_14, %add3A_33 : i32
    "tpu.region"() ({
      %run_scoped3A = tpu.sem_alloc : memref<!tpu.dma_semaphore, #tpu.memory_space<semaphore_mem>>
      %dma_start3A = arith.constant 0 : i32
      %dma_start3A_41 = tpu.memref_slice %arg7[%add3A_34, %dma_start3A] : memref<10240x16xf32, #tpu.memory_space<vmem_shared>> -> memref<128x16xf32, #tpu.memory_space<vmem_shared>>
      %dma_start3A_42 = arith.constant 0 : i32
      %dma_start3A_43 = tpu.memref_slice %arg7[%add3A_34, %dma_start3A_42] : memref<10240x16xf32, #tpu.memory_space<vmem_shared>> -> memref<128x16xf32, #tpu.memory_space<vmem_shared>>
      tpu.enqueue_dma source(%dma_start3A_43 : memref<128x16xf32, #tpu.memory_space<vmem_shared>>) target(%arg6 : memref<128x16xf32, #tpu.memory_space<vmem>>) target_semaphore(%run_scoped3A : memref<!tpu.dma_semaphore, #tpu.memory_space<semaphore_mem>>)
      %dma_wait3A = arith.constant 0 : i32
      %dma_wait3A_44 = tpu.memref_slice %arg7[%add3A_34, %dma_wait3A] : memref<10240x16xf32, #tpu.memory_space<vmem_shared>> -> memref<128x16xf32, #tpu.memory_space<vmem_shared>>
      %dma_wait3A_45 = arith.constant 0 : i32
      %dma_wait3A_46 = tpu.memref_slice %arg7[%add3A_34, %dma_wait3A_45] : memref<10240x16xf32, #tpu.memory_space<vmem_shared>> -> memref<128x16xf32, #tpu.memory_space<vmem_shared>>
      tpu.wait_dma2 semaphore(%run_scoped3A : memref<!tpu.dma_semaphore, #tpu.memory_space<semaphore_mem>>) src(%dma_wait3A_46 : memref<128x16xf32, #tpu.memory_space<vmem_shared>>) dst(%arg6 : memref<128x16xf32, #tpu.memory_space<vmem>>)
      tpu.yield
    }) : () -> ()
    "tpu.region"() ({
      %run_scoped3A = tpu.sem_alloc : memref<!tpu.dma_semaphore, #tpu.memory_space<semaphore_mem>>
      %dma_start3A = arith.constant 0 : i32
      %dma_start3A_41 = arith.constant 0 : i32
      %dma_start3A_42 = tpu.memref_slice %arg3[%arg0, %dma_start3A, %dma_start3A_41] : memref<2x10240x16xf32, #tpu.memory_space<hbm>> -> memref<1x10240x16xf32, #tpu.memory_space<hbm>>
      %dma_start3A_43 = tpu.memref_squeeze %dma_start3A_42 : memref<1x10240x16xf32, #tpu.memory_space<hbm>> -> memref<10240x16xf32, #tpu.memory_space<hbm>>
      %dma_start3A_44 = arith.constant 0 : i32
      %dma_start3A_45 = tpu.memref_slice %dma_start3A_43[%add3A_34, %dma_start3A_44] : memref<10240x16xf32, #tpu.memory_space<hbm>> -> memref<128x16xf32, #tpu.memory_space<hbm>>
      %dma_start3A_46 = arith.constant 0 : i32
      %dma_start3A_47 = arith.constant 0 : i32
      %dma_start3A_48 = tpu.memref_slice %arg3[%arg0, %dma_start3A_46, %dma_start3A_47] : memref<2x10240x16xf32, #tpu.memory_space<hbm>> -> memref<1x10240x16xf32, #tpu.memory_space<hbm>>
      %dma_start3A_49 = tpu.memref_squeeze %dma_start3A_48 : memref<1x10240x16xf32, #tpu.memory_space<hbm>> -> memref<10240x16xf32, #tpu.memory_space<hbm>>
      %dma_start3A_50 = arith.constant 0 : i32
      %dma_start3A_51 = tpu.memref_slice %dma_start3A_49[%add3A_34, %dma_start3A_50] : memref<10240x16xf32, #tpu.memory_space<hbm>> -> memref<128x16xf32, #tpu.memory_space<hbm>>
      tpu.enqueue_dma source(%arg6 : memref<128x16xf32, #tpu.memory_space<vmem>>) target(%dma_start3A_51 : memref<128x16xf32, #tpu.memory_space<hbm>>) target_semaphore(%run_scoped3A : memref<!tpu.dma_semaphore, #tpu.memory_space<semaphore_mem>>)
      %dma_wait3A = arith.constant 0 : i32
      %dma_wait3A_52 = arith.constant 0 : i32
      %dma_wait3A_53 = tpu.memref_slice %arg3[%arg0, %dma_wait3A, %dma_wait3A_52] : memref<2x10240x16xf32, #tpu.memory_space<hbm>> -> memref<1x10240x16xf32, #tpu.memory_space<hbm>>
      %dma_wait3A_54 = tpu.memref_squeeze %dma_wait3A_53 : memref<1x10240x16xf32, #tpu.memory_space<hbm>> -> memref<10240x16xf32, #tpu.memory_space<hbm>>
      %dma_wait3A_55 = arith.constant 0 : i32
      %dma_wait3A_56 = tpu.memref_slice %dma_wait3A_54[%add3A_34, %dma_wait3A_55] : memref<10240x16xf32, #tpu.memory_space<hbm>> -> memref<128x16xf32, #tpu.memory_space<hbm>>
      %dma_wait3A_57 = arith.constant 0 : i32
      %dma_wait3A_58 = arith.constant 0 : i32
      %dma_wait3A_59 = tpu.memref_slice %arg3[%arg0, %dma_wait3A_57, %dma_wait3A_58] : memref<2x10240x16xf32, #tpu.memory_space<hbm>> -> memref<1x10240x16xf32, #tpu.memory_space<hbm>>
      %dma_wait3A_60 = tpu.memref_squeeze %dma_wait3A_59 : memref<1x10240x16xf32, #tpu.memory_space<hbm>> -> memref<10240x16xf32, #tpu.memory_space<hbm>>
      %dma_wait3A_61 = arith.constant 0 : i32
      %dma_wait3A_62 = tpu.memref_slice %dma_wait3A_60[%add3A_34, %dma_wait3A_61] : memref<10240x16xf32, #tpu.memory_space<hbm>> -> memref<128x16xf32, #tpu.memory_space<hbm>>
      tpu.wait_dma2 semaphore(%run_scoped3A : memref<!tpu.dma_semaphore, #tpu.memory_space<semaphore_mem>>) src(%arg6 : memref<128x16xf32, #tpu.memory_space<vmem>>) dst(%dma_wait3A_62 : memref<128x16xf32, #tpu.memory_space<hbm>>)
      tpu.yield
    }) : () -> ()
    %add3A_35 = arith.constant 256 : i32
    %add3A_36 = arith.addi %mul3A_14, %add3A_35 : i32
    "tpu.region"() ({
      %run_scoped3A = tpu.sem_alloc : memref<!tpu.dma_semaphore, #tpu.memory_space<semaphore_mem>>
      %dma_start3A = arith.constant 0 : i32
      %dma_start3A_41 = tpu.memref_slice %arg7[%add3A_36, %dma_start3A] : memref<10240x16xf32, #tpu.memory_space<vmem_shared>> -> memref<128x16xf32, #tpu.memory_space<vmem_shared>>
      %dma_start3A_42 = arith.constant 0 : i32
      %dma_start3A_43 = tpu.memref_slice %arg7[%add3A_36, %dma_start3A_42] : memref<10240x16xf32, #tpu.memory_space<vmem_shared>> -> memref<128x16xf32, #tpu.memory_space<vmem_shared>>
      tpu.enqueue_dma source(%dma_start3A_43 : memref<128x16xf32, #tpu.memory_space<vmem_shared>>) target(%arg6 : memref<128x16xf32, #tpu.memory_space<vmem>>) target_semaphore(%run_scoped3A : memref<!tpu.dma_semaphore, #tpu.memory_space<semaphore_mem>>)
      %dma_wait3A = arith.constant 0 : i32
      %dma_wait3A_44 = tpu.memref_slice %arg7[%add3A_36, %dma_wait3A] : memref<10240x16xf32, #tpu.memory_space<vmem_shared>> -> memref<128x16xf32, #tpu.memory_space<vmem_shared>>
      %dma_wait3A_45 = arith.constant 0 : i32
      %dma_wait3A_46 = tpu.memref_slice %arg7[%add3A_36, %dma_wait3A_45] : memref<10240x16xf32, #tpu.memory_space<vmem_shared>> -> memref<128x16xf32, #tpu.memory_space<vmem_shared>>
      tpu.wait_dma2 semaphore(%run_scoped3A : memref<!tpu.dma_semaphore, #tpu.memory_space<semaphore_mem>>) src(%dma_wait3A_46 : memref<128x16xf32, #tpu.memory_space<vmem_shared>>) dst(%arg6 : memref<128x16xf32, #tpu.memory_space<vmem>>)
      tpu.yield
    }) : () -> ()
    "tpu.region"() ({
      %run_scoped3A = tpu.sem_alloc : memref<!tpu.dma_semaphore, #tpu.memory_space<semaphore_mem>>
      %dma_start3A = arith.constant 0 : i32
      %dma_start3A_41 = arith.constant 0 : i32
      %dma_start3A_42 = tpu.memref_slice %arg3[%arg0, %dma_start3A, %dma_start3A_41] : memref<2x10240x16xf32, #tpu.memory_space<hbm>> -> memref<1x10240x16xf32, #tpu.memory_space<hbm>>
      %dma_start3A_43 = tpu.memref_squeeze %dma_start3A_42 : memref<1x10240x16xf32, #tpu.memory_space<hbm>> -> memref<10240x16xf32, #tpu.memory_space<hbm>>
      %dma_start3A_44 = arith.constant 0 : i32
      %dma_start3A_45 = tpu.memref_slice %dma_start3A_43[%add3A_36, %dma_start3A_44] : memref<10240x16xf32, #tpu.memory_space<hbm>> -> memref<128x16xf32, #tpu.memory_space<hbm>>
      %dma_start3A_46 = arith.constant 0 : i32
      %dma_start3A_47 = arith.constant 0 : i32
      %dma_start3A_48 = tpu.memref_slice %arg3[%arg0, %dma_start3A_46, %dma_start3A_47] : memref<2x10240x16xf32, #tpu.memory_space<hbm>> -> memref<1x10240x16xf32, #tpu.memory_space<hbm>>
      %dma_start3A_49 = tpu.memref_squeeze %dma_start3A_48 : memref<1x10240x16xf32, #tpu.memory_space<hbm>> -> memref<10240x16xf32, #tpu.memory_space<hbm>>
      %dma_start3A_50 = arith.constant 0 : i32
      %dma_start3A_51 = tpu.memref_slice %dma_start3A_49[%add3A_36, %dma_start3A_50] : memref<10240x16xf32, #tpu.memory_space<hbm>> -> memref<128x16xf32, #tpu.memory_space<hbm>>
      tpu.enqueue_dma source(%arg6 : memref<128x16xf32, #tpu.memory_space<vmem>>) target(%dma_start3A_51 : memref<128x16xf32, #tpu.memory_space<hbm>>) target_semaphore(%run_scoped3A : memref<!tpu.dma_semaphore, #tpu.memory_space<semaphore_mem>>)
      %dma_wait3A = arith.constant 0 : i32
      %dma_wait3A_52 = arith.constant 0 : i32
      %dma_wait3A_53 = tpu.memref_slice %arg3[%arg0, %dma_wait3A, %dma_wait3A_52] : memref<2x10240x16xf32, #tpu.memory_space<hbm>> -> memref<1x10240x16xf32, #tpu.memory_space<hbm>>
      %dma_wait3A_54 = tpu.memref_squeeze %dma_wait3A_53 : memref<1x10240x16xf32, #tpu.memory_space<hbm>> -> memref<10240x16xf32, #tpu.memory_space<hbm>>
      %dma_wait3A_55 = arith.constant 0 : i32
      %dma_wait3A_56 = tpu.memref_slice %dma_wait3A_54[%add3A_36, %dma_wait3A_55] : memref<10240x16xf32, #tpu.memory_space<hbm>> -> memref<128x16xf32, #tpu.memory_space<hbm>>
      %dma_wait3A_57 = arith.constant 0 : i32
      %dma_wait3A_58 = arith.constant 0 : i32
      %dma_wait3A_59 = tpu.memref_slice %arg3[%arg0, %dma_wait3A_57, %dma_wait3A_58] : memref<2x10240x16xf32, #tpu.memory_space<hbm>> -> memref<1x10240x16xf32, #tpu.memory_space<hbm>>
      %dma_wait3A_60 = tpu.memref_squeeze %dma_wait3A_59 : memref<1x10240x16xf32, #tpu.memory_space<hbm>> -> memref<10240x16xf32, #tpu.memory_space<hbm>>
      %dma_wait3A_61 = arith.constant 0 : i32
      %dma_wait3A_62 = tpu.memref_slice %dma_wait3A_60[%add3A_36, %dma_wait3A_61] : memref<10240x16xf32, #tpu.memory_space<hbm>> -> memref<128x16xf32, #tpu.memory_space<hbm>>
      tpu.wait_dma2 semaphore(%run_scoped3A : memref<!tpu.dma_semaphore, #tpu.memory_space<semaphore_mem>>) src(%arg6 : memref<128x16xf32, #tpu.memory_space<vmem>>) dst(%dma_wait3A_62 : memref<128x16xf32, #tpu.memory_space<hbm>>)
      tpu.yield
    }) : () -> ()
    %add3A_37 = arith.constant 384 : i32
    %add3A_38 = arith.addi %mul3A_14, %add3A_37 : i32
    "tpu.region"() ({
      %run_scoped3A = tpu.sem_alloc : memref<!tpu.dma_semaphore, #tpu.memory_space<semaphore_mem>>
      %dma_start3A = arith.constant 0 : i32
      %dma_start3A_41 = tpu.memref_slice %arg7[%add3A_38, %dma_start3A] : memref<10240x16xf32, #tpu.memory_space<vmem_shared>> -> memref<128x16xf32, #tpu.memory_space<vmem_shared>>
      %dma_start3A_42 = arith.constant 0 : i32
      %dma_start3A_43 = tpu.memref_slice %arg7[%add3A_38, %dma_start3A_42] : memref<10240x16xf32, #tpu.memory_space<vmem_shared>> -> memref<128x16xf32, #tpu.memory_space<vmem_shared>>
      tpu.enqueue_dma source(%dma_start3A_43 : memref<128x16xf32, #tpu.memory_space<vmem_shared>>) target(%arg6 : memref<128x16xf32, #tpu.memory_space<vmem>>) target_semaphore(%run_scoped3A : memref<!tpu.dma_semaphore, #tpu.memory_space<semaphore_mem>>)
      %dma_wait3A = arith.constant 0 : i32
      %dma_wait3A_44 = tpu.memref_slice %arg7[%add3A_38, %dma_wait3A] : memref<10240x16xf32, #tpu.memory_space<vmem_shared>> -> memref<128x16xf32, #tpu.memory_space<vmem_shared>>
      %dma_wait3A_45 = arith.constant 0 : i32
      %dma_wait3A_46 = tpu.memref_slice %arg7[%add3A_38, %dma_wait3A_45] : memref<10240x16xf32, #tpu.memory_space<vmem_shared>> -> memref<128x16xf32, #tpu.memory_space<vmem_shared>>
      tpu.wait_dma2 semaphore(%run_scoped3A : memref<!tpu.dma_semaphore, #tpu.memory_space<semaphore_mem>>) src(%dma_wait3A_46 : memref<128x16xf32, #tpu.memory_space<vmem_shared>>) dst(%arg6 : memref<128x16xf32, #tpu.memory_space<vmem>>)
      tpu.yield
    }) : () -> ()
    "tpu.region"() ({
      %run_scoped3A = tpu.sem_alloc : memref<!tpu.dma_semaphore, #tpu.memory_space<semaphore_mem>>
      %dma_start3A = arith.constant 0 : i32
      %dma_start3A_41 = arith.constant 0 : i32
      %dma_start3A_42 = tpu.memref_slice %arg3[%arg0, %dma_start3A, %dma_start3A_41] : memref<2x10240x16xf32, #tpu.memory_space<hbm>> -> memref<1x10240x16xf32, #tpu.memory_space<hbm>>
      %dma_start3A_43 = tpu.memref_squeeze %dma_start3A_42 : memref<1x10240x16xf32, #tpu.memory_space<hbm>> -> memref<10240x16xf32, #tpu.memory_space<hbm>>
      %dma_start3A_44 = arith.constant 0 : i32
      %dma_start3A_45 = tpu.memref_slice %dma_start3A_43[%add3A_38, %dma_start3A_44] : memref<10240x16xf32, #tpu.memory_space<hbm>> -> memref<128x16xf32, #tpu.memory_space<hbm>>
      %dma_start3A_46 = arith.constant 0 : i32
      %dma_start3A_47 = arith.constant 0 : i32
      %dma_start3A_48 = tpu.memref_slice %arg3[%arg0, %dma_start3A_46, %dma_start3A_47] : memref<2x10240x16xf32, #tpu.memory_space<hbm>> -> memref<1x10240x16xf32, #tpu.memory_space<hbm>>
      %dma_start3A_49 = tpu.memref_squeeze %dma_start3A_48 : memref<1x10240x16xf32, #tpu.memory_space<hbm>> -> memref<10240x16xf32, #tpu.memory_space<hbm>>
      %dma_start3A_50 = arith.constant 0 : i32
      %dma_start3A_51 = tpu.memref_slice %dma_start3A_49[%add3A_38, %dma_start3A_50] : memref<10240x16xf32, #tpu.memory_space<hbm>> -> memref<128x16xf32, #tpu.memory_space<hbm>>
      tpu.enqueue_dma source(%arg6 : memref<128x16xf32, #tpu.memory_space<vmem>>) target(%dma_start3A_51 : memref<128x16xf32, #tpu.memory_space<hbm>>) target_semaphore(%run_scoped3A : memref<!tpu.dma_semaphore, #tpu.memory_space<semaphore_mem>>)
      %dma_wait3A = arith.constant 0 : i32
      %dma_wait3A_52 = arith.constant 0 : i32
      %dma_wait3A_53 = tpu.memref_slice %arg3[%arg0, %dma_wait3A, %dma_wait3A_52] : memref<2x10240x16xf32, #tpu.memory_space<hbm>> -> memref<1x10240x16xf32, #tpu.memory_space<hbm>>
      %dma_wait3A_54 = tpu.memref_squeeze %dma_wait3A_53 : memref<1x10240x16xf32, #tpu.memory_space<hbm>> -> memref<10240x16xf32, #tpu.memory_space<hbm>>
      %dma_wait3A_55 = arith.constant 0 : i32
      %dma_wait3A_56 = tpu.memref_slice %dma_wait3A_54[%add3A_38, %dma_wait3A_55] : memref<10240x16xf32, #tpu.memory_space<hbm>> -> memref<128x16xf32, #tpu.memory_space<hbm>>
      %dma_wait3A_57 = arith.constant 0 : i32
      %dma_wait3A_58 = arith.constant 0 : i32
      %dma_wait3A_59 = tpu.memref_slice %arg3[%arg0, %dma_wait3A_57, %dma_wait3A_58] : memref<2x10240x16xf32, #tpu.memory_space<hbm>> -> memref<1x10240x16xf32, #tpu.memory_space<hbm>>
      %dma_wait3A_60 = tpu.memref_squeeze %dma_wait3A_59 : memref<1x10240x16xf32, #tpu.memory_space<hbm>> -> memref<10240x16xf32, #tpu.memory_space<hbm>>
      %dma_wait3A_61 = arith.constant 0 : i32
      %dma_wait3A_62 = tpu.memref_slice %dma_wait3A_60[%add3A_38, %dma_wait3A_61] : memref<10240x16xf32, #tpu.memory_space<hbm>> -> memref<128x16xf32, #tpu.memory_space<hbm>>
      tpu.wait_dma2 semaphore(%run_scoped3A : memref<!tpu.dma_semaphore, #tpu.memory_space<semaphore_mem>>) src(%arg6 : memref<128x16xf32, #tpu.memory_space<vmem>>) dst(%dma_wait3A_62 : memref<128x16xf32, #tpu.memory_space<hbm>>)
      tpu.yield
    }) : () -> ()
    %add3A_39 = arith.constant 512 : i32
    %add3A_40 = arith.addi %mul3A_14, %add3A_39 : i32
    "tpu.region"() ({
      %run_scoped3A = tpu.sem_alloc : memref<!tpu.dma_semaphore, #tpu.memory_space<semaphore_mem>>
      %dma_start3A = arith.constant 0 : i32
      %dma_start3A_41 = tpu.memref_slice %arg7[%add3A_40, %dma_start3A] : memref<10240x16xf32, #tpu.memory_space<vmem_shared>> -> memref<128x16xf32, #tpu.memory_space<vmem_shared>>
      %dma_start3A_42 = arith.constant 0 : i32
      %dma_start3A_43 = tpu.memref_slice %arg7[%add3A_40, %dma_start3A_42] : memref<10240x16xf32, #tpu.memory_space<vmem_shared>> -> memref<128x16xf32, #tpu.memory_space<vmem_shared>>
      tpu.enqueue_dma source(%dma_start3A_43 : memref<128x16xf32, #tpu.memory_space<vmem_shared>>) target(%arg6 : memref<128x16xf32, #tpu.memory_space<vmem>>) target_semaphore(%run_scoped3A : memref<!tpu.dma_semaphore, #tpu.memory_space<semaphore_mem>>)
      %dma_wait3A = arith.constant 0 : i32
      %dma_wait3A_44 = tpu.memref_slice %arg7[%add3A_40, %dma_wait3A] : memref<10240x16xf32, #tpu.memory_space<vmem_shared>> -> memref<128x16xf32, #tpu.memory_space<vmem_shared>>
      %dma_wait3A_45 = arith.constant 0 : i32
      %dma_wait3A_46 = tpu.memref_slice %arg7[%add3A_40, %dma_wait3A_45] : memref<10240x16xf32, #tpu.memory_space<vmem_shared>> -> memref<128x16xf32, #tpu.memory_space<vmem_shared>>
      tpu.wait_dma2 semaphore(%run_scoped3A : memref<!tpu.dma_semaphore, #tpu.memory_space<semaphore_mem>>) src(%dma_wait3A_46 : memref<128x16xf32, #tpu.memory_space<vmem_shared>>) dst(%arg6 : memref<128x16xf32, #tpu.memory_space<vmem>>)
      tpu.yield
    }) : () -> ()
    "tpu.region"() ({
      %run_scoped3A = tpu.sem_alloc : memref<!tpu.dma_semaphore, #tpu.memory_space<semaphore_mem>>
      %dma_start3A = arith.constant 0 : i32
      %dma_start3A_41 = arith.constant 0 : i32
      %dma_start3A_42 = tpu.memref_slice %arg3[%arg0, %dma_start3A, %dma_start3A_41] : memref<2x10240x16xf32, #tpu.memory_space<hbm>> -> memref<1x10240x16xf32, #tpu.memory_space<hbm>>
      %dma_start3A_43 = tpu.memref_squeeze %dma_start3A_42 : memref<1x10240x16xf32, #tpu.memory_space<hbm>> -> memref<10240x16xf32, #tpu.memory_space<hbm>>
      %dma_start3A_44 = arith.constant 0 : i32
      %dma_start3A_45 = tpu.memref_slice %dma_start3A_43[%add3A_40, %dma_start3A_44] : memref<10240x16xf32, #tpu.memory_space<hbm>> -> memref<128x16xf32, #tpu.memory_space<hbm>>
      %dma_start3A_46 = arith.constant 0 : i32
      %dma_start3A_47 = arith.constant 0 : i32
      %dma_start3A_48 = tpu.memref_slice %arg3[%arg0, %dma_start3A_46, %dma_start3A_47] : memref<2x10240x16xf32, #tpu.memory_space<hbm>> -> memref<1x10240x16xf32, #tpu.memory_space<hbm>>
      %dma_start3A_49 = tpu.memref_squeeze %dma_start3A_48 : memref<1x10240x16xf32, #tpu.memory_space<hbm>> -> memref<10240x16xf32, #tpu.memory_space<hbm>>
      %dma_start3A_50 = arith.constant 0 : i32
      %dma_start3A_51 = tpu.memref_slice %dma_start3A_49[%add3A_40, %dma_start3A_50] : memref<10240x16xf32, #tpu.memory_space<hbm>> -> memref<128x16xf32, #tpu.memory_space<hbm>>
      tpu.enqueue_dma source(%arg6 : memref<128x16xf32, #tpu.memory_space<vmem>>) target(%dma_start3A_51 : memref<128x16xf32, #tpu.memory_space<hbm>>) target_semaphore(%run_scoped3A : memref<!tpu.dma_semaphore, #tpu.memory_space<semaphore_mem>>)
      %dma_wait3A = arith.constant 0 : i32
      %dma_wait3A_52 = arith.constant 0 : i32
      %dma_wait3A_53 = tpu.memref_slice %arg3[%arg0, %dma_wait3A, %dma_wait3A_52] : memref<2x10240x16xf32, #tpu.memory_space<hbm>> -> memref<1x10240x16xf32, #tpu.memory_space<hbm>>
      %dma_wait3A_54 = tpu.memref_squeeze %dma_wait3A_53 : memref<1x10240x16xf32, #tpu.memory_space<hbm>> -> memref<10240x16xf32, #tpu.memory_space<hbm>>
      %dma_wait3A_55 = arith.constant 0 : i32
      %dma_wait3A_56 = tpu.memref_slice %dma_wait3A_54[%add3A_40, %dma_wait3A_55] : memref<10240x16xf32, #tpu.memory_space<hbm>> -> memref<128x16xf32, #tpu.memory_space<hbm>>
      %dma_wait3A_57 = arith.constant 0 : i32
      %dma_wait3A_58 = arith.constant 0 : i32
      %dma_wait3A_59 = tpu.memref_slice %arg3[%arg0, %dma_wait3A_57, %dma_wait3A_58] : memref<2x10240x16xf32, #tpu.memory_space<hbm>> -> memref<1x10240x16xf32, #tpu.memory_space<hbm>>
      %dma_wait3A_60 = tpu.memref_squeeze %dma_wait3A_59 : memref<1x10240x16xf32, #tpu.memory_space<hbm>> -> memref<10240x16xf32, #tpu.memory_space<hbm>>
      %dma_wait3A_61 = arith.constant 0 : i32
      %dma_wait3A_62 = tpu.memref_slice %dma_wait3A_60[%add3A_40, %dma_wait3A_61] : memref<10240x16xf32, #tpu.memory_space<hbm>> -> memref<128x16xf32, #tpu.memory_space<hbm>>
      tpu.wait_dma2 semaphore(%run_scoped3A : memref<!tpu.dma_semaphore, #tpu.memory_space<semaphore_mem>>) src(%arg6 : memref<128x16xf32, #tpu.memory_space<vmem>>) dst(%dma_wait3A_62 : memref<128x16xf32, #tpu.memory_space<hbm>>)
      tpu.yield
    }) : () -> ()
    return
  }
}

#map = affine_map<(d0, d1) -> (0, 0)>
#map1 = affine_map<(d0, d1) -> (0, 0, 0, 0)>
#map2 = affine_map<(d0, d1) -> (0, 0, 0)>
module attributes {stable_mosaic.version = 14 : i64} {
  func.func @_scatter_body(%arg0: i32, %arg1: i32, %arg2: memref<20000x64xf32, #tpu.memory_space<hbm>>, %arg3: memref<2x16x250x80xi32, #tpu.memory_space<hbm>>, %arg4: memref<16x250x80xi32, #tpu.memory_space<hbm>>, %arg5: memref<2x10240x64xf32, #tpu.memory_space<hbm>>, %arg6: memref<250x80xi32, #tpu.memory_space<vmem>>, %arg7: memref<250x80xi32, #tpu.memory_space<vmem>>, %arg8: memref<80x64xf32, #tpu.memory_space<vmem>>, %arg9: memref<80x64xf32, #tpu.memory_space<vmem>>, %arg10: memref<80x64xf32, #tpu.memory_space<vmem>>, %arg11: memref<80x64xf32, #tpu.memory_space<vmem>>, %arg12: memref<80x64xf32, #tpu.memory_space<vmem>>, %arg13: memref<80x64xf32, #tpu.memory_space<vmem>>, %arg14: memref<80x64xf32, #tpu.memory_space<vmem>>, %arg15: memref<80x64xf32, #tpu.memory_space<vmem>>, %arg16: memref<128x64xf32, #tpu.memory_space<vmem>>, %arg17: memref<10240x64xf32, #tpu.memory_space<vmem_shared>>, %arg18: memref<!tpu.dma_semaphore, #tpu.memory_space<semaphore_mem>>, %arg19: memref<!tpu.dma_semaphore, #tpu.memory_space<semaphore_mem>>, %arg20: memref<!tpu.dma_semaphore, #tpu.memory_space<semaphore_mem>>, %arg21: memref<!tpu.dma_semaphore, #tpu.memory_space<semaphore_mem>>, %arg22: memref<!tpu.dma_semaphore, #tpu.memory_space<semaphore_mem>>, %arg23: memref<!tpu.dma_semaphore, #tpu.memory_space<semaphore_mem>>, %arg24: memref<!tpu.dma_semaphore, #tpu.memory_space<semaphore_mem>>, %arg25: memref<!tpu.dma_semaphore, #tpu.memory_space<semaphore_mem>>, %arg26: memref<!tpu.dma_semaphore, #tpu.memory_space<semaphore_mem>>, %arg27: memref<!tpu.dma_semaphore, #tpu.memory_space<semaphore_mem>>, %arg28: memref<!tpu.dma_semaphore, #tpu.memory_space<semaphore_mem>>, %arg29: memref<!tpu.dma_semaphore, #tpu.memory_space<semaphore_mem>>, %arg30: memref<!tpu.dma_semaphore, #tpu.memory_space<semaphore_mem>>, %arg31: memref<!tpu.dma_semaphore, #tpu.memory_space<semaphore_mem>>, %arg32: memref<!tpu.dma_semaphore, #tpu.memory_space<semaphore_mem>>, %arg33: memref<!tpu.dma_semaphore, #tpu.memory_space<semaphore_mem>>) attributes {dimension_semantics = [#tpu.dimension_semantics<core_parallel>, #tpu.dimension_semantics<subcore_parallel>], iteration_bounds = array<i64: 2, 16>, scalar_prefetch = 0 : i64, scratch_operands = 28 : i64, tpu.core_type = #tpu.core_type<sc_vector_subcore>, window_params = [{transform_indices = #map}, {transform_indices = #map1}, {transform_indices = #map2}, {transform_indices = #map2}]} {
    %mul3A = arith.constant 640 : i32
    %mul3A_0 = arith.muli %arg1, %mul3A : i32
    "tpu.region"() ({
      %run_scoped3A = tpu.sem_alloc : memref<!tpu.dma_semaphore, #tpu.memory_space<semaphore_mem>>
      %dma_start3A_127 = arith.constant 0 : i32
      %dma_start3A_128 = arith.constant 0 : i32
      %dma_start3A_129 = arith.constant 0 : i32
      %dma_start3A_130 = tpu.memref_slice %arg3[%arg0, %dma_start3A_127, %dma_start3A_128, %dma_start3A_129] : memref<2x16x250x80xi32, #tpu.memory_space<hbm>> -> memref<1x16x250x80xi32, #tpu.memory_space<hbm>>
      %dma_start3A_131 = tpu.memref_squeeze %dma_start3A_130 : memref<1x16x250x80xi32, #tpu.memory_space<hbm>> -> memref<16x250x80xi32, #tpu.memory_space<hbm>>
      %dma_start3A_132 = arith.constant 0 : i32
      %dma_start3A_133 = arith.constant 0 : i32
      %dma_start3A_134 = tpu.memref_slice %dma_start3A_131[%arg1, %dma_start3A_132, %dma_start3A_133] : memref<16x250x80xi32, #tpu.memory_space<hbm>> -> memref<1x250x80xi32, #tpu.memory_space<hbm>>
      %dma_start3A_135 = tpu.memref_squeeze %dma_start3A_134 : memref<1x250x80xi32, #tpu.memory_space<hbm>> -> memref<250x80xi32, #tpu.memory_space<hbm>>
      %dma_start3A_136 = arith.constant 0 : i32
      %dma_start3A_137 = arith.constant 0 : i32
      %dma_start3A_138 = arith.constant 0 : i32
      %dma_start3A_139 = tpu.memref_slice %arg3[%arg0, %dma_start3A_136, %dma_start3A_137, %dma_start3A_138] : memref<2x16x250x80xi32, #tpu.memory_space<hbm>> -> memref<1x16x250x80xi32, #tpu.memory_space<hbm>>
      %dma_start3A_140 = tpu.memref_squeeze %dma_start3A_139 : memref<1x16x250x80xi32, #tpu.memory_space<hbm>> -> memref<16x250x80xi32, #tpu.memory_space<hbm>>
      %dma_start3A_141 = arith.constant 0 : i32
      %dma_start3A_142 = arith.constant 0 : i32
      %dma_start3A_143 = tpu.memref_slice %dma_start3A_140[%arg1, %dma_start3A_141, %dma_start3A_142] : memref<16x250x80xi32, #tpu.memory_space<hbm>> -> memref<1x250x80xi32, #tpu.memory_space<hbm>>
      %dma_start3A_144 = tpu.memref_squeeze %dma_start3A_143 : memref<1x250x80xi32, #tpu.memory_space<hbm>> -> memref<250x80xi32, #tpu.memory_space<hbm>>
      tpu.enqueue_dma source(%dma_start3A_144 : memref<250x80xi32, #tpu.memory_space<hbm>>) target(%arg6 : memref<250x80xi32, #tpu.memory_space<vmem>>) target_semaphore(%run_scoped3A : memref<!tpu.dma_semaphore, #tpu.memory_space<semaphore_mem>>)
      %dma_wait3A_145 = arith.constant 0 : i32
      %dma_wait3A_146 = arith.constant 0 : i32
      %dma_wait3A_147 = arith.constant 0 : i32
      %dma_wait3A_148 = tpu.memref_slice %arg3[%arg0, %dma_wait3A_145, %dma_wait3A_146, %dma_wait3A_147] : memref<2x16x250x80xi32, #tpu.memory_space<hbm>> -> memref<1x16x250x80xi32, #tpu.memory_space<hbm>>
      %dma_wait3A_149 = tpu.memref_squeeze %dma_wait3A_148 : memref<1x16x250x80xi32, #tpu.memory_space<hbm>> -> memref<16x250x80xi32, #tpu.memory_space<hbm>>
      %dma_wait3A_150 = arith.constant 0 : i32
      %dma_wait3A_151 = arith.constant 0 : i32
      %dma_wait3A_152 = tpu.memref_slice %dma_wait3A_149[%arg1, %dma_wait3A_150, %dma_wait3A_151] : memref<16x250x80xi32, #tpu.memory_space<hbm>> -> memref<1x250x80xi32, #tpu.memory_space<hbm>>
      %dma_wait3A_153 = tpu.memref_squeeze %dma_wait3A_152 : memref<1x250x80xi32, #tpu.memory_space<hbm>> -> memref<250x80xi32, #tpu.memory_space<hbm>>
      %dma_wait3A_154 = arith.constant 0 : i32
      %dma_wait3A_155 = arith.constant 0 : i32
      %dma_wait3A_156 = arith.constant 0 : i32
      %dma_wait3A_157 = tpu.memref_slice %arg3[%arg0, %dma_wait3A_154, %dma_wait3A_155, %dma_wait3A_156] : memref<2x16x250x80xi32, #tpu.memory_space<hbm>> -> memref<1x16x250x80xi32, #tpu.memory_space<hbm>>
      %dma_wait3A_158 = tpu.memref_squeeze %dma_wait3A_157 : memref<1x16x250x80xi32, #tpu.memory_space<hbm>> -> memref<16x250x80xi32, #tpu.memory_space<hbm>>
      %dma_wait3A_159 = arith.constant 0 : i32
      %dma_wait3A_160 = arith.constant 0 : i32
      %dma_wait3A_161 = tpu.memref_slice %dma_wait3A_158[%arg1, %dma_wait3A_159, %dma_wait3A_160] : memref<16x250x80xi32, #tpu.memory_space<hbm>> -> memref<1x250x80xi32, #tpu.memory_space<hbm>>
      %dma_wait3A_162 = tpu.memref_squeeze %dma_wait3A_161 : memref<1x250x80xi32, #tpu.memory_space<hbm>> -> memref<250x80xi32, #tpu.memory_space<hbm>>
      tpu.wait_dma2 semaphore(%run_scoped3A : memref<!tpu.dma_semaphore, #tpu.memory_space<semaphore_mem>>) src(%dma_wait3A_162 : memref<250x80xi32, #tpu.memory_space<hbm>>) dst(%arg6 : memref<250x80xi32, #tpu.memory_space<vmem>>)
      tpu.yield
    }) : () -> ()
    "tpu.region"() ({
      %run_scoped3A = tpu.sem_alloc : memref<!tpu.dma_semaphore, #tpu.memory_space<semaphore_mem>>
      %dma_start3A_127 = arith.constant 0 : i32
      %dma_start3A_128 = arith.constant 0 : i32
      %dma_start3A_129 = tpu.memref_slice %arg4[%arg1, %dma_start3A_127, %dma_start3A_128] : memref<16x250x80xi32, #tpu.memory_space<hbm>> -> memref<1x250x80xi32, #tpu.memory_space<hbm>>
      %dma_start3A_130 = tpu.memref_squeeze %dma_start3A_129 : memref<1x250x80xi32, #tpu.memory_space<hbm>> -> memref<250x80xi32, #tpu.memory_space<hbm>>
      %dma_start3A_131 = arith.constant 0 : i32
      %dma_start3A_132 = arith.constant 0 : i32
      %dma_start3A_133 = tpu.memref_slice %arg4[%arg1, %dma_start3A_131, %dma_start3A_132] : memref<16x250x80xi32, #tpu.memory_space<hbm>> -> memref<1x250x80xi32, #tpu.memory_space<hbm>>
      %dma_start3A_134 = tpu.memref_squeeze %dma_start3A_133 : memref<1x250x80xi32, #tpu.memory_space<hbm>> -> memref<250x80xi32, #tpu.memory_space<hbm>>
      tpu.enqueue_dma source(%dma_start3A_134 : memref<250x80xi32, #tpu.memory_space<hbm>>) target(%arg7 : memref<250x80xi32, #tpu.memory_space<vmem>>) target_semaphore(%run_scoped3A : memref<!tpu.dma_semaphore, #tpu.memory_space<semaphore_mem>>)
      %dma_wait3A_135 = arith.constant 0 : i32
      %dma_wait3A_136 = arith.constant 0 : i32
      %dma_wait3A_137 = tpu.memref_slice %arg4[%arg1, %dma_wait3A_135, %dma_wait3A_136] : memref<16x250x80xi32, #tpu.memory_space<hbm>> -> memref<1x250x80xi32, #tpu.memory_space<hbm>>
      %dma_wait3A_138 = tpu.memref_squeeze %dma_wait3A_137 : memref<1x250x80xi32, #tpu.memory_space<hbm>> -> memref<250x80xi32, #tpu.memory_space<hbm>>
      %dma_wait3A_139 = arith.constant 0 : i32
      %dma_wait3A_140 = arith.constant 0 : i32
      %dma_wait3A_141 = tpu.memref_slice %arg4[%arg1, %dma_wait3A_139, %dma_wait3A_140] : memref<16x250x80xi32, #tpu.memory_space<hbm>> -> memref<1x250x80xi32, #tpu.memory_space<hbm>>
      %dma_wait3A_142 = tpu.memref_squeeze %dma_wait3A_141 : memref<1x250x80xi32, #tpu.memory_space<hbm>> -> memref<250x80xi32, #tpu.memory_space<hbm>>
      tpu.wait_dma2 semaphore(%run_scoped3A : memref<!tpu.dma_semaphore, #tpu.memory_space<semaphore_mem>>) src(%dma_wait3A_142 : memref<250x80xi32, #tpu.memory_space<hbm>>) dst(%arg7 : memref<250x80xi32, #tpu.memory_space<vmem>>)
      tpu.yield
    }) : () -> ()
    %broadcast_in_dim3A = arith.constant 0.000000e+00 : f32
    %broadcast_in_dim3A_1 = vector.broadcast %broadcast_in_dim3A : f32 to vector<16xf32>
    %scan3A = arith.constant 0 : i32
    %scan3A_2 = arith.constant 128 : i32
    %scan3A_3 = arith.addi %scan3A, %scan3A_2 : i32
    %scan3A_4 = arith.constant 1 : i32
    scf.for %scan3A_127 = %scan3A to %scan3A_3 step %scan3A_4  : i32 {
      %mul3A_128 = arith.constant 1 : i32
      %mul3A_129 = arith.muli %scan3A_127, %mul3A_128 : i32
      %add3A_130 = arith.constant 0 : i32
      %add3A_131 = arith.addi %add3A_130, %mul3A_129 : i32
      %swap3A = arith.index_cast %add3A_131 : i32 to index
      %swap3A_132 = arith.constant 0 : index
      %swap3A_133 = tpu.vector_load %arg16[%swap3A, %swap3A_132] {strides = array<i32>} : memref<128x64xf32, #tpu.memory_space<vmem>>, vector<1x16xf32>,
      %swap3A_134 = vector.shape_cast %swap3A_133 : vector<1x16xf32> to vector<16xf32>
      %swap3A_135 = vector.shape_cast %broadcast_in_dim3A_1 : vector<16xf32> to vector<1x16xf32>
      tpu.vector_store %arg16[%swap3A, %swap3A_132], %swap3A_135 {strides = array<i32>} : memref<128x64xf32, #tpu.memory_space<vmem>>, vector<1x16xf32>,
      %swap3A_136 = arith.index_cast %add3A_131 : i32 to index
      %swap3A_137 = arith.constant 16 : index
      %swap3A_138 = tpu.vector_load %arg16[%swap3A_136, %swap3A_137] {strides = array<i32>} : memref<128x64xf32, #tpu.memory_space<vmem>>, vector<1x16xf32>,
      %swap3A_139 = vector.shape_cast %swap3A_138 : vector<1x16xf32> to vector<16xf32>
      %swap3A_140 = vector.shape_cast %broadcast_in_dim3A_1 : vector<16xf32> to vector<1x16xf32>
      tpu.vector_store %arg16[%swap3A_136, %swap3A_137], %swap3A_140 {strides = array<i32>} : memref<128x64xf32, #tpu.memory_space<vmem>>, vector<1x16xf32>,
      %swap3A_141 = arith.index_cast %add3A_131 : i32 to index
      %swap3A_142 = arith.constant 32 : index
      %swap3A_143 = tpu.vector_load %arg16[%swap3A_141, %swap3A_142] {strides = array<i32>} : memref<128x64xf32, #tpu.memory_space<vmem>>, vector<1x16xf32>,
      %swap3A_144 = vector.shape_cast %swap3A_143 : vector<1x16xf32> to vector<16xf32>
      %swap3A_145 = vector.shape_cast %broadcast_in_dim3A_1 : vector<16xf32> to vector<1x16xf32>
      tpu.vector_store %arg16[%swap3A_141, %swap3A_142], %swap3A_145 {strides = array<i32>} : memref<128x64xf32, #tpu.memory_space<vmem>>, vector<1x16xf32>,
      %swap3A_146 = arith.index_cast %add3A_131 : i32 to index
      %swap3A_147 = arith.constant 48 : index
      %swap3A_148 = tpu.vector_load %arg16[%swap3A_146, %swap3A_147] {strides = array<i32>} : memref<128x64xf32, #tpu.memory_space<vmem>>, vector<1x16xf32>,
      %swap3A_149 = vector.shape_cast %swap3A_148 : vector<1x16xf32> to vector<16xf32>
      %swap3A_150 = vector.shape_cast %broadcast_in_dim3A_1 : vector<16xf32> to vector<1x16xf32>
      tpu.vector_store %arg16[%swap3A_146, %swap3A_147], %swap3A_150 {strides = array<i32>} : memref<128x64xf32, #tpu.memory_space<vmem>>, vector<1x16xf32>,
    }
    %scan3A_5 = arith.constant 128 : i32
    %add3A = arith.constant 0 : i32
    %add3A_6 = arith.addi %mul3A_0, %add3A : i32
    "tpu.region"() ({
      %run_scoped3A = tpu.sem_alloc : memref<!tpu.dma_semaphore, #tpu.memory_space<semaphore_mem>>
      %dma_start3A_127 = arith.constant 0 : i32
      %dma_start3A_128 = tpu.memref_slice %arg17[%add3A_6, %dma_start3A_127] : memref<10240x64xf32, #tpu.memory_space<vmem_shared>> -> memref<128x64xf32, #tpu.memory_space<vmem_shared>>
      %dma_start3A_129 = arith.constant 0 : i32
      %dma_start3A_130 = tpu.memref_slice %arg17[%add3A_6, %dma_start3A_129] : memref<10240x64xf32, #tpu.memory_space<vmem_shared>> -> memref<128x64xf32, #tpu.memory_space<vmem_shared>>
      tpu.enqueue_dma source(%arg16 : memref<128x64xf32, #tpu.memory_space<vmem>>) target(%dma_start3A_130 : memref<128x64xf32, #tpu.memory_space<vmem_shared>>) target_semaphore(%run_scoped3A : memref<!tpu.dma_semaphore, #tpu.memory_space<semaphore_mem>>)
      %dma_wait3A_131 = arith.constant 0 : i32
      %dma_wait3A_132 = tpu.memref_slice %arg17[%add3A_6, %dma_wait3A_131] : memref<10240x64xf32, #tpu.memory_space<vmem_shared>> -> memref<128x64xf32, #tpu.memory_space<vmem_shared>>
      %dma_wait3A_133 = arith.constant 0 : i32
      %dma_wait3A_134 = tpu.memref_slice %arg17[%add3A_6, %dma_wait3A_133] : memref<10240x64xf32, #tpu.memory_space<vmem_shared>> -> memref<128x64xf32, #tpu.memory_space<vmem_shared>>
      tpu.wait_dma2 semaphore(%run_scoped3A : memref<!tpu.dma_semaphore, #tpu.memory_space<semaphore_mem>>) src(%arg16 : memref<128x64xf32, #tpu.memory_space<vmem>>) dst(%dma_wait3A_134 : memref<128x64xf32, #tpu.memory_space<vmem_shared>>)
      tpu.yield
    }) : () -> ()
    %add3A_7 = arith.constant 128 : i32
    %add3A_8 = arith.addi %mul3A_0, %add3A_7 : i32
    "tpu.region"() ({
      %run_scoped3A = tpu.sem_alloc : memref<!tpu.dma_semaphore, #tpu.memory_space<semaphore_mem>>
      %dma_start3A_127 = arith.constant 0 : i32
      %dma_start3A_128 = tpu.memref_slice %arg17[%add3A_8, %dma_start3A_127] : memref<10240x64xf32, #tpu.memory_space<vmem_shared>> -> memref<128x64xf32, #tpu.memory_space<vmem_shared>>
      %dma_start3A_129 = arith.constant 0 : i32
      %dma_start3A_130 = tpu.memref_slice %arg17[%add3A_8, %dma_start3A_129] : memref<10240x64xf32, #tpu.memory_space<vmem_shared>> -> memref<128x64xf32, #tpu.memory_space<vmem_shared>>
      tpu.enqueue_dma source(%arg16 : memref<128x64xf32, #tpu.memory_space<vmem>>) target(%dma_start3A_130 : memref<128x64xf32, #tpu.memory_space<vmem_shared>>) target_semaphore(%run_scoped3A : memref<!tpu.dma_semaphore, #tpu.memory_space<semaphore_mem>>)
      %dma_wait3A_131 = arith.constant 0 : i32
      %dma_wait3A_132 = tpu.memref_slice %arg17[%add3A_8, %dma_wait3A_131] : memref<10240x64xf32, #tpu.memory_space<vmem_shared>> -> memref<128x64xf32, #tpu.memory_space<vmem_shared>>
      %dma_wait3A_133 = arith.constant 0 : i32
      %dma_wait3A_134 = tpu.memref_slice %arg17[%add3A_8, %dma_wait3A_133] : memref<10240x64xf32, #tpu.memory_space<vmem_shared>> -> memref<128x64xf32, #tpu.memory_space<vmem_shared>>
      tpu.wait_dma2 semaphore(%run_scoped3A : memref<!tpu.dma_semaphore, #tpu.memory_space<semaphore_mem>>) src(%arg16 : memref<128x64xf32, #tpu.memory_space<vmem>>) dst(%dma_wait3A_134 : memref<128x64xf32, #tpu.memory_space<vmem_shared>>)
      tpu.yield
    }) : () -> ()
    %add3A_9 = arith.constant 256 : i32
    %add3A_10 = arith.addi %mul3A_0, %add3A_9 : i32
    "tpu.region"() ({
      %run_scoped3A = tpu.sem_alloc : memref<!tpu.dma_semaphore, #tpu.memory_space<semaphore_mem>>
      %dma_start3A_127 = arith.constant 0 : i32
      %dma_start3A_128 = tpu.memref_slice %arg17[%add3A_10, %dma_start3A_127] : memref<10240x64xf32, #tpu.memory_space<vmem_shared>> -> memref<128x64xf32, #tpu.memory_space<vmem_shared>>
      %dma_start3A_129 = arith.constant 0 : i32
      %dma_start3A_130 = tpu.memref_slice %arg17[%add3A_10, %dma_start3A_129] : memref<10240x64xf32, #tpu.memory_space<vmem_shared>> -> memref<128x64xf32, #tpu.memory_space<vmem_shared>>
      tpu.enqueue_dma source(%arg16 : memref<128x64xf32, #tpu.memory_space<vmem>>) target(%dma_start3A_130 : memref<128x64xf32, #tpu.memory_space<vmem_shared>>) target_semaphore(%run_scoped3A : memref<!tpu.dma_semaphore, #tpu.memory_space<semaphore_mem>>)
      %dma_wait3A_131 = arith.constant 0 : i32
      %dma_wait3A_132 = tpu.memref_slice %arg17[%add3A_10, %dma_wait3A_131] : memref<10240x64xf32, #tpu.memory_space<vmem_shared>> -> memref<128x64xf32, #tpu.memory_space<vmem_shared>>
      %dma_wait3A_133 = arith.constant 0 : i32
      %dma_wait3A_134 = tpu.memref_slice %arg17[%add3A_10, %dma_wait3A_133] : memref<10240x64xf32, #tpu.memory_space<vmem_shared>> -> memref<128x64xf32, #tpu.memory_space<vmem_shared>>
      tpu.wait_dma2 semaphore(%run_scoped3A : memref<!tpu.dma_semaphore, #tpu.memory_space<semaphore_mem>>) src(%arg16 : memref<128x64xf32, #tpu.memory_space<vmem>>) dst(%dma_wait3A_134 : memref<128x64xf32, #tpu.memory_space<vmem_shared>>)
      tpu.yield
    }) : () -> ()
    %add3A_11 = arith.constant 384 : i32
    %add3A_12 = arith.addi %mul3A_0, %add3A_11 : i32
    "tpu.region"() ({
      %run_scoped3A = tpu.sem_alloc : memref<!tpu.dma_semaphore, #tpu.memory_space<semaphore_mem>>
      %dma_start3A_127 = arith.constant 0 : i32
      %dma_start3A_128 = tpu.memref_slice %arg17[%add3A_12, %dma_start3A_127] : memref<10240x64xf32, #tpu.memory_space<vmem_shared>> -> memref<128x64xf32, #tpu.memory_space<vmem_shared>>
      %dma_start3A_129 = arith.constant 0 : i32
      %dma_start3A_130 = tpu.memref_slice %arg17[%add3A_12, %dma_start3A_129] : memref<10240x64xf32, #tpu.memory_space<vmem_shared>> -> memref<128x64xf32, #tpu.memory_space<vmem_shared>>
      tpu.enqueue_dma source(%arg16 : memref<128x64xf32, #tpu.memory_space<vmem>>) target(%dma_start3A_130 : memref<128x64xf32, #tpu.memory_space<vmem_shared>>) target_semaphore(%run_scoped3A : memref<!tpu.dma_semaphore, #tpu.memory_space<semaphore_mem>>)
      %dma_wait3A_131 = arith.constant 0 : i32
      %dma_wait3A_132 = tpu.memref_slice %arg17[%add3A_12, %dma_wait3A_131] : memref<10240x64xf32, #tpu.memory_space<vmem_shared>> -> memref<128x64xf32, #tpu.memory_space<vmem_shared>>
      %dma_wait3A_133 = arith.constant 0 : i32
      %dma_wait3A_134 = tpu.memref_slice %arg17[%add3A_12, %dma_wait3A_133] : memref<10240x64xf32, #tpu.memory_space<vmem_shared>> -> memref<128x64xf32, #tpu.memory_space<vmem_shared>>
      tpu.wait_dma2 semaphore(%run_scoped3A : memref<!tpu.dma_semaphore, #tpu.memory_space<semaphore_mem>>) src(%arg16 : memref<128x64xf32, #tpu.memory_space<vmem>>) dst(%dma_wait3A_134 : memref<128x64xf32, #tpu.memory_space<vmem_shared>>)
      tpu.yield
    }) : () -> ()
    %add3A_13 = arith.constant 512 : i32
    %add3A_14 = arith.addi %mul3A_0, %add3A_13 : i32
    "tpu.region"() ({
      %run_scoped3A = tpu.sem_alloc : memref<!tpu.dma_semaphore, #tpu.memory_space<semaphore_mem>>
      %dma_start3A_127 = arith.constant 0 : i32
      %dma_start3A_128 = tpu.memref_slice %arg17[%add3A_14, %dma_start3A_127] : memref<10240x64xf32, #tpu.memory_space<vmem_shared>> -> memref<128x64xf32, #tpu.memory_space<vmem_shared>>
      %dma_start3A_129 = arith.constant 0 : i32
      %dma_start3A_130 = tpu.memref_slice %arg17[%add3A_14, %dma_start3A_129] : memref<10240x64xf32, #tpu.memory_space<vmem_shared>> -> memref<128x64xf32, #tpu.memory_space<vmem_shared>>
      tpu.enqueue_dma source(%arg16 : memref<128x64xf32, #tpu.memory_space<vmem>>) target(%dma_start3A_130 : memref<128x64xf32, #tpu.memory_space<vmem_shared>>) target_semaphore(%run_scoped3A : memref<!tpu.dma_semaphore, #tpu.memory_space<semaphore_mem>>)
      %dma_wait3A_131 = arith.constant 0 : i32
      %dma_wait3A_132 = tpu.memref_slice %arg17[%add3A_14, %dma_wait3A_131] : memref<10240x64xf32, #tpu.memory_space<vmem_shared>> -> memref<128x64xf32, #tpu.memory_space<vmem_shared>>
      %dma_wait3A_133 = arith.constant 0 : i32
      %dma_wait3A_134 = tpu.memref_slice %arg17[%add3A_14, %dma_wait3A_133] : memref<10240x64xf32, #tpu.memory_space<vmem_shared>> -> memref<128x64xf32, #tpu.memory_space<vmem_shared>>
      tpu.wait_dma2 semaphore(%run_scoped3A : memref<!tpu.dma_semaphore, #tpu.memory_space<semaphore_mem>>) src(%arg16 : memref<128x64xf32, #tpu.memory_space<vmem>>) dst(%dma_wait3A_134 : memref<128x64xf32, #tpu.memory_space<vmem_shared>>)
      tpu.yield
    }) : () -> ()
    %barrier3A = arith.constant 0 : index
    tpu.barrier barrier_id(%barrier3A)
    %dma_start3A = arith.constant 0 : i32
    %dma_start3A_15 = arith.constant 0 : i32
    %dma_start3A_16 = tpu.memref_slice %arg6[%dma_start3A, %dma_start3A_15] : memref<250x80xi32, #tpu.memory_space<vmem>> -> memref<1x80xi32, #tpu.memory_space<vmem>>
    %dma_start3A_17 = tpu.memref_squeeze %dma_start3A_16 : memref<1x80xi32, #tpu.memory_space<vmem>> -> memref<80xi32, #tpu.memory_space<vmem>>
    %dma_start3A_18 = arith.constant 0 : i32
    %dma_start3A_19 = arith.constant 0 : i32
    %dma_start3A_20 = tpu.memref_slice %arg2[%dma_start3A_18, %dma_start3A_19] : memref<20000x64xf32, #tpu.memory_space<hbm>> -> memref<20000x64xf32, #tpu.memory_space<hbm>>
    tpu.enqueue_indirect_dma source(%dma_start3A_20 : memref<20000x64xf32, #tpu.memory_space<hbm>>) target(%arg8 : memref<80x64xf32, #tpu.memory_space<vmem>>) offsets(%dma_start3A_17 : memref<80xi32, #tpu.memory_space<vmem>>) semaphore(%arg18 : memref<!tpu.dma_semaphore, #tpu.memory_space<semaphore_mem>>)
    %dma_start3A_21 = arith.constant 1 : i32
    %dma_start3A_22 = arith.constant 0 : i32
    %dma_start3A_23 = tpu.memref_slice %arg6[%dma_start3A_21, %dma_start3A_22] : memref<250x80xi32, #tpu.memory_space<vmem>> -> memref<1x80xi32, #tpu.memory_space<vmem>>
    %dma_start3A_24 = tpu.memref_squeeze %dma_start3A_23 : memref<1x80xi32, #tpu.memory_space<vmem>> -> memref<80xi32, #tpu.memory_space<vmem>>
    %dma_start3A_25 = arith.constant 0 : i32
    %dma_start3A_26 = arith.constant 0 : i32
    %dma_start3A_27 = tpu.memref_slice %arg2[%dma_start3A_25, %dma_start3A_26] : memref<20000x64xf32, #tpu.memory_space<hbm>> -> memref<20000x64xf32, #tpu.memory_space<hbm>>
    tpu.enqueue_indirect_dma source(%dma_start3A_27 : memref<20000x64xf32, #tpu.memory_space<hbm>>) target(%arg9 : memref<80x64xf32, #tpu.memory_space<vmem>>) offsets(%dma_start3A_24 : memref<80xi32, #tpu.memory_space<vmem>>) semaphore(%arg19 : memref<!tpu.dma_semaphore, #tpu.memory_space<semaphore_mem>>)
    %dma_start3A_28 = arith.constant 2 : i32
    %dma_start3A_29 = arith.constant 0 : i32
    %dma_start3A_30 = tpu.memref_slice %arg6[%dma_start3A_28, %dma_start3A_29] : memref<250x80xi32, #tpu.memory_space<vmem>> -> memref<1x80xi32, #tpu.memory_space<vmem>>
    %dma_start3A_31 = tpu.memref_squeeze %dma_start3A_30 : memref<1x80xi32, #tpu.memory_space<vmem>> -> memref<80xi32, #tpu.memory_space<vmem>>
    %dma_start3A_32 = arith.constant 0 : i32
    %dma_start3A_33 = arith.constant 0 : i32
    %dma_start3A_34 = tpu.memref_slice %arg2[%dma_start3A_32, %dma_start3A_33] : memref<20000x64xf32, #tpu.memory_space<hbm>> -> memref<20000x64xf32, #tpu.memory_space<hbm>>
    tpu.enqueue_indirect_dma source(%dma_start3A_34 : memref<20000x64xf32, #tpu.memory_space<hbm>>) target(%arg10 : memref<80x64xf32, #tpu.memory_space<vmem>>) offsets(%dma_start3A_31 : memref<80xi32, #tpu.memory_space<vmem>>) semaphore(%arg20 : memref<!tpu.dma_semaphore, #tpu.memory_space<semaphore_mem>>)
    %dma_start3A_35 = arith.constant 3 : i32
    %dma_start3A_36 = arith.constant 0 : i32
    %dma_start3A_37 = tpu.memref_slice %arg6[%dma_start3A_35, %dma_start3A_36] : memref<250x80xi32, #tpu.memory_space<vmem>> -> memref<1x80xi32, #tpu.memory_space<vmem>>
    %dma_start3A_38 = tpu.memref_squeeze %dma_start3A_37 : memref<1x80xi32, #tpu.memory_space<vmem>> -> memref<80xi32, #tpu.memory_space<vmem>>
    %dma_start3A_39 = arith.constant 0 : i32
    %dma_start3A_40 = arith.constant 0 : i32
    %dma_start3A_41 = tpu.memref_slice %arg2[%dma_start3A_39, %dma_start3A_40] : memref<20000x64xf32, #tpu.memory_space<hbm>> -> memref<20000x64xf32, #tpu.memory_space<hbm>>
    tpu.enqueue_indirect_dma source(%dma_start3A_41 : memref<20000x64xf32, #tpu.memory_space<hbm>>) target(%arg11 : memref<80x64xf32, #tpu.memory_space<vmem>>) offsets(%dma_start3A_38 : memref<80xi32, #tpu.memory_space<vmem>>) semaphore(%arg21 : memref<!tpu.dma_semaphore, #tpu.memory_space<semaphore_mem>>)
    %dma_start3A_42 = arith.constant 4 : i32
    %dma_start3A_43 = arith.constant 0 : i32
    %dma_start3A_44 = tpu.memref_slice %arg6[%dma_start3A_42, %dma_start3A_43] : memref<250x80xi32, #tpu.memory_space<vmem>> -> memref<1x80xi32, #tpu.memory_space<vmem>>
    %dma_start3A_45 = tpu.memref_squeeze %dma_start3A_44 : memref<1x80xi32, #tpu.memory_space<vmem>> -> memref<80xi32, #tpu.memory_space<vmem>>
    %dma_start3A_46 = arith.constant 0 : i32
    %dma_start3A_47 = arith.constant 0 : i32
    %dma_start3A_48 = tpu.memref_slice %arg2[%dma_start3A_46, %dma_start3A_47] : memref<20000x64xf32, #tpu.memory_space<hbm>> -> memref<20000x64xf32, #tpu.memory_space<hbm>>
    tpu.enqueue_indirect_dma source(%dma_start3A_48 : memref<20000x64xf32, #tpu.memory_space<hbm>>) target(%arg12 : memref<80x64xf32, #tpu.memory_space<vmem>>) offsets(%dma_start3A_45 : memref<80xi32, #tpu.memory_space<vmem>>) semaphore(%arg22 : memref<!tpu.dma_semaphore, #tpu.memory_space<semaphore_mem>>)
    %dma_start3A_49 = arith.constant 5 : i32
    %dma_start3A_50 = arith.constant 0 : i32
    %dma_start3A_51 = tpu.memref_slice %arg6[%dma_start3A_49, %dma_start3A_50] : memref<250x80xi32, #tpu.memory_space<vmem>> -> memref<1x80xi32, #tpu.memory_space<vmem>>
    %dma_start3A_52 = tpu.memref_squeeze %dma_start3A_51 : memref<1x80xi32, #tpu.memory_space<vmem>> -> memref<80xi32, #tpu.memory_space<vmem>>
    %dma_start3A_53 = arith.constant 0 : i32
    %dma_start3A_54 = arith.constant 0 : i32
    %dma_start3A_55 = tpu.memref_slice %arg2[%dma_start3A_53, %dma_start3A_54] : memref<20000x64xf32, #tpu.memory_space<hbm>> -> memref<20000x64xf32, #tpu.memory_space<hbm>>
    tpu.enqueue_indirect_dma source(%dma_start3A_55 : memref<20000x64xf32, #tpu.memory_space<hbm>>) target(%arg13 : memref<80x64xf32, #tpu.memory_space<vmem>>) offsets(%dma_start3A_52 : memref<80xi32, #tpu.memory_space<vmem>>) semaphore(%arg23 : memref<!tpu.dma_semaphore, #tpu.memory_space<semaphore_mem>>)
    %dma_start3A_56 = arith.constant 6 : i32
    %dma_start3A_57 = arith.constant 0 : i32
    %dma_start3A_58 = tpu.memref_slice %arg6[%dma_start3A_56, %dma_start3A_57] : memref<250x80xi32, #tpu.memory_space<vmem>> -> memref<1x80xi32, #tpu.memory_space<vmem>>
    %dma_start3A_59 = tpu.memref_squeeze %dma_start3A_58 : memref<1x80xi32, #tpu.memory_space<vmem>> -> memref<80xi32, #tpu.memory_space<vmem>>
    %dma_start3A_60 = arith.constant 0 : i32
    %dma_start3A_61 = arith.constant 0 : i32
    %dma_start3A_62 = tpu.memref_slice %arg2[%dma_start3A_60, %dma_start3A_61] : memref<20000x64xf32, #tpu.memory_space<hbm>> -> memref<20000x64xf32, #tpu.memory_space<hbm>>
    tpu.enqueue_indirect_dma source(%dma_start3A_62 : memref<20000x64xf32, #tpu.memory_space<hbm>>) target(%arg14 : memref<80x64xf32, #tpu.memory_space<vmem>>) offsets(%dma_start3A_59 : memref<80xi32, #tpu.memory_space<vmem>>) semaphore(%arg24 : memref<!tpu.dma_semaphore, #tpu.memory_space<semaphore_mem>>)
    %dma_start3A_63 = arith.constant 7 : i32
    %dma_start3A_64 = arith.constant 0 : i32
    %dma_start3A_65 = tpu.memref_slice %arg6[%dma_start3A_63, %dma_start3A_64] : memref<250x80xi32, #tpu.memory_space<vmem>> -> memref<1x80xi32, #tpu.memory_space<vmem>>
    %dma_start3A_66 = tpu.memref_squeeze %dma_start3A_65 : memref<1x80xi32, #tpu.memory_space<vmem>> -> memref<80xi32, #tpu.memory_space<vmem>>
    %dma_start3A_67 = arith.constant 0 : i32
    %dma_start3A_68 = arith.constant 0 : i32
    %dma_start3A_69 = tpu.memref_slice %arg2[%dma_start3A_67, %dma_start3A_68] : memref<20000x64xf32, #tpu.memory_space<hbm>> -> memref<20000x64xf32, #tpu.memory_space<hbm>>
    tpu.enqueue_indirect_dma source(%dma_start3A_69 : memref<20000x64xf32, #tpu.memory_space<hbm>>) target(%arg15 : memref<80x64xf32, #tpu.memory_space<vmem>>) offsets(%dma_start3A_66 : memref<80xi32, #tpu.memory_space<vmem>>) semaphore(%arg25 : memref<!tpu.dma_semaphore, #tpu.memory_space<semaphore_mem>>)
    %scan3A_70 = arith.constant 0 : i32
    %scan3A_71 = arith.constant 31 : i32
    %scan3A_72 = arith.addi %scan3A_70, %scan3A_71 : i32
    %scan3A_73 = arith.constant 1 : i32
    scf.for %scan3A_127 = %scan3A_70 to %scan3A_72 step %scan3A_73  : i32 {
      %mul3A_128 = arith.constant 8 : i32
      %mul3A_129 = arith.muli %scan3A_127, %mul3A_128 : i32
      %add3A_130 = arith.constant 0 : i32
      %add3A_131 = arith.addi %add3A_130, %mul3A_129 : i32
      %add3A_132 = arith.constant 0 : i32
      %add3A_133 = arith.addi %add3A_131, %add3A_132 : i32
      %dma_wait3A_134 = arith.constant 0 : i32
      %dma_wait3A_135 = tpu.memref_slice %arg6[%add3A_133, %dma_wait3A_134] : memref<250x80xi32, #tpu.memory_space<vmem>> -> memref<1x80xi32, #tpu.memory_space<vmem>>
      %dma_wait3A_136 = tpu.memref_squeeze %dma_wait3A_135 : memref<1x80xi32, #tpu.memory_space<vmem>> -> memref<80xi32, #tpu.memory_space<vmem>>
      %dma_wait3A_137 = arith.constant 0 : i32
      %dma_wait3A_138 = arith.constant 0 : i32
      %dma_wait3A_139 = tpu.memref_slice %arg2[%dma_wait3A_137, %dma_wait3A_138] : memref<20000x64xf32, #tpu.memory_space<hbm>> -> memref<20000x64xf32, #tpu.memory_space<hbm>>
      tpu.wait_indirect_dma semaphore(%arg18 : memref<!tpu.dma_semaphore, #tpu.memory_space<semaphore_mem>>) src(%dma_wait3A_139 : memref<20000x64xf32, #tpu.memory_space<hbm>>) dst(%arg8 : memref<80x64xf32, #tpu.memory_space<vmem>>)
      %add3A_140 = arith.constant 0 : i32
      %add3A_141 = arith.addi %add3A_131, %add3A_140 : i32
      %dma_start3A_142 = arith.constant 0 : i32
      %dma_start3A_143 = tpu.memref_slice %arg7[%add3A_141, %dma_start3A_142] : memref<250x80xi32, #tpu.memory_space<vmem>> -> memref<1x80xi32, #tpu.memory_space<vmem>>
      %dma_start3A_144 = tpu.memref_squeeze %dma_start3A_143 : memref<1x80xi32, #tpu.memory_space<vmem>> -> memref<80xi32, #tpu.memory_space<vmem>>
      %dma_start3A_145 = arith.constant 0 : i32
      %dma_start3A_146 = arith.constant 0 : i32
      %dma_start3A_147 = tpu.memref_slice %arg17[%dma_start3A_145, %dma_start3A_146] : memref<10240x64xf32, #tpu.memory_space<vmem_shared>> -> memref<10240x64xf32, #tpu.memory_space<vmem_shared>>
      tpu.enqueue_indirect_dma source(%arg8 : memref<80x64xf32, #tpu.memory_space<vmem>>) target(%dma_start3A_147 : memref<10240x64xf32, #tpu.memory_space<vmem_shared>>) offsets(%dma_start3A_144 : memref<80xi32, #tpu.memory_space<vmem>>) semaphore(%arg26 : memref<!tpu.dma_semaphore, #tpu.memory_space<semaphore_mem>>) {add = true}
      %add3A_148 = arith.constant 1 : i32
      %add3A_149 = arith.addi %add3A_131, %add3A_148 : i32
      %dma_wait3A_150 = arith.constant 0 : i32
      %dma_wait3A_151 = tpu.memref_slice %arg6[%add3A_149, %dma_wait3A_150] : memref<250x80xi32, #tpu.memory_space<vmem>> -> memref<1x80xi32, #tpu.memory_space<vmem>>
      %dma_wait3A_152 = tpu.memref_squeeze %dma_wait3A_151 : memref<1x80xi32, #tpu.memory_space<vmem>> -> memref<80xi32, #tpu.memory_space<vmem>>
      %dma_wait3A_153 = arith.constant 0 : i32
      %dma_wait3A_154 = arith.constant 0 : i32
      %dma_wait3A_155 = tpu.memref_slice %arg2[%dma_wait3A_153, %dma_wait3A_154] : memref<20000x64xf32, #tpu.memory_space<hbm>> -> memref<20000x64xf32, #tpu.memory_space<hbm>>
      tpu.wait_indirect_dma semaphore(%arg19 : memref<!tpu.dma_semaphore, #tpu.memory_space<semaphore_mem>>) src(%dma_wait3A_155 : memref<20000x64xf32, #tpu.memory_space<hbm>>) dst(%arg9 : memref<80x64xf32, #tpu.memory_space<vmem>>)
      %add3A_156 = arith.constant 1 : i32
      %add3A_157 = arith.addi %add3A_131, %add3A_156 : i32
      %dma_start3A_158 = arith.constant 0 : i32
      %dma_start3A_159 = tpu.memref_slice %arg7[%add3A_157, %dma_start3A_158] : memref<250x80xi32, #tpu.memory_space<vmem>> -> memref<1x80xi32, #tpu.memory_space<vmem>>
      %dma_start3A_160 = tpu.memref_squeeze %dma_start3A_159 : memref<1x80xi32, #tpu.memory_space<vmem>> -> memref<80xi32, #tpu.memory_space<vmem>>
      %dma_start3A_161 = arith.constant 0 : i32
      %dma_start3A_162 = arith.constant 0 : i32
      %dma_start3A_163 = tpu.memref_slice %arg17[%dma_start3A_161, %dma_start3A_162] : memref<10240x64xf32, #tpu.memory_space<vmem_shared>> -> memref<10240x64xf32, #tpu.memory_space<vmem_shared>>
      tpu.enqueue_indirect_dma source(%arg9 : memref<80x64xf32, #tpu.memory_space<vmem>>) target(%dma_start3A_163 : memref<10240x64xf32, #tpu.memory_space<vmem_shared>>) offsets(%dma_start3A_160 : memref<80xi32, #tpu.memory_space<vmem>>) semaphore(%arg27 : memref<!tpu.dma_semaphore, #tpu.memory_space<semaphore_mem>>) {add = true}
      %add3A_164 = arith.constant 2 : i32
      %add3A_165 = arith.addi %add3A_131, %add3A_164 : i32
      %dma_wait3A_166 = arith.constant 0 : i32
      %dma_wait3A_167 = tpu.memref_slice %arg6[%add3A_165, %dma_wait3A_166] : memref<250x80xi32, #tpu.memory_space<vmem>> -> memref<1x80xi32, #tpu.memory_space<vmem>>
      %dma_wait3A_168 = tpu.memref_squeeze %dma_wait3A_167 : memref<1x80xi32, #tpu.memory_space<vmem>> -> memref<80xi32, #tpu.memory_space<vmem>>
      %dma_wait3A_169 = arith.constant 0 : i32
      %dma_wait3A_170 = arith.constant 0 : i32
      %dma_wait3A_171 = tpu.memref_slice %arg2[%dma_wait3A_169, %dma_wait3A_170] : memref<20000x64xf32, #tpu.memory_space<hbm>> -> memref<20000x64xf32, #tpu.memory_space<hbm>>
      tpu.wait_indirect_dma semaphore(%arg20 : memref<!tpu.dma_semaphore, #tpu.memory_space<semaphore_mem>>) src(%dma_wait3A_171 : memref<20000x64xf32, #tpu.memory_space<hbm>>) dst(%arg10 : memref<80x64xf32, #tpu.memory_space<vmem>>)
      %add3A_172 = arith.constant 2 : i32
      %add3A_173 = arith.addi %add3A_131, %add3A_172 : i32
      %dma_start3A_174 = arith.constant 0 : i32
      %dma_start3A_175 = tpu.memref_slice %arg7[%add3A_173, %dma_start3A_174] : memref<250x80xi32, #tpu.memory_space<vmem>> -> memref<1x80xi32, #tpu.memory_space<vmem>>
      %dma_start3A_176 = tpu.memref_squeeze %dma_start3A_175 : memref<1x80xi32, #tpu.memory_space<vmem>> -> memref<80xi32, #tpu.memory_space<vmem>>
      %dma_start3A_177 = arith.constant 0 : i32
      %dma_start3A_178 = arith.constant 0 : i32
      %dma_start3A_179 = tpu.memref_slice %arg17[%dma_start3A_177, %dma_start3A_178] : memref<10240x64xf32, #tpu.memory_space<vmem_shared>> -> memref<10240x64xf32, #tpu.memory_space<vmem_shared>>
      tpu.enqueue_indirect_dma source(%arg10 : memref<80x64xf32, #tpu.memory_space<vmem>>) target(%dma_start3A_179 : memref<10240x64xf32, #tpu.memory_space<vmem_shared>>) offsets(%dma_start3A_176 : memref<80xi32, #tpu.memory_space<vmem>>) semaphore(%arg28 : memref<!tpu.dma_semaphore, #tpu.memory_space<semaphore_mem>>) {add = true}
      %add3A_180 = arith.constant 3 : i32
      %add3A_181 = arith.addi %add3A_131, %add3A_180 : i32
      %dma_wait3A_182 = arith.constant 0 : i32
      %dma_wait3A_183 = tpu.memref_slice %arg6[%add3A_181, %dma_wait3A_182] : memref<250x80xi32, #tpu.memory_space<vmem>> -> memref<1x80xi32, #tpu.memory_space<vmem>>
      %dma_wait3A_184 = tpu.memref_squeeze %dma_wait3A_183 : memref<1x80xi32, #tpu.memory_space<vmem>> -> memref<80xi32, #tpu.memory_space<vmem>>
      %dma_wait3A_185 = arith.constant 0 : i32
      %dma_wait3A_186 = arith.constant 0 : i32
      %dma_wait3A_187 = tpu.memref_slice %arg2[%dma_wait3A_185, %dma_wait3A_186] : memref<20000x64xf32, #tpu.memory_space<hbm>> -> memref<20000x64xf32, #tpu.memory_space<hbm>>
      tpu.wait_indirect_dma semaphore(%arg21 : memref<!tpu.dma_semaphore, #tpu.memory_space<semaphore_mem>>) src(%dma_wait3A_187 : memref<20000x64xf32, #tpu.memory_space<hbm>>) dst(%arg11 : memref<80x64xf32, #tpu.memory_space<vmem>>)
      %add3A_188 = arith.constant 3 : i32
      %add3A_189 = arith.addi %add3A_131, %add3A_188 : i32
      %dma_start3A_190 = arith.constant 0 : i32
      %dma_start3A_191 = tpu.memref_slice %arg7[%add3A_189, %dma_start3A_190] : memref<250x80xi32, #tpu.memory_space<vmem>> -> memref<1x80xi32, #tpu.memory_space<vmem>>
      %dma_start3A_192 = tpu.memref_squeeze %dma_start3A_191 : memref<1x80xi32, #tpu.memory_space<vmem>> -> memref<80xi32, #tpu.memory_space<vmem>>
      %dma_start3A_193 = arith.constant 0 : i32
      %dma_start3A_194 = arith.constant 0 : i32
      %dma_start3A_195 = tpu.memref_slice %arg17[%dma_start3A_193, %dma_start3A_194] : memref<10240x64xf32, #tpu.memory_space<vmem_shared>> -> memref<10240x64xf32, #tpu.memory_space<vmem_shared>>
      tpu.enqueue_indirect_dma source(%arg11 : memref<80x64xf32, #tpu.memory_space<vmem>>) target(%dma_start3A_195 : memref<10240x64xf32, #tpu.memory_space<vmem_shared>>) offsets(%dma_start3A_192 : memref<80xi32, #tpu.memory_space<vmem>>) semaphore(%arg29 : memref<!tpu.dma_semaphore, #tpu.memory_space<semaphore_mem>>) {add = true}
      %add3A_196 = arith.constant 4 : i32
      %add3A_197 = arith.addi %add3A_131, %add3A_196 : i32
      %dma_wait3A_198 = arith.constant 0 : i32
      %dma_wait3A_199 = tpu.memref_slice %arg6[%add3A_197, %dma_wait3A_198] : memref<250x80xi32, #tpu.memory_space<vmem>> -> memref<1x80xi32, #tpu.memory_space<vmem>>
      %dma_wait3A_200 = tpu.memref_squeeze %dma_wait3A_199 : memref<1x80xi32, #tpu.memory_space<vmem>> -> memref<80xi32, #tpu.memory_space<vmem>>
      %dma_wait3A_201 = arith.constant 0 : i32
      %dma_wait3A_202 = arith.constant 0 : i32
      %dma_wait3A_203 = tpu.memref_slice %arg2[%dma_wait3A_201, %dma_wait3A_202] : memref<20000x64xf32, #tpu.memory_space<hbm>> -> memref<20000x64xf32, #tpu.memory_space<hbm>>
      tpu.wait_indirect_dma semaphore(%arg22 : memref<!tpu.dma_semaphore, #tpu.memory_space<semaphore_mem>>) src(%dma_wait3A_203 : memref<20000x64xf32, #tpu.memory_space<hbm>>) dst(%arg12 : memref<80x64xf32, #tpu.memory_space<vmem>>)
      %add3A_204 = arith.constant 4 : i32
      %add3A_205 = arith.addi %add3A_131, %add3A_204 : i32
      %dma_start3A_206 = arith.constant 0 : i32
      %dma_start3A_207 = tpu.memref_slice %arg7[%add3A_205, %dma_start3A_206] : memref<250x80xi32, #tpu.memory_space<vmem>> -> memref<1x80xi32, #tpu.memory_space<vmem>>
      %dma_start3A_208 = tpu.memref_squeeze %dma_start3A_207 : memref<1x80xi32, #tpu.memory_space<vmem>> -> memref<80xi32, #tpu.memory_space<vmem>>
      %dma_start3A_209 = arith.constant 0 : i32
      %dma_start3A_210 = arith.constant 0 : i32
      %dma_start3A_211 = tpu.memref_slice %arg17[%dma_start3A_209, %dma_start3A_210] : memref<10240x64xf32, #tpu.memory_space<vmem_shared>> -> memref<10240x64xf32, #tpu.memory_space<vmem_shared>>
      tpu.enqueue_indirect_dma source(%arg12 : memref<80x64xf32, #tpu.memory_space<vmem>>) target(%dma_start3A_211 : memref<10240x64xf32, #tpu.memory_space<vmem_shared>>) offsets(%dma_start3A_208 : memref<80xi32, #tpu.memory_space<vmem>>) semaphore(%arg30 : memref<!tpu.dma_semaphore, #tpu.memory_space<semaphore_mem>>) {add = true}
      %add3A_212 = arith.constant 5 : i32
      %add3A_213 = arith.addi %add3A_131, %add3A_212 : i32
      %dma_wait3A_214 = arith.constant 0 : i32
      %dma_wait3A_215 = tpu.memref_slice %arg6[%add3A_213, %dma_wait3A_214] : memref<250x80xi32, #tpu.memory_space<vmem>> -> memref<1x80xi32, #tpu.memory_space<vmem>>
      %dma_wait3A_216 = tpu.memref_squeeze %dma_wait3A_215 : memref<1x80xi32, #tpu.memory_space<vmem>> -> memref<80xi32, #tpu.memory_space<vmem>>
      %dma_wait3A_217 = arith.constant 0 : i32
      %dma_wait3A_218 = arith.constant 0 : i32
      %dma_wait3A_219 = tpu.memref_slice %arg2[%dma_wait3A_217, %dma_wait3A_218] : memref<20000x64xf32, #tpu.memory_space<hbm>> -> memref<20000x64xf32, #tpu.memory_space<hbm>>
      tpu.wait_indirect_dma semaphore(%arg23 : memref<!tpu.dma_semaphore, #tpu.memory_space<semaphore_mem>>) src(%dma_wait3A_219 : memref<20000x64xf32, #tpu.memory_space<hbm>>) dst(%arg13 : memref<80x64xf32, #tpu.memory_space<vmem>>)
      %add3A_220 = arith.constant 5 : i32
      %add3A_221 = arith.addi %add3A_131, %add3A_220 : i32
      %dma_start3A_222 = arith.constant 0 : i32
      %dma_start3A_223 = tpu.memref_slice %arg7[%add3A_221, %dma_start3A_222] : memref<250x80xi32, #tpu.memory_space<vmem>> -> memref<1x80xi32, #tpu.memory_space<vmem>>
      %dma_start3A_224 = tpu.memref_squeeze %dma_start3A_223 : memref<1x80xi32, #tpu.memory_space<vmem>> -> memref<80xi32, #tpu.memory_space<vmem>>
      %dma_start3A_225 = arith.constant 0 : i32
      %dma_start3A_226 = arith.constant 0 : i32
      %dma_start3A_227 = tpu.memref_slice %arg17[%dma_start3A_225, %dma_start3A_226] : memref<10240x64xf32, #tpu.memory_space<vmem_shared>> -> memref<10240x64xf32, #tpu.memory_space<vmem_shared>>
      tpu.enqueue_indirect_dma source(%arg13 : memref<80x64xf32, #tpu.memory_space<vmem>>) target(%dma_start3A_227 : memref<10240x64xf32, #tpu.memory_space<vmem_shared>>) offsets(%dma_start3A_224 : memref<80xi32, #tpu.memory_space<vmem>>) semaphore(%arg31 : memref<!tpu.dma_semaphore, #tpu.memory_space<semaphore_mem>>) {add = true}
      %add3A_228 = arith.constant 6 : i32
      %add3A_229 = arith.addi %add3A_131, %add3A_228 : i32
      %dma_wait3A_230 = arith.constant 0 : i32
      %dma_wait3A_231 = tpu.memref_slice %arg6[%add3A_229, %dma_wait3A_230] : memref<250x80xi32, #tpu.memory_space<vmem>> -> memref<1x80xi32, #tpu.memory_space<vmem>>
      %dma_wait3A_232 = tpu.memref_squeeze %dma_wait3A_231 : memref<1x80xi32, #tpu.memory_space<vmem>> -> memref<80xi32, #tpu.memory_space<vmem>>
      %dma_wait3A_233 = arith.constant 0 : i32
      %dma_wait3A_234 = arith.constant 0 : i32
      %dma_wait3A_235 = tpu.memref_slice %arg2[%dma_wait3A_233, %dma_wait3A_234] : memref<20000x64xf32, #tpu.memory_space<hbm>> -> memref<20000x64xf32, #tpu.memory_space<hbm>>
      tpu.wait_indirect_dma semaphore(%arg24 : memref<!tpu.dma_semaphore, #tpu.memory_space<semaphore_mem>>) src(%dma_wait3A_235 : memref<20000x64xf32, #tpu.memory_space<hbm>>) dst(%arg14 : memref<80x64xf32, #tpu.memory_space<vmem>>)
      %add3A_236 = arith.constant 6 : i32
      %add3A_237 = arith.addi %add3A_131, %add3A_236 : i32
      %dma_start3A_238 = arith.constant 0 : i32
      %dma_start3A_239 = tpu.memref_slice %arg7[%add3A_237, %dma_start3A_238] : memref<250x80xi32, #tpu.memory_space<vmem>> -> memref<1x80xi32, #tpu.memory_space<vmem>>
      %dma_start3A_240 = tpu.memref_squeeze %dma_start3A_239 : memref<1x80xi32, #tpu.memory_space<vmem>> -> memref<80xi32, #tpu.memory_space<vmem>>
      %dma_start3A_241 = arith.constant 0 : i32
      %dma_start3A_242 = arith.constant 0 : i32
      %dma_start3A_243 = tpu.memref_slice %arg17[%dma_start3A_241, %dma_start3A_242] : memref<10240x64xf32, #tpu.memory_space<vmem_shared>> -> memref<10240x64xf32, #tpu.memory_space<vmem_shared>>
      tpu.enqueue_indirect_dma source(%arg14 : memref<80x64xf32, #tpu.memory_space<vmem>>) target(%dma_start3A_243 : memref<10240x64xf32, #tpu.memory_space<vmem_shared>>) offsets(%dma_start3A_240 : memref<80xi32, #tpu.memory_space<vmem>>) semaphore(%arg32 : memref<!tpu.dma_semaphore, #tpu.memory_space<semaphore_mem>>) {add = true}
      %add3A_244 = arith.constant 7 : i32
      %add3A_245 = arith.addi %add3A_131, %add3A_244 : i32
      %dma_wait3A_246 = arith.constant 0 : i32
      %dma_wait3A_247 = tpu.memref_slice %arg6[%add3A_245, %dma_wait3A_246] : memref<250x80xi32, #tpu.memory_space<vmem>> -> memref<1x80xi32, #tpu.memory_space<vmem>>
      %dma_wait3A_248 = tpu.memref_squeeze %dma_wait3A_247 : memref<1x80xi32, #tpu.memory_space<vmem>> -> memref<80xi32, #tpu.memory_space<vmem>>
      %dma_wait3A_249 = arith.constant 0 : i32
      %dma_wait3A_250 = arith.constant 0 : i32
      %dma_wait3A_251 = tpu.memref_slice %arg2[%dma_wait3A_249, %dma_wait3A_250] : memref<20000x64xf32, #tpu.memory_space<hbm>> -> memref<20000x64xf32, #tpu.memory_space<hbm>>
      tpu.wait_indirect_dma semaphore(%arg25 : memref<!tpu.dma_semaphore, #tpu.memory_space<semaphore_mem>>) src(%dma_wait3A_251 : memref<20000x64xf32, #tpu.memory_space<hbm>>) dst(%arg15 : memref<80x64xf32, #tpu.memory_space<vmem>>)
      %add3A_252 = arith.constant 7 : i32
      %add3A_253 = arith.addi %add3A_131, %add3A_252 : i32
      %dma_start3A_254 = arith.constant 0 : i32
      %dma_start3A_255 = tpu.memref_slice %arg7[%add3A_253, %dma_start3A_254] : memref<250x80xi32, #tpu.memory_space<vmem>> -> memref<1x80xi32, #tpu.memory_space<vmem>>
      %dma_start3A_256 = tpu.memref_squeeze %dma_start3A_255 : memref<1x80xi32, #tpu.memory_space<vmem>> -> memref<80xi32, #tpu.memory_space<vmem>>
      %dma_start3A_257 = arith.constant 0 : i32
      %dma_start3A_258 = arith.constant 0 : i32
      %dma_start3A_259 = tpu.memref_slice %arg17[%dma_start3A_257, %dma_start3A_258] : memref<10240x64xf32, #tpu.memory_space<vmem_shared>> -> memref<10240x64xf32, #tpu.memory_space<vmem_shared>>
      tpu.enqueue_indirect_dma source(%arg15 : memref<80x64xf32, #tpu.memory_space<vmem>>) target(%dma_start3A_259 : memref<10240x64xf32, #tpu.memory_space<vmem_shared>>) offsets(%dma_start3A_256 : memref<80xi32, #tpu.memory_space<vmem>>) semaphore(%arg33 : memref<!tpu.dma_semaphore, #tpu.memory_space<semaphore_mem>>) {add = true}
      %add3A_260 = arith.constant 0 : i32
      %add3A_261 = arith.addi %add3A_131, %add3A_260 : i32
      %dma_wait3A_262 = arith.constant 0 : i32
      %dma_wait3A_263 = tpu.memref_slice %arg7[%add3A_261, %dma_wait3A_262] : memref<250x80xi32, #tpu.memory_space<vmem>> -> memref<1x80xi32, #tpu.memory_space<vmem>>
      %dma_wait3A_264 = tpu.memref_squeeze %dma_wait3A_263 : memref<1x80xi32, #tpu.memory_space<vmem>> -> memref<80xi32, #tpu.memory_space<vmem>>
      %dma_wait3A_265 = arith.constant 0 : i32
      %dma_wait3A_266 = arith.constant 0 : i32
      %dma_wait3A_267 = tpu.memref_slice %arg17[%dma_wait3A_265, %dma_wait3A_266] : memref<10240x64xf32, #tpu.memory_space<vmem_shared>> -> memref<10240x64xf32, #tpu.memory_space<vmem_shared>>
      tpu.wait_indirect_dma semaphore(%arg26 : memref<!tpu.dma_semaphore, #tpu.memory_space<semaphore_mem>>) src(%arg8 : memref<80x64xf32, #tpu.memory_space<vmem>>) dst(%dma_wait3A_267 : memref<10240x64xf32, #tpu.memory_space<vmem_shared>>)
      %add3A_268 = arith.constant 0 : i32
      %add3A_269 = arith.addi %add3A_131, %add3A_268 : i32
      %add3A_270 = arith.constant 8 : i32
      %add3A_271 = arith.addi %add3A_269, %add3A_270 : i32
      %lt3A = arith.constant 250 : i32
      %lt3A_272 = arith.cmpi slt, %add3A_271, %lt3A : i32
      %convert_element_type3A = arith.extui %lt3A_272 : i1 to i32
      %cond3A = arith.constant 0 : i32
      %cond3A_273 = arith.cmpi ne, %convert_element_type3A, %cond3A : i32
      scf.if %cond3A_273 {
        %add3A_393 = arith.constant 0 : i32
        %add3A_394 = arith.addi %add3A_131, %add3A_393 : i32
        %add3A_395 = arith.constant 8 : i32
        %add3A_396 = arith.addi %add3A_394, %add3A_395 : i32
        %dma_start3A_397 = arith.constant 0 : i32
        %dma_start3A_398 = tpu.memref_slice %arg6[%add3A_396, %dma_start3A_397] : memref<250x80xi32, #tpu.memory_space<vmem>> -> memref<1x80xi32, #tpu.memory_space<vmem>>
        %dma_start3A_399 = tpu.memref_squeeze %dma_start3A_398 : memref<1x80xi32, #tpu.memory_space<vmem>> -> memref<80xi32, #tpu.memory_space<vmem>>
        %dma_start3A_400 = arith.constant 0 : i32
        %dma_start3A_401 = arith.constant 0 : i32
        %dma_start3A_402 = tpu.memref_slice %arg2[%dma_start3A_400, %dma_start3A_401] : memref<20000x64xf32, #tpu.memory_space<hbm>> -> memref<20000x64xf32, #tpu.memory_space<hbm>>
        tpu.enqueue_indirect_dma source(%dma_start3A_402 : memref<20000x64xf32, #tpu.memory_space<hbm>>) target(%arg8 : memref<80x64xf32, #tpu.memory_space<vmem>>) offsets(%dma_start3A_399 : memref<80xi32, #tpu.memory_space<vmem>>) semaphore(%arg18 : memref<!tpu.dma_semaphore, #tpu.memory_space<semaphore_mem>>)
      } else {
      }
      %add3A_274 = arith.constant 1 : i32
      %add3A_275 = arith.addi %add3A_131, %add3A_274 : i32
      %dma_wait3A_276 = arith.constant 0 : i32
      %dma_wait3A_277 = tpu.memref_slice %arg7[%add3A_275, %dma_wait3A_276] : memref<250x80xi32, #tpu.memory_space<vmem>> -> memref<1x80xi32, #tpu.memory_space<vmem>>
      %dma_wait3A_278 = tpu.memref_squeeze %dma_wait3A_277 : memref<1x80xi32, #tpu.memory_space<vmem>> -> memref<80xi32, #tpu.memory_space<vmem>>
      %dma_wait3A_279 = arith.constant 0 : i32
      %dma_wait3A_280 = arith.constant 0 : i32
      %dma_wait3A_281 = tpu.memref_slice %arg17[%dma_wait3A_279, %dma_wait3A_280] : memref<10240x64xf32, #tpu.memory_space<vmem_shared>> -> memref<10240x64xf32, #tpu.memory_space<vmem_shared>>
      tpu.wait_indirect_dma semaphore(%arg27 : memref<!tpu.dma_semaphore, #tpu.memory_space<semaphore_mem>>) src(%arg9 : memref<80x64xf32, #tpu.memory_space<vmem>>) dst(%dma_wait3A_281 : memref<10240x64xf32, #tpu.memory_space<vmem_shared>>)
      %add3A_282 = arith.constant 1 : i32
      %add3A_283 = arith.addi %add3A_131, %add3A_282 : i32
      %add3A_284 = arith.constant 8 : i32
      %add3A_285 = arith.addi %add3A_283, %add3A_284 : i32
      %lt3A_286 = arith.constant 250 : i32
      %lt3A_287 = arith.cmpi slt, %add3A_285, %lt3A_286 : i32
      %convert_element_type3A_288 = arith.extui %lt3A_287 : i1 to i32
      %cond3A_289 = arith.constant 0 : i32
      %cond3A_290 = arith.cmpi ne, %convert_element_type3A_288, %cond3A_289 : i32
      scf.if %cond3A_290 {
        %add3A_393 = arith.constant 1 : i32
        %add3A_394 = arith.addi %add3A_131, %add3A_393 : i32
        %add3A_395 = arith.constant 8 : i32
        %add3A_396 = arith.addi %add3A_394, %add3A_395 : i32
        %dma_start3A_397 = arith.constant 0 : i32
        %dma_start3A_398 = tpu.memref_slice %arg6[%add3A_396, %dma_start3A_397] : memref<250x80xi32, #tpu.memory_space<vmem>> -> memref<1x80xi32, #tpu.memory_space<vmem>>
        %dma_start3A_399 = tpu.memref_squeeze %dma_start3A_398 : memref<1x80xi32, #tpu.memory_space<vmem>> -> memref<80xi32, #tpu.memory_space<vmem>>
        %dma_start3A_400 = arith.constant 0 : i32
        %dma_start3A_401 = arith.constant 0 : i32
        %dma_start3A_402 = tpu.memref_slice %arg2[%dma_start3A_400, %dma_start3A_401] : memref<20000x64xf32, #tpu.memory_space<hbm>> -> memref<20000x64xf32, #tpu.memory_space<hbm>>
        tpu.enqueue_indirect_dma source(%dma_start3A_402 : memref<20000x64xf32, #tpu.memory_space<hbm>>) target(%arg9 : memref<80x64xf32, #tpu.memory_space<vmem>>) offsets(%dma_start3A_399 : memref<80xi32, #tpu.memory_space<vmem>>) semaphore(%arg19 : memref<!tpu.dma_semaphore, #tpu.memory_space<semaphore_mem>>)
      } else {
      }
      %add3A_291 = arith.constant 2 : i32
      %add3A_292 = arith.addi %add3A_131, %add3A_291 : i32
      %dma_wait3A_293 = arith.constant 0 : i32
      %dma_wait3A_294 = tpu.memref_slice %arg7[%add3A_292, %dma_wait3A_293] : memref<250x80xi32, #tpu.memory_space<vmem>> -> memref<1x80xi32, #tpu.memory_space<vmem>>
      %dma_wait3A_295 = tpu.memref_squeeze %dma_wait3A_294 : memref<1x80xi32, #tpu.memory_space<vmem>> -> memref<80xi32, #tpu.memory_space<vmem>>
      %dma_wait3A_296 = arith.constant 0 : i32
      %dma_wait3A_297 = arith.constant 0 : i32
      %dma_wait3A_298 = tpu.memref_slice %arg17[%dma_wait3A_296, %dma_wait3A_297] : memref<10240x64xf32, #tpu.memory_space<vmem_shared>> -> memref<10240x64xf32, #tpu.memory_space<vmem_shared>>
      tpu.wait_indirect_dma semaphore(%arg28 : memref<!tpu.dma_semaphore, #tpu.memory_space<semaphore_mem>>) src(%arg10 : memref<80x64xf32, #tpu.memory_space<vmem>>) dst(%dma_wait3A_298 : memref<10240x64xf32, #tpu.memory_space<vmem_shared>>)
      %add3A_299 = arith.constant 2 : i32
      %add3A_300 = arith.addi %add3A_131, %add3A_299 : i32
      %add3A_301 = arith.constant 8 : i32
      %add3A_302 = arith.addi %add3A_300, %add3A_301 : i32
      %lt3A_303 = arith.constant 250 : i32
      %lt3A_304 = arith.cmpi slt, %add3A_302, %lt3A_303 : i32
      %convert_element_type3A_305 = arith.extui %lt3A_304 : i1 to i32
      %cond3A_306 = arith.constant 0 : i32
      %cond3A_307 = arith.cmpi ne, %convert_element_type3A_305, %cond3A_306 : i32
      scf.if %cond3A_307 {
        %add3A_393 = arith.constant 2 : i32
        %add3A_394 = arith.addi %add3A_131, %add3A_393 : i32
        %add3A_395 = arith.constant 8 : i32
        %add3A_396 = arith.addi %add3A_394, %add3A_395 : i32
        %dma_start3A_397 = arith.constant 0 : i32
        %dma_start3A_398 = tpu.memref_slice %arg6[%add3A_396, %dma_start3A_397] : memref<250x80xi32, #tpu.memory_space<vmem>> -> memref<1x80xi32, #tpu.memory_space<vmem>>
        %dma_start3A_399 = tpu.memref_squeeze %dma_start3A_398 : memref<1x80xi32, #tpu.memory_space<vmem>> -> memref<80xi32, #tpu.memory_space<vmem>>
        %dma_start3A_400 = arith.constant 0 : i32
        %dma_start3A_401 = arith.constant 0 : i32
        %dma_start3A_402 = tpu.memref_slice %arg2[%dma_start3A_400, %dma_start3A_401] : memref<20000x64xf32, #tpu.memory_space<hbm>> -> memref<20000x64xf32, #tpu.memory_space<hbm>>
        tpu.enqueue_indirect_dma source(%dma_start3A_402 : memref<20000x64xf32, #tpu.memory_space<hbm>>) target(%arg10 : memref<80x64xf32, #tpu.memory_space<vmem>>) offsets(%dma_start3A_399 : memref<80xi32, #tpu.memory_space<vmem>>) semaphore(%arg20 : memref<!tpu.dma_semaphore, #tpu.memory_space<semaphore_mem>>)
      } else {
      }
      %add3A_308 = arith.constant 3 : i32
      %add3A_309 = arith.addi %add3A_131, %add3A_308 : i32
      %dma_wait3A_310 = arith.constant 0 : i32
      %dma_wait3A_311 = tpu.memref_slice %arg7[%add3A_309, %dma_wait3A_310] : memref<250x80xi32, #tpu.memory_space<vmem>> -> memref<1x80xi32, #tpu.memory_space<vmem>>
      %dma_wait3A_312 = tpu.memref_squeeze %dma_wait3A_311 : memref<1x80xi32, #tpu.memory_space<vmem>> -> memref<80xi32, #tpu.memory_space<vmem>>
      %dma_wait3A_313 = arith.constant 0 : i32
      %dma_wait3A_314 = arith.constant 0 : i32
      %dma_wait3A_315 = tpu.memref_slice %arg17[%dma_wait3A_313, %dma_wait3A_314] : memref<10240x64xf32, #tpu.memory_space<vmem_shared>> -> memref<10240x64xf32, #tpu.memory_space<vmem_shared>>
      tpu.wait_indirect_dma semaphore(%arg29 : memref<!tpu.dma_semaphore, #tpu.memory_space<semaphore_mem>>) src(%arg11 : memref<80x64xf32, #tpu.memory_space<vmem>>) dst(%dma_wait3A_315 : memref<10240x64xf32, #tpu.memory_space<vmem_shared>>)
      %add3A_316 = arith.constant 3 : i32
      %add3A_317 = arith.addi %add3A_131, %add3A_316 : i32
      %add3A_318 = arith.constant 8 : i32
      %add3A_319 = arith.addi %add3A_317, %add3A_318 : i32
      %lt3A_320 = arith.constant 250 : i32
      %lt3A_321 = arith.cmpi slt, %add3A_319, %lt3A_320 : i32
      %convert_element_type3A_322 = arith.extui %lt3A_321 : i1 to i32
      %cond3A_323 = arith.constant 0 : i32
      %cond3A_324 = arith.cmpi ne, %convert_element_type3A_322, %cond3A_323 : i32
      scf.if %cond3A_324 {
        %add3A_393 = arith.constant 3 : i32
        %add3A_394 = arith.addi %add3A_131, %add3A_393 : i32
        %add3A_395 = arith.constant 8 : i32
        %add3A_396 = arith.addi %add3A_394, %add3A_395 : i32
        %dma_start3A_397 = arith.constant 0 : i32
        %dma_start3A_398 = tpu.memref_slice %arg6[%add3A_396, %dma_start3A_397] : memref<250x80xi32, #tpu.memory_space<vmem>> -> memref<1x80xi32, #tpu.memory_space<vmem>>
        %dma_start3A_399 = tpu.memref_squeeze %dma_start3A_398 : memref<1x80xi32, #tpu.memory_space<vmem>> -> memref<80xi32, #tpu.memory_space<vmem>>
        %dma_start3A_400 = arith.constant 0 : i32
        %dma_start3A_401 = arith.constant 0 : i32
        %dma_start3A_402 = tpu.memref_slice %arg2[%dma_start3A_400, %dma_start3A_401] : memref<20000x64xf32, #tpu.memory_space<hbm>> -> memref<20000x64xf32, #tpu.memory_space<hbm>>
        tpu.enqueue_indirect_dma source(%dma_start3A_402 : memref<20000x64xf32, #tpu.memory_space<hbm>>) target(%arg11 : memref<80x64xf32, #tpu.memory_space<vmem>>) offsets(%dma_start3A_399 : memref<80xi32, #tpu.memory_space<vmem>>) semaphore(%arg21 : memref<!tpu.dma_semaphore, #tpu.memory_space<semaphore_mem>>)
      } else {
      }
      %add3A_325 = arith.constant 4 : i32
      %add3A_326 = arith.addi %add3A_131, %add3A_325 : i32
      %dma_wait3A_327 = arith.constant 0 : i32
      %dma_wait3A_328 = tpu.memref_slice %arg7[%add3A_326, %dma_wait3A_327] : memref<250x80xi32, #tpu.memory_space<vmem>> -> memref<1x80xi32, #tpu.memory_space<vmem>>
      %dma_wait3A_329 = tpu.memref_squeeze %dma_wait3A_328 : memref<1x80xi32, #tpu.memory_space<vmem>> -> memref<80xi32, #tpu.memory_space<vmem>>
      %dma_wait3A_330 = arith.constant 0 : i32
      %dma_wait3A_331 = arith.constant 0 : i32
      %dma_wait3A_332 = tpu.memref_slice %arg17[%dma_wait3A_330, %dma_wait3A_331] : memref<10240x64xf32, #tpu.memory_space<vmem_shared>> -> memref<10240x64xf32, #tpu.memory_space<vmem_shared>>
      tpu.wait_indirect_dma semaphore(%arg30 : memref<!tpu.dma_semaphore, #tpu.memory_space<semaphore_mem>>) src(%arg12 : memref<80x64xf32, #tpu.memory_space<vmem>>) dst(%dma_wait3A_332 : memref<10240x64xf32, #tpu.memory_space<vmem_shared>>)
      %add3A_333 = arith.constant 4 : i32
      %add3A_334 = arith.addi %add3A_131, %add3A_333 : i32
      %add3A_335 = arith.constant 8 : i32
      %add3A_336 = arith.addi %add3A_334, %add3A_335 : i32
      %lt3A_337 = arith.constant 250 : i32
      %lt3A_338 = arith.cmpi slt, %add3A_336, %lt3A_337 : i32
      %convert_element_type3A_339 = arith.extui %lt3A_338 : i1 to i32
      %cond3A_340 = arith.constant 0 : i32
      %cond3A_341 = arith.cmpi ne, %convert_element_type3A_339, %cond3A_340 : i32
      scf.if %cond3A_341 {
        %add3A_393 = arith.constant 4 : i32
        %add3A_394 = arith.addi %add3A_131, %add3A_393 : i32
        %add3A_395 = arith.constant 8 : i32
        %add3A_396 = arith.addi %add3A_394, %add3A_395 : i32
        %dma_start3A_397 = arith.constant 0 : i32
        %dma_start3A_398 = tpu.memref_slice %arg6[%add3A_396, %dma_start3A_397] : memref<250x80xi32, #tpu.memory_space<vmem>> -> memref<1x80xi32, #tpu.memory_space<vmem>>
        %dma_start3A_399 = tpu.memref_squeeze %dma_start3A_398 : memref<1x80xi32, #tpu.memory_space<vmem>> -> memref<80xi32, #tpu.memory_space<vmem>>
        %dma_start3A_400 = arith.constant 0 : i32
        %dma_start3A_401 = arith.constant 0 : i32
        %dma_start3A_402 = tpu.memref_slice %arg2[%dma_start3A_400, %dma_start3A_401] : memref<20000x64xf32, #tpu.memory_space<hbm>> -> memref<20000x64xf32, #tpu.memory_space<hbm>>
        tpu.enqueue_indirect_dma source(%dma_start3A_402 : memref<20000x64xf32, #tpu.memory_space<hbm>>) target(%arg12 : memref<80x64xf32, #tpu.memory_space<vmem>>) offsets(%dma_start3A_399 : memref<80xi32, #tpu.memory_space<vmem>>) semaphore(%arg22 : memref<!tpu.dma_semaphore, #tpu.memory_space<semaphore_mem>>)
      } else {
      }
      %add3A_342 = arith.constant 5 : i32
      %add3A_343 = arith.addi %add3A_131, %add3A_342 : i32
      %dma_wait3A_344 = arith.constant 0 : i32
      %dma_wait3A_345 = tpu.memref_slice %arg7[%add3A_343, %dma_wait3A_344] : memref<250x80xi32, #tpu.memory_space<vmem>> -> memref<1x80xi32, #tpu.memory_space<vmem>>
      %dma_wait3A_346 = tpu.memref_squeeze %dma_wait3A_345 : memref<1x80xi32, #tpu.memory_space<vmem>> -> memref<80xi32, #tpu.memory_space<vmem>>
      %dma_wait3A_347 = arith.constant 0 : i32
      %dma_wait3A_348 = arith.constant 0 : i32
      %dma_wait3A_349 = tpu.memref_slice %arg17[%dma_wait3A_347, %dma_wait3A_348] : memref<10240x64xf32, #tpu.memory_space<vmem_shared>> -> memref<10240x64xf32, #tpu.memory_space<vmem_shared>>
      tpu.wait_indirect_dma semaphore(%arg31 : memref<!tpu.dma_semaphore, #tpu.memory_space<semaphore_mem>>) src(%arg13 : memref<80x64xf32, #tpu.memory_space<vmem>>) dst(%dma_wait3A_349 : memref<10240x64xf32, #tpu.memory_space<vmem_shared>>)
      %add3A_350 = arith.constant 5 : i32
      %add3A_351 = arith.addi %add3A_131, %add3A_350 : i32
      %add3A_352 = arith.constant 8 : i32
      %add3A_353 = arith.addi %add3A_351, %add3A_352 : i32
      %lt3A_354 = arith.constant 250 : i32
      %lt3A_355 = arith.cmpi slt, %add3A_353, %lt3A_354 : i32
      %convert_element_type3A_356 = arith.extui %lt3A_355 : i1 to i32
      %cond3A_357 = arith.constant 0 : i32
      %cond3A_358 = arith.cmpi ne, %convert_element_type3A_356, %cond3A_357 : i32
      scf.if %cond3A_358 {
        %add3A_393 = arith.constant 5 : i32
        %add3A_394 = arith.addi %add3A_131, %add3A_393 : i32
        %add3A_395 = arith.constant 8 : i32
        %add3A_396 = arith.addi %add3A_394, %add3A_395 : i32
        %dma_start3A_397 = arith.constant 0 : i32
        %dma_start3A_398 = tpu.memref_slice %arg6[%add3A_396, %dma_start3A_397] : memref<250x80xi32, #tpu.memory_space<vmem>> -> memref<1x80xi32, #tpu.memory_space<vmem>>
        %dma_start3A_399 = tpu.memref_squeeze %dma_start3A_398 : memref<1x80xi32, #tpu.memory_space<vmem>> -> memref<80xi32, #tpu.memory_space<vmem>>
        %dma_start3A_400 = arith.constant 0 : i32
        %dma_start3A_401 = arith.constant 0 : i32
        %dma_start3A_402 = tpu.memref_slice %arg2[%dma_start3A_400, %dma_start3A_401] : memref<20000x64xf32, #tpu.memory_space<hbm>> -> memref<20000x64xf32, #tpu.memory_space<hbm>>
        tpu.enqueue_indirect_dma source(%dma_start3A_402 : memref<20000x64xf32, #tpu.memory_space<hbm>>) target(%arg13 : memref<80x64xf32, #tpu.memory_space<vmem>>) offsets(%dma_start3A_399 : memref<80xi32, #tpu.memory_space<vmem>>) semaphore(%arg23 : memref<!tpu.dma_semaphore, #tpu.memory_space<semaphore_mem>>)
      } else {
      }
      %add3A_359 = arith.constant 6 : i32
      %add3A_360 = arith.addi %add3A_131, %add3A_359 : i32
      %dma_wait3A_361 = arith.constant 0 : i32
      %dma_wait3A_362 = tpu.memref_slice %arg7[%add3A_360, %dma_wait3A_361] : memref<250x80xi32, #tpu.memory_space<vmem>> -> memref<1x80xi32, #tpu.memory_space<vmem>>
      %dma_wait3A_363 = tpu.memref_squeeze %dma_wait3A_362 : memref<1x80xi32, #tpu.memory_space<vmem>> -> memref<80xi32, #tpu.memory_space<vmem>>
      %dma_wait3A_364 = arith.constant 0 : i32
      %dma_wait3A_365 = arith.constant 0 : i32
      %dma_wait3A_366 = tpu.memref_slice %arg17[%dma_wait3A_364, %dma_wait3A_365] : memref<10240x64xf32, #tpu.memory_space<vmem_shared>> -> memref<10240x64xf32, #tpu.memory_space<vmem_shared>>
      tpu.wait_indirect_dma semaphore(%arg32 : memref<!tpu.dma_semaphore, #tpu.memory_space<semaphore_mem>>) src(%arg14 : memref<80x64xf32, #tpu.memory_space<vmem>>) dst(%dma_wait3A_366 : memref<10240x64xf32, #tpu.memory_space<vmem_shared>>)
      %add3A_367 = arith.constant 6 : i32
      %add3A_368 = arith.addi %add3A_131, %add3A_367 : i32
      %add3A_369 = arith.constant 8 : i32
      %add3A_370 = arith.addi %add3A_368, %add3A_369 : i32
      %lt3A_371 = arith.constant 250 : i32
      %lt3A_372 = arith.cmpi slt, %add3A_370, %lt3A_371 : i32
      %convert_element_type3A_373 = arith.extui %lt3A_372 : i1 to i32
      %cond3A_374 = arith.constant 0 : i32
      %cond3A_375 = arith.cmpi ne, %convert_element_type3A_373, %cond3A_374 : i32
      scf.if %cond3A_375 {
        %add3A_393 = arith.constant 6 : i32
        %add3A_394 = arith.addi %add3A_131, %add3A_393 : i32
        %add3A_395 = arith.constant 8 : i32
        %add3A_396 = arith.addi %add3A_394, %add3A_395 : i32
        %dma_start3A_397 = arith.constant 0 : i32
        %dma_start3A_398 = tpu.memref_slice %arg6[%add3A_396, %dma_start3A_397] : memref<250x80xi32, #tpu.memory_space<vmem>> -> memref<1x80xi32, #tpu.memory_space<vmem>>
        %dma_start3A_399 = tpu.memref_squeeze %dma_start3A_398 : memref<1x80xi32, #tpu.memory_space<vmem>> -> memref<80xi32, #tpu.memory_space<vmem>>
        %dma_start3A_400 = arith.constant 0 : i32
        %dma_start3A_401 = arith.constant 0 : i32
        %dma_start3A_402 = tpu.memref_slice %arg2[%dma_start3A_400, %dma_start3A_401] : memref<20000x64xf32, #tpu.memory_space<hbm>> -> memref<20000x64xf32, #tpu.memory_space<hbm>>
        tpu.enqueue_indirect_dma source(%dma_start3A_402 : memref<20000x64xf32, #tpu.memory_space<hbm>>) target(%arg14 : memref<80x64xf32, #tpu.memory_space<vmem>>) offsets(%dma_start3A_399 : memref<80xi32, #tpu.memory_space<vmem>>) semaphore(%arg24 : memref<!tpu.dma_semaphore, #tpu.memory_space<semaphore_mem>>)
      } else {
      }
      %add3A_376 = arith.constant 7 : i32
      %add3A_377 = arith.addi %add3A_131, %add3A_376 : i32
      %dma_wait3A_378 = arith.constant 0 : i32
      %dma_wait3A_379 = tpu.memref_slice %arg7[%add3A_377, %dma_wait3A_378] : memref<250x80xi32, #tpu.memory_space<vmem>> -> memref<1x80xi32, #tpu.memory_space<vmem>>
      %dma_wait3A_380 = tpu.memref_squeeze %dma_wait3A_379 : memref<1x80xi32, #tpu.memory_space<vmem>> -> memref<80xi32, #tpu.memory_space<vmem>>
      %dma_wait3A_381 = arith.constant 0 : i32
      %dma_wait3A_382 = arith.constant 0 : i32
      %dma_wait3A_383 = tpu.memref_slice %arg17[%dma_wait3A_381, %dma_wait3A_382] : memref<10240x64xf32, #tpu.memory_space<vmem_shared>> -> memref<10240x64xf32, #tpu.memory_space<vmem_shared>>
      tpu.wait_indirect_dma semaphore(%arg33 : memref<!tpu.dma_semaphore, #tpu.memory_space<semaphore_mem>>) src(%arg15 : memref<80x64xf32, #tpu.memory_space<vmem>>) dst(%dma_wait3A_383 : memref<10240x64xf32, #tpu.memory_space<vmem_shared>>)
      %add3A_384 = arith.constant 7 : i32
      %add3A_385 = arith.addi %add3A_131, %add3A_384 : i32
      %add3A_386 = arith.constant 8 : i32
      %add3A_387 = arith.addi %add3A_385, %add3A_386 : i32
      %lt3A_388 = arith.constant 250 : i32
      %lt3A_389 = arith.cmpi slt, %add3A_387, %lt3A_388 : i32
      %convert_element_type3A_390 = arith.extui %lt3A_389 : i1 to i32
      %cond3A_391 = arith.constant 0 : i32
      %cond3A_392 = arith.cmpi ne, %convert_element_type3A_390, %cond3A_391 : i32
      scf.if %cond3A_392 {
        %add3A_393 = arith.constant 7 : i32
        %add3A_394 = arith.addi %add3A_131, %add3A_393 : i32
        %add3A_395 = arith.constant 8 : i32
        %add3A_396 = arith.addi %add3A_394, %add3A_395 : i32
        %dma_start3A_397 = arith.constant 0 : i32
        %dma_start3A_398 = tpu.memref_slice %arg6[%add3A_396, %dma_start3A_397] : memref<250x80xi32, #tpu.memory_space<vmem>> -> memref<1x80xi32, #tpu.memory_space<vmem>>
        %dma_start3A_399 = tpu.memref_squeeze %dma_start3A_398 : memref<1x80xi32, #tpu.memory_space<vmem>> -> memref<80xi32, #tpu.memory_space<vmem>>
        %dma_start3A_400 = arith.constant 0 : i32
        %dma_start3A_401 = arith.constant 0 : i32
        %dma_start3A_402 = tpu.memref_slice %arg2[%dma_start3A_400, %dma_start3A_401] : memref<20000x64xf32, #tpu.memory_space<hbm>> -> memref<20000x64xf32, #tpu.memory_space<hbm>>
        tpu.enqueue_indirect_dma source(%dma_start3A_402 : memref<20000x64xf32, #tpu.memory_space<hbm>>) target(%arg15 : memref<80x64xf32, #tpu.memory_space<vmem>>) offsets(%dma_start3A_399 : memref<80xi32, #tpu.memory_space<vmem>>) semaphore(%arg25 : memref<!tpu.dma_semaphore, #tpu.memory_space<semaphore_mem>>)
      } else {
      }
    }
    %scan3A_74 = arith.constant 31 : i32
    %dma_wait3A = arith.constant 248 : i32
    %dma_wait3A_75 = arith.constant 0 : i32
    %dma_wait3A_76 = tpu.memref_slice %arg6[%dma_wait3A, %dma_wait3A_75] : memref<250x80xi32, #tpu.memory_space<vmem>> -> memref<1x80xi32, #tpu.memory_space<vmem>>
    %dma_wait3A_77 = tpu.memref_squeeze %dma_wait3A_76 : memref<1x80xi32, #tpu.memory_space<vmem>> -> memref<80xi32, #tpu.memory_space<vmem>>
    %dma_wait3A_78 = arith.constant 0 : i32
    %dma_wait3A_79 = arith.constant 0 : i32
    %dma_wait3A_80 = tpu.memref_slice %arg2[%dma_wait3A_78, %dma_wait3A_79] : memref<20000x64xf32, #tpu.memory_space<hbm>> -> memref<20000x64xf32, #tpu.memory_space<hbm>>
    tpu.wait_indirect_dma semaphore(%arg18 : memref<!tpu.dma_semaphore, #tpu.memory_space<semaphore_mem>>) src(%dma_wait3A_80 : memref<20000x64xf32, #tpu.memory_space<hbm>>) dst(%arg8 : memref<80x64xf32, #tpu.memory_space<vmem>>)
    %dma_start3A_81 = arith.constant 248 : i32
    %dma_start3A_82 = arith.constant 0 : i32
    %dma_start3A_83 = tpu.memref_slice %arg7[%dma_start3A_81, %dma_start3A_82] : memref<250x80xi32, #tpu.memory_space<vmem>> -> memref<1x80xi32, #tpu.memory_space<vmem>>
    %dma_start3A_84 = tpu.memref_squeeze %dma_start3A_83 : memref<1x80xi32, #tpu.memory_space<vmem>> -> memref<80xi32, #tpu.memory_space<vmem>>
    %dma_start3A_85 = arith.constant 0 : i32
    %dma_start3A_86 = arith.constant 0 : i32
    %dma_start3A_87 = tpu.memref_slice %arg17[%dma_start3A_85, %dma_start3A_86] : memref<10240x64xf32, #tpu.memory_space<vmem_shared>> -> memref<10240x64xf32, #tpu.memory_space<vmem_shared>>
    tpu.enqueue_indirect_dma source(%arg8 : memref<80x64xf32, #tpu.memory_space<vmem>>) target(%dma_start3A_87 : memref<10240x64xf32, #tpu.memory_space<vmem_shared>>) offsets(%dma_start3A_84 : memref<80xi32, #tpu.memory_space<vmem>>) semaphore(%arg26 : memref<!tpu.dma_semaphore, #tpu.memory_space<semaphore_mem>>) {add = true}
    %dma_wait3A_88 = arith.constant 249 : i32
    %dma_wait3A_89 = arith.constant 0 : i32
    %dma_wait3A_90 = tpu.memref_slice %arg6[%dma_wait3A_88, %dma_wait3A_89] : memref<250x80xi32, #tpu.memory_space<vmem>> -> memref<1x80xi32, #tpu.memory_space<vmem>>
    %dma_wait3A_91 = tpu.memref_squeeze %dma_wait3A_90 : memref<1x80xi32, #tpu.memory_space<vmem>> -> memref<80xi32, #tpu.memory_space<vmem>>
    %dma_wait3A_92 = arith.constant 0 : i32
    %dma_wait3A_93 = arith.constant 0 : i32
    %dma_wait3A_94 = tpu.memref_slice %arg2[%dma_wait3A_92, %dma_wait3A_93] : memref<20000x64xf32, #tpu.memory_space<hbm>> -> memref<20000x64xf32, #tpu.memory_space<hbm>>
    tpu.wait_indirect_dma semaphore(%arg19 : memref<!tpu.dma_semaphore, #tpu.memory_space<semaphore_mem>>) src(%dma_wait3A_94 : memref<20000x64xf32, #tpu.memory_space<hbm>>) dst(%arg9 : memref<80x64xf32, #tpu.memory_space<vmem>>)
    %dma_start3A_95 = arith.constant 249 : i32
    %dma_start3A_96 = arith.constant 0 : i32
    %dma_start3A_97 = tpu.memref_slice %arg7[%dma_start3A_95, %dma_start3A_96] : memref<250x80xi32, #tpu.memory_space<vmem>> -> memref<1x80xi32, #tpu.memory_space<vmem>>
    %dma_start3A_98 = tpu.memref_squeeze %dma_start3A_97 : memref<1x80xi32, #tpu.memory_space<vmem>> -> memref<80xi32, #tpu.memory_space<vmem>>
    %dma_start3A_99 = arith.constant 0 : i32
    %dma_start3A_100 = arith.constant 0 : i32
    %dma_start3A_101 = tpu.memref_slice %arg17[%dma_start3A_99, %dma_start3A_100] : memref<10240x64xf32, #tpu.memory_space<vmem_shared>> -> memref<10240x64xf32, #tpu.memory_space<vmem_shared>>
    tpu.enqueue_indirect_dma source(%arg9 : memref<80x64xf32, #tpu.memory_space<vmem>>) target(%dma_start3A_101 : memref<10240x64xf32, #tpu.memory_space<vmem_shared>>) offsets(%dma_start3A_98 : memref<80xi32, #tpu.memory_space<vmem>>) semaphore(%arg27 : memref<!tpu.dma_semaphore, #tpu.memory_space<semaphore_mem>>) {add = true}
    %dma_wait3A_102 = arith.constant 248 : i32
    %dma_wait3A_103 = arith.constant 0 : i32
    %dma_wait3A_104 = tpu.memref_slice %arg7[%dma_wait3A_102, %dma_wait3A_103] : memref<250x80xi32, #tpu.memory_space<vmem>> -> memref<1x80xi32, #tpu.memory_space<vmem>>
    %dma_wait3A_105 = tpu.memref_squeeze %dma_wait3A_104 : memref<1x80xi32, #tpu.memory_space<vmem>> -> memref<80xi32, #tpu.memory_space<vmem>>
    %dma_wait3A_106 = arith.constant 0 : i32
    %dma_wait3A_107 = arith.constant 0 : i32
    %dma_wait3A_108 = tpu.memref_slice %arg17[%dma_wait3A_106, %dma_wait3A_107] : memref<10240x64xf32, #tpu.memory_space<vmem_shared>> -> memref<10240x64xf32, #tpu.memory_space<vmem_shared>>
    tpu.wait_indirect_dma semaphore(%arg26 : memref<!tpu.dma_semaphore, #tpu.memory_space<semaphore_mem>>) src(%arg8 : memref<80x64xf32, #tpu.memory_space<vmem>>) dst(%dma_wait3A_108 : memref<10240x64xf32, #tpu.memory_space<vmem_shared>>)
    %dma_wait3A_109 = arith.constant 249 : i32
    %dma_wait3A_110 = arith.constant 0 : i32
    %dma_wait3A_111 = tpu.memref_slice %arg7[%dma_wait3A_109, %dma_wait3A_110] : memref<250x80xi32, #tpu.memory_space<vmem>> -> memref<1x80xi32, #tpu.memory_space<vmem>>
    %dma_wait3A_112 = tpu.memref_squeeze %dma_wait3A_111 : memref<1x80xi32, #tpu.memory_space<vmem>> -> memref<80xi32, #tpu.memory_space<vmem>>
    %dma_wait3A_113 = arith.constant 0 : i32
    %dma_wait3A_114 = arith.constant 0 : i32
    %dma_wait3A_115 = tpu.memref_slice %arg17[%dma_wait3A_113, %dma_wait3A_114] : memref<10240x64xf32, #tpu.memory_space<vmem_shared>> -> memref<10240x64xf32, #tpu.memory_space<vmem_shared>>
    tpu.wait_indirect_dma semaphore(%arg27 : memref<!tpu.dma_semaphore, #tpu.memory_space<semaphore_mem>>) src(%arg9 : memref<80x64xf32, #tpu.memory_space<vmem>>) dst(%dma_wait3A_115 : memref<10240x64xf32, #tpu.memory_space<vmem_shared>>)
    %barrier3A_116 = arith.constant 0 : index
    tpu.barrier barrier_id(%barrier3A_116)
    %add3A_117 = arith.constant 0 : i32
    %add3A_118 = arith.addi %mul3A_0, %add3A_117 : i32
    "tpu.region"() ({
      %run_scoped3A = tpu.sem_alloc : memref<!tpu.dma_semaphore, #tpu.memory_space<semaphore_mem>>
      %dma_start3A_127 = arith.constant 0 : i32
      %dma_start3A_128 = tpu.memref_slice %arg17[%add3A_118, %dma_start3A_127] : memref<10240x64xf32, #tpu.memory_space<vmem_shared>> -> memref<128x64xf32, #tpu.memory_space<vmem_shared>>
      %dma_start3A_129 = arith.constant 0 : i32
      %dma_start3A_130 = tpu.memref_slice %arg17[%add3A_118, %dma_start3A_129] : memref<10240x64xf32, #tpu.memory_space<vmem_shared>> -> memref<128x64xf32, #tpu.memory_space<vmem_shared>>
      tpu.enqueue_dma source(%dma_start3A_130 : memref<128x64xf32, #tpu.memory_space<vmem_shared>>) target(%arg16 : memref<128x64xf32, #tpu.memory_space<vmem>>) target_semaphore(%run_scoped3A : memref<!tpu.dma_semaphore, #tpu.memory_space<semaphore_mem>>)
      %dma_wait3A_131 = arith.constant 0 : i32
      %dma_wait3A_132 = tpu.memref_slice %arg17[%add3A_118, %dma_wait3A_131] : memref<10240x64xf32, #tpu.memory_space<vmem_shared>> -> memref<128x64xf32, #tpu.memory_space<vmem_shared>>
      %dma_wait3A_133 = arith.constant 0 : i32
      %dma_wait3A_134 = tpu.memref_slice %arg17[%add3A_118, %dma_wait3A_133] : memref<10240x64xf32, #tpu.memory_space<vmem_shared>> -> memref<128x64xf32, #tpu.memory_space<vmem_shared>>
      tpu.wait_dma2 semaphore(%run_scoped3A : memref<!tpu.dma_semaphore, #tpu.memory_space<semaphore_mem>>) src(%dma_wait3A_134 : memref<128x64xf32, #tpu.memory_space<vmem_shared>>) dst(%arg16 : memref<128x64xf32, #tpu.memory_space<vmem>>)
      tpu.yield
    }) : () -> ()
    "tpu.region"() ({
      %run_scoped3A = tpu.sem_alloc : memref<!tpu.dma_semaphore, #tpu.memory_space<semaphore_mem>>
      %dma_start3A_127 = arith.constant 0 : i32
      %dma_start3A_128 = arith.constant 0 : i32
      %dma_start3A_129 = tpu.memref_slice %arg5[%arg0, %dma_start3A_127, %dma_start3A_128] : memref<2x10240x64xf32, #tpu.memory_space<hbm>> -> memref<1x10240x64xf32, #tpu.memory_space<hbm>>
      %dma_start3A_130 = tpu.memref_squeeze %dma_start3A_129 : memref<1x10240x64xf32, #tpu.memory_space<hbm>> -> memref<10240x64xf32, #tpu.memory_space<hbm>>
      %dma_start3A_131 = arith.constant 0 : i32
      %dma_start3A_132 = tpu.memref_slice %dma_start3A_130[%add3A_118, %dma_start3A_131] : memref<10240x64xf32, #tpu.memory_space<hbm>> -> memref<128x64xf32, #tpu.memory_space<hbm>>
      %dma_start3A_133 = arith.constant 0 : i32
      %dma_start3A_134 = arith.constant 0 : i32
      %dma_start3A_135 = tpu.memref_slice %arg5[%arg0, %dma_start3A_133, %dma_start3A_134] : memref<2x10240x64xf32, #tpu.memory_space<hbm>> -> memref<1x10240x64xf32, #tpu.memory_space<hbm>>
      %dma_start3A_136 = tpu.memref_squeeze %dma_start3A_135 : memref<1x10240x64xf32, #tpu.memory_space<hbm>> -> memref<10240x64xf32, #tpu.memory_space<hbm>>
      %dma_start3A_137 = arith.constant 0 : i32
      %dma_start3A_138 = tpu.memref_slice %dma_start3A_136[%add3A_118, %dma_start3A_137] : memref<10240x64xf32, #tpu.memory_space<hbm>> -> memref<128x64xf32, #tpu.memory_space<hbm>>
      tpu.enqueue_dma source(%arg16 : memref<128x64xf32, #tpu.memory_space<vmem>>) target(%dma_start3A_138 : memref<128x64xf32, #tpu.memory_space<hbm>>) target_semaphore(%run_scoped3A : memref<!tpu.dma_semaphore, #tpu.memory_space<semaphore_mem>>)
      %dma_wait3A_139 = arith.constant 0 : i32
      %dma_wait3A_140 = arith.constant 0 : i32
      %dma_wait3A_141 = tpu.memref_slice %arg5[%arg0, %dma_wait3A_139, %dma_wait3A_140] : memref<2x10240x64xf32, #tpu.memory_space<hbm>> -> memref<1x10240x64xf32, #tpu.memory_space<hbm>>
      %dma_wait3A_142 = tpu.memref_squeeze %dma_wait3A_141 : memref<1x10240x64xf32, #tpu.memory_space<hbm>> -> memref<10240x64xf32, #tpu.memory_space<hbm>>
      %dma_wait3A_143 = arith.constant 0 : i32
      %dma_wait3A_144 = tpu.memref_slice %dma_wait3A_142[%add3A_118, %dma_wait3A_143] : memref<10240x64xf32, #tpu.memory_space<hbm>> -> memref<128x64xf32, #tpu.memory_space<hbm>>
      %dma_wait3A_145 = arith.constant 0 : i32
      %dma_wait3A_146 = arith.constant 0 : i32
      %dma_wait3A_147 = tpu.memref_slice %arg5[%arg0, %dma_wait3A_145, %dma_wait3A_146] : memref<2x10240x64xf32, #tpu.memory_space<hbm>> -> memref<1x10240x64xf32, #tpu.memory_space<hbm>>
      %dma_wait3A_148 = tpu.memref_squeeze %dma_wait3A_147 : memref<1x10240x64xf32, #tpu.memory_space<hbm>> -> memref<10240x64xf32, #tpu.memory_space<hbm>>
      %dma_wait3A_149 = arith.constant 0 : i32
      %dma_wait3A_150 = tpu.memref_slice %dma_wait3A_148[%add3A_118, %dma_wait3A_149] : memref<10240x64xf32, #tpu.memory_space<hbm>> -> memref<128x64xf32, #tpu.memory_space<hbm>>
      tpu.wait_dma2 semaphore(%run_scoped3A : memref<!tpu.dma_semaphore, #tpu.memory_space<semaphore_mem>>) src(%arg16 : memref<128x64xf32, #tpu.memory_space<vmem>>) dst(%dma_wait3A_150 : memref<128x64xf32, #tpu.memory_space<hbm>>)
      tpu.yield
    }) : () -> ()
    %add3A_119 = arith.constant 128 : i32
    %add3A_120 = arith.addi %mul3A_0, %add3A_119 : i32
    "tpu.region"() ({
      %run_scoped3A = tpu.sem_alloc : memref<!tpu.dma_semaphore, #tpu.memory_space<semaphore_mem>>
      %dma_start3A_127 = arith.constant 0 : i32
      %dma_start3A_128 = tpu.memref_slice %arg17[%add3A_120, %dma_start3A_127] : memref<10240x64xf32, #tpu.memory_space<vmem_shared>> -> memref<128x64xf32, #tpu.memory_space<vmem_shared>>
      %dma_start3A_129 = arith.constant 0 : i32
      %dma_start3A_130 = tpu.memref_slice %arg17[%add3A_120, %dma_start3A_129] : memref<10240x64xf32, #tpu.memory_space<vmem_shared>> -> memref<128x64xf32, #tpu.memory_space<vmem_shared>>
      tpu.enqueue_dma source(%dma_start3A_130 : memref<128x64xf32, #tpu.memory_space<vmem_shared>>) target(%arg16 : memref<128x64xf32, #tpu.memory_space<vmem>>) target_semaphore(%run_scoped3A : memref<!tpu.dma_semaphore, #tpu.memory_space<semaphore_mem>>)
      %dma_wait3A_131 = arith.constant 0 : i32
      %dma_wait3A_132 = tpu.memref_slice %arg17[%add3A_120, %dma_wait3A_131] : memref<10240x64xf32, #tpu.memory_space<vmem_shared>> -> memref<128x64xf32, #tpu.memory_space<vmem_shared>>
      %dma_wait3A_133 = arith.constant 0 : i32
      %dma_wait3A_134 = tpu.memref_slice %arg17[%add3A_120, %dma_wait3A_133] : memref<10240x64xf32, #tpu.memory_space<vmem_shared>> -> memref<128x64xf32, #tpu.memory_space<vmem_shared>>
      tpu.wait_dma2 semaphore(%run_scoped3A : memref<!tpu.dma_semaphore, #tpu.memory_space<semaphore_mem>>) src(%dma_wait3A_134 : memref<128x64xf32, #tpu.memory_space<vmem_shared>>) dst(%arg16 : memref<128x64xf32, #tpu.memory_space<vmem>>)
      tpu.yield
    }) : () -> ()
    "tpu.region"() ({
      %run_scoped3A = tpu.sem_alloc : memref<!tpu.dma_semaphore, #tpu.memory_space<semaphore_mem>>
      %dma_start3A_127 = arith.constant 0 : i32
      %dma_start3A_128 = arith.constant 0 : i32
      %dma_start3A_129 = tpu.memref_slice %arg5[%arg0, %dma_start3A_127, %dma_start3A_128] : memref<2x10240x64xf32, #tpu.memory_space<hbm>> -> memref<1x10240x64xf32, #tpu.memory_space<hbm>>
      %dma_start3A_130 = tpu.memref_squeeze %dma_start3A_129 : memref<1x10240x64xf32, #tpu.memory_space<hbm>> -> memref<10240x64xf32, #tpu.memory_space<hbm>>
      %dma_start3A_131 = arith.constant 0 : i32
      %dma_start3A_132 = tpu.memref_slice %dma_start3A_130[%add3A_120, %dma_start3A_131] : memref<10240x64xf32, #tpu.memory_space<hbm>> -> memref<128x64xf32, #tpu.memory_space<hbm>>
      %dma_start3A_133 = arith.constant 0 : i32
      %dma_start3A_134 = arith.constant 0 : i32
      %dma_start3A_135 = tpu.memref_slice %arg5[%arg0, %dma_start3A_133, %dma_start3A_134] : memref<2x10240x64xf32, #tpu.memory_space<hbm>> -> memref<1x10240x64xf32, #tpu.memory_space<hbm>>
      %dma_start3A_136 = tpu.memref_squeeze %dma_start3A_135 : memref<1x10240x64xf32, #tpu.memory_space<hbm>> -> memref<10240x64xf32, #tpu.memory_space<hbm>>
      %dma_start3A_137 = arith.constant 0 : i32
      %dma_start3A_138 = tpu.memref_slice %dma_start3A_136[%add3A_120, %dma_start3A_137] : memref<10240x64xf32, #tpu.memory_space<hbm>> -> memref<128x64xf32, #tpu.memory_space<hbm>>
      tpu.enqueue_dma source(%arg16 : memref<128x64xf32, #tpu.memory_space<vmem>>) target(%dma_start3A_138 : memref<128x64xf32, #tpu.memory_space<hbm>>) target_semaphore(%run_scoped3A : memref<!tpu.dma_semaphore, #tpu.memory_space<semaphore_mem>>)
      %dma_wait3A_139 = arith.constant 0 : i32
      %dma_wait3A_140 = arith.constant 0 : i32
      %dma_wait3A_141 = tpu.memref_slice %arg5[%arg0, %dma_wait3A_139, %dma_wait3A_140] : memref<2x10240x64xf32, #tpu.memory_space<hbm>> -> memref<1x10240x64xf32, #tpu.memory_space<hbm>>
      %dma_wait3A_142 = tpu.memref_squeeze %dma_wait3A_141 : memref<1x10240x64xf32, #tpu.memory_space<hbm>> -> memref<10240x64xf32, #tpu.memory_space<hbm>>
      %dma_wait3A_143 = arith.constant 0 : i32
      %dma_wait3A_144 = tpu.memref_slice %dma_wait3A_142[%add3A_120, %dma_wait3A_143] : memref<10240x64xf32, #tpu.memory_space<hbm>> -> memref<128x64xf32, #tpu.memory_space<hbm>>
      %dma_wait3A_145 = arith.constant 0 : i32
      %dma_wait3A_146 = arith.constant 0 : i32
      %dma_wait3A_147 = tpu.memref_slice %arg5[%arg0, %dma_wait3A_145, %dma_wait3A_146] : memref<2x10240x64xf32, #tpu.memory_space<hbm>> -> memref<1x10240x64xf32, #tpu.memory_space<hbm>>
      %dma_wait3A_148 = tpu.memref_squeeze %dma_wait3A_147 : memref<1x10240x64xf32, #tpu.memory_space<hbm>> -> memref<10240x64xf32, #tpu.memory_space<hbm>>
      %dma_wait3A_149 = arith.constant 0 : i32
      %dma_wait3A_150 = tpu.memref_slice %dma_wait3A_148[%add3A_120, %dma_wait3A_149] : memref<10240x64xf32, #tpu.memory_space<hbm>> -> memref<128x64xf32, #tpu.memory_space<hbm>>
      tpu.wait_dma2 semaphore(%run_scoped3A : memref<!tpu.dma_semaphore, #tpu.memory_space<semaphore_mem>>) src(%arg16 : memref<128x64xf32, #tpu.memory_space<vmem>>) dst(%dma_wait3A_150 : memref<128x64xf32, #tpu.memory_space<hbm>>)
      tpu.yield
    }) : () -> ()
    %add3A_121 = arith.constant 256 : i32
    %add3A_122 = arith.addi %mul3A_0, %add3A_121 : i32
    "tpu.region"() ({
      %run_scoped3A = tpu.sem_alloc : memref<!tpu.dma_semaphore, #tpu.memory_space<semaphore_mem>>
      %dma_start3A_127 = arith.constant 0 : i32
      %dma_start3A_128 = tpu.memref_slice %arg17[%add3A_122, %dma_start3A_127] : memref<10240x64xf32, #tpu.memory_space<vmem_shared>> -> memref<128x64xf32, #tpu.memory_space<vmem_shared>>
      %dma_start3A_129 = arith.constant 0 : i32
      %dma_start3A_130 = tpu.memref_slice %arg17[%add3A_122, %dma_start3A_129] : memref<10240x64xf32, #tpu.memory_space<vmem_shared>> -> memref<128x64xf32, #tpu.memory_space<vmem_shared>>
      tpu.enqueue_dma source(%dma_start3A_130 : memref<128x64xf32, #tpu.memory_space<vmem_shared>>) target(%arg16 : memref<128x64xf32, #tpu.memory_space<vmem>>) target_semaphore(%run_scoped3A : memref<!tpu.dma_semaphore, #tpu.memory_space<semaphore_mem>>)
      %dma_wait3A_131 = arith.constant 0 : i32
      %dma_wait3A_132 = tpu.memref_slice %arg17[%add3A_122, %dma_wait3A_131] : memref<10240x64xf32, #tpu.memory_space<vmem_shared>> -> memref<128x64xf32, #tpu.memory_space<vmem_shared>>
      %dma_wait3A_133 = arith.constant 0 : i32
      %dma_wait3A_134 = tpu.memref_slice %arg17[%add3A_122, %dma_wait3A_133] : memref<10240x64xf32, #tpu.memory_space<vmem_shared>> -> memref<128x64xf32, #tpu.memory_space<vmem_shared>>
      tpu.wait_dma2 semaphore(%run_scoped3A : memref<!tpu.dma_semaphore, #tpu.memory_space<semaphore_mem>>) src(%dma_wait3A_134 : memref<128x64xf32, #tpu.memory_space<vmem_shared>>) dst(%arg16 : memref<128x64xf32, #tpu.memory_space<vmem>>)
      tpu.yield
    }) : () -> ()
    "tpu.region"() ({
      %run_scoped3A = tpu.sem_alloc : memref<!tpu.dma_semaphore, #tpu.memory_space<semaphore_mem>>
      %dma_start3A_127 = arith.constant 0 : i32
      %dma_start3A_128 = arith.constant 0 : i32
      %dma_start3A_129 = tpu.memref_slice %arg5[%arg0, %dma_start3A_127, %dma_start3A_128] : memref<2x10240x64xf32, #tpu.memory_space<hbm>> -> memref<1x10240x64xf32, #tpu.memory_space<hbm>>
      %dma_start3A_130 = tpu.memref_squeeze %dma_start3A_129 : memref<1x10240x64xf32, #tpu.memory_space<hbm>> -> memref<10240x64xf32, #tpu.memory_space<hbm>>
      %dma_start3A_131 = arith.constant 0 : i32
      %dma_start3A_132 = tpu.memref_slice %dma_start3A_130[%add3A_122, %dma_start3A_131] : memref<10240x64xf32, #tpu.memory_space<hbm>> -> memref<128x64xf32, #tpu.memory_space<hbm>>
      %dma_start3A_133 = arith.constant 0 : i32
      %dma_start3A_134 = arith.constant 0 : i32
      %dma_start3A_135 = tpu.memref_slice %arg5[%arg0, %dma_start3A_133, %dma_start3A_134] : memref<2x10240x64xf32, #tpu.memory_space<hbm>> -> memref<1x10240x64xf32, #tpu.memory_space<hbm>>
      %dma_start3A_136 = tpu.memref_squeeze %dma_start3A_135 : memref<1x10240x64xf32, #tpu.memory_space<hbm>> -> memref<10240x64xf32, #tpu.memory_space<hbm>>
      %dma_start3A_137 = arith.constant 0 : i32
      %dma_start3A_138 = tpu.memref_slice %dma_start3A_136[%add3A_122, %dma_start3A_137] : memref<10240x64xf32, #tpu.memory_space<hbm>> -> memref<128x64xf32, #tpu.memory_space<hbm>>
      tpu.enqueue_dma source(%arg16 : memref<128x64xf32, #tpu.memory_space<vmem>>) target(%dma_start3A_138 : memref<128x64xf32, #tpu.memory_space<hbm>>) target_semaphore(%run_scoped3A : memref<!tpu.dma_semaphore, #tpu.memory_space<semaphore_mem>>)
      %dma_wait3A_139 = arith.constant 0 : i32
      %dma_wait3A_140 = arith.constant 0 : i32
      %dma_wait3A_141 = tpu.memref_slice %arg5[%arg0, %dma_wait3A_139, %dma_wait3A_140] : memref<2x10240x64xf32, #tpu.memory_space<hbm>> -> memref<1x10240x64xf32, #tpu.memory_space<hbm>>
      %dma_wait3A_142 = tpu.memref_squeeze %dma_wait3A_141 : memref<1x10240x64xf32, #tpu.memory_space<hbm>> -> memref<10240x64xf32, #tpu.memory_space<hbm>>
      %dma_wait3A_143 = arith.constant 0 : i32
      %dma_wait3A_144 = tpu.memref_slice %dma_wait3A_142[%add3A_122, %dma_wait3A_143] : memref<10240x64xf32, #tpu.memory_space<hbm>> -> memref<128x64xf32, #tpu.memory_space<hbm>>
      %dma_wait3A_145 = arith.constant 0 : i32
      %dma_wait3A_146 = arith.constant 0 : i32
      %dma_wait3A_147 = tpu.memref_slice %arg5[%arg0, %dma_wait3A_145, %dma_wait3A_146] : memref<2x10240x64xf32, #tpu.memory_space<hbm>> -> memref<1x10240x64xf32, #tpu.memory_space<hbm>>
      %dma_wait3A_148 = tpu.memref_squeeze %dma_wait3A_147 : memref<1x10240x64xf32, #tpu.memory_space<hbm>> -> memref<10240x64xf32, #tpu.memory_space<hbm>>
      %dma_wait3A_149 = arith.constant 0 : i32
      %dma_wait3A_150 = tpu.memref_slice %dma_wait3A_148[%add3A_122, %dma_wait3A_149] : memref<10240x64xf32, #tpu.memory_space<hbm>> -> memref<128x64xf32, #tpu.memory_space<hbm>>
      tpu.wait_dma2 semaphore(%run_scoped3A : memref<!tpu.dma_semaphore, #tpu.memory_space<semaphore_mem>>) src(%arg16 : memref<128x64xf32, #tpu.memory_space<vmem>>) dst(%dma_wait3A_150 : memref<128x64xf32, #tpu.memory_space<hbm>>)
      tpu.yield
    }) : () -> ()
    %add3A_123 = arith.constant 384 : i32
    %add3A_124 = arith.addi %mul3A_0, %add3A_123 : i32
    "tpu.region"() ({
      %run_scoped3A = tpu.sem_alloc : memref<!tpu.dma_semaphore, #tpu.memory_space<semaphore_mem>>
      %dma_start3A_127 = arith.constant 0 : i32
      %dma_start3A_128 = tpu.memref_slice %arg17[%add3A_124, %dma_start3A_127] : memref<10240x64xf32, #tpu.memory_space<vmem_shared>> -> memref<128x64xf32, #tpu.memory_space<vmem_shared>>
      %dma_start3A_129 = arith.constant 0 : i32
      %dma_start3A_130 = tpu.memref_slice %arg17[%add3A_124, %dma_start3A_129] : memref<10240x64xf32, #tpu.memory_space<vmem_shared>> -> memref<128x64xf32, #tpu.memory_space<vmem_shared>>
      tpu.enqueue_dma source(%dma_start3A_130 : memref<128x64xf32, #tpu.memory_space<vmem_shared>>) target(%arg16 : memref<128x64xf32, #tpu.memory_space<vmem>>) target_semaphore(%run_scoped3A : memref<!tpu.dma_semaphore, #tpu.memory_space<semaphore_mem>>)
      %dma_wait3A_131 = arith.constant 0 : i32
      %dma_wait3A_132 = tpu.memref_slice %arg17[%add3A_124, %dma_wait3A_131] : memref<10240x64xf32, #tpu.memory_space<vmem_shared>> -> memref<128x64xf32, #tpu.memory_space<vmem_shared>>
      %dma_wait3A_133 = arith.constant 0 : i32
      %dma_wait3A_134 = tpu.memref_slice %arg17[%add3A_124, %dma_wait3A_133] : memref<10240x64xf32, #tpu.memory_space<vmem_shared>> -> memref<128x64xf32, #tpu.memory_space<vmem_shared>>
      tpu.wait_dma2 semaphore(%run_scoped3A : memref<!tpu.dma_semaphore, #tpu.memory_space<semaphore_mem>>) src(%dma_wait3A_134 : memref<128x64xf32, #tpu.memory_space<vmem_shared>>) dst(%arg16 : memref<128x64xf32, #tpu.memory_space<vmem>>)
      tpu.yield
    }) : () -> ()
    "tpu.region"() ({
      %run_scoped3A = tpu.sem_alloc : memref<!tpu.dma_semaphore, #tpu.memory_space<semaphore_mem>>
      %dma_start3A_127 = arith.constant 0 : i32
      %dma_start3A_128 = arith.constant 0 : i32
      %dma_start3A_129 = tpu.memref_slice %arg5[%arg0, %dma_start3A_127, %dma_start3A_128] : memref<2x10240x64xf32, #tpu.memory_space<hbm>> -> memref<1x10240x64xf32, #tpu.memory_space<hbm>>
      %dma_start3A_130 = tpu.memref_squeeze %dma_start3A_129 : memref<1x10240x64xf32, #tpu.memory_space<hbm>> -> memref<10240x64xf32, #tpu.memory_space<hbm>>
      %dma_start3A_131 = arith.constant 0 : i32
      %dma_start3A_132 = tpu.memref_slice %dma_start3A_130[%add3A_124, %dma_start3A_131] : memref<10240x64xf32, #tpu.memory_space<hbm>> -> memref<128x64xf32, #tpu.memory_space<hbm>>
      %dma_start3A_133 = arith.constant 0 : i32
      %dma_start3A_134 = arith.constant 0 : i32
      %dma_start3A_135 = tpu.memref_slice %arg5[%arg0, %dma_start3A_133, %dma_start3A_134] : memref<2x10240x64xf32, #tpu.memory_space<hbm>> -> memref<1x10240x64xf32, #tpu.memory_space<hbm>>
      %dma_start3A_136 = tpu.memref_squeeze %dma_start3A_135 : memref<1x10240x64xf32, #tpu.memory_space<hbm>> -> memref<10240x64xf32, #tpu.memory_space<hbm>>
      %dma_start3A_137 = arith.constant 0 : i32
      %dma_start3A_138 = tpu.memref_slice %dma_start3A_136[%add3A_124, %dma_start3A_137] : memref<10240x64xf32, #tpu.memory_space<hbm>> -> memref<128x64xf32, #tpu.memory_space<hbm>>
      tpu.enqueue_dma source(%arg16 : memref<128x64xf32, #tpu.memory_space<vmem>>) target(%dma_start3A_138 : memref<128x64xf32, #tpu.memory_space<hbm>>) target_semaphore(%run_scoped3A : memref<!tpu.dma_semaphore, #tpu.memory_space<semaphore_mem>>)
      %dma_wait3A_139 = arith.constant 0 : i32
      %dma_wait3A_140 = arith.constant 0 : i32
      %dma_wait3A_141 = tpu.memref_slice %arg5[%arg0, %dma_wait3A_139, %dma_wait3A_140] : memref<2x10240x64xf32, #tpu.memory_space<hbm>> -> memref<1x10240x64xf32, #tpu.memory_space<hbm>>
      %dma_wait3A_142 = tpu.memref_squeeze %dma_wait3A_141 : memref<1x10240x64xf32, #tpu.memory_space<hbm>> -> memref<10240x64xf32, #tpu.memory_space<hbm>>
      %dma_wait3A_143 = arith.constant 0 : i32
      %dma_wait3A_144 = tpu.memref_slice %dma_wait3A_142[%add3A_124, %dma_wait3A_143] : memref<10240x64xf32, #tpu.memory_space<hbm>> -> memref<128x64xf32, #tpu.memory_space<hbm>>
      %dma_wait3A_145 = arith.constant 0 : i32
      %dma_wait3A_146 = arith.constant 0 : i32
      %dma_wait3A_147 = tpu.memref_slice %arg5[%arg0, %dma_wait3A_145, %dma_wait3A_146] : memref<2x10240x64xf32, #tpu.memory_space<hbm>> -> memref<1x10240x64xf32, #tpu.memory_space<hbm>>
      %dma_wait3A_148 = tpu.memref_squeeze %dma_wait3A_147 : memref<1x10240x64xf32, #tpu.memory_space<hbm>> -> memref<10240x64xf32, #tpu.memory_space<hbm>>
      %dma_wait3A_149 = arith.constant 0 : i32
      %dma_wait3A_150 = tpu.memref_slice %dma_wait3A_148[%add3A_124, %dma_wait3A_149] : memref<10240x64xf32, #tpu.memory_space<hbm>> -> memref<128x64xf32, #tpu.memory_space<hbm>>
      tpu.wait_dma2 semaphore(%run_scoped3A : memref<!tpu.dma_semaphore, #tpu.memory_space<semaphore_mem>>) src(%arg16 : memref<128x64xf32, #tpu.memory_space<vmem>>) dst(%dma_wait3A_150 : memref<128x64xf32, #tpu.memory_space<hbm>>)
      tpu.yield
    }) : () -> ()
    %add3A_125 = arith.constant 512 : i32
    %add3A_126 = arith.addi %mul3A_0, %add3A_125 : i32
    "tpu.region"() ({
      %run_scoped3A = tpu.sem_alloc : memref<!tpu.dma_semaphore, #tpu.memory_space<semaphore_mem>>
      %dma_start3A_127 = arith.constant 0 : i32
      %dma_start3A_128 = tpu.memref_slice %arg17[%add3A_126, %dma_start3A_127] : memref<10240x64xf32, #tpu.memory_space<vmem_shared>> -> memref<128x64xf32, #tpu.memory_space<vmem_shared>>
      %dma_start3A_129 = arith.constant 0 : i32
      %dma_start3A_130 = tpu.memref_slice %arg17[%add3A_126, %dma_start3A_129] : memref<10240x64xf32, #tpu.memory_space<vmem_shared>> -> memref<128x64xf32, #tpu.memory_space<vmem_shared>>
      tpu.enqueue_dma source(%dma_start3A_130 : memref<128x64xf32, #tpu.memory_space<vmem_shared>>) target(%arg16 : memref<128x64xf32, #tpu.memory_space<vmem>>) target_semaphore(%run_scoped3A : memref<!tpu.dma_semaphore, #tpu.memory_space<semaphore_mem>>)
      %dma_wait3A_131 = arith.constant 0 : i32
      %dma_wait3A_132 = tpu.memref_slice %arg17[%add3A_126, %dma_wait3A_131] : memref<10240x64xf32, #tpu.memory_space<vmem_shared>> -> memref<128x64xf32, #tpu.memory_space<vmem_shared>>
      %dma_wait3A_133 = arith.constant 0 : i32
      %dma_wait3A_134 = tpu.memref_slice %arg17[%add3A_126, %dma_wait3A_133] : memref<10240x64xf32, #tpu.memory_space<vmem_shared>> -> memref<128x64xf32, #tpu.memory_space<vmem_shared>>
      tpu.wait_dma2 semaphore(%run_scoped3A : memref<!tpu.dma_semaphore, #tpu.memory_space<semaphore_mem>>) src(%dma_wait3A_134 : memref<128x64xf32, #tpu.memory_space<vmem_shared>>) dst(%arg16 : memref<128x64xf32, #tpu.memory_space<vmem>>)
      tpu.yield
    }) : () -> ()
    "tpu.region"() ({
      %run_scoped3A = tpu.sem_alloc : memref<!tpu.dma_semaphore, #tpu.memory_space<semaphore_mem>>
      %dma_start3A_127 = arith.constant 0 : i32
      %dma_start3A_128 = arith.constant 0 : i32
      %dma_start3A_129 = tpu.memref_slice %arg5[%arg0, %dma_start3A_127, %dma_start3A_128] : memref<2x10240x64xf32, #tpu.memory_space<hbm>> -> memref<1x10240x64xf32, #tpu.memory_space<hbm>>
      %dma_start3A_130 = tpu.memref_squeeze %dma_start3A_129 : memref<1x10240x64xf32, #tpu.memory_space<hbm>> -> memref<10240x64xf32, #tpu.memory_space<hbm>>
      %dma_start3A_131 = arith.constant 0 : i32
      %dma_start3A_132 = tpu.memref_slice %dma_start3A_130[%add3A_126, %dma_start3A_131] : memref<10240x64xf32, #tpu.memory_space<hbm>> -> memref<128x64xf32, #tpu.memory_space<hbm>>
      %dma_start3A_133 = arith.constant 0 : i32
      %dma_start3A_134 = arith.constant 0 : i32
      %dma_start3A_135 = tpu.memref_slice %arg5[%arg0, %dma_start3A_133, %dma_start3A_134] : memref<2x10240x64xf32, #tpu.memory_space<hbm>> -> memref<1x10240x64xf32, #tpu.memory_space<hbm>>
      %dma_start3A_136 = tpu.memref_squeeze %dma_start3A_135 : memref<1x10240x64xf32, #tpu.memory_space<hbm>> -> memref<10240x64xf32, #tpu.memory_space<hbm>>
      %dma_start3A_137 = arith.constant 0 : i32
      %dma_start3A_138 = tpu.memref_slice %dma_start3A_136[%add3A_126, %dma_start3A_137] : memref<10240x64xf32, #tpu.memory_space<hbm>> -> memref<128x64xf32, #tpu.memory_space<hbm>>
      tpu.enqueue_dma source(%arg16 : memref<128x64xf32, #tpu.memory_space<vmem>>) target(%dma_start3A_138 : memref<128x64xf32, #tpu.memory_space<hbm>>) target_semaphore(%run_scoped3A : memref<!tpu.dma_semaphore, #tpu.memory_space<semaphore_mem>>)
      %dma_wait3A_139 = arith.constant 0 : i32
      %dma_wait3A_140 = arith.constant 0 : i32
      %dma_wait3A_141 = tpu.memref_slice %arg5[%arg0, %dma_wait3A_139, %dma_wait3A_140] : memref<2x10240x64xf32, #tpu.memory_space<hbm>> -> memref<1x10240x64xf32, #tpu.memory_space<hbm>>
      %dma_wait3A_142 = tpu.memref_squeeze %dma_wait3A_141 : memref<1x10240x64xf32, #tpu.memory_space<hbm>> -> memref<10240x64xf32, #tpu.memory_space<hbm>>
      %dma_wait3A_143 = arith.constant 0 : i32
      %dma_wait3A_144 = tpu.memref_slice %dma_wait3A_142[%add3A_126, %dma_wait3A_143] : memref<10240x64xf32, #tpu.memory_space<hbm>> -> memref<128x64xf32, #tpu.memory_space<hbm>>
      %dma_wait3A_145 = arith.constant 0 : i32
      %dma_wait3A_146 = arith.constant 0 : i32
      %dma_wait3A_147 = tpu.memref_slice %arg5[%arg0, %dma_wait3A_145, %dma_wait3A_146] : memref<2x10240x64xf32, #tpu.memory_space<hbm>> -> memref<1x10240x64xf32, #tpu.memory_space<hbm>>
      %dma_wait3A_148 = tpu.memref_squeeze %dma_wait3A_147 : memref<1x10240x64xf32, #tpu.memory_space<hbm>> -> memref<10240x64xf32, #tpu.memory_space<hbm>>
      %dma_wait3A_149 = arith.constant 0 : i32
      %dma_wait3A_150 = tpu.memref_slice %dma_wait3A_148[%add3A_126, %dma_wait3A_149] : memref<10240x64xf32, #tpu.memory_space<hbm>> -> memref<128x64xf32, #tpu.memory_space<hbm>>
      tpu.wait_dma2 semaphore(%run_scoped3A : memref<!tpu.dma_semaphore, #tpu.memory_space<semaphore_mem>>) src(%arg16 : memref<128x64xf32, #tpu.memory_space<vmem>>) dst(%dma_wait3A_150 : memref<128x64xf32, #tpu.memory_space<hbm>>)
      tpu.yield
    }) : () -> ()
    return
  }
}

#map = affine_map<(d0, d1) -> (0, 0)>
#map1 = affine_map<(d0, d1) -> (0, 0, 0, 0)>
#map2 = affine_map<(d0, d1) -> (0, 0, 0)>
module attributes {stable_mosaic.version = 14 : i64} {
  func.func @_scatter_body(%arg0: i32, %arg1: i32, %arg2: memref<20000x64xf32, #tpu.memory_space<hbm>>, %arg3: memref<2x16x250x80xi32, #tpu.memory_space<hbm>>, %arg4: memref<16x250x80xi32, #tpu.memory_space<hbm>>, %arg5: memref<2x10240x64xf32, #tpu.memory_space<hbm>>, %arg6: memref<250x80xi32, #tpu.memory_space<vmem>>, %arg7: memref<250x80xi32, #tpu.memory_space<vmem>>, %arg8: memref<80x64xf32, #tpu.memory_space<vmem>>, %arg9: memref<80x64xf32, #tpu.memory_space<vmem>>, %arg10: memref<80x64xf32, #tpu.memory_space<vmem>>, %arg11: memref<80x64xf32, #tpu.memory_space<vmem>>, %arg12: memref<80x64xf32, #tpu.memory_space<vmem>>, %arg13: memref<80x64xf32, #tpu.memory_space<vmem>>, %arg14: memref<80x64xf32, #tpu.memory_space<vmem>>, %arg15: memref<80x64xf32, #tpu.memory_space<vmem>>, %arg16: memref<128x64xf32, #tpu.memory_space<vmem>>, %arg17: memref<10240x64xf32, #tpu.memory_space<vmem_shared>>, %arg18: memref<!tpu.dma_semaphore, #tpu.memory_space<semaphore_mem>>, %arg19: memref<!tpu.dma_semaphore, #tpu.memory_space<semaphore_mem>>, %arg20: memref<!tpu.dma_semaphore, #tpu.memory_space<semaphore_mem>>, %arg21: memref<!tpu.dma_semaphore, #tpu.memory_space<semaphore_mem>>, %arg22: memref<!tpu.dma_semaphore, #tpu.memory_space<semaphore_mem>>, %arg23: memref<!tpu.dma_semaphore, #tpu.memory_space<semaphore_mem>>, %arg24: memref<!tpu.dma_semaphore, #tpu.memory_space<semaphore_mem>>, %arg25: memref<!tpu.dma_semaphore, #tpu.memory_space<semaphore_mem>>, %arg26: memref<!tpu.dma_semaphore, #tpu.memory_space<semaphore_mem>>, %arg27: memref<!tpu.dma_semaphore, #tpu.memory_space<semaphore_mem>>, %arg28: memref<!tpu.dma_semaphore, #tpu.memory_space<semaphore_mem>>, %arg29: memref<!tpu.dma_semaphore, #tpu.memory_space<semaphore_mem>>, %arg30: memref<!tpu.dma_semaphore, #tpu.memory_space<semaphore_mem>>, %arg31: memref<!tpu.dma_semaphore, #tpu.memory_space<semaphore_mem>>, %arg32: memref<!tpu.dma_semaphore, #tpu.memory_space<semaphore_mem>>, %arg33: memref<!tpu.dma_semaphore, #tpu.memory_space<semaphore_mem>>) attributes {dimension_semantics = [#tpu.dimension_semantics<core_parallel>, #tpu.dimension_semantics<subcore_parallel>], iteration_bounds = array<i64: 2, 16>, scalar_prefetch = 0 : i64, scratch_operands = 28 : i64, tpu.core_type = #tpu.core_type<sc_vector_subcore>, window_params = [{transform_indices = #map}, {transform_indices = #map1}, {transform_indices = #map2}, {transform_indices = #map2}]} {
    %mul3A = arith.constant 640 : i32
    %mul3A_0 = arith.muli %arg1, %mul3A : i32
    "tpu.region"() ({
      %run_scoped3A = tpu.sem_alloc : memref<!tpu.dma_semaphore, #tpu.memory_space<semaphore_mem>>
      %dma_start3A_127 = arith.constant 0 : i32
      %dma_start3A_128 = arith.constant 0 : i32
      %dma_start3A_129 = arith.constant 0 : i32
      %dma_start3A_130 = tpu.memref_slice %arg3[%arg0, %dma_start3A_127, %dma_start3A_128, %dma_start3A_129] : memref<2x16x250x80xi32, #tpu.memory_space<hbm>> -> memref<1x16x250x80xi32, #tpu.memory_space<hbm>>
      %dma_start3A_131 = tpu.memref_squeeze %dma_start3A_130 : memref<1x16x250x80xi32, #tpu.memory_space<hbm>> -> memref<16x250x80xi32, #tpu.memory_space<hbm>>
      %dma_start3A_132 = arith.constant 0 : i32
      %dma_start3A_133 = arith.constant 0 : i32
      %dma_start3A_134 = tpu.memref_slice %dma_start3A_131[%arg1, %dma_start3A_132, %dma_start3A_133] : memref<16x250x80xi32, #tpu.memory_space<hbm>> -> memref<1x250x80xi32, #tpu.memory_space<hbm>>
      %dma_start3A_135 = tpu.memref_squeeze %dma_start3A_134 : memref<1x250x80xi32, #tpu.memory_space<hbm>> -> memref<250x80xi32, #tpu.memory_space<hbm>>
      %dma_start3A_136 = arith.constant 0 : i32
      %dma_start3A_137 = arith.constant 0 : i32
      %dma_start3A_138 = arith.constant 0 : i32
      %dma_start3A_139 = tpu.memref_slice %arg3[%arg0, %dma_start3A_136, %dma_start3A_137, %dma_start3A_138] : memref<2x16x250x80xi32, #tpu.memory_space<hbm>> -> memref<1x16x250x80xi32, #tpu.memory_space<hbm>>
      %dma_start3A_140 = tpu.memref_squeeze %dma_start3A_139 : memref<1x16x250x80xi32, #tpu.memory_space<hbm>> -> memref<16x250x80xi32, #tpu.memory_space<hbm>>
      %dma_start3A_141 = arith.constant 0 : i32
      %dma_start3A_142 = arith.constant 0 : i32
      %dma_start3A_143 = tpu.memref_slice %dma_start3A_140[%arg1, %dma_start3A_141, %dma_start3A_142] : memref<16x250x80xi32, #tpu.memory_space<hbm>> -> memref<1x250x80xi32, #tpu.memory_space<hbm>>
      %dma_start3A_144 = tpu.memref_squeeze %dma_start3A_143 : memref<1x250x80xi32, #tpu.memory_space<hbm>> -> memref<250x80xi32, #tpu.memory_space<hbm>>
      tpu.enqueue_dma source(%dma_start3A_144 : memref<250x80xi32, #tpu.memory_space<hbm>>) target(%arg6 : memref<250x80xi32, #tpu.memory_space<vmem>>) target_semaphore(%run_scoped3A : memref<!tpu.dma_semaphore, #tpu.memory_space<semaphore_mem>>)
      %dma_wait3A_145 = arith.constant 0 : i32
      %dma_wait3A_146 = arith.constant 0 : i32
      %dma_wait3A_147 = arith.constant 0 : i32
      %dma_wait3A_148 = tpu.memref_slice %arg3[%arg0, %dma_wait3A_145, %dma_wait3A_146, %dma_wait3A_147] : memref<2x16x250x80xi32, #tpu.memory_space<hbm>> -> memref<1x16x250x80xi32, #tpu.memory_space<hbm>>
      %dma_wait3A_149 = tpu.memref_squeeze %dma_wait3A_148 : memref<1x16x250x80xi32, #tpu.memory_space<hbm>> -> memref<16x250x80xi32, #tpu.memory_space<hbm>>
      %dma_wait3A_150 = arith.constant 0 : i32
      %dma_wait3A_151 = arith.constant 0 : i32
      %dma_wait3A_152 = tpu.memref_slice %dma_wait3A_149[%arg1, %dma_wait3A_150, %dma_wait3A_151] : memref<16x250x80xi32, #tpu.memory_space<hbm>> -> memref<1x250x80xi32, #tpu.memory_space<hbm>>
      %dma_wait3A_153 = tpu.memref_squeeze %dma_wait3A_152 : memref<1x250x80xi32, #tpu.memory_space<hbm>> -> memref<250x80xi32, #tpu.memory_space<hbm>>
      %dma_wait3A_154 = arith.constant 0 : i32
      %dma_wait3A_155 = arith.constant 0 : i32
      %dma_wait3A_156 = arith.constant 0 : i32
      %dma_wait3A_157 = tpu.memref_slice %arg3[%arg0, %dma_wait3A_154, %dma_wait3A_155, %dma_wait3A_156] : memref<2x16x250x80xi32, #tpu.memory_space<hbm>> -> memref<1x16x250x80xi32, #tpu.memory_space<hbm>>
      %dma_wait3A_158 = tpu.memref_squeeze %dma_wait3A_157 : memref<1x16x250x80xi32, #tpu.memory_space<hbm>> -> memref<16x250x80xi32, #tpu.memory_space<hbm>>
      %dma_wait3A_159 = arith.constant 0 : i32
      %dma_wait3A_160 = arith.constant 0 : i32
      %dma_wait3A_161 = tpu.memref_slice %dma_wait3A_158[%arg1, %dma_wait3A_159, %dma_wait3A_160] : memref<16x250x80xi32, #tpu.memory_space<hbm>> -> memref<1x250x80xi32, #tpu.memory_space<hbm>>
      %dma_wait3A_162 = tpu.memref_squeeze %dma_wait3A_161 : memref<1x250x80xi32, #tpu.memory_space<hbm>> -> memref<250x80xi32, #tpu.memory_space<hbm>>
      tpu.wait_dma2 semaphore(%run_scoped3A : memref<!tpu.dma_semaphore, #tpu.memory_space<semaphore_mem>>) src(%dma_wait3A_162 : memref<250x80xi32, #tpu.memory_space<hbm>>) dst(%arg6 : memref<250x80xi32, #tpu.memory_space<vmem>>)
      tpu.yield
    }) : () -> ()
    "tpu.region"() ({
      %run_scoped3A = tpu.sem_alloc : memref<!tpu.dma_semaphore, #tpu.memory_space<semaphore_mem>>
      %dma_start3A_127 = arith.constant 0 : i32
      %dma_start3A_128 = arith.constant 0 : i32
      %dma_start3A_129 = tpu.memref_slice %arg4[%arg1, %dma_start3A_127, %dma_start3A_128] : memref<16x250x80xi32, #tpu.memory_space<hbm>> -> memref<1x250x80xi32, #tpu.memory_space<hbm>>
      %dma_start3A_130 = tpu.memref_squeeze %dma_start3A_129 : memref<1x250x80xi32, #tpu.memory_space<hbm>> -> memref<250x80xi32, #tpu.memory_space<hbm>>
      %dma_start3A_131 = arith.constant 0 : i32
      %dma_start3A_132 = arith.constant 0 : i32
      %dma_start3A_133 = tpu.memref_slice %arg4[%arg1, %dma_start3A_131, %dma_start3A_132] : memref<16x250x80xi32, #tpu.memory_space<hbm>> -> memref<1x250x80xi32, #tpu.memory_space<hbm>>
      %dma_start3A_134 = tpu.memref_squeeze %dma_start3A_133 : memref<1x250x80xi32, #tpu.memory_space<hbm>> -> memref<250x80xi32, #tpu.memory_space<hbm>>
      tpu.enqueue_dma source(%dma_start3A_134 : memref<250x80xi32, #tpu.memory_space<hbm>>) target(%arg7 : memref<250x80xi32, #tpu.memory_space<vmem>>) target_semaphore(%run_scoped3A : memref<!tpu.dma_semaphore, #tpu.memory_space<semaphore_mem>>)
      %dma_wait3A_135 = arith.constant 0 : i32
      %dma_wait3A_136 = arith.constant 0 : i32
      %dma_wait3A_137 = tpu.memref_slice %arg4[%arg1, %dma_wait3A_135, %dma_wait3A_136] : memref<16x250x80xi32, #tpu.memory_space<hbm>> -> memref<1x250x80xi32, #tpu.memory_space<hbm>>
      %dma_wait3A_138 = tpu.memref_squeeze %dma_wait3A_137 : memref<1x250x80xi32, #tpu.memory_space<hbm>> -> memref<250x80xi32, #tpu.memory_space<hbm>>
      %dma_wait3A_139 = arith.constant 0 : i32
      %dma_wait3A_140 = arith.constant 0 : i32
      %dma_wait3A_141 = tpu.memref_slice %arg4[%arg1, %dma_wait3A_139, %dma_wait3A_140] : memref<16x250x80xi32, #tpu.memory_space<hbm>> -> memref<1x250x80xi32, #tpu.memory_space<hbm>>
      %dma_wait3A_142 = tpu.memref_squeeze %dma_wait3A_141 : memref<1x250x80xi32, #tpu.memory_space<hbm>> -> memref<250x80xi32, #tpu.memory_space<hbm>>
      tpu.wait_dma2 semaphore(%run_scoped3A : memref<!tpu.dma_semaphore, #tpu.memory_space<semaphore_mem>>) src(%dma_wait3A_142 : memref<250x80xi32, #tpu.memory_space<hbm>>) dst(%arg7 : memref<250x80xi32, #tpu.memory_space<vmem>>)
      tpu.yield
    }) : () -> ()
    %broadcast_in_dim3A = arith.constant 0.000000e+00 : f32
    %broadcast_in_dim3A_1 = vector.broadcast %broadcast_in_dim3A : f32 to vector<16xf32>
    %scan3A = arith.constant 0 : i32
    %scan3A_2 = arith.constant 128 : i32
    %scan3A_3 = arith.addi %scan3A, %scan3A_2 : i32
    %scan3A_4 = arith.constant 1 : i32
    scf.for %scan3A_127 = %scan3A to %scan3A_3 step %scan3A_4  : i32 {
      %mul3A_128 = arith.constant 1 : i32
      %mul3A_129 = arith.muli %scan3A_127, %mul3A_128 : i32
      %add3A_130 = arith.constant 0 : i32
      %add3A_131 = arith.addi %add3A_130, %mul3A_129 : i32
      %swap3A = arith.index_cast %add3A_131 : i32 to index
      %swap3A_132 = arith.constant 0 : index
      %swap3A_133 = tpu.vector_load %arg16[%swap3A, %swap3A_132] {strides = array<i32>} : memref<128x64xf32, #tpu.memory_space<vmem>>, vector<1x16xf32>,
      %swap3A_134 = vector.shape_cast %swap3A_133 : vector<1x16xf32> to vector<16xf32>
      %swap3A_135 = vector.shape_cast %broadcast_in_dim3A_1 : vector<16xf32> to vector<1x16xf32>
      tpu.vector_store %arg16[%swap3A, %swap3A_132], %swap3A_135 {strides = array<i32>} : memref<128x64xf32, #tpu.memory_space<vmem>>, vector<1x16xf32>,
      %swap3A_136 = arith.index_cast %add3A_131 : i32 to index
      %swap3A_137 = arith.constant 16 : index
      %swap3A_138 = tpu.vector_load %arg16[%swap3A_136, %swap3A_137] {strides = array<i32>} : memref<128x64xf32, #tpu.memory_space<vmem>>, vector<1x16xf32>,
      %swap3A_139 = vector.shape_cast %swap3A_138 : vector<1x16xf32> to vector<16xf32>
      %swap3A_140 = vector.shape_cast %broadcast_in_dim3A_1 : vector<16xf32> to vector<1x16xf32>
      tpu.vector_store %arg16[%swap3A_136, %swap3A_137], %swap3A_140 {strides = array<i32>} : memref<128x64xf32, #tpu.memory_space<vmem>>, vector<1x16xf32>,
      %swap3A_141 = arith.index_cast %add3A_131 : i32 to index
      %swap3A_142 = arith.constant 32 : index
      %swap3A_143 = tpu.vector_load %arg16[%swap3A_141, %swap3A_142] {strides = array<i32>} : memref<128x64xf32, #tpu.memory_space<vmem>>, vector<1x16xf32>,
      %swap3A_144 = vector.shape_cast %swap3A_143 : vector<1x16xf32> to vector<16xf32>
      %swap3A_145 = vector.shape_cast %broadcast_in_dim3A_1 : vector<16xf32> to vector<1x16xf32>
      tpu.vector_store %arg16[%swap3A_141, %swap3A_142], %swap3A_145 {strides = array<i32>} : memref<128x64xf32, #tpu.memory_space<vmem>>, vector<1x16xf32>,
      %swap3A_146 = arith.index_cast %add3A_131 : i32 to index
      %swap3A_147 = arith.constant 48 : index
      %swap3A_148 = tpu.vector_load %arg16[%swap3A_146, %swap3A_147] {strides = array<i32>} : memref<128x64xf32, #tpu.memory_space<vmem>>, vector<1x16xf32>,
      %swap3A_149 = vector.shape_cast %swap3A_148 : vector<1x16xf32> to vector<16xf32>
      %swap3A_150 = vector.shape_cast %broadcast_in_dim3A_1 : vector<16xf32> to vector<1x16xf32>
      tpu.vector_store %arg16[%swap3A_146, %swap3A_147], %swap3A_150 {strides = array<i32>} : memref<128x64xf32, #tpu.memory_space<vmem>>, vector<1x16xf32>,
    }
    %scan3A_5 = arith.constant 128 : i32
    %add3A = arith.constant 0 : i32
    %add3A_6 = arith.addi %mul3A_0, %add3A : i32
    "tpu.region"() ({
      %run_scoped3A = tpu.sem_alloc : memref<!tpu.dma_semaphore, #tpu.memory_space<semaphore_mem>>
      %dma_start3A_127 = arith.constant 0 : i32
      %dma_start3A_128 = tpu.memref_slice %arg17[%add3A_6, %dma_start3A_127] : memref<10240x64xf32, #tpu.memory_space<vmem_shared>> -> memref<128x64xf32, #tpu.memory_space<vmem_shared>>
      %dma_start3A_129 = arith.constant 0 : i32
      %dma_start3A_130 = tpu.memref_slice %arg17[%add3A_6, %dma_start3A_129] : memref<10240x64xf32, #tpu.memory_space<vmem_shared>> -> memref<128x64xf32, #tpu.memory_space<vmem_shared>>
      tpu.enqueue_dma source(%arg16 : memref<128x64xf32, #tpu.memory_space<vmem>>) target(%dma_start3A_130 : memref<128x64xf32, #tpu.memory_space<vmem_shared>>) target_semaphore(%run_scoped3A : memref<!tpu.dma_semaphore, #tpu.memory_space<semaphore_mem>>)
      %dma_wait3A_131 = arith.constant 0 : i32
      %dma_wait3A_132 = tpu.memref_slice %arg17[%add3A_6, %dma_wait3A_131] : memref<10240x64xf32, #tpu.memory_space<vmem_shared>> -> memref<128x64xf32, #tpu.memory_space<vmem_shared>>
      %dma_wait3A_133 = arith.constant 0 : i32
      %dma_wait3A_134 = tpu.memref_slice %arg17[%add3A_6, %dma_wait3A_133] : memref<10240x64xf32, #tpu.memory_space<vmem_shared>> -> memref<128x64xf32, #tpu.memory_space<vmem_shared>>
      tpu.wait_dma2 semaphore(%run_scoped3A : memref<!tpu.dma_semaphore, #tpu.memory_space<semaphore_mem>>) src(%arg16 : memref<128x64xf32, #tpu.memory_space<vmem>>) dst(%dma_wait3A_134 : memref<128x64xf32, #tpu.memory_space<vmem_shared>>)
      tpu.yield
    }) : () -> ()
    %add3A_7 = arith.constant 128 : i32
    %add3A_8 = arith.addi %mul3A_0, %add3A_7 : i32
    "tpu.region"() ({
      %run_scoped3A = tpu.sem_alloc : memref<!tpu.dma_semaphore, #tpu.memory_space<semaphore_mem>>
      %dma_start3A_127 = arith.constant 0 : i32
      %dma_start3A_128 = tpu.memref_slice %arg17[%add3A_8, %dma_start3A_127] : memref<10240x64xf32, #tpu.memory_space<vmem_shared>> -> memref<128x64xf32, #tpu.memory_space<vmem_shared>>
      %dma_start3A_129 = arith.constant 0 : i32
      %dma_start3A_130 = tpu.memref_slice %arg17[%add3A_8, %dma_start3A_129] : memref<10240x64xf32, #tpu.memory_space<vmem_shared>> -> memref<128x64xf32, #tpu.memory_space<vmem_shared>>
      tpu.enqueue_dma source(%arg16 : memref<128x64xf32, #tpu.memory_space<vmem>>) target(%dma_start3A_130 : memref<128x64xf32, #tpu.memory_space<vmem_shared>>) target_semaphore(%run_scoped3A : memref<!tpu.dma_semaphore, #tpu.memory_space<semaphore_mem>>)
      %dma_wait3A_131 = arith.constant 0 : i32
      %dma_wait3A_132 = tpu.memref_slice %arg17[%add3A_8, %dma_wait3A_131] : memref<10240x64xf32, #tpu.memory_space<vmem_shared>> -> memref<128x64xf32, #tpu.memory_space<vmem_shared>>
      %dma_wait3A_133 = arith.constant 0 : i32
      %dma_wait3A_134 = tpu.memref_slice %arg17[%add3A_8, %dma_wait3A_133] : memref<10240x64xf32, #tpu.memory_space<vmem_shared>> -> memref<128x64xf32, #tpu.memory_space<vmem_shared>>
      tpu.wait_dma2 semaphore(%run_scoped3A : memref<!tpu.dma_semaphore, #tpu.memory_space<semaphore_mem>>) src(%arg16 : memref<128x64xf32, #tpu.memory_space<vmem>>) dst(%dma_wait3A_134 : memref<128x64xf32, #tpu.memory_space<vmem_shared>>)
      tpu.yield
    }) : () -> ()
    %add3A_9 = arith.constant 256 : i32
    %add3A_10 = arith.addi %mul3A_0, %add3A_9 : i32
    "tpu.region"() ({
      %run_scoped3A = tpu.sem_alloc : memref<!tpu.dma_semaphore, #tpu.memory_space<semaphore_mem>>
      %dma_start3A_127 = arith.constant 0 : i32
      %dma_start3A_128 = tpu.memref_slice %arg17[%add3A_10, %dma_start3A_127] : memref<10240x64xf32, #tpu.memory_space<vmem_shared>> -> memref<128x64xf32, #tpu.memory_space<vmem_shared>>
      %dma_start3A_129 = arith.constant 0 : i32
      %dma_start3A_130 = tpu.memref_slice %arg17[%add3A_10, %dma_start3A_129] : memref<10240x64xf32, #tpu.memory_space<vmem_shared>> -> memref<128x64xf32, #tpu.memory_space<vmem_shared>>
      tpu.enqueue_dma source(%arg16 : memref<128x64xf32, #tpu.memory_space<vmem>>) target(%dma_start3A_130 : memref<128x64xf32, #tpu.memory_space<vmem_shared>>) target_semaphore(%run_scoped3A : memref<!tpu.dma_semaphore, #tpu.memory_space<semaphore_mem>>)
      %dma_wait3A_131 = arith.constant 0 : i32
      %dma_wait3A_132 = tpu.memref_slice %arg17[%add3A_10, %dma_wait3A_131] : memref<10240x64xf32, #tpu.memory_space<vmem_shared>> -> memref<128x64xf32, #tpu.memory_space<vmem_shared>>
      %dma_wait3A_133 = arith.constant 0 : i32
      %dma_wait3A_134 = tpu.memref_slice %arg17[%add3A_10, %dma_wait3A_133] : memref<10240x64xf32, #tpu.memory_space<vmem_shared>> -> memref<128x64xf32, #tpu.memory_space<vmem_shared>>
      tpu.wait_dma2 semaphore(%run_scoped3A : memref<!tpu.dma_semaphore, #tpu.memory_space<semaphore_mem>>) src(%arg16 : memref<128x64xf32, #tpu.memory_space<vmem>>) dst(%dma_wait3A_134 : memref<128x64xf32, #tpu.memory_space<vmem_shared>>)
      tpu.yield
    }) : () -> ()
    %add3A_11 = arith.constant 384 : i32
    %add3A_12 = arith.addi %mul3A_0, %add3A_11 : i32
    "tpu.region"() ({
      %run_scoped3A = tpu.sem_alloc : memref<!tpu.dma_semaphore, #tpu.memory_space<semaphore_mem>>
      %dma_start3A_127 = arith.constant 0 : i32
      %dma_start3A_128 = tpu.memref_slice %arg17[%add3A_12, %dma_start3A_127] : memref<10240x64xf32, #tpu.memory_space<vmem_shared>> -> memref<128x64xf32, #tpu.memory_space<vmem_shared>>
      %dma_start3A_129 = arith.constant 0 : i32
      %dma_start3A_130 = tpu.memref_slice %arg17[%add3A_12, %dma_start3A_129] : memref<10240x64xf32, #tpu.memory_space<vmem_shared>> -> memref<128x64xf32, #tpu.memory_space<vmem_shared>>
      tpu.enqueue_dma source(%arg16 : memref<128x64xf32, #tpu.memory_space<vmem>>) target(%dma_start3A_130 : memref<128x64xf32, #tpu.memory_space<vmem_shared>>) target_semaphore(%run_scoped3A : memref<!tpu.dma_semaphore, #tpu.memory_space<semaphore_mem>>)
      %dma_wait3A_131 = arith.constant 0 : i32
      %dma_wait3A_132 = tpu.memref_slice %arg17[%add3A_12, %dma_wait3A_131] : memref<10240x64xf32, #tpu.memory_space<vmem_shared>> -> memref<128x64xf32, #tpu.memory_space<vmem_shared>>
      %dma_wait3A_133 = arith.constant 0 : i32
      %dma_wait3A_134 = tpu.memref_slice %arg17[%add3A_12, %dma_wait3A_133] : memref<10240x64xf32, #tpu.memory_space<vmem_shared>> -> memref<128x64xf32, #tpu.memory_space<vmem_shared>>
      tpu.wait_dma2 semaphore(%run_scoped3A : memref<!tpu.dma_semaphore, #tpu.memory_space<semaphore_mem>>) src(%arg16 : memref<128x64xf32, #tpu.memory_space<vmem>>) dst(%dma_wait3A_134 : memref<128x64xf32, #tpu.memory_space<vmem_shared>>)
      tpu.yield
    }) : () -> ()
    %add3A_13 = arith.constant 512 : i32
    %add3A_14 = arith.addi %mul3A_0, %add3A_13 : i32
    "tpu.region"() ({
      %run_scoped3A = tpu.sem_alloc : memref<!tpu.dma_semaphore, #tpu.memory_space<semaphore_mem>>
      %dma_start3A_127 = arith.constant 0 : i32
      %dma_start3A_128 = tpu.memref_slice %arg17[%add3A_14, %dma_start3A_127] : memref<10240x64xf32, #tpu.memory_space<vmem_shared>> -> memref<128x64xf32, #tpu.memory_space<vmem_shared>>
      %dma_start3A_129 = arith.constant 0 : i32
      %dma_start3A_130 = tpu.memref_slice %arg17[%add3A_14, %dma_start3A_129] : memref<10240x64xf32, #tpu.memory_space<vmem_shared>> -> memref<128x64xf32, #tpu.memory_space<vmem_shared>>
      tpu.enqueue_dma source(%arg16 : memref<128x64xf32, #tpu.memory_space<vmem>>) target(%dma_start3A_130 : memref<128x64xf32, #tpu.memory_space<vmem_shared>>) target_semaphore(%run_scoped3A : memref<!tpu.dma_semaphore, #tpu.memory_space<semaphore_mem>>)
      %dma_wait3A_131 = arith.constant 0 : i32
      %dma_wait3A_132 = tpu.memref_slice %arg17[%add3A_14, %dma_wait3A_131] : memref<10240x64xf32, #tpu.memory_space<vmem_shared>> -> memref<128x64xf32, #tpu.memory_space<vmem_shared>>
      %dma_wait3A_133 = arith.constant 0 : i32
      %dma_wait3A_134 = tpu.memref_slice %arg17[%add3A_14, %dma_wait3A_133] : memref<10240x64xf32, #tpu.memory_space<vmem_shared>> -> memref<128x64xf32, #tpu.memory_space<vmem_shared>>
      tpu.wait_dma2 semaphore(%run_scoped3A : memref<!tpu.dma_semaphore, #tpu.memory_space<semaphore_mem>>) src(%arg16 : memref<128x64xf32, #tpu.memory_space<vmem>>) dst(%dma_wait3A_134 : memref<128x64xf32, #tpu.memory_space<vmem_shared>>)
      tpu.yield
    }) : () -> ()
    %barrier3A = arith.constant 0 : index
    tpu.barrier barrier_id(%barrier3A)
    %dma_start3A = arith.constant 0 : i32
    %dma_start3A_15 = arith.constant 0 : i32
    %dma_start3A_16 = tpu.memref_slice %arg6[%dma_start3A, %dma_start3A_15] : memref<250x80xi32, #tpu.memory_space<vmem>> -> memref<1x80xi32, #tpu.memory_space<vmem>>
    %dma_start3A_17 = tpu.memref_squeeze %dma_start3A_16 : memref<1x80xi32, #tpu.memory_space<vmem>> -> memref<80xi32, #tpu.memory_space<vmem>>
    %dma_start3A_18 = arith.constant 0 : i32
    %dma_start3A_19 = arith.constant 0 : i32
    %dma_start3A_20 = tpu.memref_slice %arg2[%dma_start3A_18, %dma_start3A_19] : memref<20000x64xf32, #tpu.memory_space<hbm>> -> memref<20000x64xf32, #tpu.memory_space<hbm>>
    tpu.enqueue_indirect_dma source(%dma_start3A_20 : memref<20000x64xf32, #tpu.memory_space<hbm>>) target(%arg8 : memref<80x64xf32, #tpu.memory_space<vmem>>) offsets(%dma_start3A_17 : memref<80xi32, #tpu.memory_space<vmem>>) semaphore(%arg18 : memref<!tpu.dma_semaphore, #tpu.memory_space<semaphore_mem>>)
    %dma_start3A_21 = arith.constant 1 : i32
    %dma_start3A_22 = arith.constant 0 : i32
    %dma_start3A_23 = tpu.memref_slice %arg6[%dma_start3A_21, %dma_start3A_22] : memref<250x80xi32, #tpu.memory_space<vmem>> -> memref<1x80xi32, #tpu.memory_space<vmem>>
    %dma_start3A_24 = tpu.memref_squeeze %dma_start3A_23 : memref<1x80xi32, #tpu.memory_space<vmem>> -> memref<80xi32, #tpu.memory_space<vmem>>
    %dma_start3A_25 = arith.constant 0 : i32
    %dma_start3A_26 = arith.constant 0 : i32
    %dma_start3A_27 = tpu.memref_slice %arg2[%dma_start3A_25, %dma_start3A_26] : memref<20000x64xf32, #tpu.memory_space<hbm>> -> memref<20000x64xf32, #tpu.memory_space<hbm>>
    tpu.enqueue_indirect_dma source(%dma_start3A_27 : memref<20000x64xf32, #tpu.memory_space<hbm>>) target(%arg9 : memref<80x64xf32, #tpu.memory_space<vmem>>) offsets(%dma_start3A_24 : memref<80xi32, #tpu.memory_space<vmem>>) semaphore(%arg19 : memref<!tpu.dma_semaphore, #tpu.memory_space<semaphore_mem>>)
    %dma_start3A_28 = arith.constant 2 : i32
    %dma_start3A_29 = arith.constant 0 : i32
    %dma_start3A_30 = tpu.memref_slice %arg6[%dma_start3A_28, %dma_start3A_29] : memref<250x80xi32, #tpu.memory_space<vmem>> -> memref<1x80xi32, #tpu.memory_space<vmem>>
    %dma_start3A_31 = tpu.memref_squeeze %dma_start3A_30 : memref<1x80xi32, #tpu.memory_space<vmem>> -> memref<80xi32, #tpu.memory_space<vmem>>
    %dma_start3A_32 = arith.constant 0 : i32
    %dma_start3A_33 = arith.constant 0 : i32
    %dma_start3A_34 = tpu.memref_slice %arg2[%dma_start3A_32, %dma_start3A_33] : memref<20000x64xf32, #tpu.memory_space<hbm>> -> memref<20000x64xf32, #tpu.memory_space<hbm>>
    tpu.enqueue_indirect_dma source(%dma_start3A_34 : memref<20000x64xf32, #tpu.memory_space<hbm>>) target(%arg10 : memref<80x64xf32, #tpu.memory_space<vmem>>) offsets(%dma_start3A_31 : memref<80xi32, #tpu.memory_space<vmem>>) semaphore(%arg20 : memref<!tpu.dma_semaphore, #tpu.memory_space<semaphore_mem>>)
    %dma_start3A_35 = arith.constant 3 : i32
    %dma_start3A_36 = arith.constant 0 : i32
    %dma_start3A_37 = tpu.memref_slice %arg6[%dma_start3A_35, %dma_start3A_36] : memref<250x80xi32, #tpu.memory_space<vmem>> -> memref<1x80xi32, #tpu.memory_space<vmem>>
    %dma_start3A_38 = tpu.memref_squeeze %dma_start3A_37 : memref<1x80xi32, #tpu.memory_space<vmem>> -> memref<80xi32, #tpu.memory_space<vmem>>
    %dma_start3A_39 = arith.constant 0 : i32
    %dma_start3A_40 = arith.constant 0 : i32
    %dma_start3A_41 = tpu.memref_slice %arg2[%dma_start3A_39, %dma_start3A_40] : memref<20000x64xf32, #tpu.memory_space<hbm>> -> memref<20000x64xf32, #tpu.memory_space<hbm>>
    tpu.enqueue_indirect_dma source(%dma_start3A_41 : memref<20000x64xf32, #tpu.memory_space<hbm>>) target(%arg11 : memref<80x64xf32, #tpu.memory_space<vmem>>) offsets(%dma_start3A_38 : memref<80xi32, #tpu.memory_space<vmem>>) semaphore(%arg21 : memref<!tpu.dma_semaphore, #tpu.memory_space<semaphore_mem>>)
    %dma_start3A_42 = arith.constant 4 : i32
    %dma_start3A_43 = arith.constant 0 : i32
    %dma_start3A_44 = tpu.memref_slice %arg6[%dma_start3A_42, %dma_start3A_43] : memref<250x80xi32, #tpu.memory_space<vmem>> -> memref<1x80xi32, #tpu.memory_space<vmem>>
    %dma_start3A_45 = tpu.memref_squeeze %dma_start3A_44 : memref<1x80xi32, #tpu.memory_space<vmem>> -> memref<80xi32, #tpu.memory_space<vmem>>
    %dma_start3A_46 = arith.constant 0 : i32
    %dma_start3A_47 = arith.constant 0 : i32
    %dma_start3A_48 = tpu.memref_slice %arg2[%dma_start3A_46, %dma_start3A_47] : memref<20000x64xf32, #tpu.memory_space<hbm>> -> memref<20000x64xf32, #tpu.memory_space<hbm>>
    tpu.enqueue_indirect_dma source(%dma_start3A_48 : memref<20000x64xf32, #tpu.memory_space<hbm>>) target(%arg12 : memref<80x64xf32, #tpu.memory_space<vmem>>) offsets(%dma_start3A_45 : memref<80xi32, #tpu.memory_space<vmem>>) semaphore(%arg22 : memref<!tpu.dma_semaphore, #tpu.memory_space<semaphore_mem>>)
    %dma_start3A_49 = arith.constant 5 : i32
    %dma_start3A_50 = arith.constant 0 : i32
    %dma_start3A_51 = tpu.memref_slice %arg6[%dma_start3A_49, %dma_start3A_50] : memref<250x80xi32, #tpu.memory_space<vmem>> -> memref<1x80xi32, #tpu.memory_space<vmem>>
    %dma_start3A_52 = tpu.memref_squeeze %dma_start3A_51 : memref<1x80xi32, #tpu.memory_space<vmem>> -> memref<80xi32, #tpu.memory_space<vmem>>
    %dma_start3A_53 = arith.constant 0 : i32
    %dma_start3A_54 = arith.constant 0 : i32
    %dma_start3A_55 = tpu.memref_slice %arg2[%dma_start3A_53, %dma_start3A_54] : memref<20000x64xf32, #tpu.memory_space<hbm>> -> memref<20000x64xf32, #tpu.memory_space<hbm>>
    tpu.enqueue_indirect_dma source(%dma_start3A_55 : memref<20000x64xf32, #tpu.memory_space<hbm>>) target(%arg13 : memref<80x64xf32, #tpu.memory_space<vmem>>) offsets(%dma_start3A_52 : memref<80xi32, #tpu.memory_space<vmem>>) semaphore(%arg23 : memref<!tpu.dma_semaphore, #tpu.memory_space<semaphore_mem>>)
    %dma_start3A_56 = arith.constant 6 : i32
    %dma_start3A_57 = arith.constant 0 : i32
    %dma_start3A_58 = tpu.memref_slice %arg6[%dma_start3A_56, %dma_start3A_57] : memref<250x80xi32, #tpu.memory_space<vmem>> -> memref<1x80xi32, #tpu.memory_space<vmem>>
    %dma_start3A_59 = tpu.memref_squeeze %dma_start3A_58 : memref<1x80xi32, #tpu.memory_space<vmem>> -> memref<80xi32, #tpu.memory_space<vmem>>
    %dma_start3A_60 = arith.constant 0 : i32
    %dma_start3A_61 = arith.constant 0 : i32
    %dma_start3A_62 = tpu.memref_slice %arg2[%dma_start3A_60, %dma_start3A_61] : memref<20000x64xf32, #tpu.memory_space<hbm>> -> memref<20000x64xf32, #tpu.memory_space<hbm>>
    tpu.enqueue_indirect_dma source(%dma_start3A_62 : memref<20000x64xf32, #tpu.memory_space<hbm>>) target(%arg14 : memref<80x64xf32, #tpu.memory_space<vmem>>) offsets(%dma_start3A_59 : memref<80xi32, #tpu.memory_space<vmem>>) semaphore(%arg24 : memref<!tpu.dma_semaphore, #tpu.memory_space<semaphore_mem>>)
    %dma_start3A_63 = arith.constant 7 : i32
    %dma_start3A_64 = arith.constant 0 : i32
    %dma_start3A_65 = tpu.memref_slice %arg6[%dma_start3A_63, %dma_start3A_64] : memref<250x80xi32, #tpu.memory_space<vmem>> -> memref<1x80xi32, #tpu.memory_space<vmem>>
    %dma_start3A_66 = tpu.memref_squeeze %dma_start3A_65 : memref<1x80xi32, #tpu.memory_space<vmem>> -> memref<80xi32, #tpu.memory_space<vmem>>
    %dma_start3A_67 = arith.constant 0 : i32
    %dma_start3A_68 = arith.constant 0 : i32
    %dma_start3A_69 = tpu.memref_slice %arg2[%dma_start3A_67, %dma_start3A_68] : memref<20000x64xf32, #tpu.memory_space<hbm>> -> memref<20000x64xf32, #tpu.memory_space<hbm>>
    tpu.enqueue_indirect_dma source(%dma_start3A_69 : memref<20000x64xf32, #tpu.memory_space<hbm>>) target(%arg15 : memref<80x64xf32, #tpu.memory_space<vmem>>) offsets(%dma_start3A_66 : memref<80xi32, #tpu.memory_space<vmem>>) semaphore(%arg25 : memref<!tpu.dma_semaphore, #tpu.memory_space<semaphore_mem>>)
    %scan3A_70 = arith.constant 0 : i32
    %scan3A_71 = arith.constant 31 : i32
    %scan3A_72 = arith.addi %scan3A_70, %scan3A_71 : i32
    %scan3A_73 = arith.constant 1 : i32
    scf.for %scan3A_127 = %scan3A_70 to %scan3A_72 step %scan3A_73  : i32 {
      %mul3A_128 = arith.constant 8 : i32
      %mul3A_129 = arith.muli %scan3A_127, %mul3A_128 : i32
      %add3A_130 = arith.constant 0 : i32
      %add3A_131 = arith.addi %add3A_130, %mul3A_129 : i32
      %add3A_132 = arith.constant 0 : i32
      %add3A_133 = arith.addi %add3A_131, %add3A_132 : i32
      %dma_wait3A_134 = arith.constant 0 : i32
      %dma_wait3A_135 = tpu.memref_slice %arg6[%add3A_133, %dma_wait3A_134] : memref<250x80xi32, #tpu.memory_space<vmem>> -> memref<1x80xi32, #tpu.memory_space<vmem>>
      %dma_wait3A_136 = tpu.memref_squeeze %dma_wait3A_135 : memref<1x80xi32, #tpu.memory_space<vmem>> -> memref<80xi32, #tpu.memory_space<vmem>>
      %dma_wait3A_137 = arith.constant 0 : i32
      %dma_wait3A_138 = arith.constant 0 : i32
      %dma_wait3A_139 = tpu.memref_slice %arg2[%dma_wait3A_137, %dma_wait3A_138] : memref<20000x64xf32, #tpu.memory_space<hbm>> -> memref<20000x64xf32, #tpu.memory_space<hbm>>
      tpu.wait_indirect_dma semaphore(%arg18 : memref<!tpu.dma_semaphore, #tpu.memory_space<semaphore_mem>>) src(%dma_wait3A_139 : memref<20000x64xf32, #tpu.memory_space<hbm>>) dst(%arg8 : memref<80x64xf32, #tpu.memory_space<vmem>>)
      %add3A_140 = arith.constant 0 : i32
      %add3A_141 = arith.addi %add3A_131, %add3A_140 : i32
      %dma_start3A_142 = arith.constant 0 : i32
      %dma_start3A_143 = tpu.memref_slice %arg7[%add3A_141, %dma_start3A_142] : memref<250x80xi32, #tpu.memory_space<vmem>> -> memref<1x80xi32, #tpu.memory_space<vmem>>
      %dma_start3A_144 = tpu.memref_squeeze %dma_start3A_143 : memref<1x80xi32, #tpu.memory_space<vmem>> -> memref<80xi32, #tpu.memory_space<vmem>>
      %dma_start3A_145 = arith.constant 0 : i32
      %dma_start3A_146 = arith.constant 0 : i32
      %dma_start3A_147 = tpu.memref_slice %arg17[%dma_start3A_145, %dma_start3A_146] : memref<10240x64xf32, #tpu.memory_space<vmem_shared>> -> memref<10240x64xf32, #tpu.memory_space<vmem_shared>>
      tpu.enqueue_indirect_dma source(%arg8 : memref<80x64xf32, #tpu.memory_space<vmem>>) target(%dma_start3A_147 : memref<10240x64xf32, #tpu.memory_space<vmem_shared>>) offsets(%dma_start3A_144 : memref<80xi32, #tpu.memory_space<vmem>>) semaphore(%arg26 : memref<!tpu.dma_semaphore, #tpu.memory_space<semaphore_mem>>) {add = true}
      %add3A_148 = arith.constant 1 : i32
      %add3A_149 = arith.addi %add3A_131, %add3A_148 : i32
      %dma_wait3A_150 = arith.constant 0 : i32
      %dma_wait3A_151 = tpu.memref_slice %arg6[%add3A_149, %dma_wait3A_150] : memref<250x80xi32, #tpu.memory_space<vmem>> -> memref<1x80xi32, #tpu.memory_space<vmem>>
      %dma_wait3A_152 = tpu.memref_squeeze %dma_wait3A_151 : memref<1x80xi32, #tpu.memory_space<vmem>> -> memref<80xi32, #tpu.memory_space<vmem>>
      %dma_wait3A_153 = arith.constant 0 : i32
      %dma_wait3A_154 = arith.constant 0 : i32
      %dma_wait3A_155 = tpu.memref_slice %arg2[%dma_wait3A_153, %dma_wait3A_154] : memref<20000x64xf32, #tpu.memory_space<hbm>> -> memref<20000x64xf32, #tpu.memory_space<hbm>>
      tpu.wait_indirect_dma semaphore(%arg19 : memref<!tpu.dma_semaphore, #tpu.memory_space<semaphore_mem>>) src(%dma_wait3A_155 : memref<20000x64xf32, #tpu.memory_space<hbm>>) dst(%arg9 : memref<80x64xf32, #tpu.memory_space<vmem>>)
      %add3A_156 = arith.constant 1 : i32
      %add3A_157 = arith.addi %add3A_131, %add3A_156 : i32
      %dma_start3A_158 = arith.constant 0 : i32
      %dma_start3A_159 = tpu.memref_slice %arg7[%add3A_157, %dma_start3A_158] : memref<250x80xi32, #tpu.memory_space<vmem>> -> memref<1x80xi32, #tpu.memory_space<vmem>>
      %dma_start3A_160 = tpu.memref_squeeze %dma_start3A_159 : memref<1x80xi32, #tpu.memory_space<vmem>> -> memref<80xi32, #tpu.memory_space<vmem>>
      %dma_start3A_161 = arith.constant 0 : i32
      %dma_start3A_162 = arith.constant 0 : i32
      %dma_start3A_163 = tpu.memref_slice %arg17[%dma_start3A_161, %dma_start3A_162] : memref<10240x64xf32, #tpu.memory_space<vmem_shared>> -> memref<10240x64xf32, #tpu.memory_space<vmem_shared>>
      tpu.enqueue_indirect_dma source(%arg9 : memref<80x64xf32, #tpu.memory_space<vmem>>) target(%dma_start3A_163 : memref<10240x64xf32, #tpu.memory_space<vmem_shared>>) offsets(%dma_start3A_160 : memref<80xi32, #tpu.memory_space<vmem>>) semaphore(%arg27 : memref<!tpu.dma_semaphore, #tpu.memory_space<semaphore_mem>>) {add = true}
      %add3A_164 = arith.constant 2 : i32
      %add3A_165 = arith.addi %add3A_131, %add3A_164 : i32
      %dma_wait3A_166 = arith.constant 0 : i32
      %dma_wait3A_167 = tpu.memref_slice %arg6[%add3A_165, %dma_wait3A_166] : memref<250x80xi32, #tpu.memory_space<vmem>> -> memref<1x80xi32, #tpu.memory_space<vmem>>
      %dma_wait3A_168 = tpu.memref_squeeze %dma_wait3A_167 : memref<1x80xi32, #tpu.memory_space<vmem>> -> memref<80xi32, #tpu.memory_space<vmem>>
      %dma_wait3A_169 = arith.constant 0 : i32
      %dma_wait3A_170 = arith.constant 0 : i32
      %dma_wait3A_171 = tpu.memref_slice %arg2[%dma_wait3A_169, %dma_wait3A_170] : memref<20000x64xf32, #tpu.memory_space<hbm>> -> memref<20000x64xf32, #tpu.memory_space<hbm>>
      tpu.wait_indirect_dma semaphore(%arg20 : memref<!tpu.dma_semaphore, #tpu.memory_space<semaphore_mem>>) src(%dma_wait3A_171 : memref<20000x64xf32, #tpu.memory_space<hbm>>) dst(%arg10 : memref<80x64xf32, #tpu.memory_space<vmem>>)
      %add3A_172 = arith.constant 2 : i32
      %add3A_173 = arith.addi %add3A_131, %add3A_172 : i32
      %dma_start3A_174 = arith.constant 0 : i32
      %dma_start3A_175 = tpu.memref_slice %arg7[%add3A_173, %dma_start3A_174] : memref<250x80xi32, #tpu.memory_space<vmem>> -> memref<1x80xi32, #tpu.memory_space<vmem>>
      %dma_start3A_176 = tpu.memref_squeeze %dma_start3A_175 : memref<1x80xi32, #tpu.memory_space<vmem>> -> memref<80xi32, #tpu.memory_space<vmem>>
      %dma_start3A_177 = arith.constant 0 : i32
      %dma_start3A_178 = arith.constant 0 : i32
      %dma_start3A_179 = tpu.memref_slice %arg17[%dma_start3A_177, %dma_start3A_178] : memref<10240x64xf32, #tpu.memory_space<vmem_shared>> -> memref<10240x64xf32, #tpu.memory_space<vmem_shared>>
      tpu.enqueue_indirect_dma source(%arg10 : memref<80x64xf32, #tpu.memory_space<vmem>>) target(%dma_start3A_179 : memref<10240x64xf32, #tpu.memory_space<vmem_shared>>) offsets(%dma_start3A_176 : memref<80xi32, #tpu.memory_space<vmem>>) semaphore(%arg28 : memref<!tpu.dma_semaphore, #tpu.memory_space<semaphore_mem>>) {add = true}
      %add3A_180 = arith.constant 3 : i32
      %add3A_181 = arith.addi %add3A_131, %add3A_180 : i32
      %dma_wait3A_182 = arith.constant 0 : i32
      %dma_wait3A_183 = tpu.memref_slice %arg6[%add3A_181, %dma_wait3A_182] : memref<250x80xi32, #tpu.memory_space<vmem>> -> memref<1x80xi32, #tpu.memory_space<vmem>>
      %dma_wait3A_184 = tpu.memref_squeeze %dma_wait3A_183 : memref<1x80xi32, #tpu.memory_space<vmem>> -> memref<80xi32, #tpu.memory_space<vmem>>
      %dma_wait3A_185 = arith.constant 0 : i32
      %dma_wait3A_186 = arith.constant 0 : i32
      %dma_wait3A_187 = tpu.memref_slice %arg2[%dma_wait3A_185, %dma_wait3A_186] : memref<20000x64xf32, #tpu.memory_space<hbm>> -> memref<20000x64xf32, #tpu.memory_space<hbm>>
      tpu.wait_indirect_dma semaphore(%arg21 : memref<!tpu.dma_semaphore, #tpu.memory_space<semaphore_mem>>) src(%dma_wait3A_187 : memref<20000x64xf32, #tpu.memory_space<hbm>>) dst(%arg11 : memref<80x64xf32, #tpu.memory_space<vmem>>)
      %add3A_188 = arith.constant 3 : i32
      %add3A_189 = arith.addi %add3A_131, %add3A_188 : i32
      %dma_start3A_190 = arith.constant 0 : i32
      %dma_start3A_191 = tpu.memref_slice %arg7[%add3A_189, %dma_start3A_190] : memref<250x80xi32, #tpu.memory_space<vmem>> -> memref<1x80xi32, #tpu.memory_space<vmem>>
      %dma_start3A_192 = tpu.memref_squeeze %dma_start3A_191 : memref<1x80xi32, #tpu.memory_space<vmem>> -> memref<80xi32, #tpu.memory_space<vmem>>
      %dma_start3A_193 = arith.constant 0 : i32
      %dma_start3A_194 = arith.constant 0 : i32
      %dma_start3A_195 = tpu.memref_slice %arg17[%dma_start3A_193, %dma_start3A_194] : memref<10240x64xf32, #tpu.memory_space<vmem_shared>> -> memref<10240x64xf32, #tpu.memory_space<vmem_shared>>
      tpu.enqueue_indirect_dma source(%arg11 : memref<80x64xf32, #tpu.memory_space<vmem>>) target(%dma_start3A_195 : memref<10240x64xf32, #tpu.memory_space<vmem_shared>>) offsets(%dma_start3A_192 : memref<80xi32, #tpu.memory_space<vmem>>) semaphore(%arg29 : memref<!tpu.dma_semaphore, #tpu.memory_space<semaphore_mem>>) {add = true}
      %add3A_196 = arith.constant 4 : i32
      %add3A_197 = arith.addi %add3A_131, %add3A_196 : i32
      %dma_wait3A_198 = arith.constant 0 : i32
      %dma_wait3A_199 = tpu.memref_slice %arg6[%add3A_197, %dma_wait3A_198] : memref<250x80xi32, #tpu.memory_space<vmem>> -> memref<1x80xi32, #tpu.memory_space<vmem>>
      %dma_wait3A_200 = tpu.memref_squeeze %dma_wait3A_199 : memref<1x80xi32, #tpu.memory_space<vmem>> -> memref<80xi32, #tpu.memory_space<vmem>>
      %dma_wait3A_201 = arith.constant 0 : i32
      %dma_wait3A_202 = arith.constant 0 : i32
      %dma_wait3A_203 = tpu.memref_slice %arg2[%dma_wait3A_201, %dma_wait3A_202] : memref<20000x64xf32, #tpu.memory_space<hbm>> -> memref<20000x64xf32, #tpu.memory_space<hbm>>
      tpu.wait_indirect_dma semaphore(%arg22 : memref<!tpu.dma_semaphore, #tpu.memory_space<semaphore_mem>>) src(%dma_wait3A_203 : memref<20000x64xf32, #tpu.memory_space<hbm>>) dst(%arg12 : memref<80x64xf32, #tpu.memory_space<vmem>>)
      %add3A_204 = arith.constant 4 : i32
      %add3A_205 = arith.addi %add3A_131, %add3A_204 : i32
      %dma_start3A_206 = arith.constant 0 : i32
      %dma_start3A_207 = tpu.memref_slice %arg7[%add3A_205, %dma_start3A_206] : memref<250x80xi32, #tpu.memory_space<vmem>> -> memref<1x80xi32, #tpu.memory_space<vmem>>
      %dma_start3A_208 = tpu.memref_squeeze %dma_start3A_207 : memref<1x80xi32, #tpu.memory_space<vmem>> -> memref<80xi32, #tpu.memory_space<vmem>>
      %dma_start3A_209 = arith.constant 0 : i32
      %dma_start3A_210 = arith.constant 0 : i32
      %dma_start3A_211 = tpu.memref_slice %arg17[%dma_start3A_209, %dma_start3A_210] : memref<10240x64xf32, #tpu.memory_space<vmem_shared>> -> memref<10240x64xf32, #tpu.memory_space<vmem_shared>>
      tpu.enqueue_indirect_dma source(%arg12 : memref<80x64xf32, #tpu.memory_space<vmem>>) target(%dma_start3A_211 : memref<10240x64xf32, #tpu.memory_space<vmem_shared>>) offsets(%dma_start3A_208 : memref<80xi32, #tpu.memory_space<vmem>>) semaphore(%arg30 : memref<!tpu.dma_semaphore, #tpu.memory_space<semaphore_mem>>) {add = true}
      %add3A_212 = arith.constant 5 : i32
      %add3A_213 = arith.addi %add3A_131, %add3A_212 : i32
      %dma_wait3A_214 = arith.constant 0 : i32
      %dma_wait3A_215 = tpu.memref_slice %arg6[%add3A_213, %dma_wait3A_214] : memref<250x80xi32, #tpu.memory_space<vmem>> -> memref<1x80xi32, #tpu.memory_space<vmem>>
      %dma_wait3A_216 = tpu.memref_squeeze %dma_wait3A_215 : memref<1x80xi32, #tpu.memory_space<vmem>> -> memref<80xi32, #tpu.memory_space<vmem>>
      %dma_wait3A_217 = arith.constant 0 : i32
      %dma_wait3A_218 = arith.constant 0 : i32
      %dma_wait3A_219 = tpu.memref_slice %arg2[%dma_wait3A_217, %dma_wait3A_218] : memref<20000x64xf32, #tpu.memory_space<hbm>> -> memref<20000x64xf32, #tpu.memory_space<hbm>>
      tpu.wait_indirect_dma semaphore(%arg23 : memref<!tpu.dma_semaphore, #tpu.memory_space<semaphore_mem>>) src(%dma_wait3A_219 : memref<20000x64xf32, #tpu.memory_space<hbm>>) dst(%arg13 : memref<80x64xf32, #tpu.memory_space<vmem>>)
      %add3A_220 = arith.constant 5 : i32
      %add3A_221 = arith.addi %add3A_131, %add3A_220 : i32
      %dma_start3A_222 = arith.constant 0 : i32
      %dma_start3A_223 = tpu.memref_slice %arg7[%add3A_221, %dma_start3A_222] : memref<250x80xi32, #tpu.memory_space<vmem>> -> memref<1x80xi32, #tpu.memory_space<vmem>>
      %dma_start3A_224 = tpu.memref_squeeze %dma_start3A_223 : memref<1x80xi32, #tpu.memory_space<vmem>> -> memref<80xi32, #tpu.memory_space<vmem>>
      %dma_start3A_225 = arith.constant 0 : i32
      %dma_start3A_226 = arith.constant 0 : i32
      %dma_start3A_227 = tpu.memref_slice %arg17[%dma_start3A_225, %dma_start3A_226] : memref<10240x64xf32, #tpu.memory_space<vmem_shared>> -> memref<10240x64xf32, #tpu.memory_space<vmem_shared>>
      tpu.enqueue_indirect_dma source(%arg13 : memref<80x64xf32, #tpu.memory_space<vmem>>) target(%dma_start3A_227 : memref<10240x64xf32, #tpu.memory_space<vmem_shared>>) offsets(%dma_start3A_224 : memref<80xi32, #tpu.memory_space<vmem>>) semaphore(%arg31 : memref<!tpu.dma_semaphore, #tpu.memory_space<semaphore_mem>>) {add = true}
      %add3A_228 = arith.constant 6 : i32
      %add3A_229 = arith.addi %add3A_131, %add3A_228 : i32
      %dma_wait3A_230 = arith.constant 0 : i32
      %dma_wait3A_231 = tpu.memref_slice %arg6[%add3A_229, %dma_wait3A_230] : memref<250x80xi32, #tpu.memory_space<vmem>> -> memref<1x80xi32, #tpu.memory_space<vmem>>
      %dma_wait3A_232 = tpu.memref_squeeze %dma_wait3A_231 : memref<1x80xi32, #tpu.memory_space<vmem>> -> memref<80xi32, #tpu.memory_space<vmem>>
      %dma_wait3A_233 = arith.constant 0 : i32
      %dma_wait3A_234 = arith.constant 0 : i32
      %dma_wait3A_235 = tpu.memref_slice %arg2[%dma_wait3A_233, %dma_wait3A_234] : memref<20000x64xf32, #tpu.memory_space<hbm>> -> memref<20000x64xf32, #tpu.memory_space<hbm>>
      tpu.wait_indirect_dma semaphore(%arg24 : memref<!tpu.dma_semaphore, #tpu.memory_space<semaphore_mem>>) src(%dma_wait3A_235 : memref<20000x64xf32, #tpu.memory_space<hbm>>) dst(%arg14 : memref<80x64xf32, #tpu.memory_space<vmem>>)
      %add3A_236 = arith.constant 6 : i32
      %add3A_237 = arith.addi %add3A_131, %add3A_236 : i32
      %dma_start3A_238 = arith.constant 0 : i32
      %dma_start3A_239 = tpu.memref_slice %arg7[%add3A_237, %dma_start3A_238] : memref<250x80xi32, #tpu.memory_space<vmem>> -> memref<1x80xi32, #tpu.memory_space<vmem>>
      %dma_start3A_240 = tpu.memref_squeeze %dma_start3A_239 : memref<1x80xi32, #tpu.memory_space<vmem>> -> memref<80xi32, #tpu.memory_space<vmem>>
      %dma_start3A_241 = arith.constant 0 : i32
      %dma_start3A_242 = arith.constant 0 : i32
      %dma_start3A_243 = tpu.memref_slice %arg17[%dma_start3A_241, %dma_start3A_242] : memref<10240x64xf32, #tpu.memory_space<vmem_shared>> -> memref<10240x64xf32, #tpu.memory_space<vmem_shared>>
      tpu.enqueue_indirect_dma source(%arg14 : memref<80x64xf32, #tpu.memory_space<vmem>>) target(%dma_start3A_243 : memref<10240x64xf32, #tpu.memory_space<vmem_shared>>) offsets(%dma_start3A_240 : memref<80xi32, #tpu.memory_space<vmem>>) semaphore(%arg32 : memref<!tpu.dma_semaphore, #tpu.memory_space<semaphore_mem>>) {add = true}
      %add3A_244 = arith.constant 7 : i32
      %add3A_245 = arith.addi %add3A_131, %add3A_244 : i32
      %dma_wait3A_246 = arith.constant 0 : i32
      %dma_wait3A_247 = tpu.memref_slice %arg6[%add3A_245, %dma_wait3A_246] : memref<250x80xi32, #tpu.memory_space<vmem>> -> memref<1x80xi32, #tpu.memory_space<vmem>>
      %dma_wait3A_248 = tpu.memref_squeeze %dma_wait3A_247 : memref<1x80xi32, #tpu.memory_space<vmem>> -> memref<80xi32, #tpu.memory_space<vmem>>
      %dma_wait3A_249 = arith.constant 0 : i32
      %dma_wait3A_250 = arith.constant 0 : i32
      %dma_wait3A_251 = tpu.memref_slice %arg2[%dma_wait3A_249, %dma_wait3A_250] : memref<20000x64xf32, #tpu.memory_space<hbm>> -> memref<20000x64xf32, #tpu.memory_space<hbm>>
      tpu.wait_indirect_dma semaphore(%arg25 : memref<!tpu.dma_semaphore, #tpu.memory_space<semaphore_mem>>) src(%dma_wait3A_251 : memref<20000x64xf32, #tpu.memory_space<hbm>>) dst(%arg15 : memref<80x64xf32, #tpu.memory_space<vmem>>)
      %add3A_252 = arith.constant 7 : i32
      %add3A_253 = arith.addi %add3A_131, %add3A_252 : i32
      %dma_start3A_254 = arith.constant 0 : i32
      %dma_start3A_255 = tpu.memref_slice %arg7[%add3A_253, %dma_start3A_254] : memref<250x80xi32, #tpu.memory_space<vmem>> -> memref<1x80xi32, #tpu.memory_space<vmem>>
      %dma_start3A_256 = tpu.memref_squeeze %dma_start3A_255 : memref<1x80xi32, #tpu.memory_space<vmem>> -> memref<80xi32, #tpu.memory_space<vmem>>
      %dma_start3A_257 = arith.constant 0 : i32
      %dma_start3A_258 = arith.constant 0 : i32
      %dma_start3A_259 = tpu.memref_slice %arg17[%dma_start3A_257, %dma_start3A_258] : memref<10240x64xf32, #tpu.memory_space<vmem_shared>> -> memref<10240x64xf32, #tpu.memory_space<vmem_shared>>
      tpu.enqueue_indirect_dma source(%arg15 : memref<80x64xf32, #tpu.memory_space<vmem>>) target(%dma_start3A_259 : memref<10240x64xf32, #tpu.memory_space<vmem_shared>>) offsets(%dma_start3A_256 : memref<80xi32, #tpu.memory_space<vmem>>) semaphore(%arg33 : memref<!tpu.dma_semaphore, #tpu.memory_space<semaphore_mem>>) {add = true}
      %add3A_260 = arith.constant 0 : i32
      %add3A_261 = arith.addi %add3A_131, %add3A_260 : i32
      %dma_wait3A_262 = arith.constant 0 : i32
      %dma_wait3A_263 = tpu.memref_slice %arg7[%add3A_261, %dma_wait3A_262] : memref<250x80xi32, #tpu.memory_space<vmem>> -> memref<1x80xi32, #tpu.memory_space<vmem>>
      %dma_wait3A_264 = tpu.memref_squeeze %dma_wait3A_263 : memref<1x80xi32, #tpu.memory_space<vmem>> -> memref<80xi32, #tpu.memory_space<vmem>>
      %dma_wait3A_265 = arith.constant 0 : i32
      %dma_wait3A_266 = arith.constant 0 : i32
      %dma_wait3A_267 = tpu.memref_slice %arg17[%dma_wait3A_265, %dma_wait3A_266] : memref<10240x64xf32, #tpu.memory_space<vmem_shared>> -> memref<10240x64xf32, #tpu.memory_space<vmem_shared>>
      tpu.wait_indirect_dma semaphore(%arg26 : memref<!tpu.dma_semaphore, #tpu.memory_space<semaphore_mem>>) src(%arg8 : memref<80x64xf32, #tpu.memory_space<vmem>>) dst(%dma_wait3A_267 : memref<10240x64xf32, #tpu.memory_space<vmem_shared>>)
      %add3A_268 = arith.constant 0 : i32
      %add3A_269 = arith.addi %add3A_131, %add3A_268 : i32
      %add3A_270 = arith.constant 8 : i32
      %add3A_271 = arith.addi %add3A_269, %add3A_270 : i32
      %lt3A = arith.constant 250 : i32
      %lt3A_272 = arith.cmpi slt, %add3A_271, %lt3A : i32
      %convert_element_type3A = arith.extui %lt3A_272 : i1 to i32
      %cond3A = arith.constant 0 : i32
      %cond3A_273 = arith.cmpi ne, %convert_element_type3A, %cond3A : i32
      scf.if %cond3A_273 {
        %add3A_393 = arith.constant 0 : i32
        %add3A_394 = arith.addi %add3A_131, %add3A_393 : i32
        %add3A_395 = arith.constant 8 : i32
        %add3A_396 = arith.addi %add3A_394, %add3A_395 : i32
        %dma_start3A_397 = arith.constant 0 : i32
        %dma_start3A_398 = tpu.memref_slice %arg6[%add3A_396, %dma_start3A_397] : memref<250x80xi32, #tpu.memory_space<vmem>> -> memref<1x80xi32, #tpu.memory_space<vmem>>
        %dma_start3A_399 = tpu.memref_squeeze %dma_start3A_398 : memref<1x80xi32, #tpu.memory_space<vmem>> -> memref<80xi32, #tpu.memory_space<vmem>>
        %dma_start3A_400 = arith.constant 0 : i32
        %dma_start3A_401 = arith.constant 0 : i32
        %dma_start3A_402 = tpu.memref_slice %arg2[%dma_start3A_400, %dma_start3A_401] : memref<20000x64xf32, #tpu.memory_space<hbm>> -> memref<20000x64xf32, #tpu.memory_space<hbm>>
        tpu.enqueue_indirect_dma source(%dma_start3A_402 : memref<20000x64xf32, #tpu.memory_space<hbm>>) target(%arg8 : memref<80x64xf32, #tpu.memory_space<vmem>>) offsets(%dma_start3A_399 : memref<80xi32, #tpu.memory_space<vmem>>) semaphore(%arg18 : memref<!tpu.dma_semaphore, #tpu.memory_space<semaphore_mem>>)
      } else {
      }
      %add3A_274 = arith.constant 1 : i32
      %add3A_275 = arith.addi %add3A_131, %add3A_274 : i32
      %dma_wait3A_276 = arith.constant 0 : i32
      %dma_wait3A_277 = tpu.memref_slice %arg7[%add3A_275, %dma_wait3A_276] : memref<250x80xi32, #tpu.memory_space<vmem>> -> memref<1x80xi32, #tpu.memory_space<vmem>>
      %dma_wait3A_278 = tpu.memref_squeeze %dma_wait3A_277 : memref<1x80xi32, #tpu.memory_space<vmem>> -> memref<80xi32, #tpu.memory_space<vmem>>
      %dma_wait3A_279 = arith.constant 0 : i32
      %dma_wait3A_280 = arith.constant 0 : i32
      %dma_wait3A_281 = tpu.memref_slice %arg17[%dma_wait3A_279, %dma_wait3A_280] : memref<10240x64xf32, #tpu.memory_space<vmem_shared>> -> memref<10240x64xf32, #tpu.memory_space<vmem_shared>>
      tpu.wait_indirect_dma semaphore(%arg27 : memref<!tpu.dma_semaphore, #tpu.memory_space<semaphore_mem>>) src(%arg9 : memref<80x64xf32, #tpu.memory_space<vmem>>) dst(%dma_wait3A_281 : memref<10240x64xf32, #tpu.memory_space<vmem_shared>>)
      %add3A_282 = arith.constant 1 : i32
      %add3A_283 = arith.addi %add3A_131, %add3A_282 : i32
      %add3A_284 = arith.constant 8 : i32
      %add3A_285 = arith.addi %add3A_283, %add3A_284 : i32
      %lt3A_286 = arith.constant 250 : i32
      %lt3A_287 = arith.cmpi slt, %add3A_285, %lt3A_286 : i32
      %convert_element_type3A_288 = arith.extui %lt3A_287 : i1 to i32
      %cond3A_289 = arith.constant 0 : i32
      %cond3A_290 = arith.cmpi ne, %convert_element_type3A_288, %cond3A_289 : i32
      scf.if %cond3A_290 {
        %add3A_393 = arith.constant 1 : i32
        %add3A_394 = arith.addi %add3A_131, %add3A_393 : i32
        %add3A_395 = arith.constant 8 : i32
        %add3A_396 = arith.addi %add3A_394, %add3A_395 : i32
        %dma_start3A_397 = arith.constant 0 : i32
        %dma_start3A_398 = tpu.memref_slice %arg6[%add3A_396, %dma_start3A_397] : memref<250x80xi32, #tpu.memory_space<vmem>> -> memref<1x80xi32, #tpu.memory_space<vmem>>
        %dma_start3A_399 = tpu.memref_squeeze %dma_start3A_398 : memref<1x80xi32, #tpu.memory_space<vmem>> -> memref<80xi32, #tpu.memory_space<vmem>>
        %dma_start3A_400 = arith.constant 0 : i32
        %dma_start3A_401 = arith.constant 0 : i32
        %dma_start3A_402 = tpu.memref_slice %arg2[%dma_start3A_400, %dma_start3A_401] : memref<20000x64xf32, #tpu.memory_space<hbm>> -> memref<20000x64xf32, #tpu.memory_space<hbm>>
        tpu.enqueue_indirect_dma source(%dma_start3A_402 : memref<20000x64xf32, #tpu.memory_space<hbm>>) target(%arg9 : memref<80x64xf32, #tpu.memory_space<vmem>>) offsets(%dma_start3A_399 : memref<80xi32, #tpu.memory_space<vmem>>) semaphore(%arg19 : memref<!tpu.dma_semaphore, #tpu.memory_space<semaphore_mem>>)
      } else {
      }
      %add3A_291 = arith.constant 2 : i32
      %add3A_292 = arith.addi %add3A_131, %add3A_291 : i32
      %dma_wait3A_293 = arith.constant 0 : i32
      %dma_wait3A_294 = tpu.memref_slice %arg7[%add3A_292, %dma_wait3A_293] : memref<250x80xi32, #tpu.memory_space<vmem>> -> memref<1x80xi32, #tpu.memory_space<vmem>>
      %dma_wait3A_295 = tpu.memref_squeeze %dma_wait3A_294 : memref<1x80xi32, #tpu.memory_space<vmem>> -> memref<80xi32, #tpu.memory_space<vmem>>
      %dma_wait3A_296 = arith.constant 0 : i32
      %dma_wait3A_297 = arith.constant 0 : i32
      %dma_wait3A_298 = tpu.memref_slice %arg17[%dma_wait3A_296, %dma_wait3A_297] : memref<10240x64xf32, #tpu.memory_space<vmem_shared>> -> memref<10240x64xf32, #tpu.memory_space<vmem_shared>>
      tpu.wait_indirect_dma semaphore(%arg28 : memref<!tpu.dma_semaphore, #tpu.memory_space<semaphore_mem>>) src(%arg10 : memref<80x64xf32, #tpu.memory_space<vmem>>) dst(%dma_wait3A_298 : memref<10240x64xf32, #tpu.memory_space<vmem_shared>>)
      %add3A_299 = arith.constant 2 : i32
      %add3A_300 = arith.addi %add3A_131, %add3A_299 : i32
      %add3A_301 = arith.constant 8 : i32
      %add3A_302 = arith.addi %add3A_300, %add3A_301 : i32
      %lt3A_303 = arith.constant 250 : i32
      %lt3A_304 = arith.cmpi slt, %add3A_302, %lt3A_303 : i32
      %convert_element_type3A_305 = arith.extui %lt3A_304 : i1 to i32
      %cond3A_306 = arith.constant 0 : i32
      %cond3A_307 = arith.cmpi ne, %convert_element_type3A_305, %cond3A_306 : i32
      scf.if %cond3A_307 {
        %add3A_393 = arith.constant 2 : i32
        %add3A_394 = arith.addi %add3A_131, %add3A_393 : i32
        %add3A_395 = arith.constant 8 : i32
        %add3A_396 = arith.addi %add3A_394, %add3A_395 : i32
        %dma_start3A_397 = arith.constant 0 : i32
        %dma_start3A_398 = tpu.memref_slice %arg6[%add3A_396, %dma_start3A_397] : memref<250x80xi32, #tpu.memory_space<vmem>> -> memref<1x80xi32, #tpu.memory_space<vmem>>
        %dma_start3A_399 = tpu.memref_squeeze %dma_start3A_398 : memref<1x80xi32, #tpu.memory_space<vmem>> -> memref<80xi32, #tpu.memory_space<vmem>>
        %dma_start3A_400 = arith.constant 0 : i32
        %dma_start3A_401 = arith.constant 0 : i32
        %dma_start3A_402 = tpu.memref_slice %arg2[%dma_start3A_400, %dma_start3A_401] : memref<20000x64xf32, #tpu.memory_space<hbm>> -> memref<20000x64xf32, #tpu.memory_space<hbm>>
        tpu.enqueue_indirect_dma source(%dma_start3A_402 : memref<20000x64xf32, #tpu.memory_space<hbm>>) target(%arg10 : memref<80x64xf32, #tpu.memory_space<vmem>>) offsets(%dma_start3A_399 : memref<80xi32, #tpu.memory_space<vmem>>) semaphore(%arg20 : memref<!tpu.dma_semaphore, #tpu.memory_space<semaphore_mem>>)
      } else {
      }
      %add3A_308 = arith.constant 3 : i32
      %add3A_309 = arith.addi %add3A_131, %add3A_308 : i32
      %dma_wait3A_310 = arith.constant 0 : i32
      %dma_wait3A_311 = tpu.memref_slice %arg7[%add3A_309, %dma_wait3A_310] : memref<250x80xi32, #tpu.memory_space<vmem>> -> memref<1x80xi32, #tpu.memory_space<vmem>>
      %dma_wait3A_312 = tpu.memref_squeeze %dma_wait3A_311 : memref<1x80xi32, #tpu.memory_space<vmem>> -> memref<80xi32, #tpu.memory_space<vmem>>
      %dma_wait3A_313 = arith.constant 0 : i32
      %dma_wait3A_314 = arith.constant 0 : i32
      %dma_wait3A_315 = tpu.memref_slice %arg17[%dma_wait3A_313, %dma_wait3A_314] : memref<10240x64xf32, #tpu.memory_space<vmem_shared>> -> memref<10240x64xf32, #tpu.memory_space<vmem_shared>>
      tpu.wait_indirect_dma semaphore(%arg29 : memref<!tpu.dma_semaphore, #tpu.memory_space<semaphore_mem>>) src(%arg11 : memref<80x64xf32, #tpu.memory_space<vmem>>) dst(%dma_wait3A_315 : memref<10240x64xf32, #tpu.memory_space<vmem_shared>>)
      %add3A_316 = arith.constant 3 : i32
      %add3A_317 = arith.addi %add3A_131, %add3A_316 : i32
      %add3A_318 = arith.constant 8 : i32
      %add3A_319 = arith.addi %add3A_317, %add3A_318 : i32
      %lt3A_320 = arith.constant 250 : i32
      %lt3A_321 = arith.cmpi slt, %add3A_319, %lt3A_320 : i32
      %convert_element_type3A_322 = arith.extui %lt3A_321 : i1 to i32
      %cond3A_323 = arith.constant 0 : i32
      %cond3A_324 = arith.cmpi ne, %convert_element_type3A_322, %cond3A_323 : i32
      scf.if %cond3A_324 {
        %add3A_393 = arith.constant 3 : i32
        %add3A_394 = arith.addi %add3A_131, %add3A_393 : i32
        %add3A_395 = arith.constant 8 : i32
        %add3A_396 = arith.addi %add3A_394, %add3A_395 : i32
        %dma_start3A_397 = arith.constant 0 : i32
        %dma_start3A_398 = tpu.memref_slice %arg6[%add3A_396, %dma_start3A_397] : memref<250x80xi32, #tpu.memory_space<vmem>> -> memref<1x80xi32, #tpu.memory_space<vmem>>
        %dma_start3A_399 = tpu.memref_squeeze %dma_start3A_398 : memref<1x80xi32, #tpu.memory_space<vmem>> -> memref<80xi32, #tpu.memory_space<vmem>>
        %dma_start3A_400 = arith.constant 0 : i32
        %dma_start3A_401 = arith.constant 0 : i32
        %dma_start3A_402 = tpu.memref_slice %arg2[%dma_start3A_400, %dma_start3A_401] : memref<20000x64xf32, #tpu.memory_space<hbm>> -> memref<20000x64xf32, #tpu.memory_space<hbm>>
        tpu.enqueue_indirect_dma source(%dma_start3A_402 : memref<20000x64xf32, #tpu.memory_space<hbm>>) target(%arg11 : memref<80x64xf32, #tpu.memory_space<vmem>>) offsets(%dma_start3A_399 : memref<80xi32, #tpu.memory_space<vmem>>) semaphore(%arg21 : memref<!tpu.dma_semaphore, #tpu.memory_space<semaphore_mem>>)
      } else {
      }
      %add3A_325 = arith.constant 4 : i32
      %add3A_326 = arith.addi %add3A_131, %add3A_325 : i32
      %dma_wait3A_327 = arith.constant 0 : i32
      %dma_wait3A_328 = tpu.memref_slice %arg7[%add3A_326, %dma_wait3A_327] : memref<250x80xi32, #tpu.memory_space<vmem>> -> memref<1x80xi32, #tpu.memory_space<vmem>>
      %dma_wait3A_329 = tpu.memref_squeeze %dma_wait3A_328 : memref<1x80xi32, #tpu.memory_space<vmem>> -> memref<80xi32, #tpu.memory_space<vmem>>
      %dma_wait3A_330 = arith.constant 0 : i32
      %dma_wait3A_331 = arith.constant 0 : i32
      %dma_wait3A_332 = tpu.memref_slice %arg17[%dma_wait3A_330, %dma_wait3A_331] : memref<10240x64xf32, #tpu.memory_space<vmem_shared>> -> memref<10240x64xf32, #tpu.memory_space<vmem_shared>>
      tpu.wait_indirect_dma semaphore(%arg30 : memref<!tpu.dma_semaphore, #tpu.memory_space<semaphore_mem>>) src(%arg12 : memref<80x64xf32, #tpu.memory_space<vmem>>) dst(%dma_wait3A_332 : memref<10240x64xf32, #tpu.memory_space<vmem_shared>>)
      %add3A_333 = arith.constant 4 : i32
      %add3A_334 = arith.addi %add3A_131, %add3A_333 : i32
      %add3A_335 = arith.constant 8 : i32
      %add3A_336 = arith.addi %add3A_334, %add3A_335 : i32
      %lt3A_337 = arith.constant 250 : i32
      %lt3A_338 = arith.cmpi slt, %add3A_336, %lt3A_337 : i32
      %convert_element_type3A_339 = arith.extui %lt3A_338 : i1 to i32
      %cond3A_340 = arith.constant 0 : i32
      %cond3A_341 = arith.cmpi ne, %convert_element_type3A_339, %cond3A_340 : i32
      scf.if %cond3A_341 {
        %add3A_393 = arith.constant 4 : i32
        %add3A_394 = arith.addi %add3A_131, %add3A_393 : i32
        %add3A_395 = arith.constant 8 : i32
        %add3A_396 = arith.addi %add3A_394, %add3A_395 : i32
        %dma_start3A_397 = arith.constant 0 : i32
        %dma_start3A_398 = tpu.memref_slice %arg6[%add3A_396, %dma_start3A_397] : memref<250x80xi32, #tpu.memory_space<vmem>> -> memref<1x80xi32, #tpu.memory_space<vmem>>
        %dma_start3A_399 = tpu.memref_squeeze %dma_start3A_398 : memref<1x80xi32, #tpu.memory_space<vmem>> -> memref<80xi32, #tpu.memory_space<vmem>>
        %dma_start3A_400 = arith.constant 0 : i32
        %dma_start3A_401 = arith.constant 0 : i32
        %dma_start3A_402 = tpu.memref_slice %arg2[%dma_start3A_400, %dma_start3A_401] : memref<20000x64xf32, #tpu.memory_space<hbm>> -> memref<20000x64xf32, #tpu.memory_space<hbm>>
        tpu.enqueue_indirect_dma source(%dma_start3A_402 : memref<20000x64xf32, #tpu.memory_space<hbm>>) target(%arg12 : memref<80x64xf32, #tpu.memory_space<vmem>>) offsets(%dma_start3A_399 : memref<80xi32, #tpu.memory_space<vmem>>) semaphore(%arg22 : memref<!tpu.dma_semaphore, #tpu.memory_space<semaphore_mem>>)
      } else {
      }
      %add3A_342 = arith.constant 5 : i32
      %add3A_343 = arith.addi %add3A_131, %add3A_342 : i32
      %dma_wait3A_344 = arith.constant 0 : i32
      %dma_wait3A_345 = tpu.memref_slice %arg7[%add3A_343, %dma_wait3A_344] : memref<250x80xi32, #tpu.memory_space<vmem>> -> memref<1x80xi32, #tpu.memory_space<vmem>>
      %dma_wait3A_346 = tpu.memref_squeeze %dma_wait3A_345 : memref<1x80xi32, #tpu.memory_space<vmem>> -> memref<80xi32, #tpu.memory_space<vmem>>
      %dma_wait3A_347 = arith.constant 0 : i32
      %dma_wait3A_348 = arith.constant 0 : i32
      %dma_wait3A_349 = tpu.memref_slice %arg17[%dma_wait3A_347, %dma_wait3A_348] : memref<10240x64xf32, #tpu.memory_space<vmem_shared>> -> memref<10240x64xf32, #tpu.memory_space<vmem_shared>>
      tpu.wait_indirect_dma semaphore(%arg31 : memref<!tpu.dma_semaphore, #tpu.memory_space<semaphore_mem>>) src(%arg13 : memref<80x64xf32, #tpu.memory_space<vmem>>) dst(%dma_wait3A_349 : memref<10240x64xf32, #tpu.memory_space<vmem_shared>>)
      %add3A_350 = arith.constant 5 : i32
      %add3A_351 = arith.addi %add3A_131, %add3A_350 : i32
      %add3A_352 = arith.constant 8 : i32
      %add3A_353 = arith.addi %add3A_351, %add3A_352 : i32
      %lt3A_354 = arith.constant 250 : i32
      %lt3A_355 = arith.cmpi slt, %add3A_353, %lt3A_354 : i32
      %convert_element_type3A_356 = arith.extui %lt3A_355 : i1 to i32
      %cond3A_357 = arith.constant 0 : i32
      %cond3A_358 = arith.cmpi ne, %convert_element_type3A_356, %cond3A_357 : i32
      scf.if %cond3A_358 {
        %add3A_393 = arith.constant 5 : i32
        %add3A_394 = arith.addi %add3A_131, %add3A_393 : i32
        %add3A_395 = arith.constant 8 : i32
        %add3A_396 = arith.addi %add3A_394, %add3A_395 : i32
        %dma_start3A_397 = arith.constant 0 : i32
        %dma_start3A_398 = tpu.memref_slice %arg6[%add3A_396, %dma_start3A_397] : memref<250x80xi32, #tpu.memory_space<vmem>> -> memref<1x80xi32, #tpu.memory_space<vmem>>
        %dma_start3A_399 = tpu.memref_squeeze %dma_start3A_398 : memref<1x80xi32, #tpu.memory_space<vmem>> -> memref<80xi32, #tpu.memory_space<vmem>>
        %dma_start3A_400 = arith.constant 0 : i32
        %dma_start3A_401 = arith.constant 0 : i32
        %dma_start3A_402 = tpu.memref_slice %arg2[%dma_start3A_400, %dma_start3A_401] : memref<20000x64xf32, #tpu.memory_space<hbm>> -> memref<20000x64xf32, #tpu.memory_space<hbm>>
        tpu.enqueue_indirect_dma source(%dma_start3A_402 : memref<20000x64xf32, #tpu.memory_space<hbm>>) target(%arg13 : memref<80x64xf32, #tpu.memory_space<vmem>>) offsets(%dma_start3A_399 : memref<80xi32, #tpu.memory_space<vmem>>) semaphore(%arg23 : memref<!tpu.dma_semaphore, #tpu.memory_space<semaphore_mem>>)
      } else {
      }
      %add3A_359 = arith.constant 6 : i32
      %add3A_360 = arith.addi %add3A_131, %add3A_359 : i32
      %dma_wait3A_361 = arith.constant 0 : i32
      %dma_wait3A_362 = tpu.memref_slice %arg7[%add3A_360, %dma_wait3A_361] : memref<250x80xi32, #tpu.memory_space<vmem>> -> memref<1x80xi32, #tpu.memory_space<vmem>>
      %dma_wait3A_363 = tpu.memref_squeeze %dma_wait3A_362 : memref<1x80xi32, #tpu.memory_space<vmem>> -> memref<80xi32, #tpu.memory_space<vmem>>
      %dma_wait3A_364 = arith.constant 0 : i32
      %dma_wait3A_365 = arith.constant 0 : i32
      %dma_wait3A_366 = tpu.memref_slice %arg17[%dma_wait3A_364, %dma_wait3A_365] : memref<10240x64xf32, #tpu.memory_space<vmem_shared>> -> memref<10240x64xf32, #tpu.memory_space<vmem_shared>>
      tpu.wait_indirect_dma semaphore(%arg32 : memref<!tpu.dma_semaphore, #tpu.memory_space<semaphore_mem>>) src(%arg14 : memref<80x64xf32, #tpu.memory_space<vmem>>) dst(%dma_wait3A_366 : memref<10240x64xf32, #tpu.memory_space<vmem_shared>>)
      %add3A_367 = arith.constant 6 : i32
      %add3A_368 = arith.addi %add3A_131, %add3A_367 : i32
      %add3A_369 = arith.constant 8 : i32
      %add3A_370 = arith.addi %add3A_368, %add3A_369 : i32
      %lt3A_371 = arith.constant 250 : i32
      %lt3A_372 = arith.cmpi slt, %add3A_370, %lt3A_371 : i32
      %convert_element_type3A_373 = arith.extui %lt3A_372 : i1 to i32
      %cond3A_374 = arith.constant 0 : i32
      %cond3A_375 = arith.cmpi ne, %convert_element_type3A_373, %cond3A_374 : i32
      scf.if %cond3A_375 {
        %add3A_393 = arith.constant 6 : i32
        %add3A_394 = arith.addi %add3A_131, %add3A_393 : i32
        %add3A_395 = arith.constant 8 : i32
        %add3A_396 = arith.addi %add3A_394, %add3A_395 : i32
        %dma_start3A_397 = arith.constant 0 : i32
        %dma_start3A_398 = tpu.memref_slice %arg6[%add3A_396, %dma_start3A_397] : memref<250x80xi32, #tpu.memory_space<vmem>> -> memref<1x80xi32, #tpu.memory_space<vmem>>
        %dma_start3A_399 = tpu.memref_squeeze %dma_start3A_398 : memref<1x80xi32, #tpu.memory_space<vmem>> -> memref<80xi32, #tpu.memory_space<vmem>>
        %dma_start3A_400 = arith.constant 0 : i32
        %dma_start3A_401 = arith.constant 0 : i32
        %dma_start3A_402 = tpu.memref_slice %arg2[%dma_start3A_400, %dma_start3A_401] : memref<20000x64xf32, #tpu.memory_space<hbm>> -> memref<20000x64xf32, #tpu.memory_space<hbm>>
        tpu.enqueue_indirect_dma source(%dma_start3A_402 : memref<20000x64xf32, #tpu.memory_space<hbm>>) target(%arg14 : memref<80x64xf32, #tpu.memory_space<vmem>>) offsets(%dma_start3A_399 : memref<80xi32, #tpu.memory_space<vmem>>) semaphore(%arg24 : memref<!tpu.dma_semaphore, #tpu.memory_space<semaphore_mem>>)
      } else {
      }
      %add3A_376 = arith.constant 7 : i32
      %add3A_377 = arith.addi %add3A_131, %add3A_376 : i32
      %dma_wait3A_378 = arith.constant 0 : i32
      %dma_wait3A_379 = tpu.memref_slice %arg7[%add3A_377, %dma_wait3A_378] : memref<250x80xi32, #tpu.memory_space<vmem>> -> memref<1x80xi32, #tpu.memory_space<vmem>>
      %dma_wait3A_380 = tpu.memref_squeeze %dma_wait3A_379 : memref<1x80xi32, #tpu.memory_space<vmem>> -> memref<80xi32, #tpu.memory_space<vmem>>
      %dma_wait3A_381 = arith.constant 0 : i32
      %dma_wait3A_382 = arith.constant 0 : i32
      %dma_wait3A_383 = tpu.memref_slice %arg17[%dma_wait3A_381, %dma_wait3A_382] : memref<10240x64xf32, #tpu.memory_space<vmem_shared>> -> memref<10240x64xf32, #tpu.memory_space<vmem_shared>>
      tpu.wait_indirect_dma semaphore(%arg33 : memref<!tpu.dma_semaphore, #tpu.memory_space<semaphore_mem>>) src(%arg15 : memref<80x64xf32, #tpu.memory_space<vmem>>) dst(%dma_wait3A_383 : memref<10240x64xf32, #tpu.memory_space<vmem_shared>>)
      %add3A_384 = arith.constant 7 : i32
      %add3A_385 = arith.addi %add3A_131, %add3A_384 : i32
      %add3A_386 = arith.constant 8 : i32
      %add3A_387 = arith.addi %add3A_385, %add3A_386 : i32
      %lt3A_388 = arith.constant 250 : i32
      %lt3A_389 = arith.cmpi slt, %add3A_387, %lt3A_388 : i32
      %convert_element_type3A_390 = arith.extui %lt3A_389 : i1 to i32
      %cond3A_391 = arith.constant 0 : i32
      %cond3A_392 = arith.cmpi ne, %convert_element_type3A_390, %cond3A_391 : i32
      scf.if %cond3A_392 {
        %add3A_393 = arith.constant 7 : i32
        %add3A_394 = arith.addi %add3A_131, %add3A_393 : i32
        %add3A_395 = arith.constant 8 : i32
        %add3A_396 = arith.addi %add3A_394, %add3A_395 : i32
        %dma_start3A_397 = arith.constant 0 : i32
        %dma_start3A_398 = tpu.memref_slice %arg6[%add3A_396, %dma_start3A_397] : memref<250x80xi32, #tpu.memory_space<vmem>> -> memref<1x80xi32, #tpu.memory_space<vmem>>
        %dma_start3A_399 = tpu.memref_squeeze %dma_start3A_398 : memref<1x80xi32, #tpu.memory_space<vmem>> -> memref<80xi32, #tpu.memory_space<vmem>>
        %dma_start3A_400 = arith.constant 0 : i32
        %dma_start3A_401 = arith.constant 0 : i32
        %dma_start3A_402 = tpu.memref_slice %arg2[%dma_start3A_400, %dma_start3A_401] : memref<20000x64xf32, #tpu.memory_space<hbm>> -> memref<20000x64xf32, #tpu.memory_space<hbm>>
        tpu.enqueue_indirect_dma source(%dma_start3A_402 : memref<20000x64xf32, #tpu.memory_space<hbm>>) target(%arg15 : memref<80x64xf32, #tpu.memory_space<vmem>>) offsets(%dma_start3A_399 : memref<80xi32, #tpu.memory_space<vmem>>) semaphore(%arg25 : memref<!tpu.dma_semaphore, #tpu.memory_space<semaphore_mem>>)
      } else {
      }
    }
    %scan3A_74 = arith.constant 31 : i32
    %dma_wait3A = arith.constant 248 : i32
    %dma_wait3A_75 = arith.constant 0 : i32
    %dma_wait3A_76 = tpu.memref_slice %arg6[%dma_wait3A, %dma_wait3A_75] : memref<250x80xi32, #tpu.memory_space<vmem>> -> memref<1x80xi32, #tpu.memory_space<vmem>>
    %dma_wait3A_77 = tpu.memref_squeeze %dma_wait3A_76 : memref<1x80xi32, #tpu.memory_space<vmem>> -> memref<80xi32, #tpu.memory_space<vmem>>
    %dma_wait3A_78 = arith.constant 0 : i32
    %dma_wait3A_79 = arith.constant 0 : i32
    %dma_wait3A_80 = tpu.memref_slice %arg2[%dma_wait3A_78, %dma_wait3A_79] : memref<20000x64xf32, #tpu.memory_space<hbm>> -> memref<20000x64xf32, #tpu.memory_space<hbm>>
    tpu.wait_indirect_dma semaphore(%arg18 : memref<!tpu.dma_semaphore, #tpu.memory_space<semaphore_mem>>) src(%dma_wait3A_80 : memref<20000x64xf32, #tpu.memory_space<hbm>>) dst(%arg8 : memref<80x64xf32, #tpu.memory_space<vmem>>)
    %dma_start3A_81 = arith.constant 248 : i32
    %dma_start3A_82 = arith.constant 0 : i32
    %dma_start3A_83 = tpu.memref_slice %arg7[%dma_start3A_81, %dma_start3A_82] : memref<250x80xi32, #tpu.memory_space<vmem>> -> memref<1x80xi32, #tpu.memory_space<vmem>>
    %dma_start3A_84 = tpu.memref_squeeze %dma_start3A_83 : memref<1x80xi32, #tpu.memory_space<vmem>> -> memref<80xi32, #tpu.memory_space<vmem>>
    %dma_start3A_85 = arith.constant 0 : i32
    %dma_start3A_86 = arith.constant 0 : i32
    %dma_start3A_87 = tpu.memref_slice %arg17[%dma_start3A_85, %dma_start3A_86] : memref<10240x64xf32, #tpu.memory_space<vmem_shared>> -> memref<10240x64xf32, #tpu.memory_space<vmem_shared>>
    tpu.enqueue_indirect_dma source(%arg8 : memref<80x64xf32, #tpu.memory_space<vmem>>) target(%dma_start3A_87 : memref<10240x64xf32, #tpu.memory_space<vmem_shared>>) offsets(%dma_start3A_84 : memref<80xi32, #tpu.memory_space<vmem>>) semaphore(%arg26 : memref<!tpu.dma_semaphore, #tpu.memory_space<semaphore_mem>>) {add = true}
    %dma_wait3A_88 = arith.constant 249 : i32
    %dma_wait3A_89 = arith.constant 0 : i32
    %dma_wait3A_90 = tpu.memref_slice %arg6[%dma_wait3A_88, %dma_wait3A_89] : memref<250x80xi32, #tpu.memory_space<vmem>> -> memref<1x80xi32, #tpu.memory_space<vmem>>
    %dma_wait3A_91 = tpu.memref_squeeze %dma_wait3A_90 : memref<1x80xi32, #tpu.memory_space<vmem>> -> memref<80xi32, #tpu.memory_space<vmem>>
    %dma_wait3A_92 = arith.constant 0 : i32
    %dma_wait3A_93 = arith.constant 0 : i32
    %dma_wait3A_94 = tpu.memref_slice %arg2[%dma_wait3A_92, %dma_wait3A_93] : memref<20000x64xf32, #tpu.memory_space<hbm>> -> memref<20000x64xf32, #tpu.memory_space<hbm>>
    tpu.wait_indirect_dma semaphore(%arg19 : memref<!tpu.dma_semaphore, #tpu.memory_space<semaphore_mem>>) src(%dma_wait3A_94 : memref<20000x64xf32, #tpu.memory_space<hbm>>) dst(%arg9 : memref<80x64xf32, #tpu.memory_space<vmem>>)
    %dma_start3A_95 = arith.constant 249 : i32
    %dma_start3A_96 = arith.constant 0 : i32
    %dma_start3A_97 = tpu.memref_slice %arg7[%dma_start3A_95, %dma_start3A_96] : memref<250x80xi32, #tpu.memory_space<vmem>> -> memref<1x80xi32, #tpu.memory_space<vmem>>
    %dma_start3A_98 = tpu.memref_squeeze %dma_start3A_97 : memref<1x80xi32, #tpu.memory_space<vmem>> -> memref<80xi32, #tpu.memory_space<vmem>>
    %dma_start3A_99 = arith.constant 0 : i32
    %dma_start3A_100 = arith.constant 0 : i32
    %dma_start3A_101 = tpu.memref_slice %arg17[%dma_start3A_99, %dma_start3A_100] : memref<10240x64xf32, #tpu.memory_space<vmem_shared>> -> memref<10240x64xf32, #tpu.memory_space<vmem_shared>>
    tpu.enqueue_indirect_dma source(%arg9 : memref<80x64xf32, #tpu.memory_space<vmem>>) target(%dma_start3A_101 : memref<10240x64xf32, #tpu.memory_space<vmem_shared>>) offsets(%dma_start3A_98 : memref<80xi32, #tpu.memory_space<vmem>>) semaphore(%arg27 : memref<!tpu.dma_semaphore, #tpu.memory_space<semaphore_mem>>) {add = true}
    %dma_wait3A_102 = arith.constant 248 : i32
    %dma_wait3A_103 = arith.constant 0 : i32
    %dma_wait3A_104 = tpu.memref_slice %arg7[%dma_wait3A_102, %dma_wait3A_103] : memref<250x80xi32, #tpu.memory_space<vmem>> -> memref<1x80xi32, #tpu.memory_space<vmem>>
    %dma_wait3A_105 = tpu.memref_squeeze %dma_wait3A_104 : memref<1x80xi32, #tpu.memory_space<vmem>> -> memref<80xi32, #tpu.memory_space<vmem>>
    %dma_wait3A_106 = arith.constant 0 : i32
    %dma_wait3A_107 = arith.constant 0 : i32
    %dma_wait3A_108 = tpu.memref_slice %arg17[%dma_wait3A_106, %dma_wait3A_107] : memref<10240x64xf32, #tpu.memory_space<vmem_shared>> -> memref<10240x64xf32, #tpu.memory_space<vmem_shared>>
    tpu.wait_indirect_dma semaphore(%arg26 : memref<!tpu.dma_semaphore, #tpu.memory_space<semaphore_mem>>) src(%arg8 : memref<80x64xf32, #tpu.memory_space<vmem>>) dst(%dma_wait3A_108 : memref<10240x64xf32, #tpu.memory_space<vmem_shared>>)
    %dma_wait3A_109 = arith.constant 249 : i32
    %dma_wait3A_110 = arith.constant 0 : i32
    %dma_wait3A_111 = tpu.memref_slice %arg7[%dma_wait3A_109, %dma_wait3A_110] : memref<250x80xi32, #tpu.memory_space<vmem>> -> memref<1x80xi32, #tpu.memory_space<vmem>>
    %dma_wait3A_112 = tpu.memref_squeeze %dma_wait3A_111 : memref<1x80xi32, #tpu.memory_space<vmem>> -> memref<80xi32, #tpu.memory_space<vmem>>
    %dma_wait3A_113 = arith.constant 0 : i32
    %dma_wait3A_114 = arith.constant 0 : i32
    %dma_wait3A_115 = tpu.memref_slice %arg17[%dma_wait3A_113, %dma_wait3A_114] : memref<10240x64xf32, #tpu.memory_space<vmem_shared>> -> memref<10240x64xf32, #tpu.memory_space<vmem_shared>>
    tpu.wait_indirect_dma semaphore(%arg27 : memref<!tpu.dma_semaphore, #tpu.memory_space<semaphore_mem>>) src(%arg9 : memref<80x64xf32, #tpu.memory_space<vmem>>) dst(%dma_wait3A_115 : memref<10240x64xf32, #tpu.memory_space<vmem_shared>>)
    %barrier3A_116 = arith.constant 0 : index
    tpu.barrier barrier_id(%barrier3A_116)
    %add3A_117 = arith.constant 0 : i32
    %add3A_118 = arith.addi %mul3A_0, %add3A_117 : i32
    "tpu.region"() ({
      %run_scoped3A = tpu.sem_alloc : memref<!tpu.dma_semaphore, #tpu.memory_space<semaphore_mem>>
      %dma_start3A_127 = arith.constant 0 : i32
      %dma_start3A_128 = tpu.memref_slice %arg17[%add3A_118, %dma_start3A_127] : memref<10240x64xf32, #tpu.memory_space<vmem_shared>> -> memref<128x64xf32, #tpu.memory_space<vmem_shared>>
      %dma_start3A_129 = arith.constant 0 : i32
      %dma_start3A_130 = tpu.memref_slice %arg17[%add3A_118, %dma_start3A_129] : memref<10240x64xf32, #tpu.memory_space<vmem_shared>> -> memref<128x64xf32, #tpu.memory_space<vmem_shared>>
      tpu.enqueue_dma source(%dma_start3A_130 : memref<128x64xf32, #tpu.memory_space<vmem_shared>>) target(%arg16 : memref<128x64xf32, #tpu.memory_space<vmem>>) target_semaphore(%run_scoped3A : memref<!tpu.dma_semaphore, #tpu.memory_space<semaphore_mem>>)
      %dma_wait3A_131 = arith.constant 0 : i32
      %dma_wait3A_132 = tpu.memref_slice %arg17[%add3A_118, %dma_wait3A_131] : memref<10240x64xf32, #tpu.memory_space<vmem_shared>> -> memref<128x64xf32, #tpu.memory_space<vmem_shared>>
      %dma_wait3A_133 = arith.constant 0 : i32
      %dma_wait3A_134 = tpu.memref_slice %arg17[%add3A_118, %dma_wait3A_133] : memref<10240x64xf32, #tpu.memory_space<vmem_shared>> -> memref<128x64xf32, #tpu.memory_space<vmem_shared>>
      tpu.wait_dma2 semaphore(%run_scoped3A : memref<!tpu.dma_semaphore, #tpu.memory_space<semaphore_mem>>) src(%dma_wait3A_134 : memref<128x64xf32, #tpu.memory_space<vmem_shared>>) dst(%arg16 : memref<128x64xf32, #tpu.memory_space<vmem>>)
      tpu.yield
    }) : () -> ()
    "tpu.region"() ({
      %run_scoped3A = tpu.sem_alloc : memref<!tpu.dma_semaphore, #tpu.memory_space<semaphore_mem>>
      %dma_start3A_127 = arith.constant 0 : i32
      %dma_start3A_128 = arith.constant 0 : i32
      %dma_start3A_129 = tpu.memref_slice %arg5[%arg0, %dma_start3A_127, %dma_start3A_128] : memref<2x10240x64xf32, #tpu.memory_space<hbm>> -> memref<1x10240x64xf32, #tpu.memory_space<hbm>>
      %dma_start3A_130 = tpu.memref_squeeze %dma_start3A_129 : memref<1x10240x64xf32, #tpu.memory_space<hbm>> -> memref<10240x64xf32, #tpu.memory_space<hbm>>
      %dma_start3A_131 = arith.constant 0 : i32
      %dma_start3A_132 = tpu.memref_slice %dma_start3A_130[%add3A_118, %dma_start3A_131] : memref<10240x64xf32, #tpu.memory_space<hbm>> -> memref<128x64xf32, #tpu.memory_space<hbm>>
      %dma_start3A_133 = arith.constant 0 : i32
      %dma_start3A_134 = arith.constant 0 : i32
      %dma_start3A_135 = tpu.memref_slice %arg5[%arg0, %dma_start3A_133, %dma_start3A_134] : memref<2x10240x64xf32, #tpu.memory_space<hbm>> -> memref<1x10240x64xf32, #tpu.memory_space<hbm>>
      %dma_start3A_136 = tpu.memref_squeeze %dma_start3A_135 : memref<1x10240x64xf32, #tpu.memory_space<hbm>> -> memref<10240x64xf32, #tpu.memory_space<hbm>>
      %dma_start3A_137 = arith.constant 0 : i32
      %dma_start3A_138 = tpu.memref_slice %dma_start3A_136[%add3A_118, %dma_start3A_137] : memref<10240x64xf32, #tpu.memory_space<hbm>> -> memref<128x64xf32, #tpu.memory_space<hbm>>
      tpu.enqueue_dma source(%arg16 : memref<128x64xf32, #tpu.memory_space<vmem>>) target(%dma_start3A_138 : memref<128x64xf32, #tpu.memory_space<hbm>>) target_semaphore(%run_scoped3A : memref<!tpu.dma_semaphore, #tpu.memory_space<semaphore_mem>>)
      %dma_wait3A_139 = arith.constant 0 : i32
      %dma_wait3A_140 = arith.constant 0 : i32
      %dma_wait3A_141 = tpu.memref_slice %arg5[%arg0, %dma_wait3A_139, %dma_wait3A_140] : memref<2x10240x64xf32, #tpu.memory_space<hbm>> -> memref<1x10240x64xf32, #tpu.memory_space<hbm>>
      %dma_wait3A_142 = tpu.memref_squeeze %dma_wait3A_141 : memref<1x10240x64xf32, #tpu.memory_space<hbm>> -> memref<10240x64xf32, #tpu.memory_space<hbm>>
      %dma_wait3A_143 = arith.constant 0 : i32
      %dma_wait3A_144 = tpu.memref_slice %dma_wait3A_142[%add3A_118, %dma_wait3A_143] : memref<10240x64xf32, #tpu.memory_space<hbm>> -> memref<128x64xf32, #tpu.memory_space<hbm>>
      %dma_wait3A_145 = arith.constant 0 : i32
      %dma_wait3A_146 = arith.constant 0 : i32
      %dma_wait3A_147 = tpu.memref_slice %arg5[%arg0, %dma_wait3A_145, %dma_wait3A_146] : memref<2x10240x64xf32, #tpu.memory_space<hbm>> -> memref<1x10240x64xf32, #tpu.memory_space<hbm>>
      %dma_wait3A_148 = tpu.memref_squeeze %dma_wait3A_147 : memref<1x10240x64xf32, #tpu.memory_space<hbm>> -> memref<10240x64xf32, #tpu.memory_space<hbm>>
      %dma_wait3A_149 = arith.constant 0 : i32
      %dma_wait3A_150 = tpu.memref_slice %dma_wait3A_148[%add3A_118, %dma_wait3A_149] : memref<10240x64xf32, #tpu.memory_space<hbm>> -> memref<128x64xf32, #tpu.memory_space<hbm>>
      tpu.wait_dma2 semaphore(%run_scoped3A : memref<!tpu.dma_semaphore, #tpu.memory_space<semaphore_mem>>) src(%arg16 : memref<128x64xf32, #tpu.memory_space<vmem>>) dst(%dma_wait3A_150 : memref<128x64xf32, #tpu.memory_space<hbm>>)
      tpu.yield
    }) : () -> ()
    %add3A_119 = arith.constant 128 : i32
    %add3A_120 = arith.addi %mul3A_0, %add3A_119 : i32
    "tpu.region"() ({
      %run_scoped3A = tpu.sem_alloc : memref<!tpu.dma_semaphore, #tpu.memory_space<semaphore_mem>>
      %dma_start3A_127 = arith.constant 0 : i32
      %dma_start3A_128 = tpu.memref_slice %arg17[%add3A_120, %dma_start3A_127] : memref<10240x64xf32, #tpu.memory_space<vmem_shared>> -> memref<128x64xf32, #tpu.memory_space<vmem_shared>>
      %dma_start3A_129 = arith.constant 0 : i32
      %dma_start3A_130 = tpu.memref_slice %arg17[%add3A_120, %dma_start3A_129] : memref<10240x64xf32, #tpu.memory_space<vmem_shared>> -> memref<128x64xf32, #tpu.memory_space<vmem_shared>>
      tpu.enqueue_dma source(%dma_start3A_130 : memref<128x64xf32, #tpu.memory_space<vmem_shared>>) target(%arg16 : memref<128x64xf32, #tpu.memory_space<vmem>>) target_semaphore(%run_scoped3A : memref<!tpu.dma_semaphore, #tpu.memory_space<semaphore_mem>>)
      %dma_wait3A_131 = arith.constant 0 : i32
      %dma_wait3A_132 = tpu.memref_slice %arg17[%add3A_120, %dma_wait3A_131] : memref<10240x64xf32, #tpu.memory_space<vmem_shared>> -> memref<128x64xf32, #tpu.memory_space<vmem_shared>>
      %dma_wait3A_133 = arith.constant 0 : i32
      %dma_wait3A_134 = tpu.memref_slice %arg17[%add3A_120, %dma_wait3A_133] : memref<10240x64xf32, #tpu.memory_space<vmem_shared>> -> memref<128x64xf32, #tpu.memory_space<vmem_shared>>
      tpu.wait_dma2 semaphore(%run_scoped3A : memref<!tpu.dma_semaphore, #tpu.memory_space<semaphore_mem>>) src(%dma_wait3A_134 : memref<128x64xf32, #tpu.memory_space<vmem_shared>>) dst(%arg16 : memref<128x64xf32, #tpu.memory_space<vmem>>)
      tpu.yield
    }) : () -> ()
    "tpu.region"() ({
      %run_scoped3A = tpu.sem_alloc : memref<!tpu.dma_semaphore, #tpu.memory_space<semaphore_mem>>
      %dma_start3A_127 = arith.constant 0 : i32
      %dma_start3A_128 = arith.constant 0 : i32
      %dma_start3A_129 = tpu.memref_slice %arg5[%arg0, %dma_start3A_127, %dma_start3A_128] : memref<2x10240x64xf32, #tpu.memory_space<hbm>> -> memref<1x10240x64xf32, #tpu.memory_space<hbm>>
      %dma_start3A_130 = tpu.memref_squeeze %dma_start3A_129 : memref<1x10240x64xf32, #tpu.memory_space<hbm>> -> memref<10240x64xf32, #tpu.memory_space<hbm>>
      %dma_start3A_131 = arith.constant 0 : i32
      %dma_start3A_132 = tpu.memref_slice %dma_start3A_130[%add3A_120, %dma_start3A_131] : memref<10240x64xf32, #tpu.memory_space<hbm>> -> memref<128x64xf32, #tpu.memory_space<hbm>>
      %dma_start3A_133 = arith.constant 0 : i32
      %dma_start3A_134 = arith.constant 0 : i32
      %dma_start3A_135 = tpu.memref_slice %arg5[%arg0, %dma_start3A_133, %dma_start3A_134] : memref<2x10240x64xf32, #tpu.memory_space<hbm>> -> memref<1x10240x64xf32, #tpu.memory_space<hbm>>
      %dma_start3A_136 = tpu.memref_squeeze %dma_start3A_135 : memref<1x10240x64xf32, #tpu.memory_space<hbm>> -> memref<10240x64xf32, #tpu.memory_space<hbm>>
      %dma_start3A_137 = arith.constant 0 : i32
      %dma_start3A_138 = tpu.memref_slice %dma_start3A_136[%add3A_120, %dma_start3A_137] : memref<10240x64xf32, #tpu.memory_space<hbm>> -> memref<128x64xf32, #tpu.memory_space<hbm>>
      tpu.enqueue_dma source(%arg16 : memref<128x64xf32, #tpu.memory_space<vmem>>) target(%dma_start3A_138 : memref<128x64xf32, #tpu.memory_space<hbm>>) target_semaphore(%run_scoped3A : memref<!tpu.dma_semaphore, #tpu.memory_space<semaphore_mem>>)
      %dma_wait3A_139 = arith.constant 0 : i32
      %dma_wait3A_140 = arith.constant 0 : i32
      %dma_wait3A_141 = tpu.memref_slice %arg5[%arg0, %dma_wait3A_139, %dma_wait3A_140] : memref<2x10240x64xf32, #tpu.memory_space<hbm>> -> memref<1x10240x64xf32, #tpu.memory_space<hbm>>
      %dma_wait3A_142 = tpu.memref_squeeze %dma_wait3A_141 : memref<1x10240x64xf32, #tpu.memory_space<hbm>> -> memref<10240x64xf32, #tpu.memory_space<hbm>>
      %dma_wait3A_143 = arith.constant 0 : i32
      %dma_wait3A_144 = tpu.memref_slice %dma_wait3A_142[%add3A_120, %dma_wait3A_143] : memref<10240x64xf32, #tpu.memory_space<hbm>> -> memref<128x64xf32, #tpu.memory_space<hbm>>
      %dma_wait3A_145 = arith.constant 0 : i32
      %dma_wait3A_146 = arith.constant 0 : i32
      %dma_wait3A_147 = tpu.memref_slice %arg5[%arg0, %dma_wait3A_145, %dma_wait3A_146] : memref<2x10240x64xf32, #tpu.memory_space<hbm>> -> memref<1x10240x64xf32, #tpu.memory_space<hbm>>
      %dma_wait3A_148 = tpu.memref_squeeze %dma_wait3A_147 : memref<1x10240x64xf32, #tpu.memory_space<hbm>> -> memref<10240x64xf32, #tpu.memory_space<hbm>>
      %dma_wait3A_149 = arith.constant 0 : i32
      %dma_wait3A_150 = tpu.memref_slice %dma_wait3A_148[%add3A_120, %dma_wait3A_149] : memref<10240x64xf32, #tpu.memory_space<hbm>> -> memref<128x64xf32, #tpu.memory_space<hbm>>
      tpu.wait_dma2 semaphore(%run_scoped3A : memref<!tpu.dma_semaphore, #tpu.memory_space<semaphore_mem>>) src(%arg16 : memref<128x64xf32, #tpu.memory_space<vmem>>) dst(%dma_wait3A_150 : memref<128x64xf32, #tpu.memory_space<hbm>>)
      tpu.yield
    }) : () -> ()
    %add3A_121 = arith.constant 256 : i32
    %add3A_122 = arith.addi %mul3A_0, %add3A_121 : i32
    "tpu.region"() ({
      %run_scoped3A = tpu.sem_alloc : memref<!tpu.dma_semaphore, #tpu.memory_space<semaphore_mem>>
      %dma_start3A_127 = arith.constant 0 : i32
      %dma_start3A_128 = tpu.memref_slice %arg17[%add3A_122, %dma_start3A_127] : memref<10240x64xf32, #tpu.memory_space<vmem_shared>> -> memref<128x64xf32, #tpu.memory_space<vmem_shared>>
      %dma_start3A_129 = arith.constant 0 : i32
      %dma_start3A_130 = tpu.memref_slice %arg17[%add3A_122, %dma_start3A_129] : memref<10240x64xf32, #tpu.memory_space<vmem_shared>> -> memref<128x64xf32, #tpu.memory_space<vmem_shared>>
      tpu.enqueue_dma source(%dma_start3A_130 : memref<128x64xf32, #tpu.memory_space<vmem_shared>>) target(%arg16 : memref<128x64xf32, #tpu.memory_space<vmem>>) target_semaphore(%run_scoped3A : memref<!tpu.dma_semaphore, #tpu.memory_space<semaphore_mem>>)
      %dma_wait3A_131 = arith.constant 0 : i32
      %dma_wait3A_132 = tpu.memref_slice %arg17[%add3A_122, %dma_wait3A_131] : memref<10240x64xf32, #tpu.memory_space<vmem_shared>> -> memref<128x64xf32, #tpu.memory_space<vmem_shared>>
      %dma_wait3A_133 = arith.constant 0 : i32
      %dma_wait3A_134 = tpu.memref_slice %arg17[%add3A_122, %dma_wait3A_133] : memref<10240x64xf32, #tpu.memory_space<vmem_shared>> -> memref<128x64xf32, #tpu.memory_space<vmem_shared>>
      tpu.wait_dma2 semaphore(%run_scoped3A : memref<!tpu.dma_semaphore, #tpu.memory_space<semaphore_mem>>) src(%dma_wait3A_134 : memref<128x64xf32, #tpu.memory_space<vmem_shared>>) dst(%arg16 : memref<128x64xf32, #tpu.memory_space<vmem>>)
      tpu.yield
    }) : () -> ()
    "tpu.region"() ({
      %run_scoped3A = tpu.sem_alloc : memref<!tpu.dma_semaphore, #tpu.memory_space<semaphore_mem>>
      %dma_start3A_127 = arith.constant 0 : i32
      %dma_start3A_128 = arith.constant 0 : i32
      %dma_start3A_129 = tpu.memref_slice %arg5[%arg0, %dma_start3A_127, %dma_start3A_128] : memref<2x10240x64xf32, #tpu.memory_space<hbm>> -> memref<1x10240x64xf32, #tpu.memory_space<hbm>>
      %dma_start3A_130 = tpu.memref_squeeze %dma_start3A_129 : memref<1x10240x64xf32, #tpu.memory_space<hbm>> -> memref<10240x64xf32, #tpu.memory_space<hbm>>
      %dma_start3A_131 = arith.constant 0 : i32
      %dma_start3A_132 = tpu.memref_slice %dma_start3A_130[%add3A_122, %dma_start3A_131] : memref<10240x64xf32, #tpu.memory_space<hbm>> -> memref<128x64xf32, #tpu.memory_space<hbm>>
      %dma_start3A_133 = arith.constant 0 : i32
      %dma_start3A_134 = arith.constant 0 : i32
      %dma_start3A_135 = tpu.memref_slice %arg5[%arg0, %dma_start3A_133, %dma_start3A_134] : memref<2x10240x64xf32, #tpu.memory_space<hbm>> -> memref<1x10240x64xf32, #tpu.memory_space<hbm>>
      %dma_start3A_136 = tpu.memref_squeeze %dma_start3A_135 : memref<1x10240x64xf32, #tpu.memory_space<hbm>> -> memref<10240x64xf32, #tpu.memory_space<hbm>>
      %dma_start3A_137 = arith.constant 0 : i32
      %dma_start3A_138 = tpu.memref_slice %dma_start3A_136[%add3A_122, %dma_start3A_137] : memref<10240x64xf32, #tpu.memory_space<hbm>> -> memref<128x64xf32, #tpu.memory_space<hbm>>
      tpu.enqueue_dma source(%arg16 : memref<128x64xf32, #tpu.memory_space<vmem>>) target(%dma_start3A_138 : memref<128x64xf32, #tpu.memory_space<hbm>>) target_semaphore(%run_scoped3A : memref<!tpu.dma_semaphore, #tpu.memory_space<semaphore_mem>>)
      %dma_wait3A_139 = arith.constant 0 : i32
      %dma_wait3A_140 = arith.constant 0 : i32
      %dma_wait3A_141 = tpu.memref_slice %arg5[%arg0, %dma_wait3A_139, %dma_wait3A_140] : memref<2x10240x64xf32, #tpu.memory_space<hbm>> -> memref<1x10240x64xf32, #tpu.memory_space<hbm>>
      %dma_wait3A_142 = tpu.memref_squeeze %dma_wait3A_141 : memref<1x10240x64xf32, #tpu.memory_space<hbm>> -> memref<10240x64xf32, #tpu.memory_space<hbm>>
      %dma_wait3A_143 = arith.constant 0 : i32
      %dma_wait3A_144 = tpu.memref_slice %dma_wait3A_142[%add3A_122, %dma_wait3A_143] : memref<10240x64xf32, #tpu.memory_space<hbm>> -> memref<128x64xf32, #tpu.memory_space<hbm>>
      %dma_wait3A_145 = arith.constant 0 : i32
      %dma_wait3A_146 = arith.constant 0 : i32
      %dma_wait3A_147 = tpu.memref_slice %arg5[%arg0, %dma_wait3A_145, %dma_wait3A_146] : memref<2x10240x64xf32, #tpu.memory_space<hbm>> -> memref<1x10240x64xf32, #tpu.memory_space<hbm>>
      %dma_wait3A_148 = tpu.memref_squeeze %dma_wait3A_147 : memref<1x10240x64xf32, #tpu.memory_space<hbm>> -> memref<10240x64xf32, #tpu.memory_space<hbm>>
      %dma_wait3A_149 = arith.constant 0 : i32
      %dma_wait3A_150 = tpu.memref_slice %dma_wait3A_148[%add3A_122, %dma_wait3A_149] : memref<10240x64xf32, #tpu.memory_space<hbm>> -> memref<128x64xf32, #tpu.memory_space<hbm>>
      tpu.wait_dma2 semaphore(%run_scoped3A : memref<!tpu.dma_semaphore, #tpu.memory_space<semaphore_mem>>) src(%arg16 : memref<128x64xf32, #tpu.memory_space<vmem>>) dst(%dma_wait3A_150 : memref<128x64xf32, #tpu.memory_space<hbm>>)
      tpu.yield
    }) : () -> ()
    %add3A_123 = arith.constant 384 : i32
    %add3A_124 = arith.addi %mul3A_0, %add3A_123 : i32
    "tpu.region"() ({
      %run_scoped3A = tpu.sem_alloc : memref<!tpu.dma_semaphore, #tpu.memory_space<semaphore_mem>>
      %dma_start3A_127 = arith.constant 0 : i32
      %dma_start3A_128 = tpu.memref_slice %arg17[%add3A_124, %dma_start3A_127] : memref<10240x64xf32, #tpu.memory_space<vmem_shared>> -> memref<128x64xf32, #tpu.memory_space<vmem_shared>>
      %dma_start3A_129 = arith.constant 0 : i32
      %dma_start3A_130 = tpu.memref_slice %arg17[%add3A_124, %dma_start3A_129] : memref<10240x64xf32, #tpu.memory_space<vmem_shared>> -> memref<128x64xf32, #tpu.memory_space<vmem_shared>>
      tpu.enqueue_dma source(%dma_start3A_130 : memref<128x64xf32, #tpu.memory_space<vmem_shared>>) target(%arg16 : memref<128x64xf32, #tpu.memory_space<vmem>>) target_semaphore(%run_scoped3A : memref<!tpu.dma_semaphore, #tpu.memory_space<semaphore_mem>>)
      %dma_wait3A_131 = arith.constant 0 : i32
      %dma_wait3A_132 = tpu.memref_slice %arg17[%add3A_124, %dma_wait3A_131] : memref<10240x64xf32, #tpu.memory_space<vmem_shared>> -> memref<128x64xf32, #tpu.memory_space<vmem_shared>>
      %dma_wait3A_133 = arith.constant 0 : i32
      %dma_wait3A_134 = tpu.memref_slice %arg17[%add3A_124, %dma_wait3A_133] : memref<10240x64xf32, #tpu.memory_space<vmem_shared>> -> memref<128x64xf32, #tpu.memory_space<vmem_shared>>
      tpu.wait_dma2 semaphore(%run_scoped3A : memref<!tpu.dma_semaphore, #tpu.memory_space<semaphore_mem>>) src(%dma_wait3A_134 : memref<128x64xf32, #tpu.memory_space<vmem_shared>>) dst(%arg16 : memref<128x64xf32, #tpu.memory_space<vmem>>)
      tpu.yield
    }) : () -> ()
    "tpu.region"() ({
      %run_scoped3A = tpu.sem_alloc : memref<!tpu.dma_semaphore, #tpu.memory_space<semaphore_mem>>
      %dma_start3A_127 = arith.constant 0 : i32
      %dma_start3A_128 = arith.constant 0 : i32
      %dma_start3A_129 = tpu.memref_slice %arg5[%arg0, %dma_start3A_127, %dma_start3A_128] : memref<2x10240x64xf32, #tpu.memory_space<hbm>> -> memref<1x10240x64xf32, #tpu.memory_space<hbm>>
      %dma_start3A_130 = tpu.memref_squeeze %dma_start3A_129 : memref<1x10240x64xf32, #tpu.memory_space<hbm>> -> memref<10240x64xf32, #tpu.memory_space<hbm>>
      %dma_start3A_131 = arith.constant 0 : i32
      %dma_start3A_132 = tpu.memref_slice %dma_start3A_130[%add3A_124, %dma_start3A_131] : memref<10240x64xf32, #tpu.memory_space<hbm>> -> memref<128x64xf32, #tpu.memory_space<hbm>>
      %dma_start3A_133 = arith.constant 0 : i32
      %dma_start3A_134 = arith.constant 0 : i32
      %dma_start3A_135 = tpu.memref_slice %arg5[%arg0, %dma_start3A_133, %dma_start3A_134] : memref<2x10240x64xf32, #tpu.memory_space<hbm>> -> memref<1x10240x64xf32, #tpu.memory_space<hbm>>
      %dma_start3A_136 = tpu.memref_squeeze %dma_start3A_135 : memref<1x10240x64xf32, #tpu.memory_space<hbm>> -> memref<10240x64xf32, #tpu.memory_space<hbm>>
      %dma_start3A_137 = arith.constant 0 : i32
      %dma_start3A_138 = tpu.memref_slice %dma_start3A_136[%add3A_124, %dma_start3A_137] : memref<10240x64xf32, #tpu.memory_space<hbm>> -> memref<128x64xf32, #tpu.memory_space<hbm>>
      tpu.enqueue_dma source(%arg16 : memref<128x64xf32, #tpu.memory_space<vmem>>) target(%dma_start3A_138 : memref<128x64xf32, #tpu.memory_space<hbm>>) target_semaphore(%run_scoped3A : memref<!tpu.dma_semaphore, #tpu.memory_space<semaphore_mem>>)
      %dma_wait3A_139 = arith.constant 0 : i32
      %dma_wait3A_140 = arith.constant 0 : i32
      %dma_wait3A_141 = tpu.memref_slice %arg5[%arg0, %dma_wait3A_139, %dma_wait3A_140] : memref<2x10240x64xf32, #tpu.memory_space<hbm>> -> memref<1x10240x64xf32, #tpu.memory_space<hbm>>
      %dma_wait3A_142 = tpu.memref_squeeze %dma_wait3A_141 : memref<1x10240x64xf32, #tpu.memory_space<hbm>> -> memref<10240x64xf32, #tpu.memory_space<hbm>>
      %dma_wait3A_143 = arith.constant 0 : i32
      %dma_wait3A_144 = tpu.memref_slice %dma_wait3A_142[%add3A_124, %dma_wait3A_143] : memref<10240x64xf32, #tpu.memory_space<hbm>> -> memref<128x64xf32, #tpu.memory_space<hbm>>
      %dma_wait3A_145 = arith.constant 0 : i32
      %dma_wait3A_146 = arith.constant 0 : i32
      %dma_wait3A_147 = tpu.memref_slice %arg5[%arg0, %dma_wait3A_145, %dma_wait3A_146] : memref<2x10240x64xf32, #tpu.memory_space<hbm>> -> memref<1x10240x64xf32, #tpu.memory_space<hbm>>
      %dma_wait3A_148 = tpu.memref_squeeze %dma_wait3A_147 : memref<1x10240x64xf32, #tpu.memory_space<hbm>> -> memref<10240x64xf32, #tpu.memory_space<hbm>>
      %dma_wait3A_149 = arith.constant 0 : i32
      %dma_wait3A_150 = tpu.memref_slice %dma_wait3A_148[%add3A_124, %dma_wait3A_149] : memref<10240x64xf32, #tpu.memory_space<hbm>> -> memref<128x64xf32, #tpu.memory_space<hbm>>
      tpu.wait_dma2 semaphore(%run_scoped3A : memref<!tpu.dma_semaphore, #tpu.memory_space<semaphore_mem>>) src(%arg16 : memref<128x64xf32, #tpu.memory_space<vmem>>) dst(%dma_wait3A_150 : memref<128x64xf32, #tpu.memory_space<hbm>>)
      tpu.yield
    }) : () -> ()
    %add3A_125 = arith.constant 512 : i32
    %add3A_126 = arith.addi %mul3A_0, %add3A_125 : i32
    "tpu.region"() ({
      %run_scoped3A = tpu.sem_alloc : memref<!tpu.dma_semaphore, #tpu.memory_space<semaphore_mem>>
      %dma_start3A_127 = arith.constant 0 : i32
      %dma_start3A_128 = tpu.memref_slice %arg17[%add3A_126, %dma_start3A_127] : memref<10240x64xf32, #tpu.memory_space<vmem_shared>> -> memref<128x64xf32, #tpu.memory_space<vmem_shared>>
      %dma_start3A_129 = arith.constant 0 : i32
      %dma_start3A_130 = tpu.memref_slice %arg17[%add3A_126, %dma_start3A_129] : memref<10240x64xf32, #tpu.memory_space<vmem_shared>> -> memref<128x64xf32, #tpu.memory_space<vmem_shared>>
      tpu.enqueue_dma source(%dma_start3A_130 : memref<128x64xf32, #tpu.memory_space<vmem_shared>>) target(%arg16 : memref<128x64xf32, #tpu.memory_space<vmem>>) target_semaphore(%run_scoped3A : memref<!tpu.dma_semaphore, #tpu.memory_space<semaphore_mem>>)
      %dma_wait3A_131 = arith.constant 0 : i32
      %dma_wait3A_132 = tpu.memref_slice %arg17[%add3A_126, %dma_wait3A_131] : memref<10240x64xf32, #tpu.memory_space<vmem_shared>> -> memref<128x64xf32, #tpu.memory_space<vmem_shared>>
      %dma_wait3A_133 = arith.constant 0 : i32
      %dma_wait3A_134 = tpu.memref_slice %arg17[%add3A_126, %dma_wait3A_133] : memref<10240x64xf32, #tpu.memory_space<vmem_shared>> -> memref<128x64xf32, #tpu.memory_space<vmem_shared>>
      tpu.wait_dma2 semaphore(%run_scoped3A : memref<!tpu.dma_semaphore, #tpu.memory_space<semaphore_mem>>) src(%dma_wait3A_134 : memref<128x64xf32, #tpu.memory_space<vmem_shared>>) dst(%arg16 : memref<128x64xf32, #tpu.memory_space<vmem>>)
      tpu.yield
    }) : () -> ()
    "tpu.region"() ({
      %run_scoped3A = tpu.sem_alloc : memref<!tpu.dma_semaphore, #tpu.memory_space<semaphore_mem>>
      %dma_start3A_127 = arith.constant 0 : i32
      %dma_start3A_128 = arith.constant 0 : i32
      %dma_start3A_129 = tpu.memref_slice %arg5[%arg0, %dma_start3A_127, %dma_start3A_128] : memref<2x10240x64xf32, #tpu.memory_space<hbm>> -> memref<1x10240x64xf32, #tpu.memory_space<hbm>>
      %dma_start3A_130 = tpu.memref_squeeze %dma_start3A_129 : memref<1x10240x64xf32, #tpu.memory_space<hbm>> -> memref<10240x64xf32, #tpu.memory_space<hbm>>
      %dma_start3A_131 = arith.constant 0 : i32
      %dma_start3A_132 = tpu.memref_slice %dma_start3A_130[%add3A_126, %dma_start3A_131] : memref<10240x64xf32, #tpu.memory_space<hbm>> -> memref<128x64xf32, #tpu.memory_space<hbm>>
      %dma_start3A_133 = arith.constant 0 : i32
      %dma_start3A_134 = arith.constant 0 : i32
      %dma_start3A_135 = tpu.memref_slice %arg5[%arg0, %dma_start3A_133, %dma_start3A_134] : memref<2x10240x64xf32, #tpu.memory_space<hbm>> -> memref<1x10240x64xf32, #tpu.memory_space<hbm>>
      %dma_start3A_136 = tpu.memref_squeeze %dma_start3A_135 : memref<1x10240x64xf32, #tpu.memory_space<hbm>> -> memref<10240x64xf32, #tpu.memory_space<hbm>>
      %dma_start3A_137 = arith.constant 0 : i32
      %dma_start3A_138 = tpu.memref_slice %dma_start3A_136[%add3A_126, %dma_start3A_137] : memref<10240x64xf32, #tpu.memory_space<hbm>> -> memref<128x64xf32, #tpu.memory_space<hbm>>
      tpu.enqueue_dma source(%arg16 : memref<128x64xf32, #tpu.memory_space<vmem>>) target(%dma_start3A_138 : memref<128x64xf32, #tpu.memory_space<hbm>>) target_semaphore(%run_scoped3A : memref<!tpu.dma_semaphore, #tpu.memory_space<semaphore_mem>>)
      %dma_wait3A_139 = arith.constant 0 : i32
      %dma_wait3A_140 = arith.constant 0 : i32
      %dma_wait3A_141 = tpu.memref_slice %arg5[%arg0, %dma_wait3A_139, %dma_wait3A_140] : memref<2x10240x64xf32, #tpu.memory_space<hbm>> -> memref<1x10240x64xf32, #tpu.memory_space<hbm>>
      %dma_wait3A_142 = tpu.memref_squeeze %dma_wait3A_141 : memref<1x10240x64xf32, #tpu.memory_space<hbm>> -> memref<10240x64xf32, #tpu.memory_space<hbm>>
      %dma_wait3A_143 = arith.constant 0 : i32
      %dma_wait3A_144 = tpu.memref_slice %dma_wait3A_142[%add3A_126, %dma_wait3A_143] : memref<10240x64xf32, #tpu.memory_space<hbm>> -> memref<128x64xf32, #tpu.memory_space<hbm>>
      %dma_wait3A_145 = arith.constant 0 : i32
      %dma_wait3A_146 = arith.constant 0 : i32
      %dma_wait3A_147 = tpu.memref_slice %arg5[%arg0, %dma_wait3A_145, %dma_wait3A_146] : memref<2x10240x64xf32, #tpu.memory_space<hbm>> -> memref<1x10240x64xf32, #tpu.memory_space<hbm>>
      %dma_wait3A_148 = tpu.memref_squeeze %dma_wait3A_147 : memref<1x10240x64xf32, #tpu.memory_space<hbm>> -> memref<10240x64xf32, #tpu.memory_space<hbm>>
      %dma_wait3A_149 = arith.constant 0 : i32
      %dma_wait3A_150 = tpu.memref_slice %dma_wait3A_148[%add3A_126, %dma_wait3A_149] : memref<10240x64xf32, #tpu.memory_space<hbm>> -> memref<128x64xf32, #tpu.memory_space<hbm>>
      tpu.wait_dma2 semaphore(%run_scoped3A : memref<!tpu.dma_semaphore, #tpu.memory_space<semaphore_mem>>) src(%arg16 : memref<128x64xf32, #tpu.memory_space<vmem>>) dst(%dma_wait3A_150 : memref<128x64xf32, #tpu.memory_space<hbm>>)
      tpu.yield
    }) : () -> ()
    return
  }
}

module attributes {stable_mosaic.version = 14 : i64} {
  func.func @_mm_kernel(%arg0: i32, %arg1: memref<1000x128xf32, #tpu.memory_space<vmem>>, %arg2: memref<128x256xf32, #tpu.memory_space<vmem>>, %arg3: memref<1000x256xf32, #tpu.memory_space<vmem>>) attributes {dimension_semantics = [#tpu.dimension_semantics<arbitrary>], iteration_bounds = array<i64: 10>, scalar_prefetch = 0 : i64, scratch_operands = 0 : i64, tpu.core_type = #tpu.core_type<tc>, window_params = [{transform_indices = @transform_0, window_bounds = array<i64: 1000, 128>}, {pipeline_mode = #tpu.pipeline_mode<synchronous>, transform_indices = @transform_1, window_bounds = array<i64: 128, 256>}, {transform_indices = @transform_2, window_bounds = array<i64: 1000, 256>}]} {
    %get3A = arith.constant 0 : index
    %get3A_0 = arith.constant 0 : index
    %get3A_1 = vector.load %arg1[%get3A, %get3A_0] : memref<1000x128xf32, #tpu.memory_space<vmem>>, vector<1000x128xf32>
    %get3A_2 = arith.constant 0 : index
    %get3A_3 = arith.constant 0 : index
    %get3A_4 = vector.load %arg2[%get3A_2, %get3A_3] : memref<128x256xf32, #tpu.memory_space<vmem>>, vector<128x256xf32>
    %dot_general3A = arith.constant dense<0.000000e+00> : vector<1000x256xf32>
    %dot_general3A_5 = tpu.matmul %get3A_1, %get3A_4, %dot_general3A {dimension_numbers = #tpu.dot_dimension_numbers<[1], [0], [0], [1], [0, 0, 1, 1], [], []>, transpose_lhs_hint = false} : vector<1000x128xf32>, vector<128x256xf32>, vector<1000x256xf32> -> vector<1000x256xf32>
    %swap3A = arith.constant 0 : index
    %swap3A_6 = arith.constant 0 : index
    %swap3A_7 = vector.load %arg3[%swap3A, %swap3A_6] : memref<1000x256xf32, #tpu.memory_space<vmem>>, vector<1000x256xf32>
    tpu.vector_store %arg3[%swap3A, %swap3A_6], %dot_general3A_5 {strides = array<i32>} : memref<1000x256xf32, #tpu.memory_space<vmem>>, vector<1000x256xf32>,
    return
  }
  func.func @transform_0(%arg0: i32) -> (i32, i32) {
    %c0_i32 = arith.constant 0 : i32
    %c0_i32_0 = arith.constant 0 : i32
    return %arg0, %c0_i32 : i32, i32
  }
  func.func @transform_1(%arg0: i32) -> (i32, i32) {
    %c0_i32 = arith.constant 0 : i32
    %c0_i32_0 = arith.constant 0 : i32
    %c0_i32_1 = arith.constant 0 : i32
    return %c0_i32, %c0_i32_0 : i32, i32
  }
  func.func @transform_2(%arg0: i32) -> (i32, i32) {
    %c0_i32 = arith.constant 0 : i32
    %c0_i32_0 = arith.constant 0 : i32
    return %arg0, %c0_i32 : i32, i32
  }
}

module attributes {stable_mosaic.version = 14 : i64} {
  func.func @_scale1_kernel(%arg0: i32, %arg1: memref<2x1000x16xf32, #tpu.memory_space<vmem>>, %arg2: memref<1000x256xf32, #tpu.memory_space<vmem>>, %arg3: memref<1000x1xf32, #tpu.memory_space<vmem>>, %arg4: memref<2x1000x64xf32, #tpu.memory_space<vmem>>, %arg5: memref<2x1000x64xf32, #tpu.memory_space<vmem>>) attributes {dimension_semantics = [#tpu.dimension_semantics<arbitrary>], iteration_bounds = array<i64: 10>, scalar_prefetch = 0 : i64, scratch_operands = 0 : i64, tpu.core_type = #tpu.core_type<tc>, window_params = [{transform_indices = @transform_0, window_bounds = array<i64: 2, 1000, 16>}, {transform_indices = @transform_1, window_bounds = array<i64: 1000, 256>}, {transform_indices = @transform_2, window_bounds = array<i64: 1000, 1>}, {transform_indices = @transform_3, window_bounds = array<i64: 2, 1000, 64>}, {transform_indices = @transform_4, window_bounds = array<i64: 2, 1000, 64>}]} {
    %get3A = arith.constant 0 : index
    %get3A_0 = arith.constant 0 : index
    %get3A_1 = arith.constant 0 : index
    %get3A_2 = vector.load %arg1[%get3A, %get3A_0, %get3A_1] : memref<2x1000x16xf32, #tpu.memory_space<vmem>>, vector<1x1000x1xf32>
    %get3A_3 = vector.shape_cast %get3A_2 : vector<1x1000x1xf32> to vector<1000x1xf32>
    %get3A_4 = arith.constant 1 : index
    %get3A_5 = arith.constant 0 : index
    %get3A_6 = arith.constant 0 : index
    %get3A_7 = vector.load %arg1[%get3A_4, %get3A_5, %get3A_6] : memref<2x1000x16xf32, #tpu.memory_space<vmem>>, vector<1x1000x1xf32>
    %get3A_8 = vector.shape_cast %get3A_7 : vector<1x1000x1xf32> to vector<1000x1xf32>
    %add3A = arith.addf %get3A_3, %get3A_8 : vector<1000x1xf32>
    %add3A_9 = arith.constant 1.000000e+00 : f32
    %add3A_10 = vector.broadcast %add3A_9 : f32 to vector<1000x1xf32>
    %add3A_11 = arith.addf %add3A, %add3A_10 : vector<1000x1xf32>
    %rsqrt3A = math.rsqrt %add3A_11 : vector<1000x1xf32>
    %swap3A = arith.constant 0 : index
    %swap3A_12 = arith.constant 0 : index
    %swap3A_13 = vector.load %arg3[%swap3A, %swap3A_12] : memref<1000x1xf32, #tpu.memory_space<vmem>>, vector<1000x1xf32>
    tpu.vector_store %arg3[%swap3A, %swap3A_12], %rsqrt3A {strides = array<i32>} : memref<1000x1xf32, #tpu.memory_space<vmem>>, vector<1000x1xf32>,
    %get3A_14 = arith.constant 0 : index
    %get3A_15 = arith.constant 0 : index
    %get3A_16 = vector.load %arg2[%get3A_14, %get3A_15] : memref<1000x256xf32, #tpu.memory_space<vmem>>, vector<1000x64xf32>
    %mul3A = vector.broadcast %rsqrt3A : vector<1000x1xf32> to vector<1000x64xf32>
    %mul3A_17 = arith.mulf %get3A_16, %mul3A : vector<1000x64xf32>
    %swap3A_18 = arith.constant 0 : index
    %swap3A_19 = arith.constant 0 : index
    %swap3A_20 = arith.constant 0 : index
    %swap3A_21 = vector.load %arg4[%swap3A_18, %swap3A_19, %swap3A_20] : memref<2x1000x64xf32, #tpu.memory_space<vmem>>, vector<1x1000x64xf32>
    %swap3A_22 = vector.shape_cast %swap3A_21 : vector<1x1000x64xf32> to vector<1000x64xf32>
    %swap3A_23 = vector.shape_cast %mul3A_17 : vector<1000x64xf32> to vector<1x1000x64xf32>
    tpu.vector_store %arg4[%swap3A_18, %swap3A_19, %swap3A_20], %swap3A_23 {strides = array<i32>} : memref<2x1000x64xf32, #tpu.memory_space<vmem>>, vector<1x1000x64xf32>,
    %get3A_24 = arith.constant 0 : index
    %get3A_25 = arith.constant 128 : index
    %get3A_26 = vector.load %arg2[%get3A_24, %get3A_25] : memref<1000x256xf32, #tpu.memory_space<vmem>>, vector<1000x64xf32>
    %mul3A_27 = vector.broadcast %rsqrt3A : vector<1000x1xf32> to vector<1000x64xf32>
    %mul3A_28 = arith.mulf %get3A_26, %mul3A_27 : vector<1000x64xf32>
    %swap3A_29 = arith.constant 0 : index
    %swap3A_30 = arith.constant 0 : index
    %swap3A_31 = arith.constant 0 : index
    %swap3A_32 = vector.load %arg5[%swap3A_29, %swap3A_30, %swap3A_31] : memref<2x1000x64xf32, #tpu.memory_space<vmem>>, vector<1x1000x64xf32>
    %swap3A_33 = vector.shape_cast %swap3A_32 : vector<1x1000x64xf32> to vector<1000x64xf32>
    %swap3A_34 = vector.shape_cast %mul3A_28 : vector<1000x64xf32> to vector<1x1000x64xf32>
    tpu.vector_store %arg5[%swap3A_29, %swap3A_30, %swap3A_31], %swap3A_34 {strides = array<i32>} : memref<2x1000x64xf32, #tpu.memory_space<vmem>>, vector<1x1000x64xf32>,
    %get3A_35 = arith.constant 0 : index
    %get3A_36 = arith.constant 64 : index
    %get3A_37 = vector.load %arg2[%get3A_35, %get3A_36] : memref<1000x256xf32, #tpu.memory_space<vmem>>, vector<1000x64xf32>
    %mul3A_38 = vector.broadcast %rsqrt3A : vector<1000x1xf32> to vector<1000x64xf32>
    %mul3A_39 = arith.mulf %get3A_37, %mul3A_38 : vector<1000x64xf32>
    %swap3A_40 = arith.constant 1 : index
    %swap3A_41 = arith.constant 0 : index
    %swap3A_42 = arith.constant 0 : index
    %swap3A_43 = vector.load %arg4[%swap3A_40, %swap3A_41, %swap3A_42] : memref<2x1000x64xf32, #tpu.memory_space<vmem>>, vector<1x1000x64xf32>
    %swap3A_44 = vector.shape_cast %swap3A_43 : vector<1x1000x64xf32> to vector<1000x64xf32>
    %swap3A_45 = vector.shape_cast %mul3A_39 : vector<1000x64xf32> to vector<1x1000x64xf32>
    tpu.vector_store %arg4[%swap3A_40, %swap3A_41, %swap3A_42], %swap3A_45 {strides = array<i32>} : memref<2x1000x64xf32, #tpu.memory_space<vmem>>, vector<1x1000x64xf32>,
    %get3A_46 = arith.constant 0 : index
    %get3A_47 = arith.constant 192 : index
    %get3A_48 = vector.load %arg2[%get3A_46, %get3A_47] : memref<1000x256xf32, #tpu.memory_space<vmem>>, vector<1000x64xf32>
    %mul3A_49 = vector.broadcast %rsqrt3A : vector<1000x1xf32> to vector<1000x64xf32>
    %mul3A_50 = arith.mulf %get3A_48, %mul3A_49 : vector<1000x64xf32>
    %swap3A_51 = arith.constant 1 : index
    %swap3A_52 = arith.constant 0 : index
    %swap3A_53 = arith.constant 0 : index
    %swap3A_54 = vector.load %arg5[%swap3A_51, %swap3A_52, %swap3A_53] : memref<2x1000x64xf32, #tpu.memory_space<vmem>>, vector<1x1000x64xf32>
    %swap3A_55 = vector.shape_cast %swap3A_54 : vector<1x1000x64xf32> to vector<1000x64xf32>
    %swap3A_56 = vector.shape_cast %mul3A_50 : vector<1000x64xf32> to vector<1x1000x64xf32>
    tpu.vector_store %arg5[%swap3A_51, %swap3A_52, %swap3A_53], %swap3A_56 {strides = array<i32>} : memref<2x1000x64xf32, #tpu.memory_space<vmem>>, vector<1x1000x64xf32>,
    return
  }
  func.func @transform_0(%arg0: i32) -> (i32, i32, i32) {
    %c0_i32 = arith.constant 0 : i32
    %c0_i32_0 = arith.constant 0 : i32
    %c0_i32_1 = arith.constant 0 : i32
    return %c0_i32, %arg0, %c0_i32_0 : i32, i32, i32
  }
  func.func @transform_1(%arg0: i32) -> (i32, i32) {
    %c0_i32 = arith.constant 0 : i32
    %c0_i32_0 = arith.constant 0 : i32
    return %arg0, %c0_i32 : i32, i32
  }
  func.func @transform_2(%arg0: i32) -> (i32, i32) {
    %c0_i32 = arith.constant 0 : i32
    %c0_i32_0 = arith.constant 0 : i32
    return %arg0, %c0_i32 : i32, i32
  }
  func.func @transform_3(%arg0: i32) -> (i32, i32, i32) {
    %c0_i32 = arith.constant 0 : i32
    %c0_i32_0 = arith.constant 0 : i32
    %c0_i32_1 = arith.constant 0 : i32
    return %c0_i32, %arg0, %c0_i32_0 : i32, i32, i32
  }
  func.func @transform_4(%arg0: i32) -> (i32, i32, i32) {
    %c0_i32 = arith.constant 0 : i32
    %c0_i32_0 = arith.constant 0 : i32
    %c0_i32_1 = arith.constant 0 : i32
    return %c0_i32, %arg0, %c0_i32_0 : i32, i32, i32
  }
}

module attributes {stable_mosaic.version = 14 : i64} {
  func.func @_mid_kernel(%arg0: i32, %arg1: memref<2x1000x64xf32, #tpu.memory_space<vmem>>, %arg2: memref<2x1000x64xf32, #tpu.memory_space<vmem>>, %arg3: memref<1000x256xf32, #tpu.memory_space<vmem>>, %arg4: memref<1000x1xf32, #tpu.memory_space<vmem>>, %arg5: memref<1x256xf32, #tpu.memory_space<vmem>>, %arg6: memref<256x128xf32, #tpu.memory_space<vmem>>, %arg7: memref<1000x128xf32, #tpu.memory_space<vmem>>, %arg8: memref<2x1000x64xf32, #tpu.memory_space<vmem>>) attributes {dimension_semantics = [#tpu.dimension_semantics<arbitrary>], iteration_bounds = array<i64: 10>, scalar_prefetch = 0 : i64, scratch_operands = 0 : i64, tpu.core_type = #tpu.core_type<tc>, window_params = [{transform_indices = @transform_0, window_bounds = array<i64: 2, 1000, 64>}, {transform_indices = @transform_1, window_bounds = array<i64: 2, 1000, 64>}, {transform_indices = @transform_2, window_bounds = array<i64: 1000, 256>}, {transform_indices = @transform_3, window_bounds = array<i64: 1000, 1>}, {pipeline_mode = #tpu.pipeline_mode<synchronous>, transform_indices = @transform_4, window_bounds = array<i64: 1, 256>}, {pipeline_mode = #tpu.pipeline_mode<synchronous>, transform_indices = @transform_5, window_bounds = array<i64: 256, 128>}, {transform_indices = @transform_6, window_bounds = array<i64: 1000, 128>}, {transform_indices = @transform_7, window_bounds = array<i64: 2, 1000, 64>}]} {
    %get3A = arith.constant 0 : index
    %get3A_0 = arith.constant 0 : index
    %get3A_1 = vector.load %arg4[%get3A, %get3A_0] : memref<1000x1xf32, #tpu.memory_space<vmem>>, vector<1000x1xf32>
    %mul3A = arith.mulf %get3A_1, %get3A_1 : vector<1000x1xf32>
    %get3A_2 = arith.constant 0 : index
    %get3A_3 = arith.constant 0 : index
    %get3A_4 = arith.constant 0 : index
    %get3A_5 = vector.load %arg1[%get3A_2, %get3A_3, %get3A_4] : memref<2x1000x64xf32, #tpu.memory_space<vmem>>, vector<1x1000x64xf32>
    %get3A_6 = vector.shape_cast %get3A_5 : vector<1x1000x64xf32> to vector<1000x64xf32>
    %get3A_7 = arith.constant 1 : index
    %get3A_8 = arith.constant 0 : index
    %get3A_9 = arith.constant 0 : index
    %get3A_10 = vector.load %arg1[%get3A_7, %get3A_8, %get3A_9] : memref<2x1000x64xf32, #tpu.memory_space<vmem>>, vector<1x1000x64xf32>
    %get3A_11 = vector.shape_cast %get3A_10 : vector<1x1000x64xf32> to vector<1000x64xf32>
    %get3A_12 = arith.constant 0 : index
    %get3A_13 = arith.constant 0 : index
    %get3A_14 = arith.constant 0 : index
    %get3A_15 = vector.load %arg2[%get3A_12, %get3A_13, %get3A_14] : memref<2x1000x64xf32, #tpu.memory_space<vmem>>, vector<1x1000x64xf32>
    %get3A_16 = vector.shape_cast %get3A_15 : vector<1x1000x64xf32> to vector<1000x64xf32>
    %get3A_17 = arith.constant 1 : index
    %get3A_18 = arith.constant 0 : index
    %get3A_19 = arith.constant 0 : index
    %get3A_20 = vector.load %arg2[%get3A_17, %get3A_18, %get3A_19] : memref<2x1000x64xf32, #tpu.memory_space<vmem>>, vector<1x1000x64xf32>
    %get3A_21 = vector.shape_cast %get3A_20 : vector<1x1000x64xf32> to vector<1000x64xf32>
    %mul3A_22 = vector.broadcast %get3A_1 : vector<1000x1xf32> to vector<1000x64xf32>
    %mul3A_23 = arith.mulf %mul3A_22, %get3A_6 : vector<1000x64xf32>
    %get3A_24 = arith.constant 0 : index
    %get3A_25 = arith.constant 0 : index
    %get3A_26 = vector.load %arg3[%get3A_24, %get3A_25] : memref<1000x256xf32, #tpu.memory_space<vmem>>, vector<1000x64xf32>
    %mul3A_27 = vector.broadcast %mul3A : vector<1000x1xf32> to vector<1000x64xf32>
    %mul3A_28 = arith.mulf %mul3A_27, %get3A_26 : vector<1000x64xf32>
    %add3A = arith.addf %mul3A_23, %mul3A_28 : vector<1000x64xf32>
    %get3A_29 = arith.constant 0 : index
    %get3A_30 = arith.constant 0 : index
    %get3A_31 = vector.load %arg5[%get3A_29, %get3A_30] : memref<1x256xf32, #tpu.memory_space<vmem>>, vector<1x64xf32>
    %add3A_32 = vector.broadcast %get3A_31 : vector<1x64xf32> to vector<1000x64xf32>
    %add3A_33 = arith.addf %add3A, %add3A_32 : vector<1000x64xf32>
    %max3A = arith.constant 0.000000e+00 : f32
    %max3A_34 = vector.broadcast %max3A : f32 to vector<1000x64xf32>
    %max3A_35 = arith.maximumf %add3A_33, %max3A_34 : vector<1000x64xf32>
    %mul3A_36 = vector.broadcast %get3A_1 : vector<1000x1xf32> to vector<1000x64xf32>
    %mul3A_37 = arith.mulf %mul3A_36, %get3A_11 : vector<1000x64xf32>
    %get3A_38 = arith.constant 0 : index
    %get3A_39 = arith.constant 64 : index
    %get3A_40 = vector.load %arg3[%get3A_38, %get3A_39] : memref<1000x256xf32, #tpu.memory_space<vmem>>, vector<1000x64xf32>
    %mul3A_41 = vector.broadcast %mul3A : vector<1000x1xf32> to vector<1000x64xf32>
    %mul3A_42 = arith.mulf %mul3A_41, %get3A_40 : vector<1000x64xf32>
    %add3A_43 = arith.addf %mul3A_37, %mul3A_42 : vector<1000x64xf32>
    %get3A_44 = arith.constant 0 : index
    %get3A_45 = arith.constant 64 : index
    %get3A_46 = vector.load %arg5[%get3A_44, %get3A_45] : memref<1x256xf32, #tpu.memory_space<vmem>>, vector<1x64xf32>
    %add3A_47 = vector.broadcast %get3A_46 : vector<1x64xf32> to vector<1000x64xf32>
    %add3A_48 = arith.addf %add3A_43, %add3A_47 : vector<1000x64xf32>
    %max3A_49 = arith.constant 0.000000e+00 : f32
    %max3A_50 = vector.broadcast %max3A_49 : f32 to vector<1000x64xf32>
    %max3A_51 = arith.maximumf %add3A_48, %max3A_50 : vector<1000x64xf32>
    %mul3A_52 = vector.broadcast %get3A_1 : vector<1000x1xf32> to vector<1000x64xf32>
    %mul3A_53 = arith.mulf %mul3A_52, %get3A_16 : vector<1000x64xf32>
    %get3A_54 = arith.constant 0 : index
    %get3A_55 = arith.constant 128 : index
    %get3A_56 = vector.load %arg3[%get3A_54, %get3A_55] : memref<1000x256xf32, #tpu.memory_space<vmem>>, vector<1000x64xf32>
    %mul3A_57 = vector.broadcast %mul3A : vector<1000x1xf32> to vector<1000x64xf32>
    %mul3A_58 = arith.mulf %mul3A_57, %get3A_56 : vector<1000x64xf32>
    %add3A_59 = arith.addf %mul3A_53, %mul3A_58 : vector<1000x64xf32>
    %get3A_60 = arith.constant 0 : index
    %get3A_61 = arith.constant 128 : index
    %get3A_62 = vector.load %arg5[%get3A_60, %get3A_61] : memref<1x256xf32, #tpu.memory_space<vmem>>, vector<1x64xf32>
    %add3A_63 = vector.broadcast %get3A_62 : vector<1x64xf32> to vector<1000x64xf32>
    %add3A_64 = arith.addf %add3A_59, %add3A_63 : vector<1000x64xf32>
    %max3A_65 = arith.constant 0.000000e+00 : f32
    %max3A_66 = vector.broadcast %max3A_65 : f32 to vector<1000x64xf32>
    %max3A_67 = arith.maximumf %add3A_64, %max3A_66 : vector<1000x64xf32>
    %mul3A_68 = vector.broadcast %get3A_1 : vector<1000x1xf32> to vector<1000x64xf32>
    %mul3A_69 = arith.mulf %mul3A_68, %get3A_21 : vector<1000x64xf32>
    %get3A_70 = arith.constant 0 : index
    %get3A_71 = arith.constant 192 : index
    %get3A_72 = vector.load %arg3[%get3A_70, %get3A_71] : memref<1000x256xf32, #tpu.memory_space<vmem>>, vector<1000x64xf32>
    %mul3A_73 = vector.broadcast %mul3A : vector<1000x1xf32> to vector<1000x64xf32>
    %mul3A_74 = arith.mulf %mul3A_73, %get3A_72 : vector<1000x64xf32>
    %add3A_75 = arith.addf %mul3A_69, %mul3A_74 : vector<1000x64xf32>
    %get3A_76 = arith.constant 0 : index
    %get3A_77 = arith.constant 192 : index
    %get3A_78 = vector.load %arg5[%get3A_76, %get3A_77] : memref<1x256xf32, #tpu.memory_space<vmem>>, vector<1x64xf32>
    %add3A_79 = vector.broadcast %get3A_78 : vector<1x64xf32> to vector<1000x64xf32>
    %add3A_80 = arith.addf %add3A_75, %add3A_79 : vector<1000x64xf32>
    %max3A_81 = arith.constant 0.000000e+00 : f32
    %max3A_82 = vector.broadcast %max3A_81 : f32 to vector<1000x64xf32>
    %max3A_83 = arith.maximumf %add3A_80, %max3A_82 : vector<1000x64xf32>
    %concatenate3A = tpu.concatenate %max3A_35, %max3A_51, %max3A_67, %max3A_83 in 1 : vector<1000x64xf32>, vector<1000x64xf32>, vector<1000x64xf32>, vector<1000x64xf32> -> vector<1000x256xf32>
    %get3A_84 = arith.constant 0 : index
    %get3A_85 = arith.constant 0 : index
    %get3A_86 = vector.load %arg6[%get3A_84, %get3A_85] : memref<256x128xf32, #tpu.memory_space<vmem>>, vector<256x128xf32>
    %dot_general3A = arith.constant dense<0.000000e+00> : vector<1000x128xf32>
    %dot_general3A_87 = tpu.matmul %concatenate3A, %get3A_86, %dot_general3A {dimension_numbers = #tpu.dot_dimension_numbers<[1], [0], [0], [1], [0, 0, 1, 1], [], []>, transpose_lhs_hint = false} : vector<1000x256xf32>, vector<256x128xf32>, vector<1000x128xf32> -> vector<1000x128xf32>
    %swap3A = arith.constant 0 : index
    %swap3A_88 = arith.constant 0 : index
    %swap3A_89 = vector.load %arg7[%swap3A, %swap3A_88] : memref<1000x128xf32, #tpu.memory_space<vmem>>, vector<1000x128xf32>
    tpu.vector_store %arg7[%swap3A, %swap3A_88], %dot_general3A_87 {strides = array<i32>} : memref<1000x128xf32, #tpu.memory_space<vmem>>, vector<1000x128xf32>,
    %slice3A = vector.extract_strided_slice %dot_general3A_87 {offsets = [0, 0], sizes = [1000, 64], strides = [1, 1]} : vector<1000x128xf32> to vector<1000x64xf32>
    %mul3A_90 = vector.broadcast %get3A_1 : vector<1000x1xf32> to vector<1000x64xf32>
    %mul3A_91 = arith.mulf %slice3A, %mul3A_90 : vector<1000x64xf32>
    %swap3A_92 = arith.constant 0 : index
    %swap3A_93 = arith.constant 0 : index
    %swap3A_94 = arith.constant 0 : index
    %swap3A_95 = vector.load %arg8[%swap3A_92, %swap3A_93, %swap3A_94] : memref<2x1000x64xf32, #tpu.memory_space<vmem>>, vector<1x1000x64xf32>
    %swap3A_96 = vector.shape_cast %swap3A_95 : vector<1x1000x64xf32> to vector<1000x64xf32>
    %swap3A_97 = vector.shape_cast %mul3A_91 : vector<1000x64xf32> to vector<1x1000x64xf32>
    tpu.vector_store %arg8[%swap3A_92, %swap3A_93, %swap3A_94], %swap3A_97 {strides = array<i32>} : memref<2x1000x64xf32, #tpu.memory_space<vmem>>, vector<1x1000x64xf32>,
    %slice3A_98 = vector.extract_strided_slice %dot_general3A_87 {offsets = [0, 64], sizes = [1000, 64], strides = [1, 1]} : vector<1000x128xf32> to vector<1000x64xf32>
    %mul3A_99 = vector.broadcast %get3A_1 : vector<1000x1xf32> to vector<1000x64xf32>
    %mul3A_100 = arith.mulf %slice3A_98, %mul3A_99 : vector<1000x64xf32>
    %swap3A_101 = arith.constant 1 : index
    %swap3A_102 = arith.constant 0 : index
    %swap3A_103 = arith.constant 0 : index
    %swap3A_104 = vector.load %arg8[%swap3A_101, %swap3A_102, %swap3A_103] : memref<2x1000x64xf32, #tpu.memory_space<vmem>>, vector<1x1000x64xf32>
    %swap3A_105 = vector.shape_cast %swap3A_104 : vector<1x1000x64xf32> to vector<1000x64xf32>
    %swap3A_106 = vector.shape_cast %mul3A_100 : vector<1000x64xf32> to vector<1x1000x64xf32>
    tpu.vector_store %arg8[%swap3A_101, %swap3A_102, %swap3A_103], %swap3A_106 {strides = array<i32>} : memref<2x1000x64xf32, #tpu.memory_space<vmem>>, vector<1x1000x64xf32>,
    return
  }
  func.func @transform_0(%arg0: i32) -> (i32, i32, i32) {
    %c0_i32 = arith.constant 0 : i32
    %c0_i32_0 = arith.constant 0 : i32
    %c0_i32_1 = arith.constant 0 : i32
    return %c0_i32, %arg0, %c0_i32_0 : i32, i32, i32
  }
  func.func @transform_1(%arg0: i32) -> (i32, i32, i32) {
    %c0_i32 = arith.constant 0 : i32
    %c0_i32_0 = arith.constant 0 : i32
    %c0_i32_1 = arith.constant 0 : i32
    return %c0_i32, %arg0, %c0_i32_0 : i32, i32, i32
  }
  func.func @transform_2(%arg0: i32) -> (i32, i32) {
    %c0_i32 = arith.constant 0 : i32
    %c0_i32_0 = arith.constant 0 : i32
    return %arg0, %c0_i32 : i32, i32
  }
  func.func @transform_3(%arg0: i32) -> (i32, i32) {
    %c0_i32 = arith.constant 0 : i32
    %c0_i32_0 = arith.constant 0 : i32
    return %arg0, %c0_i32 : i32, i32
  }
  func.func @transform_4(%arg0: i32) -> (i32, i32) {
    %c0_i32 = arith.constant 0 : i32
    %c0_i32_0 = arith.constant 0 : i32
    %c0_i32_1 = arith.constant 0 : i32
    return %c0_i32, %c0_i32_0 : i32, i32
  }
  func.func @transform_5(%arg0: i32) -> (i32, i32) {
    %c0_i32 = arith.constant 0 : i32
    %c0_i32_0 = arith.constant 0 : i32
    %c0_i32_1 = arith.constant 0 : i32
    return %c0_i32, %c0_i32_0 : i32, i32
  }
  func.func @transform_6(%arg0: i32) -> (i32, i32) {
    %c0_i32 = arith.constant 0 : i32
    %c0_i32_0 = arith.constant 0 : i32
    return %arg0, %c0_i32 : i32, i32
  }
  func.func @transform_7(%arg0: i32) -> (i32, i32, i32) {
    %c0_i32 = arith.constant 0 : i32
    %c0_i32_0 = arith.constant 0 : i32
    %c0_i32_1 = arith.constant 0 : i32
    return %c0_i32, %arg0, %c0_i32_0 : i32, i32, i32
  }
}

module attributes {stable_mosaic.version = 14 : i64} {
  func.func @_final_kernel(%arg0: i32, %arg1: memref<2x1000x64xf32, #tpu.memory_space<vmem>>, %arg2: memref<1000x128xf32, #tpu.memory_space<vmem>>, %arg3: memref<1000x1xf32, #tpu.memory_space<vmem>>, %arg4: memref<1x128xf32, #tpu.memory_space<vmem>>, %arg5: memref<1000x128xf32, #tpu.memory_space<vmem>>) attributes {dimension_semantics = [#tpu.dimension_semantics<arbitrary>], iteration_bounds = array<i64: 10>, scalar_prefetch = 0 : i64, scratch_operands = 0 : i64, tpu.core_type = #tpu.core_type<tc>, window_params = [{transform_indices = @transform_0, window_bounds = array<i64: 2, 1000, 64>}, {transform_indices = @transform_1, window_bounds = array<i64: 1000, 128>}, {transform_indices = @transform_2, window_bounds = array<i64: 1000, 1>}, {pipeline_mode = #tpu.pipeline_mode<synchronous>, transform_indices = @transform_3, window_bounds = array<i64: 1, 128>}, {transform_indices = @transform_4, window_bounds = array<i64: 1000, 128>}]} {
    %get3A = arith.constant 0 : index
    %get3A_0 = arith.constant 0 : index
    %get3A_1 = vector.load %arg3[%get3A, %get3A_0] : memref<1000x1xf32, #tpu.memory_space<vmem>>, vector<1000x1xf32>
    %mul3A = arith.mulf %get3A_1, %get3A_1 : vector<1000x1xf32>
    %get3A_2 = arith.constant 0 : index
    %get3A_3 = arith.constant 0 : index
    %get3A_4 = arith.constant 0 : index
    %get3A_5 = vector.load %arg1[%get3A_2, %get3A_3, %get3A_4] : memref<2x1000x64xf32, #tpu.memory_space<vmem>>, vector<1x1000x64xf32>
    %get3A_6 = vector.shape_cast %get3A_5 : vector<1x1000x64xf32> to vector<1000x64xf32>
    %mul3A_7 = vector.broadcast %get3A_1 : vector<1000x1xf32> to vector<1000x64xf32>
    %mul3A_8 = arith.mulf %mul3A_7, %get3A_6 : vector<1000x64xf32>
    %get3A_9 = arith.constant 0 : index
    %get3A_10 = arith.constant 0 : index
    %get3A_11 = vector.load %arg2[%get3A_9, %get3A_10] : memref<1000x128xf32, #tpu.memory_space<vmem>>, vector<1000x64xf32>
    %mul3A_12 = vector.broadcast %mul3A : vector<1000x1xf32> to vector<1000x64xf32>
    %mul3A_13 = arith.mulf %mul3A_12, %get3A_11 : vector<1000x64xf32>
    %add3A = arith.addf %mul3A_8, %mul3A_13 : vector<1000x64xf32>
    %get3A_14 = arith.constant 0 : index
    %get3A_15 = arith.constant 0 : index
    %get3A_16 = vector.load %arg4[%get3A_14, %get3A_15] : memref<1x128xf32, #tpu.memory_space<vmem>>, vector<1x64xf32>
    %add3A_17 = vector.broadcast %get3A_16 : vector<1x64xf32> to vector<1000x64xf32>
    %add3A_18 = arith.addf %add3A, %add3A_17 : vector<1000x64xf32>
    %get3A_19 = arith.constant 1 : index
    %get3A_20 = arith.constant 0 : index
    %get3A_21 = arith.constant 0 : index
    %get3A_22 = vector.load %arg1[%get3A_19, %get3A_20, %get3A_21] : memref<2x1000x64xf32, #tpu.memory_space<vmem>>, vector<1x1000x64xf32>
    %get3A_23 = vector.shape_cast %get3A_22 : vector<1x1000x64xf32> to vector<1000x64xf32>
    %mul3A_24 = vector.broadcast %get3A_1 : vector<1000x1xf32> to vector<1000x64xf32>
    %mul3A_25 = arith.mulf %mul3A_24, %get3A_23 : vector<1000x64xf32>
    %get3A_26 = arith.constant 0 : index
    %get3A_27 = arith.constant 64 : index
    %get3A_28 = vector.load %arg2[%get3A_26, %get3A_27] : memref<1000x128xf32, #tpu.memory_space<vmem>>, vector<1000x64xf32>
    %mul3A_29 = vector.broadcast %mul3A : vector<1000x1xf32> to vector<1000x64xf32>
    %mul3A_30 = arith.mulf %mul3A_29, %get3A_28 : vector<1000x64xf32>
    %add3A_31 = arith.addf %mul3A_25, %mul3A_30 : vector<1000x64xf32>
    %get3A_32 = arith.constant 0 : index
    %get3A_33 = arith.constant 64 : index
    %get3A_34 = vector.load %arg4[%get3A_32, %get3A_33] : memref<1x128xf32, #tpu.memory_space<vmem>>, vector<1x64xf32>
    %add3A_35 = vector.broadcast %get3A_34 : vector<1x64xf32> to vector<1000x64xf32>
    %add3A_36 = arith.addf %add3A_31, %add3A_35 : vector<1000x64xf32>
    %concatenate3A = tpu.concatenate %add3A_18, %add3A_36 in 1 : vector<1000x64xf32>, vector<1000x64xf32> -> vector<1000x128xf32>
    %swap3A = arith.constant 0 : index
    %swap3A_37 = arith.constant 0 : index
    %swap3A_38 = vector.load %arg5[%swap3A, %swap3A_37] : memref<1000x128xf32, #tpu.memory_space<vmem>>, vector<1000x128xf32>
    tpu.vector_store %arg5[%swap3A, %swap3A_37], %concatenate3A {strides = array<i32>} : memref<1000x128xf32, #tpu.memory_space<vmem>>, vector<1000x128xf32>,
    return
  }
  func.func @transform_0(%arg0: i32) -> (i32, i32, i32) {
    %c0_i32 = arith.constant 0 : i32
    %c0_i32_0 = arith.constant 0 : i32
    %c0_i32_1 = arith.constant 0 : i32
    return %c0_i32, %arg0, %c0_i32_0 : i32, i32, i32
  }
  func.func @transform_1(%arg0: i32) -> (i32, i32) {
    %c0_i32 = arith.constant 0 : i32
    %c0_i32_0 = arith.constant 0 : i32
    return %arg0, %c0_i32 : i32, i32
  }
  func.func @transform_2(%arg0: i32) -> (i32, i32) {
    %c0_i32 = arith.constant 0 : i32
    %c0_i32_0 = arith.constant 0 : i32
    return %arg0, %c0_i32 : i32, i32
  }
  func.func @transform_3(%arg0: i32) -> (i32, i32) {
    %c0_i32 = arith.constant 0 : i32
    %c0_i32_0 = arith.constant 0 : i32
    %c0_i32_1 = arith.constant 0 : i32
    return %c0_i32, %c0_i32_0 : i32, i32
  }
  func.func @transform_4(%arg0: i32) -> (i32, i32) {
    %c0_i32 = arith.constant 0 : i32
    %c0_i32_0 = arith.constant 0 : i32
    return %arg0, %c0_i32 : i32, i32
  }
}

</mosaic_0001>

<sc_bundles>
// kernel: kernel.10.cloned.1.call-start
scs
__scs_entry_jumppad:
0x0: {  	(pc) =	sbr.rel $0x88, $3  }
0x1: {  	(tag) =	ssettag $0x0;
	lr =	simm.s32 $0x1  }
0x2: {  	[smem:$0x3F9B] =	sst lr;
	_ =	strace $0xD0000000  }
0x3: {  	_ = 	snop  }
0x4: {  	_ = 	snop  }
0x5: {  	_ = 	snop  }
0x6: {  	_ = 	snop  }
0x7: {  	_ = 	snop  }
__scs_overlays_trampoline_lowered:
0x8: {  	[smem:$0x3FAA] =	sst s0  }
0x9: {  	[smem:$0x3FAB] =	sst s1  }
0xa: {  	[smem:$0x3FAC] =	sst s2  }
0xb: {  	[smem:$0x3FAD] =	sst s3  }
0xc: {  	[smem:$0x3FAE] =	sst s4  }
0xd: {  	[smem:$0x3FAF] =	sst s5  }
0xe: {  	[smem:$0x3FB0] =	sst s6  }
0xf: {  	[smem:$0x3FB1] =	sst s7  }
0x10: {  	[smem:$0x3FB2] =	sst s8  }
0x11: {  	[smem:$0x3FB3] =	sst s9;
	s0 =	simm.s32 @!p0 $0x0  }
0x12: {  	s1 =	sld [smem:$0x3F99];
	s0 =	simm.s32 @p0 $0x1  }
0x13: {  	[smem:$0x3FB4] =	sst s0;
	s0 =	simm.s32 @!p1 $0x0  }
0x14: {  	s2 =	sld [smem:$0x3F98];
	s0 =	simm.s32 @p1 $0x1  }
0x15: {  	[smem:$0x3FB5] =	sst s0;
	s0 =	simm.s32 @!p2 $0x0  }
0x16: {  	s3 =	sld [smem:$0x3FDB];
	s0 =	simm.s32 @p2 $0x1  }
0x17: {  	s4 =	simm.s32 $0x1BF5;
	[smem:$0x3FB7] =	sst s0  }
0x18: {  	s0 =	sld [smem:$0x3F9A];
	_ =	swait.ge [sflag:s4], $0x0  }
0x19: {  	s7 =	sld [smem:$0x3F9B]  }
0x1a: {  	s8 =	sadd.s32 $0xFFFFE003, lr  }
0x1b: {  	s9 =	sadd.s32 $0xFFFFFEF7, lr;
	s5 =	simm.s32 $0xFFFFFFFF;
	p2 =	slt.u32 s8, $0xFFFFF086  }
0x1c: {  	p1 =	slt.u32 s9, $0xF7A;
	s5 =	simm.s32 @!p2 $0x0  }
0x1d: {  	s5 =	simm.s32 @p1 $0x1;
	p0 =	seq.s32 s7, s2  }
0x1e: {  	s7 =	smul.u32 @!p0 $0xF7A, s2;
	p2 =	seq.s32 @!p0 s5, $0x0  }
0x1f: {  	s9 =	smul.u32 $0xF7A, s1;
	s8 =	simm.s32 @!p0 $0x1BF5;
	p2 =	por !p2, p0  }
0x20: {  	[sflag:s8] =	ssyncset.s32 @!p0 $0xFFFFF086;
	s6 =	sadd.s32 @!p0 s3, s7;
	s7 =	simm.s32 @!p0 $0x108  }
0x21: {  	s3 =	sadd.s32 s3, s9;
	s6 =	sadd.s32 @!p0 $0x88, s6;
	s7 =	simm.s32 @p2 $0x1082  }
0x22: {  	[simem:s7], [sflag:s8] =	dma.local @!p0 [hbm:s6], $0xF7A  }
0x23: {  	s9 =	sor.u32 $0xD0000000, s2;
	s6 =	simm.s32 $0x108;
	_ =	swait.ge @!p0 [sflag:s8], $0x0  }
0x24: {  	s3 =	sadd.s32 $0x88, s3;
	s6 =	simm.s32 @!p1 $0x1082;
	[sflag:s4] =	ssyncset.s32 $0xFFFFF086  }
0x25: {  	[simem:s6], [sflag:s4] =	dma.local [hbm:s3], $0xF7A  }
0x26: {  	[smem:$0x3F9B] =	sst s1;
	(tag) =	ssettag s2;
	_ =	strace s9  }
0x27: {  	s1 =	sld [smem:$0x3FAB]  }
0x28: {  	s2 =	sld [smem:$0x3FAC]  }
0x29: {  	s4 =	sld [smem:$0x3FAE]  }
0x2a: {  	p0 =	seq.s32 s5, $0x0;
	s5 =	sld [smem:$0x3FAF]  }
0x2b: {  	s6 =	sld [smem:$0x3FB0]  }
0x2c: {  	s7 =	sld [smem:$0x3FB1]  }
0x2d: {  	s3 =	simm.s32 $0x108;
	s8 =	sld [smem:$0x3FB2]  }
0x2e: {  	s3 =	simm.s32 @!p0 $0x1082;
	s9 =	sld [smem:$0x3FB3]  }
0x2f: {  	lr =	sadd.s32 s0, s3;
	s0 =	sld [smem:$0x3FAA]  }
0x30: {  	s3 =	sld [smem:$0x3FAD]  }
0x31: {  	[smem:$0x3FB6] =	sst s10  }
0x32: {  	s10 =	sld [smem:$0x3FB4];
	_ =	sdelay $0x3  }
0x33: {  	p0 =	seq.s32 s10, $0x1;
	s10 =	sld [smem:$0x3FB6];
	_ =	sdelay $0x3  }
0x34: {  	[smem:$0x3FB6] =	sst s10  }
0x35: {  	s10 =	sld [smem:$0x3FB5];
	_ =	sdelay $0x3  }
0x36: {  	p1 =	seq.s32 s10, $0x1;
	s10 =	sld [smem:$0x3FB6];
	_ =	sdelay $0x3  }
0x37: {  	[smem:$0x3FB6] =	sst s10  }
0x38: {  	s10 =	sld [smem:$0x3FB7]  }
0x39: {  	_ = 	snop;
	(pc) =	sbr.ind lr, $3  }
0x3a: {  	_ = 	snop  }
0x3b: {  	_ = 	snop  }
0x3c: {  	p2 =	seq.s32 s10, $0x1;
	s10 =	sld [smem:$0x3FB6]  }
0x3d: {  	_ =	shalt  }
0x3e: {  	_ =	shalt  }
0x3f: {  	_ =	shalt  }
0x40: {  	_ =	shalt  }
0x41: {  	_ =	shalt  }
0x42: {  	_ =	shalt  }
0x43: {  	_ =	shalt  }
0x44: {  	_ =	shalt  }
0x45: {  	_ =	shalt  }
0x46: {  	_ =	shalt  }
0x47: {  	_ =	shalt  }
0x48: {  	_ =	shalt  }
0x49: {  	_ =	shalt  }
0x4a: {  	_ =	shalt  }
0x4b: {  	_ =	shalt  }
0x4c: {  	_ =	shalt  }
0x4d: {  	_ =	shalt  }
0x4e: {  	_ =	shalt  }
0x4f: {  	_ =	shalt  }
0x50: {  	_ =	shalt  }
0x51: {  	_ =	shalt  }
0x52: {  	_ =	shalt  }
0x53: {  	_ =	shalt  }
0x54: {  	_ =	shalt  }
0x55: {  	_ =	shalt  }
0x56: {  	_ =	shalt  }
0x57: {  	_ =	shalt  }
0x58: {  	_ =	shalt  }
0x59: {  	_ =	shalt  }
0x5a: {  	_ =	shalt  }
0x5b: {  	_ =	shalt  }
0x5c: {  	_ =	shalt  }
0x5d: {  	_ =	shalt  }
0x5e: {  	_ =	shalt  }
0x5f: {  	_ =	shalt  }
0x60: {  	_ =	shalt  }
0x61: {  	_ =	shalt  }
0x62: {  	_ =	shalt  }
0x63: {  	_ =	shalt  }
0x64: {  	_ =	shalt  }
0x65: {  	_ =	shalt  }
0x66: {  	_ =	shalt  }
0x67: {  	_ =	shalt  }
0x68: {  	_ =	shalt  }
0x69: {  	_ =	shalt  }
0x6a: {  	_ =	shalt  }
0x6b: {  	_ =	shalt  }
0x6c: {  	_ =	shalt  }
0x6d: {  	_ =	shalt  }
0x6e: {  	_ =	shalt  }
0x6f: {  	_ =	shalt  }
0x70: {  	_ =	shalt  }
0x71: {  	_ =	shalt  }
0x72: {  	_ =	shalt  }
0x73: {  	_ =	shalt  }
0x74: {  	_ =	shalt  }
0x75: {  	_ =	shalt  }
0x76: {  	_ =	shalt  }
0x77: {  	_ =	shalt  }
0x78: {  	_ =	shalt  }
0x79: {  	_ =	shalt  }
0x7a: {  	_ =	shalt  }
0x7b: {  	_ =	shalt  }
0x7c: {  	_ =	shalt  }
0x7d: {  	_ =	shalt  }
0x7e: {  	_ =	shalt  }
0x7f: {  	_ =	shalt  }
0x80: {  	_ =	shalt  }
0x81: {  	_ =	shalt  }
0x82: {  	_ =	shalt  }
0x83: {  	_ =	shalt  }
0x84: {  	_ =	shalt  }
0x85: {  	_ =	shalt  }
0x86: {  	_ =	shalt  }
0x87: {  	_ =	shalt  }
.Lfunc_end0:
.L_simem_size_0:
called_computation_lowered:
.L_overlay_start_0:
0x88: {  	s2 =	sld [smem:$0x3FD9]  }
0x89: {  	s3 =	sld [smem:$0x3FFE];
	_ =	sdelay $0x1  }
0x8a: {  	s1 =	srdreg.scid  }
0x8b: {  	s0 =	sand.u32 $0x1, s1  }
0x8c: {  	s17 =	sshll.u32 s0, $0xA;
	s2 =	sadd.s32 s3, s2  }
0x8d: {  	s2 =	sadd.s32 s2, s17  }
0x8e: {  	[smem:$0x3FC2] =	sst s2  }
0x8f: {  	_ = 	snop  }
0x90: {  	s2 =	sld [smem:$0x3FD0];
	(tm) =	ssettm $0x1  }
0x91: {  	s18 =	sld [smem:$0x3FFB];
	_ =	sdelay $0x3  }
0x92: {  	_ =	strace s18  }
0x93: {  	s3 =	sld [smem:$0x3FFC];
	_ =	sdelay $0x3  }
0x94: {  	_ =	strace s3  }
0x95: {  	s3 =	sld [smem:$0x3FFD];
	_ =	sdelay $0x3  }
0x96: {  	_ =	strace s3  }
0x97: {  	_ =	strace $0x8FFFFFFF  }
0x98: {  	s19 =	sld [smem:$0x3FDB];
	_ =	sdelay $0x1  }
0x99: {  	s4 =	simm.s32 $_scs_section_size  }
0x9a: {  	s5 =	simm.s32 $_size__tile_overlayer_lowered;
	s6 =	simm.s32 $_tile_overlayer_lowered  }
0x9b: {  	s22 =	simm.s32 $0x1BFF;
	s21 =	sshll.u32 s6, $0x1;
	s3 =	sadd.s32 s4, s19  }
0x9c: {  	s7 =	simm.s32 $0x0;
	s20 =	sshll.u32 s5, $0x1;
	s5 =	sadd.s32 s21, s3  }
0x9d: {  	[timem:s7], [sflag:s22] =	dma.local [hbm:s5], s20  }
0x9e: {  	_ =	swait.ge [sflag:s22], s20  }
0x9f: {  	s4 =	ssub.s32 $0x0, s20;
	[sflag:s22] =	ssyncset.done $0x0  }
0xa0: {  	[sflag:s22] =	ssyncadd.s32 s4;
	_ =	sdelay $0x1  }
0xa1: {  	s23 =	simm.s32 $0x1B8B  }
0xa2: {  	_ =	swait.ge [sflag:s23], $0x1  }
0xa3: {  	[sflag:s23] =	ssyncset.done $0x0  }
0xa4: {  	s25 =	simm.s32 $0x1B8E;
	s24 =	sld [smem:$0x3FFE];
	[sflag:s23] =	ssyncadd.s32 $0xFFFFFFFF  }
0xa5: {  	s26 =	simm.s32 $execute0_lowered;
	[smem:$0x3FD2] =	sst s25  }
0xa6: {  	s5 =	sshll.u32 s26, $0x1;
	_ =	strace $0x80000046;
	[dreg:$0x1] =	wrdreg $0xFFFFFFFF  }
0xa7: {  	s28 =	simm.s32 $_size_execute0_lowered;
	s3 =	sadd.s32 s3, s5;
	[dreg:$0x0] =	wrdreg $0x0  }
0xa8: {  	s5 =	sshll.u32 s28, $0x1;
	[dreg:$0x2] =	wrdreg s3  }
0xa9: {  	[dreg:$0x3] =	wrdreg s5  }
0xaa: {  	[dreg:$0x4] =	wrdreg $0xC0  }
0xab: {  	_ =	task [dreg:s7], $0x5FFFF  }
0xac: {  	[dreg:$0x1] =	wrdreg $0xFFFFFFFF  }
0xad: {  	[dreg:$0x0] =	wrdreg $0x60  }
0xae: {  	[dreg:$0x2] =	wrdreg s24  }
0xaf: {  	[dreg:$0x3] =	wrdreg s2  }
0xb0: {  	[dreg:$0x4] =	wrdreg $0x34100  }
0xb1: {  	[dreg:$0x5] =	wrdreg $0x9  }
0xb2: {  	_ =	task.clear_ibuf [dreg:s7], $0x6FFFF;
	_ =	strace $0x90000046  }
0xb3: {  	s29 =	simm.s32 $0x9;
	_ =	strace $0x80000048  }
0xb4: {  	_ =	swait.ge [sflag:s29], $0x1  }
0xb5: {  	[sflag:s29] =	ssyncadd.s32 $0xFFFFFFFF  }
0xb6: {  	_ =	strace $0x90000048  }
0xb7: {  	_ =	sfence  }
0xb8: {  	s30 =	sld [smem:$0x0];
	_ =	sdelay $0x2  }
0xb9: {  	s31 =	sshll.u32 s1, $0xD;
	s1 =	sshrl.u32 s1, $0x2  }
0xba: {  	s3 =	sand.u32 $0x4000, s31;
	s1 =	sadd.s32 s1, s30  }
0xbb: {  	s0 =	sor.u32 s3, s0;
	s1 =	sshll.u32 s1, $0x11  }
0xbc: {  	s0 =	sor.u32 s1, s0  }
0xbd: {  	s0 =	sadd.s32 $0x8F2B, s0  }
0xbe: {  	[sflag:s0] =	ssyncadd.remote.s32 $0x1  }
0xbf: {  	_ =	sfence.sel $0xFFFF  }
0xc0: {  	[dreg:$0x0] =	wrdreg $0xFFFFFFFF;
	(pc) =	sbr.abs _section_cstart, $3  }
0xc1: {  	[dreg:$0x1] =	wrdreg $0xFFFFFFFF  }
0xc2: {  	_ =	task.clear_ibuf [dreg:s7], $0x2FFFF;
	_ =	strace $0x9FFFFFFF  }
0xc3: {  	(tm) =	ssettm $0x7FFFFFFF  }
tec
execute0_lowered:
.L_overlay_start_1:
0x0: {  	(tag) =	ssettag $0x1  }
0x1: {  	s4 =	rddreg [dreg:$0x0];
	s1 =	srdreg.scid  }
0x2: {  	s0 =	stileid.u32;
	s10 =	rddreg [dreg:$0x1]  }
0x3: {  	s2 =	rddreg [dreg:$0x2];
	s3 =	simm.s32 $0x0;
	s7 =	sand.u32 $0x1, s1  }
0x4: {  	s30 =	sshll.u32 s0, $0x1;
	s1 =	rddreg [dreg:$0x3];
	s11 =	smul.u32 $0x2800, s0  }
0x5: {  	[smem:$0x7FF] =	sst s3;
	s5 =	sor.u32 s7, s30;
	s16 =	smul.u32 $0x5000, s7  }
0x6: {  	s6 =	ssub.s32 $0x2, s7;
	_ =	strace $0x80000047;
	s5 =	smul.u32 $0x4E2, s5  }
0x7: {  	s8 =	sshrl.u32 s6, $0x1;
	s13 =	sadd.s32 $0x800, s11;
	s14 =	sadd.s32 $0x1000, s11  }
0x8: {  	s15 =	sadd.s32 $0x1800, s11;
	s17 =	sadd.s32 $0x2000, s11;
	s31 =	sshrl.u32 s11, $0x3  }
0x9: {  	s12 =	ssub.s32 s6, s8;
	s6 =	sadd.s32 s13, s2;
	s7 =	sadd.s32 s14, s2  }
0xa: {  	s8 =	sadd.s32 s15, s2;
	s9 =	sadd.s32 s17, s2;
	s19 =	sadd.s32 s10, s16  }
0xb: {  	s18 =	sshrl.u32 s13, $0x3;
	s20 =	sshrl.u32 s14, $0x3;
	s21 =	sshrl.u32 s15, $0x3  }
0xc: {  	s22 =	sshrl.u32 s17, $0x3;
	s13 =	simm.s32 $0x50;
	s14 =	simm.s32 $0x2710  }
0xd: {  	s4 =	sadd.s32 s5, s4;
	s5 =	sadd.s32 s11, s2;
	s10 =	smax.u32 s12, $0x1  }
0xe: {  	s11 =	simm.s32 $0x1;
	s12 =	simm.s32 $0x2C10;
	s15 =	sadd.s32 s31, s19  }
0xf: {  	s16 =	sadd.s32 s18, s19;
	s17 =	sadd.s32 s20, s19;
	s18 =	sadd.s32 s21, s19  }
0x10: {  	v0 =	vimm.f32 $1.000000000e+00;
	v1 =	vimm.f32 $0.0e+00;
	s19 =	sadd.s32 s22, s19;
	s20 =	simm.s32 $0x0;
	s4 =	sadd.s32 $0x1E00, s4  }
.LBB2_1:
0x11: {  	[tilespmem:s3], [sflag:$0x1] =	stream.linear.gather [hbm4b:s4+s3], $0x2710, $0x38;
	[tilespmem:$0x5C10] =	vst v63  }
0x12: {  	_ =	swait.ge [sflag:s11], $0x2710  }
0x13: {  	[sflag:s11] =	ssyncset.done $0x0  }
0x14: {  	s21 =	simm.s32 $0x0;
	[sflag:s11] =	ssyncadd.s32 $0xFFFFD8F0  }
.LBB2_2:
0x15: {  	p0 =	sne.s32 s21, $0x13C0  }
.Ltmp0:
0x16: {  	_ = 	snop;
	(pc) =	sbr.rel @p0 .LBB2_2-.Ltmp0, $3  }
0x17: {  	_ =	sdelay $0x1  }
0x18: {  	s22 =	sshra.s32 s21, $0x2  }
0x19: {  	s21 =	sadd.s32 $0x40, s21;
	[tilespmem:s22+$0x2710] =	vst v0  }
0x1a: {  	s21 =	simm.s32 $0x40;
	s22 =	simm.s32 $0x0  }
.LBB2_4:
0x1b: {  	p0 =	sne.s32 s21, $0x1FC0;
	[tilespmem:s22+$0x2C10] =	vst v1;
	s22 =	smov.u32 s21;
	s21 =	sadd.s32 $0x40, s21  }
.Ltmp1:
0x1c: {  	(pc) =	sbr.rel @p0 .LBB2_4-.Ltmp1, $2  }
0x1d: {  	_ =	sdelay $0x2  }
0x1e: {  	s22 =	sshra.s32 s22, $0x2  }
0x1f: {  	[tilespmem:s22+$0x2C10] =	vst v1  }
0x20: {  	[spmem:s5] =	stream.linear.scatter [tilespmem:s12], [sflag:$0x1], $0x800, $0x38;
	[tilespmem:$0x5C10] =	vst v63  }
0x21: {  	_ =	swait.ge [sflag:s11], $0x800  }
0x22: {  	[sflag:s11] =	ssyncset.done $0x0  }
0x23: {  	[sflag:s11] =	ssyncadd.s32 $0xFFFFF800  }
0x24: {  	[spmem:s6] =	stream.linear.scatter [tilespmem:s12], [sflag:$0x1], $0x800, $0x38;
	[tilespmem:$0x5C10] =	vst v63  }
0x25: {  	_ =	swait.ge [sflag:s11], $0x800  }
0x26: {  	[sflag:s11] =	ssyncset.done $0x0  }
0x27: {  	[sflag:s11] =	ssyncadd.s32 $0xFFFFF800  }
0x28: {  	[spmem:s7] =	stream.linear.scatter [tilespmem:s12], [sflag:$0x1], $0x800, $0x38;
	[tilespmem:$0x5C10] =	vst v63  }
0x29: {  	_ =	swait.ge [sflag:s11], $0x800  }
0x2a: {  	[sflag:s11] =	ssyncset.done $0x0  }
0x2b: {  	[sflag:s11] =	ssyncadd.s32 $0xFFFFF800  }
0x2c: {  	[spmem:s8] =	stream.linear.scatter [tilespmem:s12], [sflag:$0x1], $0x800, $0x38;
	[tilespmem:$0x5C10] =	vst v63  }
0x2d: {  	_ =	swait.ge [sflag:s11], $0x800  }
0x2e: {  	[sflag:s11] =	ssyncset.done $0x0  }
0x2f: {  	[sflag:s11] =	ssyncadd.s32 $0xFFFFF800  }
0x30: {  	[spmem:s9] =	stream.linear.scatter [tilespmem:s12], [sflag:$0x1], $0x800, $0x38;
	[tilespmem:$0x5C10] =	vst v63  }
0x31: {  	_ =	swait.ge [sflag:s11], $0x800  }
0x32: {  	[sflag:s11] =	ssyncset.done $0x0  }
0x33: {  	[sflag:s11] =	ssyncadd.s32 $0xFFFFF800  }
0x34: {  	s21 =	simm.s32 $0x0;
	[bflag:$0x0] =	sbarrier.arrive $0xFFFF  }
0x35: {  	[spmem:s2] =	stream.indirect.scatter.add.f32 [tilespmem:s14], [sflag:$0x1], $0x10, s21, s13, $0xb8;
	[tilespmem:$0x5C10] =	vst v63  }
0x36: {  	_ =	swait.ge [sflag:s11], $0x500  }
0x37: {  	s21 =	simm.s32 $0x140;
	[sflag:s11] =	ssyncset.done $0x0  }
.LBB2_6:
0x38: {  	s22 =	sshra.s32 s21, $0x2;
	[sflag:s11] =	ssyncadd.s32 $0xFFFFFB00;
	p0 =	sne.s32 s21, $0x9B00  }
0x39: {  	[spmem:s2] =	stream.indirect.scatter.add.f32 [tilespmem:s14], [sflag:$0x1], $0x10, s22, s13, $0xb8;
	[tilespmem:$0x5C10] =	vst v63  }
.Ltmp2:
0x3a: {  	_ = 	snop;
	(pc) =	sbr.rel @p0 .LBB2_6-.Ltmp2, $4  }
0x3b: {  	_ = 	snop  }
0x3c: {  	s21 =	sadd.s32 $0x140, s21  }
0x3d: {  	_ =	swait.ge [sflag:s11], $0x500  }
0x3e: {  	[sflag:s11] =	ssyncset.done $0x0  }
0x3f: {  	[sflag:s11] =	ssyncadd.s32 $0xFFFFFB00  }
0x40: {  	[bflag:$0x0] =	sbarrier.arrive $0xFFFF  }
0x41: {  	[tilespmem:s12], [sflag:$0x1] =	stream.linear.gather [spmem:s5], $0x800, $0x38;
	[tilespmem:$0x5C10] =	vst v63  }
0x42: {  	_ =	swait.ge [sflag:s11], $0x800  }
0x43: {  	[sflag:s11] =	ssyncset.done $0x0  }
0x44: {  	[sflag:s11] =	ssyncadd.s32 $0xFFFFF800  }
0x45: {  	[hbm4b:s15+s3] =	stream.linear.scatter [tilespmem:s12], [sflag:$0x1], $0x800, $0x38;
	[tilespmem:$0x5C10] =	vst v63  }
0x46: {  	_ =	swait.ge [sflag:s11], $0x800  }
0x47: {  	[sflag:s11] =	ssyncset.done $0x0  }
0x48: {  	[sflag:s11] =	ssyncadd.s32 $0xFFFFF800  }
0x49: {  	[tilespmem:s12], [sflag:$0x1] =	stream.linear.gather [spmem:s6], $0x800, $0x38;
	[tilespmem:$0x5C10] =	vst v63  }
0x4a: {  	_ =	swait.ge [sflag:s11], $0x800  }
0x4b: {  	[sflag:s11] =	ssyncset.done $0x0  }
0x4c: {  	[sflag:s11] =	ssyncadd.s32 $0xFFFFF800  }
0x4d: {  	[hbm4b:s16+s3] =	stream.linear.scatter [tilespmem:s12], [sflag:$0x1], $0x800, $0x38;
	[tilespmem:$0x5C10] =	vst v63  }
0x4e: {  	_ =	swait.ge [sflag:s11], $0x800  }
0x4f: {  	[sflag:s11] =	ssyncset.done $0x0  }
0x50: {  	[sflag:s11] =	ssyncadd.s32 $0xFFFFF800  }
0x51: {  	[tilespmem:s12], [sflag:$0x1] =	stream.linear.gather [spmem:s7], $0x800, $0x38;
	[tilespmem:$0x5C10] =	vst v63  }
0x52: {  	_ =	swait.ge [sflag:s11], $0x800  }
0x53: {  	[sflag:s11] =	ssyncset.done $0x0  }
0x54: {  	[sflag:s11] =	ssyncadd.s32 $0xFFFFF800  }
0x55: {  	[hbm4b:s17+s3] =	stream.linear.scatter [tilespmem:s12], [sflag:$0x1], $0x800, $0x38;
	[tilespmem:$0x5C10] =	vst v63  }
0x56: {  	_ =	swait.ge [sflag:s11], $0x800  }
0x57: {  	[sflag:s11] =	ssyncset.done $0x0  }
0x58: {  	[sflag:s11] =	ssyncadd.s32 $0xFFFFF800  }
0x59: {  	[tilespmem:s12], [sflag:$0x1] =	stream.linear.gather [spmem:s8], $0x800, $0x38;
	[tilespmem:$0x5C10] =	vst v63  }
0x5a: {  	_ =	swait.ge [sflag:s11], $0x800  }
0x5b: {  	[sflag:s11] =	ssyncset.done $0x0  }
0x5c: {  	[sflag:s11] =	ssyncadd.s32 $0xFFFFF800  }
0x5d: {  	[hbm4b:s18+s3] =	stream.linear.scatter [tilespmem:s12], [sflag:$0x1], $0x800, $0x38;
	[tilespmem:$0x5C10] =	vst v63  }
0x5e: {  	_ =	swait.ge [sflag:s11], $0x800  }
0x5f: {  	[sflag:s11] =	ssyncset.done $0x0  }
0x60: {  	[sflag:s11] =	ssyncadd.s32 $0xFFFFF800  }
0x61: {  	[tilespmem:s12], [sflag:$0x1] =	stream.linear.gather [spmem:s9], $0x800, $0x38;
	[tilespmem:$0x5C10] =	vst v63  }
0x62: {  	s20 =	sadd.s32 $0x1, s20;
	_ =	swait.ge [sflag:s11], $0x800  }
0x63: {  	p0 =	sne.s32 s20, s10;
	[sflag:s11] =	ssyncset.done $0x0  }
.Ltmp3:
0x64: {  	[sflag:s11] =	ssyncadd.s32 $0xFFFFF800;
	(pc) =	sbr.rel @p0 .LBB2_1-.Ltmp3, $4  }
0x65: {  	[hbm4b:s19+s3] =	stream.linear.scatter [tilespmem:s12], [sflag:$0x1], $0x800, $0x38;
	[tilespmem:$0x5C10] =	vst v63  }
0x66: {  	_ =	swait.ge [sflag:s11], $0x800  }
0x67: {  	[sflag:s11] =	ssyncset.done $0x0  }
0x68: {  	[sflag:s11] =	ssyncadd.s32 $0xFFFFF800  }
0x69: {  	_ =	sfence.sel $0x180000  }
0x6a: {  	[bflag:$0x0] =	sbarrier.arrive $0xFFFF  }
0x6b: {  	p0 =	sne.s32 s0, $0x0;
	_ =	strace $0x90000047  }
0x6c: {  	s0 =	sadd.s32 @!p0 $0x100000, s1;
	[bflag:$0x2] =	sbarrier.arrive $0xFFFF  }
0x6d: {  	[sflag:s0] =	ssyncadd.tile.s32 @!p0 $0x1;
	_ =	shalt  }
.Lfunc_end2:
_tile_overlayer_lowered:
.L_overlay_start_2:
0x6e: {  	(tag) =	ssettag $0x2  }
0x6f: {  	s0 =	rddreg [dreg:$0x0];
	s2 =	stileid.u32  }
0x70: {  	s1 =	rddreg [dreg:$0x1];
	p0 =	sne.s32 s2, $0x0  }
0x71: {  	s3 =	rddreg [dreg:$0x2];
	[bflag:$0x3] =	sbarrier.arrive $0xFFFF;
	s2 =	simm.s32 @!p0 $0x1C01  }
0x72: {  	[timem:s3], [sflag:s2] =	dma.local @!p0 [hbm:s0], s1  }
0x73: {  	s0 =	simm.s32 @!p0 $0x1  }
0x74: {  	_ =	swait.ge @!p0 [sflag:s0], s1  }
0x75: {  	s1 =	ssub.s32 @!p0 $0x0, s1;
	[sflag:s0] =	ssyncset.done @!p0 $0x0  }
0x76: {  	[sflag:s0] =	ssyncadd.s32 @!p0 s1  }
0x77: {  	[bflag:$0x3] =	sbarrier.arrive $0xFFFF  }
0x78: {  	_ =	shalt  }

// kernel: kernel.13.cloned.1.call-start
scs
__scs_entry_jumppad:
0x0: {  	(pc) =	sbr.rel $0x88, $3  }
0x1: {  	(tag) =	ssettag $0x0;
	lr =	simm.s32 $0x1  }
0x2: {  	[smem:$0x3F9B] =	sst lr;
	_ =	strace $0xD0000000  }
0x3: {  	_ = 	snop  }
0x4: {  	_ = 	snop  }
0x5: {  	_ = 	snop  }
0x6: {  	_ = 	snop  }
0x7: {  	_ = 	snop  }
__scs_overlays_trampoline_lowered:
0x8: {  	[smem:$0x3FAA] =	sst s0  }
0x9: {  	[smem:$0x3FAB] =	sst s1  }
0xa: {  	[smem:$0x3FAC] =	sst s2  }
0xb: {  	[smem:$0x3FAD] =	sst s3  }
0xc: {  	[smem:$0x3FAE] =	sst s4  }
0xd: {  	[smem:$0x3FAF] =	sst s5  }
0xe: {  	[smem:$0x3FB0] =	sst s6  }
0xf: {  	[smem:$0x3FB1] =	sst s7  }
0x10: {  	[smem:$0x3FB2] =	sst s8  }
0x11: {  	[smem:$0x3FB3] =	sst s9;
	s0 =	simm.s32 @!p0 $0x0  }
0x12: {  	s1 =	sld [smem:$0x3F99];
	s0 =	simm.s32 @p0 $0x1  }
0x13: {  	[smem:$0x3FB4] =	sst s0;
	s0 =	simm.s32 @!p1 $0x0  }
0x14: {  	s2 =	sld [smem:$0x3F98];
	s0 =	simm.s32 @p1 $0x1  }
0x15: {  	[smem:$0x3FB5] =	sst s0;
	s0 =	simm.s32 @!p2 $0x0  }
0x16: {  	s3 =	sld [smem:$0x3FDB];
	s0 =	simm.s32 @p2 $0x1  }
0x17: {  	s4 =	simm.s32 $0x1BF5;
	[smem:$0x3FB7] =	sst s0  }
0x18: {  	s0 =	sld [smem:$0x3F9A];
	_ =	swait.ge [sflag:s4], $0x0  }
0x19: {  	s7 =	sld [smem:$0x3F9B]  }
0x1a: {  	s8 =	sadd.s32 $0xFFFFE003, lr  }
0x1b: {  	s9 =	sadd.s32 $0xFFFFFEF7, lr;
	s5 =	simm.s32 $0xFFFFFFFF;
	p2 =	slt.u32 s8, $0xFFFFF086  }
0x1c: {  	p1 =	slt.u32 s9, $0xF7A;
	s5 =	simm.s32 @!p2 $0x0  }
0x1d: {  	s5 =	simm.s32 @p1 $0x1;
	p0 =	seq.s32 s7, s2  }
0x1e: {  	s7 =	smul.u32 @!p0 $0xF7A, s2;
	p2 =	seq.s32 @!p0 s5, $0x0  }
0x1f: {  	s9 =	smul.u32 $0xF7A, s1;
	s8 =	simm.s32 @!p0 $0x1BF5;
	p2 =	por !p2, p0  }
0x20: {  	[sflag:s8] =	ssyncset.s32 @!p0 $0xFFFFF086;
	s6 =	sadd.s32 @!p0 s3, s7;
	s7 =	simm.s32 @!p0 $0x108  }
0x21: {  	s3 =	sadd.s32 s3, s9;
	s6 =	sadd.s32 @!p0 $0x88, s6;
	s7 =	simm.s32 @p2 $0x1082  }
0x22: {  	[simem:s7], [sflag:s8] =	dma.local @!p0 [hbm:s6], $0xF7A  }
0x23: {  	s9 =	sor.u32 $0xD0000000, s2;
	s6 =	simm.s32 $0x108;
	_ =	swait.ge @!p0 [sflag:s8], $0x0  }
0x24: {  	s3 =	sadd.s32 $0x88, s3;
	s6 =	simm.s32 @!p1 $0x1082;
	[sflag:s4] =	ssyncset.s32 $0xFFFFF086  }
0x25: {  	[simem:s6], [sflag:s4] =	dma.local [hbm:s3], $0xF7A  }
0x26: {  	[smem:$0x3F9B] =	sst s1;
	(tag) =	ssettag s2;
	_ =	strace s9  }
0x27: {  	s1 =	sld [smem:$0x3FAB]  }
0x28: {  	s2 =	sld [smem:$0x3FAC]  }
0x29: {  	s4 =	sld [smem:$0x3FAE]  }
0x2a: {  	p0 =	seq.s32 s5, $0x0;
	s5 =	sld [smem:$0x3FAF]  }
0x2b: {  	s6 =	sld [smem:$0x3FB0]  }
0x2c: {  	s7 =	sld [smem:$0x3FB1]  }
0x2d: {  	s3 =	simm.s32 $0x108;
	s8 =	sld [smem:$0x3FB2]  }
0x2e: {  	s3 =	simm.s32 @!p0 $0x1082;
	s9 =	sld [smem:$0x3FB3]  }
0x2f: {  	lr =	sadd.s32 s0, s3;
	s0 =	sld [smem:$0x3FAA]  }
0x30: {  	s3 =	sld [smem:$0x3FAD]  }
0x31: {  	[smem:$0x3FB6] =	sst s10  }
0x32: {  	s10 =	sld [smem:$0x3FB4];
	_ =	sdelay $0x3  }
0x33: {  	p0 =	seq.s32 s10, $0x1;
	s10 =	sld [smem:$0x3FB6];
	_ =	sdelay $0x3  }
0x34: {  	[smem:$0x3FB6] =	sst s10  }
0x35: {  	s10 =	sld [smem:$0x3FB5];
	_ =	sdelay $0x3  }
0x36: {  	p1 =	seq.s32 s10, $0x1;
	s10 =	sld [smem:$0x3FB6];
	_ =	sdelay $0x3  }
0x37: {  	[smem:$0x3FB6] =	sst s10  }
0x38: {  	s10 =	sld [smem:$0x3FB7]  }
0x39: {  	_ = 	snop;
	(pc) =	sbr.ind lr, $3  }
0x3a: {  	_ = 	snop  }
0x3b: {  	_ = 	snop  }
0x3c: {  	p2 =	seq.s32 s10, $0x1;
	s10 =	sld [smem:$0x3FB6]  }
0x3d: {  	_ =	shalt  }
0x3e: {  	_ =	shalt  }
0x3f: {  	_ =	shalt  }
0x40: {  	_ =	shalt  }
0x41: {  	_ =	shalt  }
0x42: {  	_ =	shalt  }
0x43: {  	_ =	shalt  }
0x44: {  	_ =	shalt  }
0x45: {  	_ =	shalt  }
0x46: {  	_ =	shalt  }
0x47: {  	_ =	shalt  }
0x48: {  	_ =	shalt  }
0x49: {  	_ =	shalt  }
0x4a: {  	_ =	shalt  }
0x4b: {  	_ =	shalt  }
0x4c: {  	_ =	shalt  }
0x4d: {  	_ =	shalt  }
0x4e: {  	_ =	shalt  }
0x4f: {  	_ =	shalt  }
0x50: {  	_ =	shalt  }
0x51: {  	_ =	shalt  }
0x52: {  	_ =	shalt  }
0x53: {  	_ =	shalt  }
0x54: {  	_ =	shalt  }
0x55: {  	_ =	shalt  }
0x56: {  	_ =	shalt  }
0x57: {  	_ =	shalt  }
0x58: {  	_ =	shalt  }
0x59: {  	_ =	shalt  }
0x5a: {  	_ =	shalt  }
0x5b: {  	_ =	shalt  }
0x5c: {  	_ =	shalt  }
0x5d: {  	_ =	shalt  }
0x5e: {  	_ =	shalt  }
0x5f: {  	_ =	shalt  }
0x60: {  	_ =	shalt  }
0x61: {  	_ =	shalt  }
0x62: {  	_ =	shalt  }
0x63: {  	_ =	shalt  }
0x64: {  	_ =	shalt  }
0x65: {  	_ =	shalt  }
0x66: {  	_ =	shalt  }
0x67: {  	_ =	shalt  }
0x68: {  	_ =	shalt  }
0x69: {  	_ =	shalt  }
0x6a: {  	_ =	shalt  }
0x6b: {  	_ =	shalt  }
0x6c: {  	_ =	shalt  }
0x6d: {  	_ =	shalt  }
0x6e: {  	_ =	shalt  }
0x6f: {  	_ =	shalt  }
0x70: {  	_ =	shalt  }
0x71: {  	_ =	shalt  }
0x72: {  	_ =	shalt  }
0x73: {  	_ =	shalt  }
0x74: {  	_ =	shalt  }
0x75: {  	_ =	shalt  }
0x76: {  	_ =	shalt  }
0x77: {  	_ =	shalt  }
0x78: {  	_ =	shalt  }
0x79: {  	_ =	shalt  }
0x7a: {  	_ =	shalt  }
0x7b: {  	_ =	shalt  }
0x7c: {  	_ =	shalt  }
0x7d: {  	_ =	shalt  }
0x7e: {  	_ =	shalt  }
0x7f: {  	_ =	shalt  }
0x80: {  	_ =	shalt  }
0x81: {  	_ =	shalt  }
0x82: {  	_ =	shalt  }
0x83: {  	_ =	shalt  }
0x84: {  	_ =	shalt  }
0x85: {  	_ =	shalt  }
0x86: {  	_ =	shalt  }
0x87: {  	_ =	shalt  }
.Lfunc_end0:
.L_simem_size_0:
called_computation.1_lowered:
.L_overlay_start_0:
0x88: {  	s2 =	sld [smem:$0x3FD9]  }
0x89: {  	s3 =	sld [smem:$0x3FFE];
	_ =	sdelay $0x1  }
0x8a: {  	s1 =	srdreg.scid  }
0x8b: {  	s0 =	sand.u32 $0x1, s1  }
0x8c: {  	s17 =	sshll.u32 s0, $0xA;
	s2 =	sadd.s32 s3, s2  }
0x8d: {  	s2 =	sadd.s32 s2, s17  }
0x8e: {  	[smem:$0x3FC2] =	sst s2  }
0x8f: {  	_ = 	snop  }
0x90: {  	s18 =	sld [smem:$0x3FD0];
	(tm) =	ssettm $0x1  }
0x91: {  	s19 =	sld [smem:$0x3FFB];
	_ =	sdelay $0x3  }
0x92: {  	_ =	strace s19  }
0x93: {  	s2 =	sld [smem:$0x3FFC];
	_ =	sdelay $0x3  }
0x94: {  	_ =	strace s2  }
0x95: {  	s2 =	sld [smem:$0x3FFD];
	_ =	sdelay $0x3  }
0x96: {  	_ =	strace s2  }
0x97: {  	_ =	strace $0x8FFFFFFF  }
0x98: {  	s20 =	sld [smem:$0x3FDB];
	_ =	sdelay $0x1  }
0x99: {  	s4 =	simm.s32 $_scs_section_size  }
0x9a: {  	s5 =	simm.s32 $_size__tile_overlayer_lowered;
	s6 =	simm.s32 $_tile_overlayer_lowered  }
0x9b: {  	s7 =	simm.s32 $0x1BFF;
	s21 =	sshll.u32 s6, $0x1;
	s4 =	sadd.s32 s4, s20  }
0x9c: {  	s22 =	simm.s32 $0x0;
	s5 =	sshll.u32 s5, $0x1;
	s6 =	sadd.s32 s21, s4  }
0x9d: {  	[timem:s22], [sflag:s7] =	dma.local [hbm:s6], s5  }
0x9e: {  	_ =	swait.ge [sflag:s7], s5  }
0x9f: {  	s5 =	ssub.s32 $0x0, s5;
	[sflag:s7] =	ssyncset.done $0x0  }
0xa0: {  	[sflag:s7] =	ssyncadd.s32 s5;
	_ =	sdelay $0x1  }
0xa1: {  	s23 =	simm.s32 $0x1B8B  }
0xa2: {  	_ =	swait.ge [sflag:s23], $0x1  }
0xa3: {  	[sflag:s23] =	ssyncset.done $0x0  }
0xa4: {  	[sflag:s23] =	ssyncadd.s32 $0xFFFFFFFF  }
0xa5: {  	s5 =	sld [smem:$0x0]  }
0xa6: {  	s6 =	sand.u32 $0xFFFFFFFE, s1  }
0xa7: {  	p0 =	sne.s32 s1, s6  }
0xa8: {  	s6 =	sshll.u32 @p0 s6, $0xE  }
0xa9: {  	s6 =	sadd.s32 @p0 $0x11B8D, s6;
	s7 =	sshll.u32 @p0 s5, $0x11  }
0xaa: {  	s6 =	sor.u32 @p0 s7, s6  }
0xab: {  	[sflag:s6] =	ssyncadd.remote.s32 @p0 $0x1;
	_ =	sdelay $0x1  }
0xac: {  	s6 =	simm.s32 @p0 $0x1B8D  }
0xad: {  	_ =	swait.eq @p0 [sflag:s6], $0x1  }
0xae: {  	[sflag:s6] =	ssyncadd.s32 @p0 $0xFFFFFFFF  }
0xaf: {  	s7 =	sshll.u32 @!p0 s1, $0xE  }
0xb0: {  	s7 =	sor.u32 @!p0 $0x4000, s7;
	s6 =	simm.s32 @!p0 $0x1B8D  }
0xb1: {  	s5 =	sshll.u32 @!p0 s5, $0x11;
	s7 =	sadd.s32 @!p0 $0x11B8D, s7;
	_ =	swait.eq @!p0 [sflag:s6], $0x1  }
0xb2: {  	s5 =	sor.u32 @!p0 s5, s7;
	[sflag:s6] =	ssyncadd.s32 @!p0 $0xFFFFFFFF  }
0xb3: {  	s25 =	simm.s32 $0x1B8E;
	s24 =	sld [smem:$0x3FFE];
	[sflag:s5] =	ssyncadd.remote.s32 @!p0 $0x1  }
0xb4: {  	s26 =	simm.s32 $execute0_lowered;
	[smem:$0x3FD2] =	sst s25  }
0xb5: {  	s6 =	sshll.u32 s26, $0x1;
	_ =	strace $0x8000004C;
	[dreg:$0x1] =	wrdreg $0xFFFFFFFF  }
0xb6: {  	s28 =	simm.s32 $_size_execute0_lowered;
	s4 =	sadd.s32 s4, s6;
	[dreg:$0x0] =	wrdreg $0x0  }
0xb7: {  	s6 =	sshll.u32 s28, $0x1;
	[dreg:$0x2] =	wrdreg s4  }
0xb8: {  	[dreg:$0x3] =	wrdreg s6  }
0xb9: {  	[dreg:$0x4] =	wrdreg $0xC0  }
0xba: {  	_ =	task [dreg:s22], $0x5FFFF  }
0xbb: {  	[dreg:$0x1] =	wrdreg $0xFFFFFFFF  }
0xbc: {  	[dreg:$0x0] =	wrdreg $0x60  }
0xbd: {  	[dreg:$0x2] =	wrdreg s18  }
0xbe: {  	[dreg:$0x3] =	wrdreg s24  }
0xbf: {  	[dreg:$0x4] =	wrdreg $0x15C400  }
0xc0: {  	[dreg:$0x5] =	wrdreg $0x9  }
0xc1: {  	_ =	task.clear_ibuf [dreg:s22], $0x6FFFF;
	_ =	strace $0x9000004C  }
0xc2: {  	s29 =	simm.s32 $0x9;
	_ =	strace $0x8000004E  }
0xc3: {  	_ =	swait.ge [sflag:s29], $0x1  }
0xc4: {  	[sflag:s29] =	ssyncadd.s32 $0xFFFFFFFF  }
0xc5: {  	_ =	strace $0x9000004E  }
0xc6: {  	_ =	sfence  }
0xc7: {  	s30 =	sld [smem:$0x0];
	_ =	sdelay $0x2  }
0xc8: {  	s31 =	sshll.u32 s1, $0xD;
	s1 =	sshrl.u32 s1, $0x2  }
0xc9: {  	s4 =	sand.u32 $0x4000, s31;
	s1 =	sadd.s32 s1, s30  }
0xca: {  	s0 =	sor.u32 s4, s0;
	s1 =	sshll.u32 s1, $0x11  }
0xcb: {  	s0 =	sor.u32 s1, s0  }
0xcc: {  	s0 =	sadd.s32 $0x8F2B, s0  }
0xcd: {  	[sflag:s0] =	ssyncadd.remote.s32 $0x1  }
0xce: {  	_ =	sfence.sel $0xFFFF  }
0xcf: {  	[dreg:$0x0] =	wrdreg $0xFFFFFFFF;
	(pc) =	sbr.abs _section_cstart, $3  }
0xd0: {  	[dreg:$0x1] =	wrdreg $0xFFFFFFFF  }
0xd1: {  	_ =	task.clear_ibuf [dreg:s22], $0x2FFFF;
	_ =	strace $0x9FFFFFFF  }
0xd2: {  	(tm) =	ssettm $0x7FFFFFFF  }
0xd3: {  	_ =	shalt  }
tec
execute0_lowered:
.L_overlay_start_1:
0x0: {  	(tag) =	ssettag $0x1  }
0x1: {  	s2 =	rddreg [dreg:$0x0]  }
0x2: {  	s0 =	rddreg [dreg:$0x1]  }
0x3: {  	s3 =	rddreg [dreg:$0x2]  }
0x4: {  	s8 =	stileid.u32;
	s1 =	srdreg.scid  }
0x5: {  	s11 =	simm.s32 $0x0;
	s13 =	simm.s32 $0x11;
	s28 =	simm.s32 $0xD840  }
0x6: {  	s30 =	simm.s32 $0xEC40;
	s29 =	simm.s32 $0x1;
	s31 =	simm.s32 $0x2  }
0x7: {  	s12 =	simm.s32 $0x7;
	s10 =	simm.s32 $0x10;
	s4 =	smul.u32 $0x9C4, s8  }
0x8: {  	s1 =	sand.u32 $0x1, s1;
	[smem:$0x7FF] =	sst s11;
	s8 =	smul.u32 $0xA000, s8  }
0x9: {  	s5 =	smul.u32 $0x14000, s1;
	_ =	strace $0x8000004D;
	s6 =	ssub.s32 $0x2, s1  }
0xa: {  	s1 =	smul.u32 $0x9C40, s1;
	s4 =	sadd.s32 s4, s0;
	s7 =	sshrl.u32 s6, $0x1  }
0xb: {  	s16 =	sadd.s32 $0x2000, s8;
	s17 =	sadd.s32 s8, s3;
	s19 =	sadd.s32 $0x4000, s8  }
0xc: {  	s21 =	sadd.s32 $0x6000, s8;
	s22 =	sadd.s32 $0x8000, s8;
	s8 =	sshrl.u32 s8, $0x3  }
0xd: {  	s0 =	sadd.s32 s5, s0;
	s14 =	ssub.s32 s6, s7;
	s1 =	sadd.s32 s1, s4  }
0xe: {  	s15 =	sadd.s32 $0x1E00, s4;
	[dreg:$0x6] =	wrdreg s17;
	s18 =	sadd.s32 s16, s3  }
0xf: {  	s20 =	sadd.s32 s19, s3;
	s9 =	sadd.s32 s21, s3;
	s23 =	sadd.s32 s22, s3  }
0x10: {  	s4 =	sshrl.u32 s19, $0x3;
	s6 =	sshrl.u32 s21, $0x3;
	[dreg:$0x5] =	wrdreg s15  }
0x11: {  	s7 =	sshrl.u32 s22, $0x3;
	s17 =	simm.s32 $0x9C40;
	[dreg:$0x7] =	wrdreg s18  }
0x12: {  	s19 =	simm.s32 $0x4;
	s21 =	simm.s32 $0x9;
	[dreg:$0x8] =	wrdreg s20  }
0x13: {  	s22 =	simm.s32 $0xA;
	s1 =	sadd.s32 $0xBC00, s1;
	[dreg:$0x9] =	wrdreg s9  }
0x14: {  	[dreg:$0xa] =	wrdreg s23;
	s0 =	sadd.s32 $0xBCA00, s0;
	s5 =	smax.u32 s14, $0x1  }
0x15: {  	s18 =	simm.s32 $0xB040;
	s14 =	simm.s32 $0x11440;
	s20 =	simm.s32 $0x8  }
0x16: {  	s23 =	simm.s32 $0xB;
	s9 =	simm.s32 $0xF;
	[dreg:$0x4] =	wrdreg s1  }
0x17: {  	s15 =	simm.s32 $0x0;
	s1 =	sshrl.u32 s16, $0x3;
	[dreg:$0xb] =	wrdreg s5  }
0x18: {  	s16 =	simm.s32 $0x50;
	s24 =	sadd.s32 s8, s0;
	s25 =	sadd.s32 s4, s0  }
0x19: {  	s26 =	sadd.s32 s6, s0;
	s5 =	simm.s32 $0x5;
	[dreg:$0xc] =	wrdreg s24  }
.Ltmp0:
0x1a: {  	s6 =	simm.s32 $0x6;
	[dreg:$0xe] =	wrdreg s25;
	(pc) =	sbr.rel .LBB2_1-.Ltmp0, $4  }
0x1b: {  	s8 =	simm.s32 $0xE;
	s1 =	sadd.s32 s1, s0;
	[dreg:$0xf] =	wrdreg s26  }
0x1c: {  	s0 =	sadd.s32 s7, s0;
	s25 =	simm.s32 $0xC440;
	s26 =	simm.s32 $0x12840  }
0x1d: {  	s24 =	simm.s32 $0xC;
	s7 =	simm.s32 $0xD;
	[dreg:$0xd] =	wrdreg s1  }
0x1e: {  	v0 =	vimm.f32 $0.0e+00;
	[dreg:$0x10] =	wrdreg s0;
	s0 =	simm.s32 $0x10040;
	s1 =	simm.s32 $0x3  }
.LBB2_6:
0x1f: {  	_ =	swait.ge [sflag:s24], $0x1400  }
0x20: {  	[sflag:s24] =	ssyncset.done $0x0  }
0x21: {  	[sflag:s24] =	ssyncadd.s32 $0xFFFFEC00  }
0x22: {  	_ =	swait.ge [sflag:s7], $0x1400  }
0x23: {  	[sflag:s7] =	ssyncset.done $0x0  }
0x24: {  	[sflag:s7] =	ssyncadd.s32 $0xFFFFEC00  }
0x25: {  	_ =	swait.ge [sflag:s8], $0x1400  }
0x26: {  	[sflag:s8] =	ssyncset.done $0x0  }
0x27: {  	[sflag:s8] =	ssyncadd.s32 $0xFFFFEC00  }
0x28: {  	_ =	swait.ge [sflag:s9], $0x1400  }
0x29: {  	[sflag:s9] =	ssyncset.done $0x0  }
0x2a: {  	[sflag:s9] =	ssyncadd.s32 $0xFFFFEC00  }
0x2b: {  	_ =	swait.ge [sflag:s10], $0x1400  }
0x2c: {  	[sflag:s10] =	ssyncset.done $0x0  }
0x2d: {  	[sflag:s10] =	ssyncadd.s32 $0xFFFFEC00  }
0x2e: {  	_ =	swait.ge [sflag:s29], $0x1400  }
0x2f: {  	[sflag:s29] =	ssyncset.done $0x0  }
0x30: {  	s4 =	simm.s32 $0x9BA0;
	[sflag:s29] =	ssyncadd.s32 $0xFFFFEC00  }
0x31: {  	[spmem:s3] =	stream.indirect.scatter.add.f32 [tilespmem:s17], [sflag:$0x9], $0x40, s4, s16, $0xb8;
	[tilespmem:$0x1FC40] =	vst v63  }
0x32: {  	_ =	swait.ge [sflag:s31], $0x1400  }
0x33: {  	[sflag:s31] =	ssyncset.done $0x0  }
0x34: {  	s15 =	simm.s32 $0x9BF0;
	[sflag:s31] =	ssyncadd.s32 $0xFFFFEC00  }
0x35: {  	[spmem:s3] =	stream.indirect.scatter.add.f32 [tilespmem:s18], [sflag:$0xA], $0x40, s15, s16, $0xb8;
	[tilespmem:$0x1FC40] =	vst v63  }
0x36: {  	_ =	swait.ge [sflag:s21], $0x1400  }
0x37: {  	[sflag:s21] =	ssyncset.done $0x0  }
0x38: {  	[sflag:s21] =	ssyncadd.s32 $0xFFFFEC00  }
0x39: {  	_ =	swait.ge [sflag:s22], $0x1400  }
0x3a: {  	[sflag:s22] =	ssyncset.done $0x0  }
0x3b: {  	[sflag:s22] =	ssyncadd.s32 $0xFFFFEC00  }
0x3c: {  	[bflag:$0x0] =	sbarrier.arrive $0xFFFF  }
0x3d: {  	s15 =	simm.s32 $0x13C40;
	s11 =	rddreg [dreg:$0x6]  }
0x3e: {  	[tilespmem:s15], [sflag:$0x11] =	stream.linear.gather [spmem:s11], $0x2000, $0x38;
	[tilespmem:$0x1FC40] =	vst v63  }
0x3f: {  	_ =	swait.ge [sflag:s13], $0x2000  }
0x40: {  	[sflag:s13] =	ssyncset.done $0x0  }
0x41: {  	s11 =	simm.s32 $0x0;
	s4 =	rddreg [dreg:$0xc];
	[sflag:s13] =	ssyncadd.s32 $0xFFFFE000  }
0x42: {  	[hbm4b:s4+s11] =	stream.linear.scatter [tilespmem:s15], [sflag:$0x11], $0x2000, $0x38;
	[tilespmem:$0x1FC40] =	vst v63  }
0x43: {  	_ =	swait.ge [sflag:s13], $0x2000  }
0x44: {  	[sflag:s13] =	ssyncset.done $0x0  }
0x45: {  	s4 =	rddreg [dreg:$0x7];
	[sflag:s13] =	ssyncadd.s32 $0xFFFFE000  }
0x46: {  	[tilespmem:s15], [sflag:$0x11] =	stream.linear.gather [spmem:s4], $0x2000, $0x38;
	[tilespmem:$0x1FC40] =	vst v63  }
0x47: {  	_ =	swait.ge [sflag:s13], $0x2000  }
0x48: {  	[sflag:s13] =	ssyncset.done $0x0  }
0x49: {  	s4 =	rddreg [dreg:$0xd];
	[sflag:s13] =	ssyncadd.s32 $0xFFFFE000  }
0x4a: {  	[hbm4b:s4+s11] =	stream.linear.scatter [tilespmem:s15], [sflag:$0x11], $0x2000, $0x38;
	[tilespmem:$0x1FC40] =	vst v63  }
0x4b: {  	_ =	swait.ge [sflag:s13], $0x2000  }
0x4c: {  	[sflag:s13] =	ssyncset.done $0x0  }
0x4d: {  	s4 =	rddreg [dreg:$0x8];
	[sflag:s13] =	ssyncadd.s32 $0xFFFFE000  }
0x4e: {  	[tilespmem:s15], [sflag:$0x11] =	stream.linear.gather [spmem:s4], $0x2000, $0x38;
	[tilespmem:$0x1FC40] =	vst v63  }
0x4f: {  	_ =	swait.ge [sflag:s13], $0x2000  }
0x50: {  	[sflag:s13] =	ssyncset.done $0x0  }
0x51: {  	s4 =	rddreg [dreg:$0xe];
	[sflag:s13] =	ssyncadd.s32 $0xFFFFE000  }
0x52: {  	[hbm4b:s4+s11] =	stream.linear.scatter [tilespmem:s15], [sflag:$0x11], $0x2000, $0x38;
	[tilespmem:$0x1FC40] =	vst v63  }
0x53: {  	_ =	swait.ge [sflag:s13], $0x2000  }
0x54: {  	[sflag:s13] =	ssyncset.done $0x0  }
0x55: {  	s4 =	rddreg [dreg:$0x9];
	[sflag:s13] =	ssyncadd.s32 $0xFFFFE000  }
0x56: {  	[tilespmem:s15], [sflag:$0x11] =	stream.linear.gather [spmem:s4], $0x2000, $0x38;
	[tilespmem:$0x1FC40] =	vst v63  }
0x57: {  	_ =	swait.ge [sflag:s13], $0x2000  }
0x58: {  	[sflag:s13] =	ssyncset.done $0x0  }
0x59: {  	s4 =	rddreg [dreg:$0xf];
	[sflag:s13] =	ssyncadd.s32 $0xFFFFE000  }
0x5a: {  	[hbm4b:s4+s11] =	stream.linear.scatter [tilespmem:s15], [sflag:$0x11], $0x2000, $0x38;
	[tilespmem:$0x1FC40] =	vst v63  }
0x5b: {  	_ =	swait.ge [sflag:s13], $0x2000  }
0x5c: {  	[sflag:s13] =	ssyncset.done $0x0  }
0x5d: {  	s4 =	rddreg [dreg:$0xa];
	[sflag:s13] =	ssyncadd.s32 $0xFFFFE000  }
0x5e: {  	[tilespmem:s15], [sflag:$0x11] =	stream.linear.gather [spmem:s4], $0x2000, $0x38;
	[tilespmem:$0x1FC40] =	vst v63  }
0x5f: {  	_ =	swait.ge [sflag:s13], $0x2000  }
0x60: {  	[sflag:s13] =	ssyncset.done $0x0  }
0x61: {  	s4 =	rddreg [dreg:$0x10];
	[sflag:s13] =	ssyncadd.s32 $0xFFFFE000  }
0x62: {  	[hbm4b:s4+s11] =	stream.linear.scatter [tilespmem:s15], [sflag:$0x11], $0x2000, $0x38;
	[tilespmem:$0x1FC40] =	vst v63  }
0x63: {  	_ =	swait.ge [sflag:s13], $0x2000  }
0x64: {  	s4 =	rddreg [dreg:$0x11]  }
0x65: {  	s15 =	sadd.s32 $0x1, s4;
	s4 =	rddreg [dreg:$0xb]  }
0x66: {  	p0 =	sne.s32 s15, s4  }
.Ltmp1:
0x67: {  	_ = 	snop;
	(pc) =	sbr.rel @!p0 .LBB2_7-.Ltmp1, $3  }
0x68: {  	_ =	sdelay $0x1  }
0x69: {  	[sflag:s13] =	ssyncset.done $0x0  }
0x6a: {  	[sflag:s13] =	ssyncadd.s32 $0xFFFFE000  }
.LBB2_1:
0x6b: {  	[dreg:$0x11] =	wrdreg s15  }
0x6c: {  	s4 =	rddreg [dreg:$0x4]  }
0x6d: {  	[tilespmem:s11], [sflag:$0x11] =	stream.linear.gather [hbm4b:s4+s11], $0x4E20, $0x38;
	[tilespmem:$0x1FC40] =	vst v63  }
0x6e: {  	_ =	swait.ge [sflag:s13], $0x4E20  }
0x6f: {  	[sflag:s13] =	ssyncset.done $0x0  }
0x70: {  	s15 =	simm.s32 $0x4E20;
	s4 =	rddreg [dreg:$0x5];
	[sflag:s13] =	ssyncadd.s32 $0xFFFFB1E0  }
0x71: {  	[tilespmem:s15], [sflag:$0x11] =	stream.linear.gather [hbm4b:s4+s11], $0x4E20, $0x38;
	[tilespmem:$0x1FC40] =	vst v63  }
0x72: {  	_ =	swait.ge [sflag:s13], $0x4E20  }
0x73: {  	[sflag:s13] =	ssyncset.done $0x0  }
0x74: {  	s15 =	simm.s32 $0x100;
	s4 =	simm.s32 $0x0;
	[sflag:s13] =	ssyncadd.s32 $0xFFFFB1E0  }
.LBB2_2:
0x75: {  	p0 =	sne.s32 s15, $0x7F00;
	[tilespmem:s4+$0x13C70] =	vst v0;
	s11 =	smov.u32 s15;
	s15 =	sadd.s32 $0x100, s15  }
.Ltmp2:
0x76: {  	[tilespmem:s4+$0x13C60] =	vst v0;
	(pc) =	sbr.rel @p0 .LBB2_2-.Ltmp2, $3  }
0x77: {  	[tilespmem:s4+$0x13C40] =	vst v0  }
0x78: {  	[tilespmem:s4+$0x13C50] =	vst v0;
	_ =	sdelay $0x1  }
0x79: {  	s4 =	sshra.s32 s11, $0x2  }
0x7a: {  	[tilespmem:s4+$0x13C70] =	vst v0  }
0x7b: {  	[tilespmem:s4+$0x13C60] =	vst v0  }
0x7c: {  	[tilespmem:s4+$0x13C40] =	vst v0  }
0x7d: {  	[tilespmem:s4+$0x13C50] =	vst v0;
	s15 =	rddreg [dreg:$0x6];
	s11 =	simm.s32 $0x13C40  }
0x7e: {  	[spmem:s15] =	stream.linear.scatter [tilespmem:s11], [sflag:$0x11], $0x2000, $0x38;
	[tilespmem:$0x1FC40] =	vst v63  }
0x7f: {  	_ =	swait.ge [sflag:s13], $0x2000  }
0x80: {  	[sflag:s13] =	ssyncset.done $0x0  }
0x81: {  	s15 =	rddreg [dreg:$0x7];
	[sflag:s13] =	ssyncadd.s32 $0xFFFFE000  }
0x82: {  	[spmem:s15] =	stream.linear.scatter [tilespmem:s11], [sflag:$0x11], $0x2000, $0x38;
	[tilespmem:$0x1FC40] =	vst v63  }
0x83: {  	_ =	swait.ge [sflag:s13], $0x2000  }
0x84: {  	[sflag:s13] =	ssyncset.done $0x0  }
0x85: {  	s15 =	rddreg [dreg:$0x8];
	[sflag:s13] =	ssyncadd.s32 $0xFFFFE000  }
0x86: {  	[spmem:s15] =	stream.linear.scatter [tilespmem:s11], [sflag:$0x11], $0x2000, $0x38;
	[tilespmem:$0x1FC40] =	vst v63  }
0x87: {  	_ =	swait.ge [sflag:s13], $0x2000  }
0x88: {  	[sflag:s13] =	ssyncset.done $0x0  }
0x89: {  	s15 =	rddreg [dreg:$0x9];
	[sflag:s13] =	ssyncadd.s32 $0xFFFFE000  }
0x8a: {  	[spmem:s15] =	stream.linear.scatter [tilespmem:s11], [sflag:$0x11], $0x2000, $0x38;
	[tilespmem:$0x1FC40] =	vst v63  }
0x8b: {  	_ =	swait.ge [sflag:s13], $0x2000  }
0x8c: {  	[sflag:s13] =	ssyncset.done $0x0  }
0x8d: {  	s15 =	rddreg [dreg:$0xa];
	[sflag:s13] =	ssyncadd.s32 $0xFFFFE000  }
0x8e: {  	[spmem:s15] =	stream.linear.scatter [tilespmem:s11], [sflag:$0x11], $0x2000, $0x38;
	[tilespmem:$0x1FC40] =	vst v63  }
0x8f: {  	_ =	swait.ge [sflag:s13], $0x2000  }
0x90: {  	[sflag:s13] =	ssyncset.done $0x0  }
0x91: {  	[sflag:s13] =	ssyncadd.s32 $0xFFFFE000  }
0x92: {  	s4 =	simm.s32 $0x0;
	[bflag:$0x0] =	sbarrier.arrive $0xFFFF  }
0x93: {  	[tilespmem:s17], [sflag:$0x1] =	stream.indirect.gather [hbm4b:s2+s16], $0x40, s4, s16, $0xb8;
	[tilespmem:$0x1FC40] =	vst v63  }
0x94: {  	_ = 	snop  }
0x95: {  	[tilespmem:s18], [sflag:$0x2] =	stream.indirect.gather [hbm4b:s2+s16], $0x40, s16, s16, $0xb8;
	[tilespmem:$0x1FC40] =	vst v63  }
0x96: {  	s15 =	simm.s32 $0xA0  }
0x97: {  	[tilespmem:s25], [sflag:$0x3] =	stream.indirect.gather [hbm4b:s2+s16], $0x40, s15, s16, $0xb8;
	[tilespmem:$0x1FC40] =	vst v63  }
0x98: {  	s15 =	simm.s32 $0xF0  }
0x99: {  	[tilespmem:s28], [sflag:$0x4] =	stream.indirect.gather [hbm4b:s2+s16], $0x40, s15, s16, $0xb8;
	[tilespmem:$0x1FC40] =	vst v63  }
0x9a: {  	s15 =	simm.s32 $0x140  }
0x9b: {  	[tilespmem:s30], [sflag:$0x5] =	stream.indirect.gather [hbm4b:s2+s16], $0x40, s15, s16, $0xb8;
	[tilespmem:$0x1FC40] =	vst v63  }
0x9c: {  	s15 =	simm.s32 $0x190  }
0x9d: {  	[tilespmem:s0], [sflag:$0x6] =	stream.indirect.gather [hbm4b:s2+s16], $0x40, s15, s16, $0xb8;
	[tilespmem:$0x1FC40] =	vst v63  }
0x9e: {  	s15 =	simm.s32 $0x1E0  }
0x9f: {  	[tilespmem:s14], [sflag:$0x7] =	stream.indirect.gather [hbm4b:s2+s16], $0x40, s15, s16, $0xb8;
	[tilespmem:$0x1FC40] =	vst v63  }
0xa0: {  	s15 =	simm.s32 $0x230  }
0xa1: {  	[tilespmem:s26], [sflag:$0x8] =	stream.indirect.gather [hbm4b:s2+s16], $0x40, s15, s16, $0xb8;
	[tilespmem:$0x1FC40] =	vst v63  }
.LBB2_4:
0xa2: {  	_ =	swait.ge [sflag:s29], $0x1400  }
0xa3: {  	s15 =	sshra.s32 s4, $0x2;
	[sflag:s29] =	ssyncset.done $0x0  }
0xa4: {  	s11 =	sadd.s32 $0x4E20, s15;
	[sflag:s29] =	ssyncadd.s32 $0xFFFFEC00  }
0xa5: {  	[spmem:s3] =	stream.indirect.scatter.add.f32 [tilespmem:s17], [sflag:$0x9], $0x40, s11, s16, $0xb8;
	[tilespmem:$0x1FC40] =	vst v63  }
0xa6: {  	_ =	swait.ge [sflag:s31], $0x1400  }
0xa7: {  	[sflag:s31] =	ssyncset.done $0x0  }
0xa8: {  	s11 =	sadd.s32 $0x4E70, s15;
	[sflag:s31] =	ssyncadd.s32 $0xFFFFEC00  }
0xa9: {  	[spmem:s3] =	stream.indirect.scatter.add.f32 [tilespmem:s18], [sflag:$0xA], $0x40, s11, s16, $0xb8;
	[tilespmem:$0x1FC40] =	vst v63  }
0xaa: {  	_ =	swait.ge [sflag:s1], $0x1400  }
0xab: {  	[sflag:s1] =	ssyncset.done $0x0  }
0xac: {  	s11 =	sadd.s32 $0x4EC0, s15;
	[sflag:s1] =	ssyncadd.s32 $0xFFFFEC00  }
0xad: {  	[spmem:s3] =	stream.indirect.scatter.add.f32 [tilespmem:s25], [sflag:$0xB], $0x40, s11, s16, $0xb8;
	[tilespmem:$0x1FC40] =	vst v63  }
0xae: {  	_ =	swait.ge [sflag:s19], $0x1400  }
0xaf: {  	[sflag:s19] =	ssyncset.done $0x0  }
0xb0: {  	s11 =	sadd.s32 $0x4F10, s15;
	[sflag:s19] =	ssyncadd.s32 $0xFFFFEC00  }
0xb1: {  	[spmem:s3] =	stream.indirect.scatter.add.f32 [tilespmem:s28], [sflag:$0xC], $0x40, s11, s16, $0xb8;
	[tilespmem:$0x1FC40] =	vst v63  }
0xb2: {  	_ =	swait.ge [sflag:s5], $0x1400  }
0xb3: {  	[sflag:s5] =	ssyncset.done $0x0  }
0xb4: {  	s11 =	sadd.s32 $0x4F60, s15;
	[sflag:s5] =	ssyncadd.s32 $0xFFFFEC00  }
0xb5: {  	[spmem:s3] =	stream.indirect.scatter.add.f32 [tilespmem:s30], [sflag:$0xD], $0x40, s11, s16, $0xb8;
	[tilespmem:$0x1FC40] =	vst v63  }
0xb6: {  	_ =	swait.ge [sflag:s6], $0x1400  }
0xb7: {  	[sflag:s6] =	ssyncset.done $0x0  }
0xb8: {  	s11 =	sadd.s32 $0x4FB0, s15;
	[sflag:s6] =	ssyncadd.s32 $0xFFFFEC00  }
0xb9: {  	[spmem:s3] =	stream.indirect.scatter.add.f32 [tilespmem:s0], [sflag:$0xE], $0x40, s11, s16, $0xb8;
	[tilespmem:$0x1FC40] =	vst v63  }
0xba: {  	_ =	swait.ge [sflag:s12], $0x1400  }
0xbb: {  	[sflag:s12] =	ssyncset.done $0x0  }
0xbc: {  	s11 =	sadd.s32 $0x5000, s15;
	[sflag:s12] =	ssyncadd.s32 $0xFFFFEC00  }
0xbd: {  	[spmem:s3] =	stream.indirect.scatter.add.f32 [tilespmem:s14], [sflag:$0xF], $0x40, s11, s16, $0xb8;
	[tilespmem:$0x1FC40] =	vst v63  }
0xbe: {  	_ =	swait.ge [sflag:s20], $0x1400  }
0xbf: {  	[sflag:s20] =	ssyncset.done $0x0  }
0xc0: {  	s11 =	sadd.s32 $0x5050, s15;
	[sflag:s20] =	ssyncadd.s32 $0xFFFFEC00  }
0xc1: {  	[spmem:s3] =	stream.indirect.scatter.add.f32 [tilespmem:s26], [sflag:$0x10], $0x40, s11, s16, $0xb8;
	[tilespmem:$0x1FC40] =	vst v63  }
0xc2: {  	_ =	swait.ge [sflag:s21], $0x1400  }
0xc3: {  	[sflag:s21] =	ssyncset.done $0x0  }
0xc4: {  	s11 =	sadd.s32 $0x280, s15;
	[sflag:s21] =	ssyncadd.s32 $0xFFFFEC00  }
0xc5: {  	[tilespmem:s17], [sflag:$0x1] =	stream.indirect.gather [hbm4b:s2+s16], $0x40, s11, s16, $0xb8;
	[tilespmem:$0x1FC40] =	vst v63  }
0xc6: {  	_ =	swait.ge [sflag:s22], $0x1400  }
0xc7: {  	p0 =	seq.s32 s4, $0x12C00;
	[sflag:s22] =	ssyncset.done $0x0  }
.Ltmp3:
0xc8: {  	s11 =	sadd.s32 $0x2D0, s15;
	[sflag:s22] =	ssyncadd.s32 $0xFFFFEC00;
	(pc) =	sbr.rel @p0 .LBB2_6-.Ltmp3, $4  }
0xc9: {  	[tilespmem:s18], [sflag:$0x2] =	stream.indirect.gather [hbm4b:s2+s16], $0x40, s11, s16, $0xb8;
	[tilespmem:$0x1FC40] =	vst v63  }
0xca: {  	_ =	swait.ge [sflag:s23], $0x1400  }
0xcb: {  	[sflag:s23] =	ssyncset.done $0x0  }
0xcc: {  	[sflag:s23] =	ssyncadd.s32 $0xFFFFEC00  }
0xcd: {  	s11 =	sadd.s32 $0x320, s15  }
0xce: {  	[tilespmem:s25], [sflag:$0x3] =	stream.indirect.gather [hbm4b:s2+s16], $0x40, s11, s16, $0xb8;
	[tilespmem:$0x1FC40] =	vst v63  }
0xcf: {  	_ =	swait.ge [sflag:s24], $0x1400  }
0xd0: {  	[sflag:s24] =	ssyncset.done $0x0  }
0xd1: {  	s11 =	sadd.s32 $0x370, s15;
	[sflag:s24] =	ssyncadd.s32 $0xFFFFEC00  }
0xd2: {  	[tilespmem:s28], [sflag:$0x4] =	stream.indirect.gather [hbm4b:s2+s16], $0x40, s11, s16, $0xb8;
	[tilespmem:$0x1FC40] =	vst v63  }
0xd3: {  	_ =	swait.ge [sflag:s7], $0x1400  }
0xd4: {  	[sflag:s7] =	ssyncset.done $0x0  }
0xd5: {  	s11 =	sadd.s32 $0x3C0, s15;
	[sflag:s7] =	ssyncadd.s32 $0xFFFFEC00  }
0xd6: {  	[tilespmem:s30], [sflag:$0x5] =	stream.indirect.gather [hbm4b:s2+s16], $0x40, s11, s16, $0xb8;
	[tilespmem:$0x1FC40] =	vst v63  }
0xd7: {  	_ =	swait.ge [sflag:s8], $0x1400  }
0xd8: {  	[sflag:s8] =	ssyncset.done $0x0  }
0xd9: {  	s11 =	sadd.s32 $0x410, s15;
	[sflag:s8] =	ssyncadd.s32 $0xFFFFEC00  }
0xda: {  	[tilespmem:s0], [sflag:$0x6] =	stream.indirect.gather [hbm4b:s2+s16], $0x40, s11, s16, $0xb8;
	[tilespmem:$0x1FC40] =	vst v63  }
0xdb: {  	_ =	swait.ge [sflag:s9], $0x1400  }
0xdc: {  	[sflag:s9] =	ssyncset.done $0x0  }
0xdd: {  	s11 =	sadd.s32 $0x460, s15;
	[sflag:s9] =	ssyncadd.s32 $0xFFFFEC00  }
0xde: {  	[tilespmem:s14], [sflag:$0x7] =	stream.indirect.gather [hbm4b:s2+s16], $0x40, s11, s16, $0xb8;
	[tilespmem:$0x1FC40] =	vst v63  }
.Ltmp4:
0xdf: {  	_ = 	snop;
	(pc) =	sbr.rel .LBB2_4-.Ltmp4, $4  }
0xe0: {  	_ =	swait.ge [sflag:s10], $0x1400  }
0xe1: {  	[sflag:s10] =	ssyncset.done $0x0  }
0xe2: {  	s4 =	sadd.s32 $0xA00, s4;
	s15 =	sadd.s32 $0x4B0, s15;
	[sflag:s10] =	ssyncadd.s32 $0xFFFFEC00  }
0xe3: {  	[tilespmem:s26], [sflag:$0x8] =	stream.indirect.gather [hbm4b:s2+s16], $0x40, s15, s16, $0xb8;
	[tilespmem:$0x1FC40] =	vst v63  }
.LBB2_7:
0xe4: {  	_ =	sfence.sel $0x180000  }
0xe5: {  	[bflag:$0x0] =	sbarrier.arrive $0xFFFF  }
0xe6: {  	_ =	strace $0x9000004D  }
0xe7: {  	s0 =	stileid.u32;
	[bflag:$0x2] =	sbarrier.arrive $0xFFFF  }
0xe8: {  	p0 =	sne.s32 s0, $0x0;
	s0 =	rddreg [dreg:$0x3]  }
0xe9: {  	s0 =	sadd.s32 @!p0 $0x100000, s0  }
0xea: {  	[sflag:s0] =	ssyncadd.tile.s32 @!p0 $0x1;
	_ =	shalt  }
.Lfunc_end2:
_tile_overlayer_lowered:
.L_overlay_start_2:
0xeb: {  	(tag) =	ssettag $0x2  }
0xec: {  	s0 =	rddreg [dreg:$0x0];
	s2 =	stileid.u32  }
0xed: {  	s1 =	rddreg [dreg:$0x1];
	p0 =	sne.s32 s2, $0x0  }
0xee: {  	s3 =	rddreg [dreg:$0x2];
	[bflag:$0x3] =	sbarrier.arrive $0xFFFF;
	s2 =	simm.s32 @!p0 $0x1C11  }
0xef: {  	[timem:s3], [sflag:s2] =	dma.local @!p0 [hbm:s0], s1  }
0xf0: {  	s0 =	simm.s32 @!p0 $0x11  }
0xf1: {  	_ =	swait.ge @!p0 [sflag:s0], s1  }
0xf2: {  	s1 =	ssub.s32 @!p0 $0x0, s1;
	[sflag:s0] =	ssyncset.done @!p0 $0x0  }
0xf3: {  	[sflag:s0] =	ssyncadd.s32 @!p0 s1  }
0xf4: {  	[bflag:$0x3] =	sbarrier.arrive $0xFFFF  }
0xf5: {  	_ =	shalt  }

// kernel: kernel.16.cloned.1.call-start
scs
__scs_entry_jumppad:
0x0: {  	(pc) =	sbr.rel $0x88, $3  }
0x1: {  	(tag) =	ssettag $0x0;
	lr =	simm.s32 $0x1  }
0x2: {  	[smem:$0x3F9B] =	sst lr;
	_ =	strace $0xD0000000  }
0x3: {  	_ = 	snop  }
0x4: {  	_ = 	snop  }
0x5: {  	_ = 	snop  }
0x6: {  	_ = 	snop  }
0x7: {  	_ = 	snop  }
__scs_overlays_trampoline_lowered:
0x8: {  	[smem:$0x3FAA] =	sst s0  }
0x9: {  	[smem:$0x3FAB] =	sst s1  }
0xa: {  	[smem:$0x3FAC] =	sst s2  }
0xb: {  	[smem:$0x3FAD] =	sst s3  }
0xc: {  	[smem:$0x3FAE] =	sst s4  }
0xd: {  	[smem:$0x3FAF] =	sst s5  }
0xe: {  	[smem:$0x3FB0] =	sst s6  }
0xf: {  	[smem:$0x3FB1] =	sst s7  }
0x10: {  	[smem:$0x3FB2] =	sst s8  }
0x11: {  	[smem:$0x3FB3] =	sst s9;
	s0 =	simm.s32 @!p0 $0x0  }
0x12: {  	s1 =	sld [smem:$0x3F99];
	s0 =	simm.s32 @p0 $0x1  }
0x13: {  	[smem:$0x3FB4] =	sst s0;
	s0 =	simm.s32 @!p1 $0x0  }
0x14: {  	s2 =	sld [smem:$0x3F98];
	s0 =	simm.s32 @p1 $0x1  }
0x15: {  	[smem:$0x3FB5] =	sst s0;
	s0 =	simm.s32 @!p2 $0x0  }
0x16: {  	s3 =	sld [smem:$0x3FDB];
	s0 =	simm.s32 @p2 $0x1  }
0x17: {  	s4 =	simm.s32 $0x1BF5;
	[smem:$0x3FB7] =	sst s0  }
0x18: {  	s0 =	sld [smem:$0x3F9A];
	_ =	swait.ge [sflag:s4], $0x0  }
0x19: {  	s7 =	sld [smem:$0x3F9B]  }
0x1a: {  	s8 =	sadd.s32 $0xFFFFE003, lr  }
0x1b: {  	s9 =	sadd.s32 $0xFFFFFEF7, lr;
	s5 =	simm.s32 $0xFFFFFFFF;
	p2 =	slt.u32 s8, $0xFFFFF086  }
0x1c: {  	p1 =	slt.u32 s9, $0xF7A;
	s5 =	simm.s32 @!p2 $0x0  }
0x1d: {  	s5 =	simm.s32 @p1 $0x1;
	p0 =	seq.s32 s7, s2  }
0x1e: {  	s7 =	smul.u32 @!p0 $0xF7A, s2;
	p2 =	seq.s32 @!p0 s5, $0x0  }
0x1f: {  	s9 =	smul.u32 $0xF7A, s1;
	s8 =	simm.s32 @!p0 $0x1BF5;
	p2 =	por !p2, p0  }
0x20: {  	[sflag:s8] =	ssyncset.s32 @!p0 $0xFFFFF086;
	s6 =	sadd.s32 @!p0 s3, s7;
	s7 =	simm.s32 @!p0 $0x108  }
0x21: {  	s3 =	sadd.s32 s3, s9;
	s6 =	sadd.s32 @!p0 $0x88, s6;
	s7 =	simm.s32 @p2 $0x1082  }
0x22: {  	[simem:s7], [sflag:s8] =	dma.local @!p0 [hbm:s6], $0xF7A  }
0x23: {  	s9 =	sor.u32 $0xD0000000, s2;
	s6 =	simm.s32 $0x108;
	_ =	swait.ge @!p0 [sflag:s8], $0x0  }
0x24: {  	s3 =	sadd.s32 $0x88, s3;
	s6 =	simm.s32 @!p1 $0x1082;
	[sflag:s4] =	ssyncset.s32 $0xFFFFF086  }
0x25: {  	[simem:s6], [sflag:s4] =	dma.local [hbm:s3], $0xF7A  }
0x26: {  	[smem:$0x3F9B] =	sst s1;
	(tag) =	ssettag s2;
	_ =	strace s9  }
0x27: {  	s1 =	sld [smem:$0x3FAB]  }
0x28: {  	s2 =	sld [smem:$0x3FAC]  }
0x29: {  	s4 =	sld [smem:$0x3FAE]  }
0x2a: {  	p0 =	seq.s32 s5, $0x0;
	s5 =	sld [smem:$0x3FAF]  }
0x2b: {  	s6 =	sld [smem:$0x3FB0]  }
0x2c: {  	s7 =	sld [smem:$0x3FB1]  }
0x2d: {  	s3 =	simm.s32 $0x108;
	s8 =	sld [smem:$0x3FB2]  }
0x2e: {  	s3 =	simm.s32 @!p0 $0x1082;
	s9 =	sld [smem:$0x3FB3]  }
0x2f: {  	lr =	sadd.s32 s0, s3;
	s0 =	sld [smem:$0x3FAA]  }
0x30: {  	s3 =	sld [smem:$0x3FAD]  }
0x31: {  	[smem:$0x3FB6] =	sst s10  }
0x32: {  	s10 =	sld [smem:$0x3FB4];
	_ =	sdelay $0x3  }
0x33: {  	p0 =	seq.s32 s10, $0x1;
	s10 =	sld [smem:$0x3FB6];
	_ =	sdelay $0x3  }
0x34: {  	[smem:$0x3FB6] =	sst s10  }
0x35: {  	s10 =	sld [smem:$0x3FB5];
	_ =	sdelay $0x3  }
0x36: {  	p1 =	seq.s32 s10, $0x1;
	s10 =	sld [smem:$0x3FB6];
	_ =	sdelay $0x3  }
0x37: {  	[smem:$0x3FB6] =	sst s10  }
0x38: {  	s10 =	sld [smem:$0x3FB7]  }
0x39: {  	_ = 	snop;
	(pc) =	sbr.ind lr, $3  }
0x3a: {  	_ = 	snop  }
0x3b: {  	_ = 	snop  }
0x3c: {  	p2 =	seq.s32 s10, $0x1;
	s10 =	sld [smem:$0x3FB6]  }
0x3d: {  	_ =	shalt  }
0x3e: {  	_ =	shalt  }
0x3f: {  	_ =	shalt  }
0x40: {  	_ =	shalt  }
0x41: {  	_ =	shalt  }
0x42: {  	_ =	shalt  }
0x43: {  	_ =	shalt  }
0x44: {  	_ =	shalt  }
0x45: {  	_ =	shalt  }
0x46: {  	_ =	shalt  }
0x47: {  	_ =	shalt  }
0x48: {  	_ =	shalt  }
0x49: {  	_ =	shalt  }
0x4a: {  	_ =	shalt  }
0x4b: {  	_ =	shalt  }
0x4c: {  	_ =	shalt  }
0x4d: {  	_ =	shalt  }
0x4e: {  	_ =	shalt  }
0x4f: {  	_ =	shalt  }
0x50: {  	_ =	shalt  }
0x51: {  	_ =	shalt  }
0x52: {  	_ =	shalt  }
0x53: {  	_ =	shalt  }
0x54: {  	_ =	shalt  }
0x55: {  	_ =	shalt  }
0x56: {  	_ =	shalt  }
0x57: {  	_ =	shalt  }
0x58: {  	_ =	shalt  }
0x59: {  	_ =	shalt  }
0x5a: {  	_ =	shalt  }
0x5b: {  	_ =	shalt  }
0x5c: {  	_ =	shalt  }
0x5d: {  	_ =	shalt  }
0x5e: {  	_ =	shalt  }
0x5f: {  	_ =	shalt  }
0x60: {  	_ =	shalt  }
0x61: {  	_ =	shalt  }
0x62: {  	_ =	shalt  }
0x63: {  	_ =	shalt  }
0x64: {  	_ =	shalt  }
0x65: {  	_ =	shalt  }
0x66: {  	_ =	shalt  }
0x67: {  	_ =	shalt  }
0x68: {  	_ =	shalt  }
0x69: {  	_ =	shalt  }
0x6a: {  	_ =	shalt  }
0x6b: {  	_ =	shalt  }
0x6c: {  	_ =	shalt  }
0x6d: {  	_ =	shalt  }
0x6e: {  	_ =	shalt  }
0x6f: {  	_ =	shalt  }
0x70: {  	_ =	shalt  }
0x71: {  	_ =	shalt  }
0x72: {  	_ =	shalt  }
0x73: {  	_ =	shalt  }
0x74: {  	_ =	shalt  }
0x75: {  	_ =	shalt  }
0x76: {  	_ =	shalt  }
0x77: {  	_ =	shalt  }
0x78: {  	_ =	shalt  }
0x79: {  	_ =	shalt  }
0x7a: {  	_ =	shalt  }
0x7b: {  	_ =	shalt  }
0x7c: {  	_ =	shalt  }
0x7d: {  	_ =	shalt  }
0x7e: {  	_ =	shalt  }
0x7f: {  	_ =	shalt  }
0x80: {  	_ =	shalt  }
0x81: {  	_ =	shalt  }
0x82: {  	_ =	shalt  }
0x83: {  	_ =	shalt  }
0x84: {  	_ =	shalt  }
0x85: {  	_ =	shalt  }
0x86: {  	_ =	shalt  }
0x87: {  	_ =	shalt  }
.Lfunc_end0:
.L_simem_size_0:
called_computation.2_lowered:
.L_overlay_start_0:
0x88: {  	s2 =	sld [smem:$0x3FD9]  }
0x89: {  	s3 =	sld [smem:$0x3FFE];
	_ =	sdelay $0x1  }
0x8a: {  	s1 =	srdreg.scid  }
0x8b: {  	s0 =	sand.u32 $0x1, s1  }
0x8c: {  	s16 =	sshll.u32 s0, $0xA;
	s2 =	sadd.s32 s3, s2  }
0x8d: {  	s2 =	sadd.s32 s2, s16  }
0x8e: {  	[smem:$0x3FC2] =	sst s2  }
0x8f: {  	_ = 	snop  }
0x90: {  	(tm) =	ssettm $0x1  }
0x91: {  	s17 =	sld [smem:$0x3FFB];
	_ =	sdelay $0x3  }
0x92: {  	_ =	strace s17  }
0x93: {  	s2 =	sld [smem:$0x3FFC];
	_ =	sdelay $0x3  }
0x94: {  	_ =	strace s2  }
0x95: {  	s2 =	sld [smem:$0x3FFD];
	_ =	sdelay $0x3  }
0x96: {  	_ =	strace s2  }
0x97: {  	_ =	strace $0x8FFFFFFF  }
0x98: {  	s18 =	sld [smem:$0x3FDB];
	_ =	sdelay $0x1  }
0x99: {  	s19 =	simm.s32 $_scs_section_size  }
0x9a: {  	s4 =	simm.s32 $_size__tile_overlayer_lowered;
	s5 =	simm.s32 $_tile_overlayer_lowered  }
0x9b: {  	s22 =	simm.s32 $0x1BFF;
	s21 =	sshll.u32 s5, $0x1;
	s2 =	sadd.s32 s19, s18  }
0x9c: {  	s6 =	simm.s32 $0x0;
	s20 =	sshll.u32 s4, $0x1;
	s4 =	sadd.s32 s21, s2  }
0x9d: {  	[timem:s6], [sflag:s22] =	dma.local [hbm:s4], s20  }
0x9e: {  	_ =	swait.ge [sflag:s22], s20  }
0x9f: {  	s3 =	ssub.s32 $0x0, s20;
	[sflag:s22] =	ssyncset.done $0x0  }
0xa0: {  	[sflag:s22] =	ssyncadd.s32 s3;
	_ =	sdelay $0x1  }
0xa1: {  	s23 =	simm.s32 $0x1B8B  }
0xa2: {  	_ =	swait.ge [sflag:s23], $0x1  }
0xa3: {  	[sflag:s23] =	ssyncset.done $0x0  }
0xa4: {  	s25 =	simm.s32 $0x1B8E;
	s24 =	sld [smem:$0x3FFE];
	[sflag:s23] =	ssyncadd.s32 $0xFFFFFFFF  }
0xa5: {  	s26 =	simm.s32 $execute0_lowered;
	[smem:$0x3FD2] =	sst s25  }
0xa6: {  	s4 =	sshll.u32 s26, $0x1;
	_ =	strace $0x80000049;
	[dreg:$0x1] =	wrdreg $0xFFFFFFFF  }
0xa7: {  	s28 =	simm.s32 $_size_execute0_lowered;
	s2 =	sadd.s32 s2, s4;
	[dreg:$0x0] =	wrdreg $0x0  }
0xa8: {  	s4 =	sshll.u32 s28, $0x1;
	[dreg:$0x2] =	wrdreg s2  }
0xa9: {  	[dreg:$0x3] =	wrdreg s4  }
0xaa: {  	[dreg:$0x4] =	wrdreg $0xC0  }
0xab: {  	_ =	task [dreg:s6], $0x5FFFF  }
0xac: {  	[dreg:$0x1] =	wrdreg $0xFFFFFFFF  }
0xad: {  	[dreg:$0x0] =	wrdreg $0x60  }
0xae: {  	[dreg:$0x2] =	wrdreg s24  }
0xaf: {  	[dreg:$0x3] =	wrdreg $0x15C400  }
0xb0: {  	[dreg:$0x4] =	wrdreg $0xA  }
0xb1: {  	_ =	task.clear_ibuf [dreg:s6], $0x5FFFF;
	_ =	strace $0x90000049  }
0xb2: {  	s29 =	simm.s32 $0xA;
	_ =	strace $0x8000004B  }
0xb3: {  	_ =	swait.ge [sflag:s29], $0x1  }
0xb4: {  	[sflag:s29] =	ssyncadd.s32 $0xFFFFFFFF  }
0xb5: {  	_ =	strace $0x9000004B  }
0xb6: {  	_ =	sfence  }
0xb7: {  	s30 =	sld [smem:$0x0];
	_ =	sdelay $0x2  }
0xb8: {  	s31 =	sshll.u32 s1, $0xD;
	s1 =	sshrl.u32 s1, $0x2  }
0xb9: {  	s3 =	sand.u32 $0x4000, s31;
	s1 =	sadd.s32 s1, s30  }
0xba: {  	s0 =	sor.u32 s3, s0;
	s1 =	sshll.u32 s1, $0x11  }
0xbb: {  	s0 =	sor.u32 s1, s0  }
0xbc: {  	s0 =	sadd.s32 $0x8F2B, s0  }
0xbd: {  	[sflag:s0] =	ssyncadd.remote.s32 $0x1  }
0xbe: {  	_ =	sfence.sel $0xFFFF  }
0xbf: {  	[dreg:$0x0] =	wrdreg $0xFFFFFFFF;
	(pc) =	sbr.abs _section_cstart, $3  }
0xc0: {  	[dreg:$0x1] =	wrdreg $0xFFFFFFFF  }
0xc1: {  	_ =	task.clear_ibuf [dreg:s6], $0x2FFFF;
	_ =	strace $0x9FFFFFFF  }
0xc2: {  	(tm) =	ssettm $0x7FFFFFFF  }
0xc3: {  	_ =	shalt  }
tec
execute0_lowered:
.L_overlay_start_1:
0x0: {  	(tag) =	ssettag $0x1  }
0x1: {  	s0 =	rddreg [dreg:$0x0]  }
0x2: {  	s2 =	rddreg [dreg:$0x1]  }
0x3: {  	s11 =	simm.s32 $0x0;
	s8 =	stileid.u32;
	s1 =	srdreg.scid  }
0x4: {  	s13 =	simm.s32 $0x11;
	s28 =	simm.s32 $0xD840;
	s30 =	simm.s32 $0xEC40  }
0x5: {  	s29 =	simm.s32 $0x1;
	s31 =	simm.s32 $0x2;
	s12 =	simm.s32 $0x7  }
0x6: {  	s10 =	simm.s32 $0x10;
	[smem:$0x7FF] =	sst s11;
	s3 =	smul.u32 $0x9C4, s8  }
0x7: {  	s1 =	sand.u32 $0x1, s1;
	s4 =	sadd.s32 $0x6D800, s0;
	s8 =	smul.u32 $0xA000, s8  }
0x8: {  	_ =	strace $0x8000004A;
	s5 =	smul.u32 $0x14000, s1;
	s6 =	ssub.s32 $0x2, s1  }
0x9: {  	s1 =	smul.u32 $0x9C40, s1;
	s3 =	sadd.s32 s3, s0;
	s7 =	sshrl.u32 s6, $0x1  }
0xa: {  	s16 =	sadd.s32 $0x2000, s8;
	s17 =	sadd.s32 s8, s2;
	s19 =	sadd.s32 $0x4000, s8  }
0xb: {  	s21 =	sadd.s32 $0x6000, s8;
	s22 =	sadd.s32 $0x8000, s8;
	s8 =	sshrl.u32 s8, $0x3  }
0xc: {  	s0 =	sadd.s32 s5, s0;
	s14 =	ssub.s32 s6, s7;
	s1 =	sadd.s32 s1, s3  }
0xd: {  	s15 =	sadd.s32 $0x1E00, s3;
	[dreg:$0x5] =	wrdreg s17;
	s18 =	sadd.s32 s16, s2  }
0xe: {  	s20 =	sadd.s32 s19, s2;
	s9 =	sadd.s32 s21, s2;
	s23 =	sadd.s32 s22, s2  }
0xf: {  	s3 =	sshrl.u32 s19, $0x3;
	s6 =	sshrl.u32 s21, $0x3;
	[dreg:$0x4] =	wrdreg s15  }
0x10: {  	s7 =	sshrl.u32 s22, $0x3;
	s17 =	simm.s32 $0x9C40;
	[dreg:$0x6] =	wrdreg s18  }
0x11: {  	s19 =	simm.s32 $0x4;
	s21 =	simm.s32 $0x9;
	[dreg:$0x7] =	wrdreg s20  }
0x12: {  	s22 =	simm.s32 $0xA;
	s1 =	sadd.s32 $0xBC00, s1;
	[dreg:$0x8] =	wrdreg s9  }
0x13: {  	[dreg:$0x9] =	wrdreg s23;
	s0 =	sadd.s32 $0x94A00, s0;
	s5 =	smax.u32 s14, $0x1  }
0x14: {  	s18 =	simm.s32 $0xB040;
	s14 =	simm.s32 $0x11440;
	s20 =	simm.s32 $0x8  }
0x15: {  	s23 =	simm.s32 $0xB;
	s9 =	simm.s32 $0xF;
	[dreg:$0x3] =	wrdreg s1  }
0x16: {  	s15 =	simm.s32 $0x0;
	s1 =	sshrl.u32 s16, $0x3;
	[dreg:$0xa] =	wrdreg s5  }
0x17: {  	s16 =	simm.s32 $0x50;
	s24 =	sadd.s32 s8, s0;
	s25 =	sadd.s32 s3, s0  }
0x18: {  	s26 =	sadd.s32 s6, s0;
	s5 =	simm.s32 $0x5;
	[dreg:$0xb] =	wrdreg s24  }
.Ltmp0:
0x19: {  	s6 =	simm.s32 $0x6;
	[dreg:$0xd] =	wrdreg s25;
	(pc) =	sbr.rel .LBB2_1-.Ltmp0, $4  }
0x1a: {  	s8 =	simm.s32 $0xE;
	s1 =	sadd.s32 s1, s0;
	[dreg:$0xe] =	wrdreg s26  }
0x1b: {  	s0 =	sadd.s32 s7, s0;
	s25 =	simm.s32 $0xC440;
	s26 =	simm.s32 $0x12840  }
0x1c: {  	s24 =	simm.s32 $0xC;
	s7 =	simm.s32 $0xD;
	[dreg:$0xc] =	wrdreg s1  }
0x1d: {  	v0 =	vimm.f32 $0.0e+00;
	[dreg:$0xf] =	wrdreg s0;
	s0 =	simm.s32 $0x10040;
	s1 =	simm.s32 $0x3  }
.LBB2_6:
0x1e: {  	_ =	swait.ge [sflag:s24], $0x1400  }
0x1f: {  	[sflag:s24] =	ssyncset.done $0x0  }
0x20: {  	[sflag:s24] =	ssyncadd.s32 $0xFFFFEC00  }
0x21: {  	_ =	swait.ge [sflag:s7], $0x1400  }
0x22: {  	[sflag:s7] =	ssyncset.done $0x0  }
0x23: {  	[sflag:s7] =	ssyncadd.s32 $0xFFFFEC00  }
0x24: {  	_ =	swait.ge [sflag:s8], $0x1400  }
0x25: {  	[sflag:s8] =	ssyncset.done $0x0  }
0x26: {  	[sflag:s8] =	ssyncadd.s32 $0xFFFFEC00  }
0x27: {  	_ =	swait.ge [sflag:s9], $0x1400  }
0x28: {  	[sflag:s9] =	ssyncset.done $0x0  }
0x29: {  	[sflag:s9] =	ssyncadd.s32 $0xFFFFEC00  }
0x2a: {  	_ =	swait.ge [sflag:s10], $0x1400  }
0x2b: {  	[sflag:s10] =	ssyncset.done $0x0  }
0x2c: {  	[sflag:s10] =	ssyncadd.s32 $0xFFFFEC00  }
0x2d: {  	_ =	swait.ge [sflag:s29], $0x1400  }
0x2e: {  	[sflag:s29] =	ssyncset.done $0x0  }
0x2f: {  	s3 =	simm.s32 $0x9BA0;
	[sflag:s29] =	ssyncadd.s32 $0xFFFFEC00  }
0x30: {  	[spmem:s2] =	stream.indirect.scatter.add.f32 [tilespmem:s17], [sflag:$0x9], $0x40, s3, s16, $0xb8;
	[tilespmem:$0x1FC40] =	vst v63  }
0x31: {  	_ =	swait.ge [sflag:s31], $0x1400  }
0x32: {  	[sflag:s31] =	ssyncset.done $0x0  }
0x33: {  	s15 =	simm.s32 $0x9BF0;
	[sflag:s31] =	ssyncadd.s32 $0xFFFFEC00  }
0x34: {  	[spmem:s2] =	stream.indirect.scatter.add.f32 [tilespmem:s18], [sflag:$0xA], $0x40, s15, s16, $0xb8;
	[tilespmem:$0x1FC40] =	vst v63  }
0x35: {  	_ =	swait.ge [sflag:s21], $0x1400  }
0x36: {  	[sflag:s21] =	ssyncset.done $0x0  }
0x37: {  	[sflag:s21] =	ssyncadd.s32 $0xFFFFEC00  }
0x38: {  	_ =	swait.ge [sflag:s22], $0x1400  }
0x39: {  	[sflag:s22] =	ssyncset.done $0x0  }
0x3a: {  	[sflag:s22] =	ssyncadd.s32 $0xFFFFEC00  }
0x3b: {  	[bflag:$0x0] =	sbarrier.arrive $0xFFFF  }
0x3c: {  	s15 =	simm.s32 $0x13C40;
	s11 =	rddreg [dreg:$0x5]  }
0x3d: {  	[tilespmem:s15], [sflag:$0x11] =	stream.linear.gather [spmem:s11], $0x2000, $0x38;
	[tilespmem:$0x1FC40] =	vst v63  }
0x3e: {  	_ =	swait.ge [sflag:s13], $0x2000  }
0x3f: {  	[sflag:s13] =	ssyncset.done $0x0  }
0x40: {  	s11 =	simm.s32 $0x0;
	s3 =	rddreg [dreg:$0xb];
	[sflag:s13] =	ssyncadd.s32 $0xFFFFE000  }
0x41: {  	[hbm4b:s3+s11] =	stream.linear.scatter [tilespmem:s15], [sflag:$0x11], $0x2000, $0x38;
	[tilespmem:$0x1FC40] =	vst v63  }
0x42: {  	_ =	swait.ge [sflag:s13], $0x2000  }
0x43: {  	[sflag:s13] =	ssyncset.done $0x0  }
0x44: {  	s3 =	rddreg [dreg:$0x6];
	[sflag:s13] =	ssyncadd.s32 $0xFFFFE000  }
0x45: {  	[tilespmem:s15], [sflag:$0x11] =	stream.linear.gather [spmem:s3], $0x2000, $0x38;
	[tilespmem:$0x1FC40] =	vst v63  }
0x46: {  	_ =	swait.ge [sflag:s13], $0x2000  }
0x47: {  	[sflag:s13] =	ssyncset.done $0x0  }
0x48: {  	s3 =	rddreg [dreg:$0xc];
	[sflag:s13] =	ssyncadd.s32 $0xFFFFE000  }
0x49: {  	[hbm4b:s3+s11] =	stream.linear.scatter [tilespmem:s15], [sflag:$0x11], $0x2000, $0x38;
	[tilespmem:$0x1FC40] =	vst v63  }
0x4a: {  	_ =	swait.ge [sflag:s13], $0x2000  }
0x4b: {  	[sflag:s13] =	ssyncset.done $0x0  }
0x4c: {  	s3 =	rddreg [dreg:$0x7];
	[sflag:s13] =	ssyncadd.s32 $0xFFFFE000  }
0x4d: {  	[tilespmem:s15], [sflag:$0x11] =	stream.linear.gather [spmem:s3], $0x2000, $0x38;
	[tilespmem:$0x1FC40] =	vst v63  }
0x4e: {  	_ =	swait.ge [sflag:s13], $0x2000  }
0x4f: {  	[sflag:s13] =	ssyncset.done $0x0  }
0x50: {  	s3 =	rddreg [dreg:$0xd];
	[sflag:s13] =	ssyncadd.s32 $0xFFFFE000  }
0x51: {  	[hbm4b:s3+s11] =	stream.linear.scatter [tilespmem:s15], [sflag:$0x11], $0x2000, $0x38;
	[tilespmem:$0x1FC40] =	vst v63  }
0x52: {  	_ =	swait.ge [sflag:s13], $0x2000  }
0x53: {  	[sflag:s13] =	ssyncset.done $0x0  }
0x54: {  	s3 =	rddreg [dreg:$0x8];
	[sflag:s13] =	ssyncadd.s32 $0xFFFFE000  }
0x55: {  	[tilespmem:s15], [sflag:$0x11] =	stream.linear.gather [spmem:s3], $0x2000, $0x38;
	[tilespmem:$0x1FC40] =	vst v63  }
0x56: {  	_ =	swait.ge [sflag:s13], $0x2000  }
0x57: {  	[sflag:s13] =	ssyncset.done $0x0  }
0x58: {  	s3 =	rddreg [dreg:$0xe];
	[sflag:s13] =	ssyncadd.s32 $0xFFFFE000  }
0x59: {  	[hbm4b:s3+s11] =	stream.linear.scatter [tilespmem:s15], [sflag:$0x11], $0x2000, $0x38;
	[tilespmem:$0x1FC40] =	vst v63  }
0x5a: {  	_ =	swait.ge [sflag:s13], $0x2000  }
0x5b: {  	[sflag:s13] =	ssyncset.done $0x0  }
0x5c: {  	s3 =	rddreg [dreg:$0x9];
	[sflag:s13] =	ssyncadd.s32 $0xFFFFE000  }
0x5d: {  	[tilespmem:s15], [sflag:$0x11] =	stream.linear.gather [spmem:s3], $0x2000, $0x38;
	[tilespmem:$0x1FC40] =	vst v63  }
0x5e: {  	_ =	swait.ge [sflag:s13], $0x2000  }
0x5f: {  	[sflag:s13] =	ssyncset.done $0x0  }
0x60: {  	s3 =	rddreg [dreg:$0xf];
	[sflag:s13] =	ssyncadd.s32 $0xFFFFE000  }
0x61: {  	[hbm4b:s3+s11] =	stream.linear.scatter [tilespmem:s15], [sflag:$0x11], $0x2000, $0x38;
	[tilespmem:$0x1FC40] =	vst v63  }
0x62: {  	_ =	swait.ge [sflag:s13], $0x2000  }
0x63: {  	s3 =	rddreg [dreg:$0x10]  }
0x64: {  	s15 =	sadd.s32 $0x1, s3;
	s3 =	rddreg [dreg:$0xa]  }
0x65: {  	p0 =	sne.s32 s15, s3  }
.Ltmp1:
0x66: {  	_ = 	snop;
	(pc) =	sbr.rel @!p0 .LBB2_7-.Ltmp1, $3  }
0x67: {  	_ =	sdelay $0x1  }
0x68: {  	[sflag:s13] =	ssyncset.done $0x0  }
0x69: {  	[sflag:s13] =	ssyncadd.s32 $0xFFFFE000  }
.LBB2_1:
0x6a: {  	[dreg:$0x10] =	wrdreg s15  }
0x6b: {  	s3 =	rddreg [dreg:$0x3]  }
0x6c: {  	[tilespmem:s11], [sflag:$0x11] =	stream.linear.gather [hbm4b:s3+s11], $0x4E20, $0x38;
	[tilespmem:$0x1FC40] =	vst v63  }
0x6d: {  	_ =	swait.ge [sflag:s13], $0x4E20  }
0x6e: {  	[sflag:s13] =	ssyncset.done $0x0  }
0x6f: {  	s15 =	simm.s32 $0x4E20;
	s3 =	rddreg [dreg:$0x4];
	[sflag:s13] =	ssyncadd.s32 $0xFFFFB1E0  }
0x70: {  	[tilespmem:s15], [sflag:$0x11] =	stream.linear.gather [hbm4b:s3+s11], $0x4E20, $0x38;
	[tilespmem:$0x1FC40] =	vst v63  }
0x71: {  	_ =	swait.ge [sflag:s13], $0x4E20  }
0x72: {  	[sflag:s13] =	ssyncset.done $0x0  }
0x73: {  	s15 =	simm.s32 $0x100;
	s3 =	simm.s32 $0x0;
	[sflag:s13] =	ssyncadd.s32 $0xFFFFB1E0  }
.LBB2_2:
0x74: {  	p0 =	sne.s32 s15, $0x7F00;
	[tilespmem:s3+$0x13C70] =	vst v0;
	s11 =	smov.u32 s15;
	s15 =	sadd.s32 $0x100, s15  }
.Ltmp2:
0x75: {  	[tilespmem:s3+$0x13C60] =	vst v0;
	(pc) =	sbr.rel @p0 .LBB2_2-.Ltmp2, $3  }
0x76: {  	[tilespmem:s3+$0x13C40] =	vst v0  }
0x77: {  	[tilespmem:s3+$0x13C50] =	vst v0;
	_ =	sdelay $0x1  }
0x78: {  	s3 =	sshra.s32 s11, $0x2  }
0x79: {  	[tilespmem:s3+$0x13C70] =	vst v0  }
0x7a: {  	[tilespmem:s3+$0x13C60] =	vst v0  }
0x7b: {  	[tilespmem:s3+$0x13C40] =	vst v0  }
0x7c: {  	[tilespmem:s3+$0x13C50] =	vst v0;
	s15 =	rddreg [dreg:$0x5];
	s11 =	simm.s32 $0x13C40  }
0x7d: {  	[spmem:s15] =	stream.linear.scatter [tilespmem:s11], [sflag:$0x11], $0x2000, $0x38;
	[tilespmem:$0x1FC40] =	vst v63  }
0x7e: {  	_ =	swait.ge [sflag:s13], $0x2000  }
0x7f: {  	[sflag:s13] =	ssyncset.done $0x0  }
0x80: {  	s15 =	rddreg [dreg:$0x6];
	[sflag:s13] =	ssyncadd.s32 $0xFFFFE000  }
0x81: {  	[spmem:s15] =	stream.linear.scatter [tilespmem:s11], [sflag:$0x11], $0x2000, $0x38;
	[tilespmem:$0x1FC40] =	vst v63  }
0x82: {  	_ =	swait.ge [sflag:s13], $0x2000  }
0x83: {  	[sflag:s13] =	ssyncset.done $0x0  }
0x84: {  	s15 =	rddreg [dreg:$0x7];
	[sflag:s13] =	ssyncadd.s32 $0xFFFFE000  }
0x85: {  	[spmem:s15] =	stream.linear.scatter [tilespmem:s11], [sflag:$0x11], $0x2000, $0x38;
	[tilespmem:$0x1FC40] =	vst v63  }
0x86: {  	_ =	swait.ge [sflag:s13], $0x2000  }
0x87: {  	[sflag:s13] =	ssyncset.done $0x0  }
0x88: {  	s15 =	rddreg [dreg:$0x8];
	[sflag:s13] =	ssyncadd.s32 $0xFFFFE000  }
0x89: {  	[spmem:s15] =	stream.linear.scatter [tilespmem:s11], [sflag:$0x11], $0x2000, $0x38;
	[tilespmem:$0x1FC40] =	vst v63  }
0x8a: {  	_ =	swait.ge [sflag:s13], $0x2000  }
0x8b: {  	[sflag:s13] =	ssyncset.done $0x0  }
0x8c: {  	s15 =	rddreg [dreg:$0x9];
	[sflag:s13] =	ssyncadd.s32 $0xFFFFE000  }
0x8d: {  	[spmem:s15] =	stream.linear.scatter [tilespmem:s11], [sflag:$0x11], $0x2000, $0x38;
	[tilespmem:$0x1FC40] =	vst v63  }
0x8e: {  	_ =	swait.ge [sflag:s13], $0x2000  }
0x8f: {  	[sflag:s13] =	ssyncset.done $0x0  }
0x90: {  	[sflag:s13] =	ssyncadd.s32 $0xFFFFE000  }
0x91: {  	s3 =	simm.s32 $0x0;
	[bflag:$0x0] =	sbarrier.arrive $0xFFFF  }
0x92: {  	[tilespmem:s17], [sflag:$0x1] =	stream.indirect.gather [hbm4b:s4+s16], $0x40, s3, s16, $0xb8;
	[tilespmem:$0x1FC40] =	vst v63  }
0x93: {  	_ = 	snop  }
0x94: {  	[tilespmem:s18], [sflag:$0x2] =	stream.indirect.gather [hbm4b:s4+s16], $0x40, s16, s16, $0xb8;
	[tilespmem:$0x1FC40] =	vst v63  }
0x95: {  	s15 =	simm.s32 $0xA0  }
0x96: {  	[tilespmem:s25], [sflag:$0x3] =	stream.indirect.gather [hbm4b:s4+s16], $0x40, s15, s16, $0xb8;
	[tilespmem:$0x1FC40] =	vst v63  }
0x97: {  	s15 =	simm.s32 $0xF0  }
0x98: {  	[tilespmem:s28], [sflag:$0x4] =	stream.indirect.gather [hbm4b:s4+s16], $0x40, s15, s16, $0xb8;
	[tilespmem:$0x1FC40] =	vst v63  }
0x99: {  	s15 =	simm.s32 $0x140  }
0x9a: {  	[tilespmem:s30], [sflag:$0x5] =	stream.indirect.gather [hbm4b:s4+s16], $0x40, s15, s16, $0xb8;
	[tilespmem:$0x1FC40] =	vst v63  }
0x9b: {  	s15 =	simm.s32 $0x190  }
0x9c: {  	[tilespmem:s0], [sflag:$0x6] =	stream.indirect.gather [hbm4b:s4+s16], $0x40, s15, s16, $0xb8;
	[tilespmem:$0x1FC40] =	vst v63  }
0x9d: {  	s15 =	simm.s32 $0x1E0  }
0x9e: {  	[tilespmem:s14], [sflag:$0x7] =	stream.indirect.gather [hbm4b:s4+s16], $0x40, s15, s16, $0xb8;
	[tilespmem:$0x1FC40] =	vst v63  }
0x9f: {  	s15 =	simm.s32 $0x230  }
0xa0: {  	[tilespmem:s26], [sflag:$0x8] =	stream.indirect.gather [hbm4b:s4+s16], $0x40, s15, s16, $0xb8;
	[tilespmem:$0x1FC40] =	vst v63  }
.LBB2_4:
0xa1: {  	_ =	swait.ge [sflag:s29], $0x1400  }
0xa2: {  	s15 =	sshra.s32 s3, $0x2;
	[sflag:s29] =	ssyncset.done $0x0  }
0xa3: {  	s11 =	sadd.s32 $0x4E20, s15;
	[sflag:s29] =	ssyncadd.s32 $0xFFFFEC00  }
0xa4: {  	[spmem:s2] =	stream.indirect.scatter.add.f32 [tilespmem:s17], [sflag:$0x9], $0x40, s11, s16, $0xb8;
	[tilespmem:$0x1FC40] =	vst v63  }
0xa5: {  	_ =	swait.ge [sflag:s31], $0x1400  }
0xa6: {  	[sflag:s31] =	ssyncset.done $0x0  }
0xa7: {  	s11 =	sadd.s32 $0x4E70, s15;
	[sflag:s31] =	ssyncadd.s32 $0xFFFFEC00  }
0xa8: {  	[spmem:s2] =	stream.indirect.scatter.add.f32 [tilespmem:s18], [sflag:$0xA], $0x40, s11, s16, $0xb8;
	[tilespmem:$0x1FC40] =	vst v63  }
0xa9: {  	_ =	swait.ge [sflag:s1], $0x1400  }
0xaa: {  	[sflag:s1] =	ssyncset.done $0x0  }
0xab: {  	s11 =	sadd.s32 $0x4EC0, s15;
	[sflag:s1] =	ssyncadd.s32 $0xFFFFEC00  }
0xac: {  	[spmem:s2] =	stream.indirect.scatter.add.f32 [tilespmem:s25], [sflag:$0xB], $0x40, s11, s16, $0xb8;
	[tilespmem:$0x1FC40] =	vst v63  }
0xad: {  	_ =	swait.ge [sflag:s19], $0x1400  }
0xae: {  	[sflag:s19] =	ssyncset.done $0x0  }
0xaf: {  	s11 =	sadd.s32 $0x4F10, s15;
	[sflag:s19] =	ssyncadd.s32 $0xFFFFEC00  }
0xb0: {  	[spmem:s2] =	stream.indirect.scatter.add.f32 [tilespmem:s28], [sflag:$0xC], $0x40, s11, s16, $0xb8;
	[tilespmem:$0x1FC40] =	vst v63  }
0xb1: {  	_ =	swait.ge [sflag:s5], $0x1400  }
0xb2: {  	[sflag:s5] =	ssyncset.done $0x0  }
0xb3: {  	s11 =	sadd.s32 $0x4F60, s15;
	[sflag:s5] =	ssyncadd.s32 $0xFFFFEC00  }
0xb4: {  	[spmem:s2] =	stream.indirect.scatter.add.f32 [tilespmem:s30], [sflag:$0xD], $0x40, s11, s16, $0xb8;
	[tilespmem:$0x1FC40] =	vst v63  }
0xb5: {  	_ =	swait.ge [sflag:s6], $0x1400  }
0xb6: {  	[sflag:s6] =	ssyncset.done $0x0  }
0xb7: {  	s11 =	sadd.s32 $0x4FB0, s15;
	[sflag:s6] =	ssyncadd.s32 $0xFFFFEC00  }
0xb8: {  	[spmem:s2] =	stream.indirect.scatter.add.f32 [tilespmem:s0], [sflag:$0xE], $0x40, s11, s16, $0xb8;
	[tilespmem:$0x1FC40] =	vst v63  }
0xb9: {  	_ =	swait.ge [sflag:s12], $0x1400  }
0xba: {  	[sflag:s12] =	ssyncset.done $0x0  }
0xbb: {  	s11 =	sadd.s32 $0x5000, s15;
	[sflag:s12] =	ssyncadd.s32 $0xFFFFEC00  }
0xbc: {  	[spmem:s2] =	stream.indirect.scatter.add.f32 [tilespmem:s14], [sflag:$0xF], $0x40, s11, s16, $0xb8;
	[tilespmem:$0x1FC40] =	vst v63  }
0xbd: {  	_ =	swait.ge [sflag:s20], $0x1400  }
0xbe: {  	[sflag:s20] =	ssyncset.done $0x0  }
0xbf: {  	s11 =	sadd.s32 $0x5050, s15;
	[sflag:s20] =	ssyncadd.s32 $0xFFFFEC00  }
0xc0: {  	[spmem:s2] =	stream.indirect.scatter.add.f32 [tilespmem:s26], [sflag:$0x10], $0x40, s11, s16, $0xb8;
	[tilespmem:$0x1FC40] =	vst v63  }
0xc1: {  	_ =	swait.ge [sflag:s21], $0x1400  }
0xc2: {  	[sflag:s21] =	ssyncset.done $0x0  }
0xc3: {  	s11 =	sadd.s32 $0x280, s15;
	[sflag:s21] =	ssyncadd.s32 $0xFFFFEC00  }
0xc4: {  	[tilespmem:s17], [sflag:$0x1] =	stream.indirect.gather [hbm4b:s4+s16], $0x40, s11, s16, $0xb8;
	[tilespmem:$0x1FC40] =	vst v63  }
0xc5: {  	_ =	swait.ge [sflag:s22], $0x1400  }
0xc6: {  	p0 =	seq.s32 s3, $0x12C00;
	[sflag:s22] =	ssyncset.done $0x0  }
.Ltmp3:
0xc7: {  	s11 =	sadd.s32 $0x2D0, s15;
	[sflag:s22] =	ssyncadd.s32 $0xFFFFEC00;
	(pc) =	sbr.rel @p0 .LBB2_6-.Ltmp3, $4  }
0xc8: {  	[tilespmem:s18], [sflag:$0x2] =	stream.indirect.gather [hbm4b:s4+s16], $0x40, s11, s16, $0xb8;
	[tilespmem:$0x1FC40] =	vst v63  }
0xc9: {  	_ =	swait.ge [sflag:s23], $0x1400  }
0xca: {  	[sflag:s23] =	ssyncset.done $0x0  }
0xcb: {  	[sflag:s23] =	ssyncadd.s32 $0xFFFFEC00  }
0xcc: {  	s11 =	sadd.s32 $0x320, s15  }
0xcd: {  	[tilespmem:s25], [sflag:$0x3] =	stream.indirect.gather [hbm4b:s4+s16], $0x40, s11, s16, $0xb8;
	[tilespmem:$0x1FC40] =	vst v63  }
0xce: {  	_ =	swait.ge [sflag:s24], $0x1400  }
0xcf: {  	[sflag:s24] =	ssyncset.done $0x0  }
0xd0: {  	s11 =	sadd.s32 $0x370, s15;
	[sflag:s24] =	ssyncadd.s32 $0xFFFFEC00  }
0xd1: {  	[tilespmem:s28], [sflag:$0x4] =	stream.indirect.gather [hbm4b:s4+s16], $0x40, s11, s16, $0xb8;
	[tilespmem:$0x1FC40] =	vst v63  }
0xd2: {  	_ =	swait.ge [sflag:s7], $0x1400  }
0xd3: {  	[sflag:s7] =	ssyncset.done $0x0  }
0xd4: {  	s11 =	sadd.s32 $0x3C0, s15;
	[sflag:s7] =	ssyncadd.s32 $0xFFFFEC00  }
0xd5: {  	[tilespmem:s30], [sflag:$0x5] =	stream.indirect.gather [hbm4b:s4+s16], $0x40, s11, s16, $0xb8;
	[tilespmem:$0x1FC40] =	vst v63  }
0xd6: {  	_ =	swait.ge [sflag:s8], $0x1400  }
0xd7: {  	[sflag:s8] =	ssyncset.done $0x0  }
0xd8: {  	s11 =	sadd.s32 $0x410, s15;
	[sflag:s8] =	ssyncadd.s32 $0xFFFFEC00  }
0xd9: {  	[tilespmem:s0], [sflag:$0x6] =	stream.indirect.gather [hbm4b:s4+s16], $0x40, s11, s16, $0xb8;
	[tilespmem:$0x1FC40] =	vst v63  }
0xda: {  	_ =	swait.ge [sflag:s9], $0x1400  }
0xdb: {  	[sflag:s9] =	ssyncset.done $0x0  }
0xdc: {  	s11 =	sadd.s32 $0x460, s15;
	[sflag:s9] =	ssyncadd.s32 $0xFFFFEC00  }
0xdd: {  	[tilespmem:s14], [sflag:$0x7] =	stream.indirect.gather [hbm4b:s4+s16], $0x40, s11, s16, $0xb8;
	[tilespmem:$0x1FC40] =	vst v63  }
.Ltmp4:
0xde: {  	_ = 	snop;
	(pc) =	sbr.rel .LBB2_4-.Ltmp4, $4  }
0xdf: {  	_ =	swait.ge [sflag:s10], $0x1400  }
0xe0: {  	[sflag:s10] =	ssyncset.done $0x0  }
0xe1: {  	s3 =	sadd.s32 $0xA00, s3;
	s15 =	sadd.s32 $0x4B0, s15;
	[sflag:s10] =	ssyncadd.s32 $0xFFFFEC00  }
0xe2: {  	[tilespmem:s26], [sflag:$0x8] =	stream.indirect.gather [hbm4b:s4+s16], $0x40, s15, s16, $0xb8;
	[tilespmem:$0x1FC40] =	vst v63  }
.LBB2_7:
0xe3: {  	_ =	sfence.sel $0x180000  }
0xe4: {  	[bflag:$0x0] =	sbarrier.arrive $0xFFFF  }
0xe5: {  	_ =	strace $0x9000004A  }
0xe6: {  	s0 =	stileid.u32;
	[bflag:$0x2] =	sbarrier.arrive $0xFFFF  }
0xe7: {  	p0 =	sne.s32 s0, $0x0;
	s0 =	rddreg [dreg:$0x2]  }
0xe8: {  	s0 =	sadd.s32 @!p0 $0x100000, s0  }
0xe9: {  	[sflag:s0] =	ssyncadd.tile.s32 @!p0 $0x1;
	_ =	shalt  }
.Lfunc_end2:
_tile_overlayer_lowered:
.L_overlay_start_2:
0xea: {  	(tag) =	ssettag $0x2  }
0xeb: {  	s0 =	rddreg [dreg:$0x0];
	s2 =	stileid.u32  }
0xec: {  	s1 =	rddreg [dreg:$0x1];
	p0 =	sne.s32 s2, $0x0  }
0xed: {  	s3 =	rddreg [dreg:$0x2];
	[bflag:$0x3] =	sbarrier.arrive $0xFFFF;
	s2 =	simm.s32 @!p0 $0x1C11  }
0xee: {  	[timem:s3], [sflag:s2] =	dma.local @!p0 [hbm:s0], s1  }
0xef: {  	s0 =	simm.s32 @!p0 $0x11  }
0xf0: {  	_ =	swait.ge @!p0 [sflag:s0], s1  }
0xf1: {  	s1 =	ssub.s32 @!p0 $0x0, s1;
	[sflag:s0] =	ssyncset.done @!p0 $0x0  }
0xf2: {  	[sflag:s0] =	ssyncadd.s32 @!p0 s1  }
0xf3: {  	[bflag:$0x3] =	sbarrier.arrive $0xFFFF  }
0xf4: {  	_ =	shalt  }

// kernel: kernel.19.cloned.1.call-start
scs
__scs_entry_jumppad:
0x0: {  	(pc) =	sbr.rel $0x88, $3  }
0x1: {  	(tag) =	ssettag $0x0;
	lr =	simm.s32 $0x1  }
0x2: {  	[smem:$0x3F9B] =	sst lr;
	_ =	strace $0xD0000000  }
0x3: {  	_ = 	snop  }
0x4: {  	_ = 	snop  }
0x5: {  	_ = 	snop  }
0x6: {  	_ = 	snop  }
0x7: {  	_ = 	snop  }
__scs_overlays_trampoline_lowered:
0x8: {  	[smem:$0x3FAA] =	sst s0  }
0x9: {  	[smem:$0x3FAB] =	sst s1  }
0xa: {  	[smem:$0x3FAC] =	sst s2  }
0xb: {  	[smem:$0x3FAD] =	sst s3  }
0xc: {  	[smem:$0x3FAE] =	sst s4  }
0xd: {  	[smem:$0x3FAF] =	sst s5  }
0xe: {  	[smem:$0x3FB0] =	sst s6  }
0xf: {  	[smem:$0x3FB1] =	sst s7  }
0x10: {  	[smem:$0x3FB2] =	sst s8  }
0x11: {  	[smem:$0x3FB3] =	sst s9;
	s0 =	simm.s32 @!p0 $0x0  }
0x12: {  	s1 =	sld [smem:$0x3F99];
	s0 =	simm.s32 @p0 $0x1  }
0x13: {  	[smem:$0x3FB4] =	sst s0;
	s0 =	simm.s32 @!p1 $0x0  }
0x14: {  	s2 =	sld [smem:$0x3F98];
	s0 =	simm.s32 @p1 $0x1  }
0x15: {  	[smem:$0x3FB5] =	sst s0;
	s0 =	simm.s32 @!p2 $0x0  }
0x16: {  	s3 =	sld [smem:$0x3FDB];
	s0 =	simm.s32 @p2 $0x1  }
0x17: {  	s4 =	simm.s32 $0x1BF5;
	[smem:$0x3FB7] =	sst s0  }
0x18: {  	s0 =	sld [smem:$0x3F9A];
	_ =	swait.ge [sflag:s4], $0x0  }
0x19: {  	s7 =	sld [smem:$0x3F9B]  }
0x1a: {  	s8 =	sadd.s32 $0xFFFFE003, lr  }
0x1b: {  	s9 =	sadd.s32 $0xFFFFFEF7, lr;
	s5 =	simm.s32 $0xFFFFFFFF;
	p2 =	slt.u32 s8, $0xFFFFF086  }
0x1c: {  	p1 =	slt.u32 s9, $0xF7A;
	s5 =	simm.s32 @!p2 $0x0  }
0x1d: {  	s5 =	simm.s32 @p1 $0x1;
	p0 =	seq.s32 s7, s2  }
0x1e: {  	s7 =	smul.u32 @!p0 $0xF7A, s2;
	p2 =	seq.s32 @!p0 s5, $0x0  }
0x1f: {  	s9 =	smul.u32 $0xF7A, s1;
	s8 =	simm.s32 @!p0 $0x1BF5;
	p2 =	por !p2, p0  }
0x20: {  	[sflag:s8] =	ssyncset.s32 @!p0 $0xFFFFF086;
	s6 =	sadd.s32 @!p0 s3, s7;
	s7 =	simm.s32 @!p0 $0x108  }
0x21: {  	s3 =	sadd.s32 s3, s9;
	s6 =	sadd.s32 @!p0 $0x88, s6;
	s7 =	simm.s32 @p2 $0x1082  }
0x22: {  	[simem:s7], [sflag:s8] =	dma.local @!p0 [hbm:s6], $0xF7A  }
0x23: {  	s9 =	sor.u32 $0xD0000000, s2;
	s6 =	simm.s32 $0x108;
	_ =	swait.ge @!p0 [sflag:s8], $0x0  }
0x24: {  	s3 =	sadd.s32 $0x88, s3;
	s6 =	simm.s32 @!p1 $0x1082;
	[sflag:s4] =	ssyncset.s32 $0xFFFFF086  }
0x25: {  	[simem:s6], [sflag:s4] =	dma.local [hbm:s3], $0xF7A  }
0x26: {  	[smem:$0x3F9B] =	sst s1;
	(tag) =	ssettag s2;
	_ =	strace s9  }
0x27: {  	s1 =	sld [smem:$0x3FAB]  }
0x28: {  	s2 =	sld [smem:$0x3FAC]  }
0x29: {  	s4 =	sld [smem:$0x3FAE]  }
0x2a: {  	p0 =	seq.s32 s5, $0x0;
	s5 =	sld [smem:$0x3FAF]  }
0x2b: {  	s6 =	sld [smem:$0x3FB0]  }
0x2c: {  	s7 =	sld [smem:$0x3FB1]  }
0x2d: {  	s3 =	simm.s32 $0x108;
	s8 =	sld [smem:$0x3FB2]  }
0x2e: {  	s3 =	simm.s32 @!p0 $0x1082;
	s9 =	sld [smem:$0x3FB3]  }
0x2f: {  	lr =	sadd.s32 s0, s3;
	s0 =	sld [smem:$0x3FAA]  }
0x30: {  	s3 =	sld [smem:$0x3FAD]  }
0x31: {  	[smem:$0x3FB6] =	sst s10  }
0x32: {  	s10 =	sld [smem:$0x3FB4];
	_ =	sdelay $0x3  }
0x33: {  	p0 =	seq.s32 s10, $0x1;
	s10 =	sld [smem:$0x3FB6];
	_ =	sdelay $0x3  }
0x34: {  	[smem:$0x3FB6] =	sst s10  }
0x35: {  	s10 =	sld [smem:$0x3FB5];
	_ =	sdelay $0x3  }
0x36: {  	p1 =	seq.s32 s10, $0x1;
	s10 =	sld [smem:$0x3FB6];
	_ =	sdelay $0x3  }
0x37: {  	[smem:$0x3FB6] =	sst s10  }
0x38: {  	s10 =	sld [smem:$0x3FB7]  }
0x39: {  	_ = 	snop;
	(pc) =	sbr.ind lr, $3  }
0x3a: {  	_ = 	snop  }
0x3b: {  	_ = 	snop  }
0x3c: {  	p2 =	seq.s32 s10, $0x1;
	s10 =	sld [smem:$0x3FB6]  }
0x3d: {  	_ =	shalt  }
0x3e: {  	_ =	shalt  }
0x3f: {  	_ =	shalt  }
0x40: {  	_ =	shalt  }
0x41: {  	_ =	shalt  }
0x42: {  	_ =	shalt  }
0x43: {  	_ =	shalt  }
0x44: {  	_ =	shalt  }
0x45: {  	_ =	shalt  }
0x46: {  	_ =	shalt  }
0x47: {  	_ =	shalt  }
0x48: {  	_ =	shalt  }
0x49: {  	_ =	shalt  }
0x4a: {  	_ =	shalt  }
0x4b: {  	_ =	shalt  }
0x4c: {  	_ =	shalt  }
0x4d: {  	_ =	shalt  }
0x4e: {  	_ =	shalt  }
0x4f: {  	_ =	shalt  }
0x50: {  	_ =	shalt  }
0x51: {  	_ =	shalt  }
0x52: {  	_ =	shalt  }
0x53: {  	_ =	shalt  }
0x54: {  	_ =	shalt  }
0x55: {  	_ =	shalt  }
0x56: {  	_ =	shalt  }
0x57: {  	_ =	shalt  }
0x58: {  	_ =	shalt  }
0x59: {  	_ =	shalt  }
0x5a: {  	_ =	shalt  }
0x5b: {  	_ =	shalt  }
0x5c: {  	_ =	shalt  }
0x5d: {  	_ =	shalt  }
0x5e: {  	_ =	shalt  }
0x5f: {  	_ =	shalt  }
0x60: {  	_ =	shalt  }
0x61: {  	_ =	shalt  }
0x62: {  	_ =	shalt  }
0x63: {  	_ =	shalt  }
0x64: {  	_ =	shalt  }
0x65: {  	_ =	shalt  }
0x66: {  	_ =	shalt  }
0x67: {  	_ =	shalt  }
0x68: {  	_ =	shalt  }
0x69: {  	_ =	shalt  }
0x6a: {  	_ =	shalt  }
0x6b: {  	_ =	shalt  }
0x6c: {  	_ =	shalt  }
0x6d: {  	_ =	shalt  }
0x6e: {  	_ =	shalt  }
0x6f: {  	_ =	shalt  }
0x70: {  	_ =	shalt  }
0x71: {  	_ =	shalt  }
0x72: {  	_ =	shalt  }
0x73: {  	_ =	shalt  }
0x74: {  	_ =	shalt  }
0x75: {  	_ =	shalt  }
0x76: {  	_ =	shalt  }
0x77: {  	_ =	shalt  }
0x78: {  	_ =	shalt  }
0x79: {  	_ =	shalt  }
0x7a: {  	_ =	shalt  }
0x7b: {  	_ =	shalt  }
0x7c: {  	_ =	shalt  }
0x7d: {  	_ =	shalt  }
0x7e: {  	_ =	shalt  }
0x7f: {  	_ =	shalt  }
0x80: {  	_ =	shalt  }
0x81: {  	_ =	shalt  }
0x82: {  	_ =	shalt  }
0x83: {  	_ =	shalt  }
0x84: {  	_ =	shalt  }
0x85: {  	_ =	shalt  }
0x86: {  	_ =	shalt  }
0x87: {  	_ =	shalt  }
.Lfunc_end0:
.L_simem_size_0:
called_computation.3_lowered:
.L_overlay_start_0:
0x88: {  	s2 =	sld [smem:$0x3FD9]  }
0x89: {  	s3 =	sld [smem:$0x3FFE];
	_ =	sdelay $0x1  }
0x8a: {  	s1 =	srdreg.scid  }
0x8b: {  	s0 =	sand.u32 $0x1, s1  }
0x8c: {  	s17 =	sshll.u32 s0, $0xA;
	s2 =	sadd.s32 s3, s2  }
0x8d: {  	s2 =	sadd.s32 s2, s17  }
0x8e: {  	[smem:$0x3FC2] =	sst s2  }
0x8f: {  	_ = 	snop  }
0x90: {  	s2 =	sld [smem:$0x3FD0];
	(tm) =	ssettm $0x1  }
0x91: {  	s18 =	sld [smem:$0x3FFB];
	_ =	sdelay $0x3  }
0x92: {  	_ =	strace s18  }
0x93: {  	s3 =	sld [smem:$0x3FFC];
	_ =	sdelay $0x3  }
0x94: {  	_ =	strace s3  }
0x95: {  	s3 =	sld [smem:$0x3FFD];
	_ =	sdelay $0x3  }
0x96: {  	_ =	strace s3  }
0x97: {  	_ =	strace $0x8FFFFFFF  }
0x98: {  	s19 =	sld [smem:$0x3FDB];
	_ =	sdelay $0x1  }
0x99: {  	s4 =	simm.s32 $_scs_section_size  }
0x9a: {  	s5 =	simm.s32 $_size__tile_overlayer_lowered;
	s6 =	simm.s32 $_tile_overlayer_lowered  }
0x9b: {  	s22 =	simm.s32 $0x1BFF;
	s21 =	sshll.u32 s6, $0x1;
	s3 =	sadd.s32 s4, s19  }
0x9c: {  	s7 =	simm.s32 $0x0;
	s20 =	sshll.u32 s5, $0x1;
	s5 =	sadd.s32 s21, s3  }
0x9d: {  	[timem:s7], [sflag:s22] =	dma.local [hbm:s5], s20  }
0x9e: {  	_ =	swait.ge [sflag:s22], s20  }
0x9f: {  	s4 =	ssub.s32 $0x0, s20;
	[sflag:s22] =	ssyncset.done $0x0  }
0xa0: {  	[sflag:s22] =	ssyncadd.s32 s4;
	_ =	sdelay $0x1  }
0xa1: {  	s23 =	simm.s32 $0x1B8B  }
0xa2: {  	_ =	swait.ge [sflag:s23], $0x1  }
0xa3: {  	[sflag:s23] =	ssyncset.done $0x0  }
0xa4: {  	s25 =	simm.s32 $0x1B8E;
	s24 =	sld [smem:$0x3FFE];
	[sflag:s23] =	ssyncadd.s32 $0xFFFFFFFF  }
0xa5: {  	s26 =	simm.s32 $execute0_lowered;
	[smem:$0x3FD2] =	sst s25  }
0xa6: {  	s5 =	sshll.u32 s26, $0x1;
	_ =	strace $0x8000004F;
	[dreg:$0x1] =	wrdreg $0xFFFFFFFF  }
0xa7: {  	s28 =	simm.s32 $_size_execute0_lowered;
	s3 =	sadd.s32 s3, s5;
	[dreg:$0x0] =	wrdreg $0x0  }
0xa8: {  	s5 =	sshll.u32 s28, $0x1;
	[dreg:$0x2] =	wrdreg s3  }
0xa9: {  	[dreg:$0x3] =	wrdreg s5  }
0xaa: {  	[dreg:$0x4] =	wrdreg $0xC0  }
0xab: {  	_ =	task [dreg:s7], $0x5FFFF  }
0xac: {  	[dreg:$0x1] =	wrdreg $0xFFFFFFFF  }
0xad: {  	[dreg:$0x0] =	wrdreg $0x60  }
0xae: {  	[dreg:$0x2] =	wrdreg s2  }
0xaf: {  	[dreg:$0x3] =	wrdreg s24  }
0xb0: {  	[dreg:$0x4] =	wrdreg $0x15C400  }
0xb1: {  	[dreg:$0x5] =	wrdreg $0x9  }
0xb2: {  	_ =	task.clear_ibuf [dreg:s7], $0x6FFFF;
	_ =	strace $0x9000004F  }
0xb3: {  	s29 =	simm.s32 $0x9;
	_ =	strace $0x80000051  }
0xb4: {  	_ =	swait.ge [sflag:s29], $0x1  }
0xb5: {  	[sflag:s29] =	ssyncadd.s32 $0xFFFFFFFF  }
0xb6: {  	_ =	strace $0x90000051  }
0xb7: {  	_ =	sfence  }
0xb8: {  	s30 =	sld [smem:$0x0];
	_ =	sdelay $0x2  }
0xb9: {  	s31 =	sshll.u32 s1, $0xD;
	s1 =	sshrl.u32 s1, $0x2  }
0xba: {  	s3 =	sand.u32 $0x4000, s31;
	s1 =	sadd.s32 s1, s30  }
0xbb: {  	s0 =	sor.u32 s3, s0;
	s1 =	sshll.u32 s1, $0x11  }
0xbc: {  	s0 =	sor.u32 s1, s0  }
0xbd: {  	s0 =	sadd.s32 $0x8F2B, s0  }
0xbe: {  	[sflag:s0] =	ssyncadd.remote.s32 $0x1  }
0xbf: {  	_ =	sfence.sel $0xFFFF  }
0xc0: {  	[dreg:$0x0] =	wrdreg $0xFFFFFFFF;
	(pc) =	sbr.abs _section_cstart, $3  }
0xc1: {  	[dreg:$0x1] =	wrdreg $0xFFFFFFFF  }
0xc2: {  	_ =	task.clear_ibuf [dreg:s7], $0x2FFFF;
	_ =	strace $0x9FFFFFFF  }
0xc3: {  	(tm) =	ssettm $0x7FFFFFFF  }
tec
execute0_lowered:
.L_overlay_start_1:
0x0: {  	(tag) =	ssettag $0x1  }
0x1: {  	s2 =	rddreg [dreg:$0x0]  }
0x2: {  	s0 =	rddreg [dreg:$0x1]  }
0x3: {  	s3 =	rddreg [dreg:$0x2]  }
0x4: {  	s8 =	stileid.u32;
	s1 =	srdreg.scid  }
0x5: {  	s11 =	simm.s32 $0x0;
	s13 =	simm.s32 $0x11;
	s28 =	simm.s32 $0xD840  }
0x6: {  	s30 =	simm.s32 $0xEC40;
	s29 =	simm.s32 $0x1;
	s31 =	simm.s32 $0x2  }
0x7: {  	s12 =	simm.s32 $0x7;
	s10 =	simm.s32 $0x10;
	s4 =	smul.u32 $0x9C4, s8  }
0x8: {  	s1 =	sand.u32 $0x1, s1;
	[smem:$0x7FF] =	sst s11;
	s8 =	smul.u32 $0xA000, s8  }
0x9: {  	s5 =	smul.u32 $0x14000, s1;
	_ =	strace $0x80000050;
	s6 =	ssub.s32 $0x2, s1  }
0xa: {  	s1 =	smul.u32 $0x9C40, s1;
	s4 =	sadd.s32 s4, s0;
	s7 =	sshrl.u32 s6, $0x1  }
0xb: {  	s16 =	sadd.s32 $0x2000, s8;
	s17 =	sadd.s32 s8, s3;
	s19 =	sadd.s32 $0x4000, s8  }
0xc: {  	s21 =	sadd.s32 $0x6000, s8;
	s22 =	sadd.s32 $0x8000, s8;
	s8 =	sshrl.u32 s8, $0x3  }
0xd: {  	s0 =	sadd.s32 s5, s0;
	s14 =	ssub.s32 s6, s7;
	s1 =	sadd.s32 s1, s4  }
0xe: {  	s15 =	sadd.s32 $0x1E00, s4;
	[dreg:$0x6] =	wrdreg s17;
	s18 =	sadd.s32 s16, s3  }
0xf: {  	s20 =	sadd.s32 s19, s3;
	s9 =	sadd.s32 s21, s3;
	s23 =	sadd.s32 s22, s3  }
0x10: {  	s4 =	sshrl.u32 s19, $0x3;
	s6 =	sshrl.u32 s21, $0x3;
	[dreg:$0x5] =	wrdreg s15  }
0x11: {  	s7 =	sshrl.u32 s22, $0x3;
	s17 =	simm.s32 $0x9C40;
	[dreg:$0x7] =	wrdreg s18  }
0x12: {  	s19 =	simm.s32 $0x4;
	s21 =	simm.s32 $0x9;
	[dreg:$0x8] =	wrdreg s20  }
0x13: {  	s22 =	simm.s32 $0xA;
	s1 =	sadd.s32 $0xBC00, s1;
	[dreg:$0x9] =	wrdreg s9  }
0x14: {  	[dreg:$0xa] =	wrdreg s23;
	s0 =	sadd.s32 $0x1F600, s0;
	s5 =	smax.u32 s14, $0x1  }
0x15: {  	s18 =	simm.s32 $0xB040;
	s14 =	simm.s32 $0x11440;
	s20 =	simm.s32 $0x8  }
0x16: {  	s23 =	simm.s32 $0xB;
	s9 =	simm.s32 $0xF;
	[dreg:$0x4] =	wrdreg s1  }
0x17: {  	s15 =	simm.s32 $0x0;
	s1 =	sshrl.u32 s16, $0x3;
	[dreg:$0xb] =	wrdreg s5  }
0x18: {  	s16 =	simm.s32 $0x50;
	s24 =	sadd.s32 s8, s0;
	s25 =	sadd.s32 s4, s0  }
0x19: {  	s26 =	sadd.s32 s6, s0;
	s5 =	simm.s32 $0x5;
	[dreg:$0xc] =	wrdreg s24  }
.Ltmp0:
0x1a: {  	s6 =	simm.s32 $0x6;
	[dreg:$0xe] =	wrdreg s25;
	(pc) =	sbr.rel .LBB2_1-.Ltmp0, $4  }
0x1b: {  	s8 =	simm.s32 $0xE;
	s1 =	sadd.s32 s1, s0;
	[dreg:$0xf] =	wrdreg s26  }
0x1c: {  	s0 =	sadd.s32 s7, s0;
	s25 =	simm.s32 $0xC440;
	s26 =	simm.s32 $0x12840  }
0x1d: {  	s24 =	simm.s32 $0xC;
	s7 =	simm.s32 $0xD;
	[dreg:$0xd] =	wrdreg s1  }
0x1e: {  	v0 =	vimm.f32 $0.0e+00;
	[dreg:$0x10] =	wrdreg s0;
	s0 =	simm.s32 $0x10040;
	s1 =	simm.s32 $0x3  }
.LBB2_6:
0x1f: {  	_ =	swait.ge [sflag:s24], $0x1400  }
0x20: {  	[sflag:s24] =	ssyncset.done $0x0  }
0x21: {  	[sflag:s24] =	ssyncadd.s32 $0xFFFFEC00  }
0x22: {  	_ =	swait.ge [sflag:s7], $0x1400  }
0x23: {  	[sflag:s7] =	ssyncset.done $0x0  }
0x24: {  	[sflag:s7] =	ssyncadd.s32 $0xFFFFEC00  }
0x25: {  	_ =	swait.ge [sflag:s8], $0x1400  }
0x26: {  	[sflag:s8] =	ssyncset.done $0x0  }
0x27: {  	[sflag:s8] =	ssyncadd.s32 $0xFFFFEC00  }
0x28: {  	_ =	swait.ge [sflag:s9], $0x1400  }
0x29: {  	[sflag:s9] =	ssyncset.done $0x0  }
0x2a: {  	[sflag:s9] =	ssyncadd.s32 $0xFFFFEC00  }
0x2b: {  	_ =	swait.ge [sflag:s10], $0x1400  }
0x2c: {  	[sflag:s10] =	ssyncset.done $0x0  }
0x2d: {  	[sflag:s10] =	ssyncadd.s32 $0xFFFFEC00  }
0x2e: {  	_ =	swait.ge [sflag:s29], $0x1400  }
0x2f: {  	[sflag:s29] =	ssyncset.done $0x0  }
0x30: {  	s4 =	simm.s32 $0x9BA0;
	[sflag:s29] =	ssyncadd.s32 $0xFFFFEC00  }
0x31: {  	[spmem:s3] =	stream.indirect.scatter.add.f32 [tilespmem:s17], [sflag:$0x9], $0x40, s4, s16, $0xb8;
	[tilespmem:$0x1FC40] =	vst v63  }
0x32: {  	_ =	swait.ge [sflag:s31], $0x1400  }
0x33: {  	[sflag:s31] =	ssyncset.done $0x0  }
0x34: {  	s15 =	simm.s32 $0x9BF0;
	[sflag:s31] =	ssyncadd.s32 $0xFFFFEC00  }
0x35: {  	[spmem:s3] =	stream.indirect.scatter.add.f32 [tilespmem:s18], [sflag:$0xA], $0x40, s15, s16, $0xb8;
	[tilespmem:$0x1FC40] =	vst v63  }
0x36: {  	_ =	swait.ge [sflag:s21], $0x1400  }
0x37: {  	[sflag:s21] =	ssyncset.done $0x0  }
0x38: {  	[sflag:s21] =	ssyncadd.s32 $0xFFFFEC00  }
0x39: {  	_ =	swait.ge [sflag:s22], $0x1400  }
0x3a: {  	[sflag:s22] =	ssyncset.done $0x0  }
0x3b: {  	[sflag:s22] =	ssyncadd.s32 $0xFFFFEC00  }
0x3c: {  	[bflag:$0x0] =	sbarrier.arrive $0xFFFF  }
0x3d: {  	s15 =	simm.s32 $0x13C40;
	s11 =	rddreg [dreg:$0x6]  }
0x3e: {  	[tilespmem:s15], [sflag:$0x11] =	stream.linear.gather [spmem:s11], $0x2000, $0x38;
	[tilespmem:$0x1FC40] =	vst v63  }
0x3f: {  	_ =	swait.ge [sflag:s13], $0x2000  }
0x40: {  	[sflag:s13] =	ssyncset.done $0x0  }
0x41: {  	s11 =	simm.s32 $0x0;
	s4 =	rddreg [dreg:$0xc];
	[sflag:s13] =	ssyncadd.s32 $0xFFFFE000  }
0x42: {  	[hbm4b:s4+s11] =	stream.linear.scatter [tilespmem:s15], [sflag:$0x11], $0x2000, $0x38;
	[tilespmem:$0x1FC40] =	vst v63  }
0x43: {  	_ =	swait.ge [sflag:s13], $0x2000  }
0x44: {  	[sflag:s13] =	ssyncset.done $0x0  }
0x45: {  	s4 =	rddreg [dreg:$0x7];
	[sflag:s13] =	ssyncadd.s32 $0xFFFFE000  }
0x46: {  	[tilespmem:s15], [sflag:$0x11] =	stream.linear.gather [spmem:s4], $0x2000, $0x38;
	[tilespmem:$0x1FC40] =	vst v63  }
0x47: {  	_ =	swait.ge [sflag:s13], $0x2000  }
0x48: {  	[sflag:s13] =	ssyncset.done $0x0  }
0x49: {  	s4 =	rddreg [dreg:$0xd];
	[sflag:s13] =	ssyncadd.s32 $0xFFFFE000  }
0x4a: {  	[hbm4b:s4+s11] =	stream.linear.scatter [tilespmem:s15], [sflag:$0x11], $0x2000, $0x38;
	[tilespmem:$0x1FC40] =	vst v63  }
0x4b: {  	_ =	swait.ge [sflag:s13], $0x2000  }
0x4c: {  	[sflag:s13] =	ssyncset.done $0x0  }
0x4d: {  	s4 =	rddreg [dreg:$0x8];
	[sflag:s13] =	ssyncadd.s32 $0xFFFFE000  }
0x4e: {  	[tilespmem:s15], [sflag:$0x11] =	stream.linear.gather [spmem:s4], $0x2000, $0x38;
	[tilespmem:$0x1FC40] =	vst v63  }
0x4f: {  	_ =	swait.ge [sflag:s13], $0x2000  }
0x50: {  	[sflag:s13] =	ssyncset.done $0x0  }
0x51: {  	s4 =	rddreg [dreg:$0xe];
	[sflag:s13] =	ssyncadd.s32 $0xFFFFE000  }
0x52: {  	[hbm4b:s4+s11] =	stream.linear.scatter [tilespmem:s15], [sflag:$0x11], $0x2000, $0x38;
	[tilespmem:$0x1FC40] =	vst v63  }
0x53: {  	_ =	swait.ge [sflag:s13], $0x2000  }
0x54: {  	[sflag:s13] =	ssyncset.done $0x0  }
0x55: {  	s4 =	rddreg [dreg:$0x9];
	[sflag:s13] =	ssyncadd.s32 $0xFFFFE000  }
0x56: {  	[tilespmem:s15], [sflag:$0x11] =	stream.linear.gather [spmem:s4], $0x2000, $0x38;
	[tilespmem:$0x1FC40] =	vst v63  }
0x57: {  	_ =	swait.ge [sflag:s13], $0x2000  }
0x58: {  	[sflag:s13] =	ssyncset.done $0x0  }
0x59: {  	s4 =	rddreg [dreg:$0xf];
	[sflag:s13] =	ssyncadd.s32 $0xFFFFE000  }
0x5a: {  	[hbm4b:s4+s11] =	stream.linear.scatter [tilespmem:s15], [sflag:$0x11], $0x2000, $0x38;
	[tilespmem:$0x1FC40] =	vst v63  }
0x5b: {  	_ =	swait.ge [sflag:s13], $0x2000  }
0x5c: {  	[sflag:s13] =	ssyncset.done $0x0  }
0x5d: {  	s4 =	rddreg [dreg:$0xa];
	[sflag:s13] =	ssyncadd.s32 $0xFFFFE000  }
0x5e: {  	[tilespmem:s15], [sflag:$0x11] =	stream.linear.gather [spmem:s4], $0x2000, $0x38;
	[tilespmem:$0x1FC40] =	vst v63  }
0x5f: {  	_ =	swait.ge [sflag:s13], $0x2000  }
0x60: {  	[sflag:s13] =	ssyncset.done $0x0  }
0x61: {  	s4 =	rddreg [dreg:$0x10];
	[sflag:s13] =	ssyncadd.s32 $0xFFFFE000  }
0x62: {  	[hbm4b:s4+s11] =	stream.linear.scatter [tilespmem:s15], [sflag:$0x11], $0x2000, $0x38;
	[tilespmem:$0x1FC40] =	vst v63  }
0x63: {  	_ =	swait.ge [sflag:s13], $0x2000  }
0x64: {  	s4 =	rddreg [dreg:$0x11]  }
0x65: {  	s15 =	sadd.s32 $0x1, s4;
	s4 =	rddreg [dreg:$0xb]  }
0x66: {  	p0 =	sne.s32 s15, s4  }
.Ltmp1:
0x67: {  	_ = 	snop;
	(pc) =	sbr.rel @!p0 .LBB2_7-.Ltmp1, $3  }
0x68: {  	_ =	sdelay $0x1  }
0x69: {  	[sflag:s13] =	ssyncset.done $0x0  }
0x6a: {  	[sflag:s13] =	ssyncadd.s32 $0xFFFFE000  }
.LBB2_1:
0x6b: {  	[dreg:$0x11] =	wrdreg s15  }
0x6c: {  	s4 =	rddreg [dreg:$0x4]  }
0x6d: {  	[tilespmem:s11], [sflag:$0x11] =	stream.linear.gather [hbm4b:s4+s11], $0x4E20, $0x38;
	[tilespmem:$0x1FC40] =	vst v63  }
0x6e: {  	_ =	swait.ge [sflag:s13], $0x4E20  }
0x6f: {  	[sflag:s13] =	ssyncset.done $0x0  }
0x70: {  	s15 =	simm.s32 $0x4E20;
	s4 =	rddreg [dreg:$0x5];
	[sflag:s13] =	ssyncadd.s32 $0xFFFFB1E0  }
0x71: {  	[tilespmem:s15], [sflag:$0x11] =	stream.linear.gather [hbm4b:s4+s11], $0x4E20, $0x38;
	[tilespmem:$0x1FC40] =	vst v63  }
0x72: {  	_ =	swait.ge [sflag:s13], $0x4E20  }
0x73: {  	[sflag:s13] =	ssyncset.done $0x0  }
0x74: {  	s15 =	simm.s32 $0x100;
	s4 =	simm.s32 $0x0;
	[sflag:s13] =	ssyncadd.s32 $0xFFFFB1E0  }
.LBB2_2:
0x75: {  	p0 =	sne.s32 s15, $0x7F00;
	[tilespmem:s4+$0x13C70] =	vst v0;
	s11 =	smov.u32 s15;
	s15 =	sadd.s32 $0x100, s15  }
.Ltmp2:
0x76: {  	[tilespmem:s4+$0x13C60] =	vst v0;
	(pc) =	sbr.rel @p0 .LBB2_2-.Ltmp2, $3  }
0x77: {  	[tilespmem:s4+$0x13C40] =	vst v0  }
0x78: {  	[tilespmem:s4+$0x13C50] =	vst v0;
	_ =	sdelay $0x1  }
0x79: {  	s4 =	sshra.s32 s11, $0x2  }
0x7a: {  	[tilespmem:s4+$0x13C70] =	vst v0  }
0x7b: {  	[tilespmem:s4+$0x13C60] =	vst v0  }
0x7c: {  	[tilespmem:s4+$0x13C40] =	vst v0  }
0x7d: {  	[tilespmem:s4+$0x13C50] =	vst v0;
	s15 =	rddreg [dreg:$0x6];
	s11 =	simm.s32 $0x13C40  }
0x7e: {  	[spmem:s15] =	stream.linear.scatter [tilespmem:s11], [sflag:$0x11], $0x2000, $0x38;
	[tilespmem:$0x1FC40] =	vst v63  }
0x7f: {  	_ =	swait.ge [sflag:s13], $0x2000  }
0x80: {  	[sflag:s13] =	ssyncset.done $0x0  }
0x81: {  	s15 =	rddreg [dreg:$0x7];
	[sflag:s13] =	ssyncadd.s32 $0xFFFFE000  }
0x82: {  	[spmem:s15] =	stream.linear.scatter [tilespmem:s11], [sflag:$0x11], $0x2000, $0x38;
	[tilespmem:$0x1FC40] =	vst v63  }
0x83: {  	_ =	swait.ge [sflag:s13], $0x2000  }
0x84: {  	[sflag:s13] =	ssyncset.done $0x0  }
0x85: {  	s15 =	rddreg [dreg:$0x8];
	[sflag:s13] =	ssyncadd.s32 $0xFFFFE000  }
0x86: {  	[spmem:s15] =	stream.linear.scatter [tilespmem:s11], [sflag:$0x11], $0x2000, $0x38;
	[tilespmem:$0x1FC40] =	vst v63  }
0x87: {  	_ =	swait.ge [sflag:s13], $0x2000  }
0x88: {  	[sflag:s13] =	ssyncset.done $0x0  }
0x89: {  	s15 =	rddreg [dreg:$0x9];
	[sflag:s13] =	ssyncadd.s32 $0xFFFFE000  }
0x8a: {  	[spmem:s15] =	stream.linear.scatter [tilespmem:s11], [sflag:$0x11], $0x2000, $0x38;
	[tilespmem:$0x1FC40] =	vst v63  }
0x8b: {  	_ =	swait.ge [sflag:s13], $0x2000  }
0x8c: {  	[sflag:s13] =	ssyncset.done $0x0  }
0x8d: {  	s15 =	rddreg [dreg:$0xa];
	[sflag:s13] =	ssyncadd.s32 $0xFFFFE000  }
0x8e: {  	[spmem:s15] =	stream.linear.scatter [tilespmem:s11], [sflag:$0x11], $0x2000, $0x38;
	[tilespmem:$0x1FC40] =	vst v63  }
0x8f: {  	_ =	swait.ge [sflag:s13], $0x2000  }
0x90: {  	[sflag:s13] =	ssyncset.done $0x0  }
0x91: {  	[sflag:s13] =	ssyncadd.s32 $0xFFFFE000  }
0x92: {  	s4 =	simm.s32 $0x0;
	[bflag:$0x0] =	sbarrier.arrive $0xFFFF  }
0x93: {  	[tilespmem:s17], [sflag:$0x1] =	stream.indirect.gather [hbm4b:s2+s16], $0x40, s4, s16, $0xb8;
	[tilespmem:$0x1FC40] =	vst v63  }
0x94: {  	_ = 	snop  }
0x95: {  	[tilespmem:s18], [sflag:$0x2] =	stream.indirect.gather [hbm4b:s2+s16], $0x40, s16, s16, $0xb8;
	[tilespmem:$0x1FC40] =	vst v63  }
0x96: {  	s15 =	simm.s32 $0xA0  }
0x97: {  	[tilespmem:s25], [sflag:$0x3] =	stream.indirect.gather [hbm4b:s2+s16], $0x40, s15, s16, $0xb8;
	[tilespmem:$0x1FC40] =	vst v63  }
0x98: {  	s15 =	simm.s32 $0xF0  }
0x99: {  	[tilespmem:s28], [sflag:$0x4] =	stream.indirect.gather [hbm4b:s2+s16], $0x40, s15, s16, $0xb8;
	[tilespmem:$0x1FC40] =	vst v63  }
0x9a: {  	s15 =	simm.s32 $0x140  }
0x9b: {  	[tilespmem:s30], [sflag:$0x5] =	stream.indirect.gather [hbm4b:s2+s16], $0x40, s15, s16, $0xb8;
	[tilespmem:$0x1FC40] =	vst v63  }
0x9c: {  	s15 =	simm.s32 $0x190  }
0x9d: {  	[tilespmem:s0], [sflag:$0x6] =	stream.indirect.gather [hbm4b:s2+s16], $0x40, s15, s16, $0xb8;
	[tilespmem:$0x1FC40] =	vst v63  }
0x9e: {  	s15 =	simm.s32 $0x1E0  }
0x9f: {  	[tilespmem:s14], [sflag:$0x7] =	stream.indirect.gather [hbm4b:s2+s16], $0x40, s15, s16, $0xb8;
	[tilespmem:$0x1FC40] =	vst v63  }
0xa0: {  	s15 =	simm.s32 $0x230  }
0xa1: {  	[tilespmem:s26], [sflag:$0x8] =	stream.indirect.gather [hbm4b:s2+s16], $0x40, s15, s16, $0xb8;
	[tilespmem:$0x1FC40] =	vst v63  }
.LBB2_4:
0xa2: {  	_ =	swait.ge [sflag:s29], $0x1400  }
0xa3: {  	s15 =	sshra.s32 s4, $0x2;
	[sflag:s29] =	ssyncset.done $0x0  }
0xa4: {  	s11 =	sadd.s32 $0x4E20, s15;
	[sflag:s29] =	ssyncadd.s32 $0xFFFFEC00  }
0xa5: {  	[spmem:s3] =	stream.indirect.scatter.add.f32 [tilespmem:s17], [sflag:$0x9], $0x40, s11, s16, $0xb8;
	[tilespmem:$0x1FC40] =	vst v63  }
0xa6: {  	_ =	swait.ge [sflag:s31], $0x1400  }
0xa7: {  	[sflag:s31] =	ssyncset.done $0x0  }
0xa8: {  	s11 =	sadd.s32 $0x4E70, s15;
	[sflag:s31] =	ssyncadd.s32 $0xFFFFEC00  }
0xa9: {  	[spmem:s3] =	stream.indirect.scatter.add.f32 [tilespmem:s18], [sflag:$0xA], $0x40, s11, s16, $0xb8;
	[tilespmem:$0x1FC40] =	vst v63  }
0xaa: {  	_ =	swait.ge [sflag:s1], $0x1400  }
0xab: {  	[sflag:s1] =	ssyncset.done $0x0  }
0xac: {  	s11 =	sadd.s32 $0x4EC0, s15;
	[sflag:s1] =	ssyncadd.s32 $0xFFFFEC00  }
0xad: {  	[spmem:s3] =	stream.indirect.scatter.add.f32 [tilespmem:s25], [sflag:$0xB], $0x40, s11, s16, $0xb8;
	[tilespmem:$0x1FC40] =	vst v63  }
0xae: {  	_ =	swait.ge [sflag:s19], $0x1400  }
0xaf: {  	[sflag:s19] =	ssyncset.done $0x0  }
0xb0: {  	s11 =	sadd.s32 $0x4F10, s15;
	[sflag:s19] =	ssyncadd.s32 $0xFFFFEC00  }
0xb1: {  	[spmem:s3] =	stream.indirect.scatter.add.f32 [tilespmem:s28], [sflag:$0xC], $0x40, s11, s16, $0xb8;
	[tilespmem:$0x1FC40] =	vst v63  }
0xb2: {  	_ =	swait.ge [sflag:s5], $0x1400  }
0xb3: {  	[sflag:s5] =	ssyncset.done $0x0  }
0xb4: {  	s11 =	sadd.s32 $0x4F60, s15;
	[sflag:s5] =	ssyncadd.s32 $0xFFFFEC00  }
0xb5: {  	[spmem:s3] =	stream.indirect.scatter.add.f32 [tilespmem:s30], [sflag:$0xD], $0x40, s11, s16, $0xb8;
	[tilespmem:$0x1FC40] =	vst v63  }
0xb6: {  	_ =	swait.ge [sflag:s6], $0x1400  }
0xb7: {  	[sflag:s6] =	ssyncset.done $0x0  }
0xb8: {  	s11 =	sadd.s32 $0x4FB0, s15;
	[sflag:s6] =	ssyncadd.s32 $0xFFFFEC00  }
0xb9: {  	[spmem:s3] =	stream.indirect.scatter.add.f32 [tilespmem:s0], [sflag:$0xE], $0x40, s11, s16, $0xb8;
	[tilespmem:$0x1FC40] =	vst v63  }
0xba: {  	_ =	swait.ge [sflag:s12], $0x1400  }
0xbb: {  	[sflag:s12] =	ssyncset.done $0x0  }
0xbc: {  	s11 =	sadd.s32 $0x5000, s15;
	[sflag:s12] =	ssyncadd.s32 $0xFFFFEC00  }
0xbd: {  	[spmem:s3] =	stream.indirect.scatter.add.f32 [tilespmem:s14], [sflag:$0xF], $0x40, s11, s16, $0xb8;
	[tilespmem:$0x1FC40] =	vst v63  }
0xbe: {  	_ =	swait.ge [sflag:s20], $0x1400  }
0xbf: {  	[sflag:s20] =	ssyncset.done $0x0  }
0xc0: {  	s11 =	sadd.s32 $0x5050, s15;
	[sflag:s20] =	ssyncadd.s32 $0xFFFFEC00  }
0xc1: {  	[spmem:s3] =	stream.indirect.scatter.add.f32 [tilespmem:s26], [sflag:$0x10], $0x40, s11, s16, $0xb8;
	[tilespmem:$0x1FC40] =	vst v63  }
0xc2: {  	_ =	swait.ge [sflag:s21], $0x1400  }
0xc3: {  	[sflag:s21] =	ssyncset.done $0x0  }
0xc4: {  	s11 =	sadd.s32 $0x280, s15;
	[sflag:s21] =	ssyncadd.s32 $0xFFFFEC00  }
0xc5: {  	[tilespmem:s17], [sflag:$0x1] =	stream.indirect.gather [hbm4b:s2+s16], $0x40, s11, s16, $0xb8;
	[tilespmem:$0x1FC40] =	vst v63  }
0xc6: {  	_ =	swait.ge [sflag:s22], $0x1400  }
0xc7: {  	p0 =	seq.s32 s4, $0x12C00;
	[sflag:s22] =	ssyncset.done $0x0  }
.Ltmp3:
0xc8: {  	s11 =	sadd.s32 $0x2D0, s15;
	[sflag:s22] =	ssyncadd.s32 $0xFFFFEC00;
	(pc) =	sbr.rel @p0 .LBB2_6-.Ltmp3, $4  }
0xc9: {  	[tilespmem:s18], [sflag:$0x2] =	stream.indirect.gather [hbm4b:s2+s16], $0x40, s11, s16, $0xb8;
	[tilespmem:$0x1FC40] =	vst v63  }
0xca: {  	_ =	swait.ge [sflag:s23], $0x1400  }
0xcb: {  	[sflag:s23] =	ssyncset.done $0x0  }
0xcc: {  	[sflag:s23] =	ssyncadd.s32 $0xFFFFEC00  }
0xcd: {  	s11 =	sadd.s32 $0x320, s15  }
0xce: {  	[tilespmem:s25], [sflag:$0x3] =	stream.indirect.gather [hbm4b:s2+s16], $0x40, s11, s16, $0xb8;
	[tilespmem:$0x1FC40] =	vst v63  }
0xcf: {  	_ =	swait.ge [sflag:s24], $0x1400  }
0xd0: {  	[sflag:s24] =	ssyncset.done $0x0  }
0xd1: {  	s11 =	sadd.s32 $0x370, s15;
	[sflag:s24] =	ssyncadd.s32 $0xFFFFEC00  }
0xd2: {  	[tilespmem:s28], [sflag:$0x4] =	stream.indirect.gather [hbm4b:s2+s16], $0x40, s11, s16, $0xb8;
	[tilespmem:$0x1FC40] =	vst v63  }
0xd3: {  	_ =	swait.ge [sflag:s7], $0x1400  }
0xd4: {  	[sflag:s7] =	ssyncset.done $0x0  }
0xd5: {  	s11 =	sadd.s32 $0x3C0, s15;
	[sflag:s7] =	ssyncadd.s32 $0xFFFFEC00  }
0xd6: {  	[tilespmem:s30], [sflag:$0x5] =	stream.indirect.gather [hbm4b:s2+s16], $0x40, s11, s16, $0xb8;
	[tilespmem:$0x1FC40] =	vst v63  }
0xd7: {  	_ =	swait.ge [sflag:s8], $0x1400  }
0xd8: {  	[sflag:s8] =	ssyncset.done $0x0  }
0xd9: {  	s11 =	sadd.s32 $0x410, s15;
	[sflag:s8] =	ssyncadd.s32 $0xFFFFEC00  }
0xda: {  	[tilespmem:s0], [sflag:$0x6] =	stream.indirect.gather [hbm4b:s2+s16], $0x40, s11, s16, $0xb8;
	[tilespmem:$0x1FC40] =	vst v63  }
0xdb: {  	_ =	swait.ge [sflag:s9], $0x1400  }
0xdc: {  	[sflag:s9] =	ssyncset.done $0x0  }
0xdd: {  	s11 =	sadd.s32 $0x460, s15;
	[sflag:s9] =	ssyncadd.s32 $0xFFFFEC00  }
0xde: {  	[tilespmem:s14], [sflag:$0x7] =	stream.indirect.gather [hbm4b:s2+s16], $0x40, s11, s16, $0xb8;
	[tilespmem:$0x1FC40] =	vst v63  }
.Ltmp4:
0xdf: {  	_ = 	snop;
	(pc) =	sbr.rel .LBB2_4-.Ltmp4, $4  }
0xe0: {  	_ =	swait.ge [sflag:s10], $0x1400  }
0xe1: {  	[sflag:s10] =	ssyncset.done $0x0  }
0xe2: {  	s4 =	sadd.s32 $0xA00, s4;
	s15 =	sadd.s32 $0x4B0, s15;
	[sflag:s10] =	ssyncadd.s32 $0xFFFFEC00  }
0xe3: {  	[tilespmem:s26], [sflag:$0x8] =	stream.indirect.gather [hbm4b:s2+s16], $0x40, s15, s16, $0xb8;
	[tilespmem:$0x1FC40] =	vst v63  }
.LBB2_7:
0xe4: {  	_ =	sfence.sel $0x180000  }
0xe5: {  	[bflag:$0x0] =	sbarrier.arrive $0xFFFF  }
0xe6: {  	_ =	strace $0x90000050  }
0xe7: {  	s0 =	stileid.u32;
	[bflag:$0x2] =	sbarrier.arrive $0xFFFF  }
0xe8: {  	p0 =	sne.s32 s0, $0x0;
	s0 =	rddreg [dreg:$0x3]  }
0xe9: {  	s0 =	sadd.s32 @!p0 $0x100000, s0  }
0xea: {  	[sflag:s0] =	ssyncadd.tile.s32 @!p0 $0x1;
	_ =	shalt  }
.Lfunc_end2:
_tile_overlayer_lowered:
.L_overlay_start_2:
0xeb: {  	(tag) =	ssettag $0x2  }
0xec: {  	s0 =	rddreg [dreg:$0x0];
	s2 =	stileid.u32  }
0xed: {  	s1 =	rddreg [dreg:$0x1];
	p0 =	sne.s32 s2, $0x0  }
0xee: {  	s3 =	rddreg [dreg:$0x2];
	[bflag:$0x3] =	sbarrier.arrive $0xFFFF;
	s2 =	simm.s32 @!p0 $0x1C11  }
0xef: {  	[timem:s3], [sflag:s2] =	dma.local @!p0 [hbm:s0], s1  }
0xf0: {  	s0 =	simm.s32 @!p0 $0x11  }
0xf1: {  	_ =	swait.ge @!p0 [sflag:s0], s1  }
0xf2: {  	s1 =	ssub.s32 @!p0 $0x0, s1;
	[sflag:s0] =	ssyncset.done @!p0 $0x0  }
0xf3: {  	[sflag:s0] =	ssyncadd.s32 @!p0 s1  }
0xf4: {  	[bflag:$0x3] =	sbarrier.arrive $0xFFFF  }
0xf5: {  	_ =	shalt  }

</sc_bundles>
